<compile_context>
chip_gen: v7x
topology: tpu7x:2x2x1
jax: 0.10.2.dev20260603
libtpu: 0.0.44.dev20260713+nightly
codegen_flags: <defaults>
</compile_context>

<pallas_src>
import functools
import jax
import jax.numpy as jnp
from jax import lax
from jax.experimental import pallas as pl
from jax.experimental.pallas import tpu as pltpu
from jax.experimental.pallas import tpu_sc as plsc

L = 2048
D_MODEL = 1024
N_HEADS = 16
DH = 64
D_FF = 2048
SAMPLE_K = 40
N_TOP = 40
BLK = 512
NEG = -3.0e38

NW = 32
ROWS_W = L // NW
ROWS_CH = 32
N_CH = ROWS_W // ROWS_CH


def _count_sc(idx_hbm, z_hbm, c_hbm, idx_v, buf):
    cid = lax.axis_index("c")
    sid = lax.axis_index("s")
    wid = sid * 2 + cid
    pltpu.sync_copy(idx_hbm.at[pl.ds(wid * ROWS_W * SAMPLE_K,
                                     ROWS_W * SAMPLE_K)], idx_v)
    pltpu.sync_copy(z_hbm, buf)
    lane = lax.iota(jnp.int32, 16)
    lane40 = lane * SAMPLE_K
    ones = jnp.full((16,), 1.0, jnp.float32)
    zeros = jnp.zeros((16,), jnp.float32)
    for ch in range(N_CH):
        for s in range(SAMPLE_K):
            for g in range(ROWS_CH // 16):
                gidx = lane40 + ((ch * ROWS_CH + g * 16) * SAMPLE_K + s)
                col = plsc.load_gather(idx_v, [gidx])
                flat = (g * 16 + lane) * L + col
                cur = plsc.load_gather(buf, [flat])
                plsc.store_scatter(buf, [flat], cur + ones)
        pltpu.sync_copy(
            buf, c_hbm.at[pl.ds((wid * ROWS_W + ch * ROWS_CH) * L, ROWS_CH * L)])
        if ch + 1 < N_CH:
            for s in range(SAMPLE_K):
                for g in range(ROWS_CH // 16):
                    gidx = lane40 + ((ch * ROWS_CH + g * 16) * SAMPLE_K + s)
                    col = plsc.load_gather(idx_v, [gidx])
                    flat = (g * 16 + lane) * L + col
                    plsc.store_scatter(buf, [flat], zeros)


def _m_kernel(c_ref, tgt_ref, src_ref, m_ref):
    cnt = c_ref[...]
    mask = cnt > 0.0
    ks = lax.dot_general(cnt, src_ref[...], (((1,), (0,)), ((), ())),
                         preferred_element_type=jnp.float32)
    qks = tgt_ref[...] * ks
    for h in range(N_HEADS):
        q = tgt_ref[:, h * DH:(h + 1) * DH]
        k = src_ref[:, h * DH:(h + 1) * DH]
        s_blk = lax.dot_general(q, k, (((1,), (1,)), ((), ())),
                                preferred_element_type=jnp.float32)
        msum = jnp.sum(qks[:, h * DH:(h + 1) * DH], axis=1)
        mmax = jnp.max(jnp.where(mask, s_blk, NEG), axis=1)
        m_ref[h, :] = mmax - msum * (1.0 / L)


def _attn_kernel(m_ref, tgt_ref, src_ref, att_ref, top_ref):
    i = pl.program_id(0)

    @pl.when(i == 0)
    def _compute_topk():
        mv = m_ref[...]
        iota_k = lax.broadcasted_iota(jnp.int32, (N_HEADS, L), 1)
        cols = []
        for _ in range(N_TOP):
            cur = jnp.max(mv, axis=1, keepdims=True)
            am = jnp.min(jnp.where(mv == cur, iota_k, L), axis=1)
            cols.append(am)
            mv = jnp.where(iota_k == am[:, None], NEG, mv)
        top_ref[...] = jnp.stack(cols, axis=1)

    iota_l = lax.broadcasted_iota(jnp.int32, (L, N_TOP), 0)
    for hh in range(2):
        mt = top_ref[pl.ds(i * 2 + hh, 1), :]
        oht = (iota_l == mt).astype(jnp.float32)
        q_h = tgt_ref[:, hh * DH:(hh + 1) * DH]
        k_h = src_ref[:, hh * DH:(hh + 1) * DH]
        q_red = lax.dot_general(oht, q_h, (((0,), (0,)), ((), ())),
                                preferred_element_type=jnp.float32)
        scores = lax.dot_general(q_red, k_h, (((1,), (1,)), ((), ())),
                                 preferred_element_type=jnp.float32) * 0.125
        smax = jnp.max(scores, axis=1, keepdims=True)
        e = jnp.exp(scores - smax)
        attn = e / jnp.sum(e, axis=1, keepdims=True)
        upd = lax.dot_general(attn, k_h, (((1,), (0,)), ((), ())),
                              preferred_element_type=jnp.float32)
        mean_v = jnp.sum(k_h, axis=0, keepdims=True) * (1.0 / L)
        ind = jnp.sum(oht, axis=1, keepdims=True)
        att_ref[:, hh * DH:(hh + 1) * DH] = (1.0 - ind) * mean_v + lax.dot_general(
            oht, upd, (((1,), (0,)), ((), ())), preferred_element_type=jnp.float32)


def _ln(x, g, b):
    mu = jnp.mean(x, axis=1, keepdims=True)
    var = jnp.mean((x - mu) ** 2, axis=1, keepdims=True)
    return (x - mu) * lax.rsqrt(var + 1e-5) * g + b


def _ffn_kernel(tgt_ref, att_ref, w1_ref, b1_ref, w2_ref, b2_ref,
                g1_ref, be1_ref, g2_ref, be2_ref, out_ref):
    skipped = tgt_ref[...] + att_ref[...]
    normed = _ln(skipped, g1_ref[...], be1_ref[...])
    h1 = lax.dot_general(normed, w1_ref[...], (((1,), (1,)), ((), ())),
                         preferred_element_type=jnp.float32) + b1_ref[...]
    h1 = jnp.maximum(h1, 0.0)
    proj = lax.dot_general(h1, w2_ref[...], (((1,), (1,)), ((), ())),
                           preferred_element_type=jnp.float32) + b2_ref[...]
    out_ref[...] = _ln(normed + proj, g2_ref[...], be2_ref[...])


def kernel(target, source, W1, b1, W2, b2, g1, be1, g2, be2, index_sample):
    tgt = target.reshape(L, D_MODEL)
    src = source.reshape(L, D_MODEL)
    idx = index_sample.astype(jnp.int32)

    idx_flat = idx.reshape(L * SAMPLE_K)
    zblk = jnp.zeros((ROWS_CH * L,), jnp.float32)

    mesh = plsc.VectorSubcoreMesh(core_axis_name="c", subcore_axis_name="s")
    cmat = pl.kernel(
        _count_sc,
        out_type=jax.ShapeDtypeStruct((L * L,), jnp.float32),
        mesh=mesh,
        scratch_types=[
            pltpu.VMEM((SAMPLE_K * ROWS_W,), jnp.int32),
            pltpu.VMEM((ROWS_CH * L,), jnp.float32),
        ],
        compiler_params=pltpu.CompilerParams(needs_layout_passes=False),
    )(idx_flat, zblk)
    cmat = cmat.reshape(L, L)

    m = pl.pallas_call(
        _m_kernel,
        grid=(L // BLK,),
        in_specs=[
            pl.BlockSpec((BLK, L), lambda b: (b, 0)),
            pl.BlockSpec((BLK, D_MODEL), lambda b: (b, 0)),
            pl.BlockSpec((L, D_MODEL), lambda b: (0, 0)),
        ],
        out_specs=pl.BlockSpec((N_HEADS, BLK), lambda b: (0, b)),
        out_shape=jax.ShapeDtypeStruct((N_HEADS, L), jnp.float32),
    )(cmat, tgt, src)

    attended = pl.pallas_call(
        _attn_kernel,
        grid=(N_HEADS // 2,),
        in_specs=[
            pl.BlockSpec((N_HEADS, L), lambda h: (0, 0)),
            pl.BlockSpec((L, 2 * DH), lambda h: (0, h)),
            pl.BlockSpec((L, 2 * DH), lambda h: (0, h)),
        ],
        out_specs=pl.BlockSpec((L, 2 * DH), lambda h: (0, h)),
        out_shape=jax.ShapeDtypeStruct((L, D_MODEL), jnp.float32),
        scratch_shapes=[pltpu.VMEM((N_HEADS, N_TOP), jnp.int32)],
    )(m, tgt, src)

    out = pl.pallas_call(
        _ffn_kernel,
        grid=(L // BLK,),
        in_specs=[
            pl.BlockSpec((BLK, D_MODEL), lambda b: (b, 0)),
            pl.BlockSpec((BLK, D_MODEL), lambda b: (b, 0)),
            pl.BlockSpec((D_FF, D_MODEL), lambda b: (0, 0)),
            pl.BlockSpec((1, D_FF), lambda b: (0, 0)),
            pl.BlockSpec((D_MODEL, D_FF), lambda b: (0, 0)),
            pl.BlockSpec((1, D_MODEL), lambda b: (0, 0)),
            pl.BlockSpec((1, D_MODEL), lambda b: (0, 0)),
            pl.BlockSpec((1, D_MODEL), lambda b: (0, 0)),
            pl.BlockSpec((1, D_MODEL), lambda b: (0, 0)),
            pl.BlockSpec((1, D_MODEL), lambda b: (0, 0)),
        ],
        out_specs=pl.BlockSpec((BLK, D_MODEL), lambda b: (b, 0)),
        out_shape=jax.ShapeDtypeStruct((L, D_MODEL), jnp.float32),
    )(tgt, attended, W1, b1.reshape(1, D_FF), W2, b2.reshape(1, D_MODEL),
      g1.reshape(1, D_MODEL), be1.reshape(1, D_MODEL),
      g2.reshape(1, D_MODEL), be2.reshape(1, D_MODEL))

    return out.reshape(L, 1, D_MODEL)

# --- scband reference (transcript-rebuilt; emitter-appended) ---
"""Pipeline reference for scband-arg-extractor-layer-35527969472569 (READ-ONLY COPY).

The authoritative reference and input builder live on the scoring server;
editing this copy changes nothing except your own understanding.
"""

import jax, jax.numpy as jnp
import numpy as np

L = 2048
B = 1
D_MODEL = 1024
N_HEADS = 16
D_FF = 2048
FACTOR = 5


def setup_inputs(seed: int = 0):
    key = jax.random.key(seed)
    ks = jax.random.split(key, 8)
    target = jax.random.normal(ks[0], (L, B, D_MODEL), dtype=jnp.float32)
    source = jax.random.normal(ks[1], (L, B, D_MODEL), dtype=jnp.float32)
    lim1 = 1.0 / np.sqrt(D_MODEL)
    W1 = jax.random.uniform(ks[2], (D_FF, D_MODEL), jnp.float32, -lim1, lim1)
    b1 = jax.random.uniform(ks[3], (D_FF,), jnp.float32, -lim1, lim1)
    lim2 = 1.0 / np.sqrt(D_FF)
    W2 = jax.random.uniform(ks[4], (D_MODEL, D_FF), jnp.float32, -lim2, lim2)
    b2 = jax.random.uniform(ks[5], (D_MODEL,), jnp.float32, -lim2, lim2)
    g1 = jnp.ones((D_MODEL,), jnp.float32)
    be1 = jnp.zeros((D_MODEL,), jnp.float32)
    g2 = jnp.ones((D_MODEL,), jnp.float32)
    be2 = jnp.zeros((D_MODEL,), jnp.float32)
    sample_k = min(FACTOR * int(np.ceil(np.log(L))), L)
    index_sample = jax.random.randint(ks[6], (L, sample_k), 0, L)
    return {"target": target, "source": source, "W1": W1, "b1": b1, "W2": W2,
            "b2": b2, "g1": g1, "be1": be1, "g2": g2, "be2": be2,
            "index_sample": index_sample}


def _layer_norm(x, g, b, eps=1e-5):
    mu = jnp.mean(x, axis=-1, keepdims=True)
    var = jnp.mean((x - mu) ** 2, axis=-1, keepdims=True)
    return (x - mu) / jnp.sqrt(var + eps) * g + b


def _prob_sparse_attention(Q, K, V, index_sample):
    # Informer-style ProbSparse attention, mask_flag=False, factor=FACTOR
    Bq, H, L_Q, Dh = Q.shape
    L_K = K.shape[2]
    # sample keys per query: K_sample [B,H,L_Q,sample_k,Dh]
    K_sample = K[:, :, index_sample, :]
    Q_K_sample = jnp.einsum('bhld,bhlsd->bhls', Q, K_sample)
    M = jnp.max(Q_K_sample, axis=-1) - jnp.sum(Q_K_sample, axis=-1) / L_K
    n_top = min(FACTOR * int(np.ceil(np.log(L_Q))), L_Q)
    _, M_top = jax.lax.top_k(M, n_top)  # [B,H,n_top]
    Q_reduce = jnp.take_along_axis(Q, M_top[..., None], axis=2)  # [B,H,n_top,Dh]
    scores = jnp.einsum('bhud,bhkd->bhuk', Q_reduce, K) * (1.0 / np.sqrt(Dh))
    attn = jax.nn.softmax(scores, axis=-1)
    # initial context: mean of V (mask_flag=False branch)
    context = jnp.broadcast_to(jnp.mean(V, axis=2, keepdims=True), (Bq, H, L_Q, Dh))
    upd = jnp.einsum('bhuk,bhkd->bhud', attn, V)
    context = jax.vmap(jax.vmap(lambda c, i, uv: c.at[i].set(uv)))(context, M_top, upd)
    return context


def reference(target, source, W1, b1, W2, b2, g1, be1, g2, be2, index_sample):
    max_len, bs, d = target.shape
    dh = d // N_HEADS
    q = target.reshape(max_len, bs, N_HEADS, dh).transpose(1, 0, 2, 3)  # [B,L,H,dh]
    s = source.reshape(max_len, bs, N_HEADS, dh).transpose(1, 0, 2, 3)
    Q = q.transpose(0, 2, 1, 3)  # [B,H,L,dh]
    K = s.transpose(0, 2, 1, 3)
    V = K
    context = _prob_sparse_attention(Q, K, V, index_sample)  # [B,H,L,dh]
    attended = context.transpose(0, 2, 1, 3).reshape(bs, max_len, d).transpose(1, 0, 2)
    skipped = target + attended
    normed = _layer_norm(skipped, g1, be1)
    h = jax.nn.relu(normed @ W1.T + b1)
    projected = h @ W2.T + b2
    out = _layer_norm(normed + projected, g2, be2)
    return out

if __name__ == "__main__":
    import jax
    _d = setup_inputs()
    print(jax.jit(kernel)(*tuple(_d.values())))

</pallas_src>

<mosaic_0001>
#map = affine_map<(d0, d1) -> (0)>
module attributes {stable_mosaic.version = 14 : i64} {
  func.func @_count_sc(%arg0: i32, %arg1: i32, %arg2: memref<81920xi32, #tpu.memory_space<hbm>>, %arg3: memref<65536xf32, #tpu.memory_space<hbm>>, %arg4: memref<4194304xf32, #tpu.memory_space<hbm>>, %arg5: memref<2560xi32, #tpu.memory_space<vmem>>, %arg6: memref<65536xf32, #tpu.memory_space<vmem>>) attributes {dimension_semantics = [#tpu.dimension_semantics<core_parallel>, #tpu.dimension_semantics<subcore_parallel>], iteration_bounds = array<i64: 2, 16>, scalar_prefetch = 0 : i64, scratch_operands = 2 : i64, tpu.core_type = #tpu.core_type<sc_vector_subcore>, window_params = [{transform_indices = #map}, {transform_indices = #map}, {transform_indices = #map}]} {
    %mul3A = arith.constant 2 : i32
    %mul3A_0 = arith.muli %arg1, %mul3A : i32
    %add3A = arith.addi %mul3A_0, %arg0 : i32
    %mul3A_1 = arith.constant 64 : i32
    %mul3A_2 = arith.muli %add3A, %mul3A_1 : i32
    %mul3A_3 = arith.constant 40 : i32
    %mul3A_4 = arith.muli %mul3A_2, %mul3A_3 : i32
    "tpu.region"() ({
      %run_scoped3A = tpu.sem_alloc : memref<!tpu.dma_semaphore, #tpu.memory_space<semaphore_mem>>
      %dma_start3A = tpu.memref_slice %arg2[%mul3A_4] : memref<81920xi32, #tpu.memory_space<hbm>> -> memref<2560xi32, #tpu.memory_space<hbm>>
      %dma_start3A_2982 = tpu.memref_slice %arg2[%mul3A_4] : memref<81920xi32, #tpu.memory_space<hbm>> -> memref<2560xi32, #tpu.memory_space<hbm>>
      tpu.enqueue_dma source(%dma_start3A_2982 : memref<2560xi32, #tpu.memory_space<hbm>>) target(%arg5 : memref<2560xi32, #tpu.memory_space<vmem>>) target_semaphore(%run_scoped3A : memref<!tpu.dma_semaphore, #tpu.memory_space<semaphore_mem>>)
      %dma_wait3A = tpu.memref_slice %arg2[%mul3A_4] : memref<81920xi32, #tpu.memory_space<hbm>> -> memref<2560xi32, #tpu.memory_space<hbm>>
      %dma_wait3A_2983 = tpu.memref_slice %arg2[%mul3A_4] : memref<81920xi32, #tpu.memory_space<hbm>> -> memref<2560xi32, #tpu.memory_space<hbm>>
      tpu.wait_dma2 semaphore(%run_scoped3A : memref<!tpu.dma_semaphore, #tpu.memory_space<semaphore_mem>>) src(%dma_wait3A_2983 : memref<2560xi32, #tpu.memory_space<hbm>>) dst(%arg5 : memref<2560xi32, #tpu.memory_space<vmem>>)
      tpu.yield
    }) : () -> ()
    "tpu.region"() ({
      %run_scoped3A = tpu.sem_alloc : memref<!tpu.dma_semaphore, #tpu.memory_space<semaphore_mem>>
      tpu.enqueue_dma source(%arg3 : memref<65536xf32, #tpu.memory_space<hbm>>) target(%arg6 : memref<65536xf32, #tpu.memory_space<vmem>>) target_semaphore(%run_scoped3A : memref<!tpu.dma_semaphore, #tpu.memory_space<semaphore_mem>>)
      tpu.wait_dma2 semaphore(%run_scoped3A : memref<!tpu.dma_semaphore, #tpu.memory_space<semaphore_mem>>) src(%arg3 : memref<65536xf32, #tpu.memory_space<hbm>>) dst(%arg6 : memref<65536xf32, #tpu.memory_space<vmem>>)
      tpu.yield
    }) : () -> ()
    %iota3A = tpu.iota {dimensions = array<i32: 0>} : vector<16xi32>
    %mul3A_5 = arith.constant 40 : i32
    %mul3A_6 = vector.broadcast %mul3A_5 : i32 to vector<16xi32>
    %mul3A_7 = arith.muli %iota3A, %mul3A_6 : vector<16xi32>
    %broadcast_in_dim3A = arith.constant 1.000000e+00 : f32
    %broadcast_in_dim3A_8 = vector.broadcast %broadcast_in_dim3A : f32 to vector<16xf32>
    %broadcast_in_dim3A_9 = arith.constant 0.000000e+00 : f32
    %broadcast_in_dim3A_10 = vector.broadcast %broadcast_in_dim3A_9 : f32 to vector<16xf32>
    %add3A_11 = arith.constant 0 : i32
    %add3A_12 = vector.broadcast %add3A_11 : i32 to vector<16xi32>
    %add3A_13 = arith.addi %mul3A_7, %add3A_12 : vector<16xi32>
    %gather3A = tpu.vector_load_idx %arg5[%add3A_13] : memref<2560xi32, #tpu.memory_space<vmem>>[vector<16xi32>], vector<16xi32>,
    %add3A_14 = arith.constant 0 : i32
    %add3A_15 = vector.broadcast %add3A_14 : i32 to vector<16xi32>
    %add3A_16 = arith.addi %add3A_15, %iota3A : vector<16xi32>
    %mul3A_17 = arith.constant 2048 : i32
    %mul3A_18 = vector.broadcast %mul3A_17 : i32 to vector<16xi32>
    %mul3A_19 = arith.muli %add3A_16, %mul3A_18 : vector<16xi32>
    %add3A_20 = arith.addi %mul3A_19, %gather3A : vector<16xi32>
    %gather3A_21 = tpu.vector_load_idx %arg6[%add3A_20] : memref<65536xf32, #tpu.memory_space<vmem>>[vector<16xi32>], vector<16xf32>,
    %add3A_22 = arith.addf %gather3A_21, %broadcast_in_dim3A_8 : vector<16xf32>
    tpu.vector_store_idx %arg6[%add3A_20], %add3A_22 : memref<65536xf32, #tpu.memory_space<vmem>>[vector<16xi32>], vector<16xf32>,
    %add3A_23 = arith.constant 640 : i32
    %add3A_24 = vector.broadcast %add3A_23 : i32 to vector<16xi32>
    %add3A_25 = arith.addi %mul3A_7, %add3A_24 : vector<16xi32>
    %gather3A_26 = tpu.vector_load_idx %arg5[%add3A_25] : memref<2560xi32, #tpu.memory_space<vmem>>[vector<16xi32>], vector<16xi32>,
    %add3A_27 = arith.constant 16 : i32
    %add3A_28 = vector.broadcast %add3A_27 : i32 to vector<16xi32>
    %add3A_29 = arith.addi %add3A_28, %iota3A : vector<16xi32>
    %mul3A_30 = arith.constant 2048 : i32
    %mul3A_31 = vector.broadcast %mul3A_30 : i32 to vector<16xi32>
    %mul3A_32 = arith.muli %add3A_29, %mul3A_31 : vector<16xi32>
    %add3A_33 = arith.addi %mul3A_32, %gather3A_26 : vector<16xi32>
    %gather3A_34 = tpu.vector_load_idx %arg6[%add3A_33] : memref<65536xf32, #tpu.memory_space<vmem>>[vector<16xi32>], vector<16xf32>,
    %add3A_35 = arith.addf %gather3A_34, %broadcast_in_dim3A_8 : vector<16xf32>
    tpu.vector_store_idx %arg6[%add3A_33], %add3A_35 : memref<65536xf32, #tpu.memory_space<vmem>>[vector<16xi32>], vector<16xf32>,
    %add3A_36 = arith.constant 1 : i32
    %add3A_37 = vector.broadcast %add3A_36 : i32 to vector<16xi32>
    %add3A_38 = arith.addi %mul3A_7, %add3A_37 : vector<16xi32>
    %gather3A_39 = tpu.vector_load_idx %arg5[%add3A_38] : memref<2560xi32, #tpu.memory_space<vmem>>[vector<16xi32>], vector<16xi32>,
    %add3A_40 = arith.constant 0 : i32
    %add3A_41 = vector.broadcast %add3A_40 : i32 to vector<16xi32>
    %add3A_42 = arith.addi %add3A_41, %iota3A : vector<16xi32>
    %mul3A_43 = arith.constant 2048 : i32
    %mul3A_44 = vector.broadcast %mul3A_43 : i32 to vector<16xi32>
    %mul3A_45 = arith.muli %add3A_42, %mul3A_44 : vector<16xi32>
    %add3A_46 = arith.addi %mul3A_45, %gather3A_39 : vector<16xi32>
    %gather3A_47 = tpu.vector_load_idx %arg6[%add3A_46] : memref<65536xf32, #tpu.memory_space<vmem>>[vector<16xi32>], vector<16xf32>,
    %add3A_48 = arith.addf %gather3A_47, %broadcast_in_dim3A_8 : vector<16xf32>
    tpu.vector_store_idx %arg6[%add3A_46], %add3A_48 : memref<65536xf32, #tpu.memory_space<vmem>>[vector<16xi32>], vector<16xf32>,
    %add3A_49 = arith.constant 641 : i32
    %add3A_50 = vector.broadcast %add3A_49 : i32 to vector<16xi32>
    %add3A_51 = arith.addi %mul3A_7, %add3A_50 : vector<16xi32>
    %gather3A_52 = tpu.vector_load_idx %arg5[%add3A_51] : memref<2560xi32, #tpu.memory_space<vmem>>[vector<16xi32>], vector<16xi32>,
    %add3A_53 = arith.constant 16 : i32
    %add3A_54 = vector.broadcast %add3A_53 : i32 to vector<16xi32>
    %add3A_55 = arith.addi %add3A_54, %iota3A : vector<16xi32>
    %mul3A_56 = arith.constant 2048 : i32
    %mul3A_57 = vector.broadcast %mul3A_56 : i32 to vector<16xi32>
    %mul3A_58 = arith.muli %add3A_55, %mul3A_57 : vector<16xi32>
    %add3A_59 = arith.addi %mul3A_58, %gather3A_52 : vector<16xi32>
    %gather3A_60 = tpu.vector_load_idx %arg6[%add3A_59] : memref<65536xf32, #tpu.memory_space<vmem>>[vector<16xi32>], vector<16xf32>,
    %add3A_61 = arith.addf %gather3A_60, %broadcast_in_dim3A_8 : vector<16xf32>
    tpu.vector_store_idx %arg6[%add3A_59], %add3A_61 : memref<65536xf32, #tpu.memory_space<vmem>>[vector<16xi32>], vector<16xf32>,
    %add3A_62 = arith.constant 2 : i32
    %add3A_63 = vector.broadcast %add3A_62 : i32 to vector<16xi32>
    %add3A_64 = arith.addi %mul3A_7, %add3A_63 : vector<16xi32>
    %gather3A_65 = tpu.vector_load_idx %arg5[%add3A_64] : memref<2560xi32, #tpu.memory_space<vmem>>[vector<16xi32>], vector<16xi32>,
    %add3A_66 = arith.constant 0 : i32
    %add3A_67 = vector.broadcast %add3A_66 : i32 to vector<16xi32>
    %add3A_68 = arith.addi %add3A_67, %iota3A : vector<16xi32>
    %mul3A_69 = arith.constant 2048 : i32
    %mul3A_70 = vector.broadcast %mul3A_69 : i32 to vector<16xi32>
    %mul3A_71 = arith.muli %add3A_68, %mul3A_70 : vector<16xi32>
    %add3A_72 = arith.addi %mul3A_71, %gather3A_65 : vector<16xi32>
    %gather3A_73 = tpu.vector_load_idx %arg6[%add3A_72] : memref<65536xf32, #tpu.memory_space<vmem>>[vector<16xi32>], vector<16xf32>,
    %add3A_74 = arith.addf %gather3A_73, %broadcast_in_dim3A_8 : vector<16xf32>
    tpu.vector_store_idx %arg6[%add3A_72], %add3A_74 : memref<65536xf32, #tpu.memory_space<vmem>>[vector<16xi32>], vector<16xf32>,
    %add3A_75 = arith.constant 642 : i32
    %add3A_76 = vector.broadcast %add3A_75 : i32 to vector<16xi32>
    %add3A_77 = arith.addi %mul3A_7, %add3A_76 : vector<16xi32>
    %gather3A_78 = tpu.vector_load_idx %arg5[%add3A_77] : memref<2560xi32, #tpu.memory_space<vmem>>[vector<16xi32>], vector<16xi32>,
    %add3A_79 = arith.constant 16 : i32
    %add3A_80 = vector.broadcast %add3A_79 : i32 to vector<16xi32>
    %add3A_81 = arith.addi %add3A_80, %iota3A : vector<16xi32>
    %mul3A_82 = arith.constant 2048 : i32
    %mul3A_83 = vector.broadcast %mul3A_82 : i32 to vector<16xi32>
    %mul3A_84 = arith.muli %add3A_81, %mul3A_83 : vector<16xi32>
    %add3A_85 = arith.addi %mul3A_84, %gather3A_78 : vector<16xi32>
    %gather3A_86 = tpu.vector_load_idx %arg6[%add3A_85] : memref<65536xf32, #tpu.memory_space<vmem>>[vector<16xi32>], vector<16xf32>,
    %add3A_87 = arith.addf %gather3A_86, %broadcast_in_dim3A_8 : vector<16xf32>
    tpu.vector_store_idx %arg6[%add3A_85], %add3A_87 : memref<65536xf32, #tpu.memory_space<vmem>>[vector<16xi32>], vector<16xf32>,
    %add3A_88 = arith.constant 3 : i32
    %add3A_89 = vector.broadcast %add3A_88 : i32 to vector<16xi32>
    %add3A_90 = arith.addi %mul3A_7, %add3A_89 : vector<16xi32>
    %gather3A_91 = tpu.vector_load_idx %arg5[%add3A_90] : memref<2560xi32, #tpu.memory_space<vmem>>[vector<16xi32>], vector<16xi32>,
    %add3A_92 = arith.constant 0 : i32
    %add3A_93 = vector.broadcast %add3A_92 : i32 to vector<16xi32>
    %add3A_94 = arith.addi %add3A_93, %iota3A : vector<16xi32>
    %mul3A_95 = arith.constant 2048 : i32
    %mul3A_96 = vector.broadcast %mul3A_95 : i32 to vector<16xi32>
    %mul3A_97 = arith.muli %add3A_94, %mul3A_96 : vector<16xi32>
    %add3A_98 = arith.addi %mul3A_97, %gather3A_91 : vector<16xi32>
    %gather3A_99 = tpu.vector_load_idx %arg6[%add3A_98] : memref<65536xf32, #tpu.memory_space<vmem>>[vector<16xi32>], vector<16xf32>,
    %add3A_100 = arith.addf %gather3A_99, %broadcast_in_dim3A_8 : vector<16xf32>
    tpu.vector_store_idx %arg6[%add3A_98], %add3A_100 : memref<65536xf32, #tpu.memory_space<vmem>>[vector<16xi32>], vector<16xf32>,
    %add3A_101 = arith.constant 643 : i32
    %add3A_102 = vector.broadcast %add3A_101 : i32 to vector<16xi32>
    %add3A_103 = arith.addi %mul3A_7, %add3A_102 : vector<16xi32>
    %gather3A_104 = tpu.vector_load_idx %arg5[%add3A_103] : memref<2560xi32, #tpu.memory_space<vmem>>[vector<16xi32>], vector<16xi32>,
    %add3A_105 = arith.constant 16 : i32
    %add3A_106 = vector.broadcast %add3A_105 : i32 to vector<16xi32>
    %add3A_107 = arith.addi %add3A_106, %iota3A : vector<16xi32>
    %mul3A_108 = arith.constant 2048 : i32
    %mul3A_109 = vector.broadcast %mul3A_108 : i32 to vector<16xi32>
    %mul3A_110 = arith.muli %add3A_107, %mul3A_109 : vector<16xi32>
    %add3A_111 = arith.addi %mul3A_110, %gather3A_104 : vector<16xi32>
    %gather3A_112 = tpu.vector_load_idx %arg6[%add3A_111] : memref<65536xf32, #tpu.memory_space<vmem>>[vector<16xi32>], vector<16xf32>,
    %add3A_113 = arith.addf %gather3A_112, %broadcast_in_dim3A_8 : vector<16xf32>
    tpu.vector_store_idx %arg6[%add3A_111], %add3A_113 : memref<65536xf32, #tpu.memory_space<vmem>>[vector<16xi32>], vector<16xf32>,
    %add3A_114 = arith.constant 4 : i32
    %add3A_115 = vector.broadcast %add3A_114 : i32 to vector<16xi32>
    %add3A_116 = arith.addi %mul3A_7, %add3A_115 : vector<16xi32>
    %gather3A_117 = tpu.vector_load_idx %arg5[%add3A_116] : memref<2560xi32, #tpu.memory_space<vmem>>[vector<16xi32>], vector<16xi32>,
    %add3A_118 = arith.constant 0 : i32
    %add3A_119 = vector.broadcast %add3A_118 : i32 to vector<16xi32>
    %add3A_120 = arith.addi %add3A_119, %iota3A : vector<16xi32>
    %mul3A_121 = arith.constant 2048 : i32
    %mul3A_122 = vector.broadcast %mul3A_121 : i32 to vector<16xi32>
    %mul3A_123 = arith.muli %add3A_120, %mul3A_122 : vector<16xi32>
    %add3A_124 = arith.addi %mul3A_123, %gather3A_117 : vector<16xi32>
    %gather3A_125 = tpu.vector_load_idx %arg6[%add3A_124] : memref<65536xf32, #tpu.memory_space<vmem>>[vector<16xi32>], vector<16xf32>,
    %add3A_126 = arith.addf %gather3A_125, %broadcast_in_dim3A_8 : vector<16xf32>
    tpu.vector_store_idx %arg6[%add3A_124], %add3A_126 : memref<65536xf32, #tpu.memory_space<vmem>>[vector<16xi32>], vector<16xf32>,
    %add3A_127 = arith.constant 644 : i32
    %add3A_128 = vector.broadcast %add3A_127 : i32 to vector<16xi32>
    %add3A_129 = arith.addi %mul3A_7, %add3A_128 : vector<16xi32>
    %gather3A_130 = tpu.vector_load_idx %arg5[%add3A_129] : memref<2560xi32, #tpu.memory_space<vmem>>[vector<16xi32>], vector<16xi32>,
    %add3A_131 = arith.constant 16 : i32
    %add3A_132 = vector.broadcast %add3A_131 : i32 to vector<16xi32>
    %add3A_133 = arith.addi %add3A_132, %iota3A : vector<16xi32>
    %mul3A_134 = arith.constant 2048 : i32
    %mul3A_135 = vector.broadcast %mul3A_134 : i32 to vector<16xi32>
    %mul3A_136 = arith.muli %add3A_133, %mul3A_135 : vector<16xi32>
    %add3A_137 = arith.addi %mul3A_136, %gather3A_130 : vector<16xi32>
    %gather3A_138 = tpu.vector_load_idx %arg6[%add3A_137] : memref<65536xf32, #tpu.memory_space<vmem>>[vector<16xi32>], vector<16xf32>,
    %add3A_139 = arith.addf %gather3A_138, %broadcast_in_dim3A_8 : vector<16xf32>
    tpu.vector_store_idx %arg6[%add3A_137], %add3A_139 : memref<65536xf32, #tpu.memory_space<vmem>>[vector<16xi32>], vector<16xf32>,
    %add3A_140 = arith.constant 5 : i32
    %add3A_141 = vector.broadcast %add3A_140 : i32 to vector<16xi32>
    %add3A_142 = arith.addi %mul3A_7, %add3A_141 : vector<16xi32>
    %gather3A_143 = tpu.vector_load_idx %arg5[%add3A_142] : memref<2560xi32, #tpu.memory_space<vmem>>[vector<16xi32>], vector<16xi32>,
    %add3A_144 = arith.constant 0 : i32
    %add3A_145 = vector.broadcast %add3A_144 : i32 to vector<16xi32>
    %add3A_146 = arith.addi %add3A_145, %iota3A : vector<16xi32>
    %mul3A_147 = arith.constant 2048 : i32
    %mul3A_148 = vector.broadcast %mul3A_147 : i32 to vector<16xi32>
    %mul3A_149 = arith.muli %add3A_146, %mul3A_148 : vector<16xi32>
    %add3A_150 = arith.addi %mul3A_149, %gather3A_143 : vector<16xi32>
    %gather3A_151 = tpu.vector_load_idx %arg6[%add3A_150] : memref<65536xf32, #tpu.memory_space<vmem>>[vector<16xi32>], vector<16xf32>,
    %add3A_152 = arith.addf %gather3A_151, %broadcast_in_dim3A_8 : vector<16xf32>
    tpu.vector_store_idx %arg6[%add3A_150], %add3A_152 : memref<65536xf32, #tpu.memory_space<vmem>>[vector<16xi32>], vector<16xf32>,
    %add3A_153 = arith.constant 645 : i32
    %add3A_154 = vector.broadcast %add3A_153 : i32 to vector<16xi32>
    %add3A_155 = arith.addi %mul3A_7, %add3A_154 : vector<16xi32>
    %gather3A_156 = tpu.vector_load_idx %arg5[%add3A_155] : memref<2560xi32, #tpu.memory_space<vmem>>[vector<16xi32>], vector<16xi32>,
    %add3A_157 = arith.constant 16 : i32
    %add3A_158 = vector.broadcast %add3A_157 : i32 to vector<16xi32>
    %add3A_159 = arith.addi %add3A_158, %iota3A : vector<16xi32>
    %mul3A_160 = arith.constant 2048 : i32
    %mul3A_161 = vector.broadcast %mul3A_160 : i32 to vector<16xi32>
    %mul3A_162 = arith.muli %add3A_159, %mul3A_161 : vector<16xi32>
    %add3A_163 = arith.addi %mul3A_162, %gather3A_156 : vector<16xi32>
    %gather3A_164 = tpu.vector_load_idx %arg6[%add3A_163] : memref<65536xf32, #tpu.memory_space<vmem>>[vector<16xi32>], vector<16xf32>,
    %add3A_165 = arith.addf %gather3A_164, %broadcast_in_dim3A_8 : vector<16xf32>
    tpu.vector_store_idx %arg6[%add3A_163], %add3A_165 : memref<65536xf32, #tpu.memory_space<vmem>>[vector<16xi32>], vector<16xf32>,
    %add3A_166 = arith.constant 6 : i32
    %add3A_167 = vector.broadcast %add3A_166 : i32 to vector<16xi32>
    %add3A_168 = arith.addi %mul3A_7, %add3A_167 : vector<16xi32>
    %gather3A_169 = tpu.vector_load_idx %arg5[%add3A_168] : memref<2560xi32, #tpu.memory_space<vmem>>[vector<16xi32>], vector<16xi32>,
    %add3A_170 = arith.constant 0 : i32
    %add3A_171 = vector.broadcast %add3A_170 : i32 to vector<16xi32>
    %add3A_172 = arith.addi %add3A_171, %iota3A : vector<16xi32>
    %mul3A_173 = arith.constant 2048 : i32
    %mul3A_174 = vector.broadcast %mul3A_173 : i32 to vector<16xi32>
    %mul3A_175 = arith.muli %add3A_172, %mul3A_174 : vector<16xi32>
    %add3A_176 = arith.addi %mul3A_175, %gather3A_169 : vector<16xi32>
    %gather3A_177 = tpu.vector_load_idx %arg6[%add3A_176] : memref<65536xf32, #tpu.memory_space<vmem>>[vector<16xi32>], vector<16xf32>,
    %add3A_178 = arith.addf %gather3A_177, %broadcast_in_dim3A_8 : vector<16xf32>
    tpu.vector_store_idx %arg6[%add3A_176], %add3A_178 : memref<65536xf32, #tpu.memory_space<vmem>>[vector<16xi32>], vector<16xf32>,
    %add3A_179 = arith.constant 646 : i32
    %add3A_180 = vector.broadcast %add3A_179 : i32 to vector<16xi32>
    %add3A_181 = arith.addi %mul3A_7, %add3A_180 : vector<16xi32>
    %gather3A_182 = tpu.vector_load_idx %arg5[%add3A_181] : memref<2560xi32, #tpu.memory_space<vmem>>[vector<16xi32>], vector<16xi32>,
    %add3A_183 = arith.constant 16 : i32
    %add3A_184 = vector.broadcast %add3A_183 : i32 to vector<16xi32>
    %add3A_185 = arith.addi %add3A_184, %iota3A : vector<16xi32>
    %mul3A_186 = arith.constant 2048 : i32
    %mul3A_187 = vector.broadcast %mul3A_186 : i32 to vector<16xi32>
    %mul3A_188 = arith.muli %add3A_185, %mul3A_187 : vector<16xi32>
    %add3A_189 = arith.addi %mul3A_188, %gather3A_182 : vector<16xi32>
    %gather3A_190 = tpu.vector_load_idx %arg6[%add3A_189] : memref<65536xf32, #tpu.memory_space<vmem>>[vector<16xi32>], vector<16xf32>,
    %add3A_191 = arith.addf %gather3A_190, %broadcast_in_dim3A_8 : vector<16xf32>
    tpu.vector_store_idx %arg6[%add3A_189], %add3A_191 : memref<65536xf32, #tpu.memory_space<vmem>>[vector<16xi32>], vector<16xf32>,
    %add3A_192 = arith.constant 7 : i32
    %add3A_193 = vector.broadcast %add3A_192 : i32 to vector<16xi32>
    %add3A_194 = arith.addi %mul3A_7, %add3A_193 : vector<16xi32>
    %gather3A_195 = tpu.vector_load_idx %arg5[%add3A_194] : memref<2560xi32, #tpu.memory_space<vmem>>[vector<16xi32>], vector<16xi32>,
    %add3A_196 = arith.constant 0 : i32
    %add3A_197 = vector.broadcast %add3A_196 : i32 to vector<16xi32>
    %add3A_198 = arith.addi %add3A_197, %iota3A : vector<16xi32>
    %mul3A_199 = arith.constant 2048 : i32
    %mul3A_200 = vector.broadcast %mul3A_199 : i32 to vector<16xi32>
    %mul3A_201 = arith.muli %add3A_198, %mul3A_200 : vector<16xi32>
    %add3A_202 = arith.addi %mul3A_201, %gather3A_195 : vector<16xi32>
    %gather3A_203 = tpu.vector_load_idx %arg6[%add3A_202] : memref<65536xf32, #tpu.memory_space<vmem>>[vector<16xi32>], vector<16xf32>,
    %add3A_204 = arith.addf %gather3A_203, %broadcast_in_dim3A_8 : vector<16xf32>
    tpu.vector_store_idx %arg6[%add3A_202], %add3A_204 : memref<65536xf32, #tpu.memory_space<vmem>>[vector<16xi32>], vector<16xf32>,
    %add3A_205 = arith.constant 647 : i32
    %add3A_206 = vector.broadcast %add3A_205 : i32 to vector<16xi32>
    %add3A_207 = arith.addi %mul3A_7, %add3A_206 : vector<16xi32>
    %gather3A_208 = tpu.vector_load_idx %arg5[%add3A_207] : memref<2560xi32, #tpu.memory_space<vmem>>[vector<16xi32>], vector<16xi32>,
    %add3A_209 = arith.constant 16 : i32
    %add3A_210 = vector.broadcast %add3A_209 : i32 to vector<16xi32>
    %add3A_211 = arith.addi %add3A_210, %iota3A : vector<16xi32>
    %mul3A_212 = arith.constant 2048 : i32
    %mul3A_213 = vector.broadcast %mul3A_212 : i32 to vector<16xi32>
    %mul3A_214 = arith.muli %add3A_211, %mul3A_213 : vector<16xi32>
    %add3A_215 = arith.addi %mul3A_214, %gather3A_208 : vector<16xi32>
    %gather3A_216 = tpu.vector_load_idx %arg6[%add3A_215] : memref<65536xf32, #tpu.memory_space<vmem>>[vector<16xi32>], vector<16xf32>,
    %add3A_217 = arith.addf %gather3A_216, %broadcast_in_dim3A_8 : vector<16xf32>
    tpu.vector_store_idx %arg6[%add3A_215], %add3A_217 : memref<65536xf32, #tpu.memory_space<vmem>>[vector<16xi32>], vector<16xf32>,
    %add3A_218 = arith.constant 8 : i32
    %add3A_219 = vector.broadcast %add3A_218 : i32 to vector<16xi32>
    %add3A_220 = arith.addi %mul3A_7, %add3A_219 : vector<16xi32>
    %gather3A_221 = tpu.vector_load_idx %arg5[%add3A_220] : memref<2560xi32, #tpu.memory_space<vmem>>[vector<16xi32>], vector<16xi32>,
    %add3A_222 = arith.constant 0 : i32
    %add3A_223 = vector.broadcast %add3A_222 : i32 to vector<16xi32>
    %add3A_224 = arith.addi %add3A_223, %iota3A : vector<16xi32>
    %mul3A_225 = arith.constant 2048 : i32
    %mul3A_226 = vector.broadcast %mul3A_225 : i32 to vector<16xi32>
    %mul3A_227 = arith.muli %add3A_224, %mul3A_226 : vector<16xi32>
    %add3A_228 = arith.addi %mul3A_227, %gather3A_221 : vector<16xi32>
    %gather3A_229 = tpu.vector_load_idx %arg6[%add3A_228] : memref<65536xf32, #tpu.memory_space<vmem>>[vector<16xi32>], vector<16xf32>,
    %add3A_230 = arith.addf %gather3A_229, %broadcast_in_dim3A_8 : vector<16xf32>
    tpu.vector_store_idx %arg6[%add3A_228], %add3A_230 : memref<65536xf32, #tpu.memory_space<vmem>>[vector<16xi32>], vector<16xf32>,
    %add3A_231 = arith.constant 648 : i32
    %add3A_232 = vector.broadcast %add3A_231 : i32 to vector<16xi32>
    %add3A_233 = arith.addi %mul3A_7, %add3A_232 : vector<16xi32>
    %gather3A_234 = tpu.vector_load_idx %arg5[%add3A_233] : memref<2560xi32, #tpu.memory_space<vmem>>[vector<16xi32>], vector<16xi32>,
    %add3A_235 = arith.constant 16 : i32
    %add3A_236 = vector.broadcast %add3A_235 : i32 to vector<16xi32>
    %add3A_237 = arith.addi %add3A_236, %iota3A : vector<16xi32>
    %mul3A_238 = arith.constant 2048 : i32
    %mul3A_239 = vector.broadcast %mul3A_238 : i32 to vector<16xi32>
    %mul3A_240 = arith.muli %add3A_237, %mul3A_239 : vector<16xi32>
    %add3A_241 = arith.addi %mul3A_240, %gather3A_234 : vector<16xi32>
    %gather3A_242 = tpu.vector_load_idx %arg6[%add3A_241] : memref<65536xf32, #tpu.memory_space<vmem>>[vector<16xi32>], vector<16xf32>,
    %add3A_243 = arith.addf %gather3A_242, %broadcast_in_dim3A_8 : vector<16xf32>
    tpu.vector_store_idx %arg6[%add3A_241], %add3A_243 : memref<65536xf32, #tpu.memory_space<vmem>>[vector<16xi32>], vector<16xf32>,
    %add3A_244 = arith.constant 9 : i32
    %add3A_245 = vector.broadcast %add3A_244 : i32 to vector<16xi32>
    %add3A_246 = arith.addi %mul3A_7, %add3A_245 : vector<16xi32>
    %gather3A_247 = tpu.vector_load_idx %arg5[%add3A_246] : memref<2560xi32, #tpu.memory_space<vmem>>[vector<16xi32>], vector<16xi32>,
    %add3A_248 = arith.constant 0 : i32
    %add3A_249 = vector.broadcast %add3A_248 : i32 to vector<16xi32>
    %add3A_250 = arith.addi %add3A_249, %iota3A : vector<16xi32>
    %mul3A_251 = arith.constant 2048 : i32
    %mul3A_252 = vector.broadcast %mul3A_251 : i32 to vector<16xi32>
    %mul3A_253 = arith.muli %add3A_250, %mul3A_252 : vector<16xi32>
    %add3A_254 = arith.addi %mul3A_253, %gather3A_247 : vector<16xi32>
    %gather3A_255 = tpu.vector_load_idx %arg6[%add3A_254] : memref<65536xf32, #tpu.memory_space<vmem>>[vector<16xi32>], vector<16xf32>,
    %add3A_256 = arith.addf %gather3A_255, %broadcast_in_dim3A_8 : vector<16xf32>
    tpu.vector_store_idx %arg6[%add3A_254], %add3A_256 : memref<65536xf32, #tpu.memory_space<vmem>>[vector<16xi32>], vector<16xf32>,
    %add3A_257 = arith.constant 649 : i32
    %add3A_258 = vector.broadcast %add3A_257 : i32 to vector<16xi32>
    %add3A_259 = arith.addi %mul3A_7, %add3A_258 : vector<16xi32>
    %gather3A_260 = tpu.vector_load_idx %arg5[%add3A_259] : memref<2560xi32, #tpu.memory_space<vmem>>[vector<16xi32>], vector<16xi32>,
    %add3A_261 = arith.constant 16 : i32
    %add3A_262 = vector.broadcast %add3A_261 : i32 to vector<16xi32>
    %add3A_263 = arith.addi %add3A_262, %iota3A : vector<16xi32>
    %mul3A_264 = arith.constant 2048 : i32
    %mul3A_265 = vector.broadcast %mul3A_264 : i32 to vector<16xi32>
    %mul3A_266 = arith.muli %add3A_263, %mul3A_265 : vector<16xi32>
    %add3A_267 = arith.addi %mul3A_266, %gather3A_260 : vector<16xi32>
    %gather3A_268 = tpu.vector_load_idx %arg6[%add3A_267] : memref<65536xf32, #tpu.memory_space<vmem>>[vector<16xi32>], vector<16xf32>,
    %add3A_269 = arith.addf %gather3A_268, %broadcast_in_dim3A_8 : vector<16xf32>
    tpu.vector_store_idx %arg6[%add3A_267], %add3A_269 : memref<65536xf32, #tpu.memory_space<vmem>>[vector<16xi32>], vector<16xf32>,
    %add3A_270 = arith.constant 10 : i32
    %add3A_271 = vector.broadcast %add3A_270 : i32 to vector<16xi32>
    %add3A_272 = arith.addi %mul3A_7, %add3A_271 : vector<16xi32>
    %gather3A_273 = tpu.vector_load_idx %arg5[%add3A_272] : memref<2560xi32, #tpu.memory_space<vmem>>[vector<16xi32>], vector<16xi32>,
    %add3A_274 = arith.constant 0 : i32
    %add3A_275 = vector.broadcast %add3A_274 : i32 to vector<16xi32>
    %add3A_276 = arith.addi %add3A_275, %iota3A : vector<16xi32>
    %mul3A_277 = arith.constant 2048 : i32
    %mul3A_278 = vector.broadcast %mul3A_277 : i32 to vector<16xi32>
    %mul3A_279 = arith.muli %add3A_276, %mul3A_278 : vector<16xi32>
    %add3A_280 = arith.addi %mul3A_279, %gather3A_273 : vector<16xi32>
    %gather3A_281 = tpu.vector_load_idx %arg6[%add3A_280] : memref<65536xf32, #tpu.memory_space<vmem>>[vector<16xi32>], vector<16xf32>,
    %add3A_282 = arith.addf %gather3A_281, %broadcast_in_dim3A_8 : vector<16xf32>
    tpu.vector_store_idx %arg6[%add3A_280], %add3A_282 : memref<65536xf32, #tpu.memory_space<vmem>>[vector<16xi32>], vector<16xf32>,
    %add3A_283 = arith.constant 650 : i32
    %add3A_284 = vector.broadcast %add3A_283 : i32 to vector<16xi32>
    %add3A_285 = arith.addi %mul3A_7, %add3A_284 : vector<16xi32>
    %gather3A_286 = tpu.vector_load_idx %arg5[%add3A_285] : memref<2560xi32, #tpu.memory_space<vmem>>[vector<16xi32>], vector<16xi32>,
    %add3A_287 = arith.constant 16 : i32
    %add3A_288 = vector.broadcast %add3A_287 : i32 to vector<16xi32>
    %add3A_289 = arith.addi %add3A_288, %iota3A : vector<16xi32>
    %mul3A_290 = arith.constant 2048 : i32
    %mul3A_291 = vector.broadcast %mul3A_290 : i32 to vector<16xi32>
    %mul3A_292 = arith.muli %add3A_289, %mul3A_291 : vector<16xi32>
    %add3A_293 = arith.addi %mul3A_292, %gather3A_286 : vector<16xi32>
    %gather3A_294 = tpu.vector_load_idx %arg6[%add3A_293] : memref<65536xf32, #tpu.memory_space<vmem>>[vector<16xi32>], vector<16xf32>,
    %add3A_295 = arith.addf %gather3A_294, %broadcast_in_dim3A_8 : vector<16xf32>
    tpu.vector_store_idx %arg6[%add3A_293], %add3A_295 : memref<65536xf32, #tpu.memory_space<vmem>>[vector<16xi32>], vector<16xf32>,
    %add3A_296 = arith.constant 11 : i32
    %add3A_297 = vector.broadcast %add3A_296 : i32 to vector<16xi32>
    %add3A_298 = arith.addi %mul3A_7, %add3A_297 : vector<16xi32>
    %gather3A_299 = tpu.vector_load_idx %arg5[%add3A_298] : memref<2560xi32, #tpu.memory_space<vmem>>[vector<16xi32>], vector<16xi32>,
    %add3A_300 = arith.constant 0 : i32
    %add3A_301 = vector.broadcast %add3A_300 : i32 to vector<16xi32>
    %add3A_302 = arith.addi %add3A_301, %iota3A : vector<16xi32>
    %mul3A_303 = arith.constant 2048 : i32
    %mul3A_304 = vector.broadcast %mul3A_303 : i32 to vector<16xi32>
    %mul3A_305 = arith.muli %add3A_302, %mul3A_304 : vector<16xi32>
    %add3A_306 = arith.addi %mul3A_305, %gather3A_299 : vector<16xi32>
    %gather3A_307 = tpu.vector_load_idx %arg6[%add3A_306] : memref<65536xf32, #tpu.memory_space<vmem>>[vector<16xi32>], vector<16xf32>,
    %add3A_308 = arith.addf %gather3A_307, %broadcast_in_dim3A_8 : vector<16xf32>
    tpu.vector_store_idx %arg6[%add3A_306], %add3A_308 : memref<65536xf32, #tpu.memory_space<vmem>>[vector<16xi32>], vector<16xf32>,
    %add3A_309 = arith.constant 651 : i32
    %add3A_310 = vector.broadcast %add3A_309 : i32 to vector<16xi32>
    %add3A_311 = arith.addi %mul3A_7, %add3A_310 : vector<16xi32>
    %gather3A_312 = tpu.vector_load_idx %arg5[%add3A_311] : memref<2560xi32, #tpu.memory_space<vmem>>[vector<16xi32>], vector<16xi32>,
    %add3A_313 = arith.constant 16 : i32
    %add3A_314 = vector.broadcast %add3A_313 : i32 to vector<16xi32>
    %add3A_315 = arith.addi %add3A_314, %iota3A : vector<16xi32>
    %mul3A_316 = arith.constant 2048 : i32
    %mul3A_317 = vector.broadcast %mul3A_316 : i32 to vector<16xi32>
    %mul3A_318 = arith.muli %add3A_315, %mul3A_317 : vector<16xi32>
    %add3A_319 = arith.addi %mul3A_318, %gather3A_312 : vector<16xi32>
    %gather3A_320 = tpu.vector_load_idx %arg6[%add3A_319] : memref<65536xf32, #tpu.memory_space<vmem>>[vector<16xi32>], vector<16xf32>,
    %add3A_321 = arith.addf %gather3A_320, %broadcast_in_dim3A_8 : vector<16xf32>
    tpu.vector_store_idx %arg6[%add3A_319], %add3A_321 : memref<65536xf32, #tpu.memory_space<vmem>>[vector<16xi32>], vector<16xf32>,
    %add3A_322 = arith.constant 12 : i32
    %add3A_323 = vector.broadcast %add3A_322 : i32 to vector<16xi32>
    %add3A_324 = arith.addi %mul3A_7, %add3A_323 : vector<16xi32>
    %gather3A_325 = tpu.vector_load_idx %arg5[%add3A_324] : memref<2560xi32, #tpu.memory_space<vmem>>[vector<16xi32>], vector<16xi32>,
    %add3A_326 = arith.constant 0 : i32
    %add3A_327 = vector.broadcast %add3A_326 : i32 to vector<16xi32>
    %add3A_328 = arith.addi %add3A_327, %iota3A : vector<16xi32>
    %mul3A_329 = arith.constant 2048 : i32
    %mul3A_330 = vector.broadcast %mul3A_329 : i32 to vector<16xi32>
    %mul3A_331 = arith.muli %add3A_328, %mul3A_330 : vector<16xi32>
    %add3A_332 = arith.addi %mul3A_331, %gather3A_325 : vector<16xi32>
    %gather3A_333 = tpu.vector_load_idx %arg6[%add3A_332] : memref<65536xf32, #tpu.memory_space<vmem>>[vector<16xi32>], vector<16xf32>,
    %add3A_334 = arith.addf %gather3A_333, %broadcast_in_dim3A_8 : vector<16xf32>
    tpu.vector_store_idx %arg6[%add3A_332], %add3A_334 : memref<65536xf32, #tpu.memory_space<vmem>>[vector<16xi32>], vector<16xf32>,
    %add3A_335 = arith.constant 652 : i32
    %add3A_336 = vector.broadcast %add3A_335 : i32 to vector<16xi32>
    %add3A_337 = arith.addi %mul3A_7, %add3A_336 : vector<16xi32>
    %gather3A_338 = tpu.vector_load_idx %arg5[%add3A_337] : memref<2560xi32, #tpu.memory_space<vmem>>[vector<16xi32>], vector<16xi32>,
    %add3A_339 = arith.constant 16 : i32
    %add3A_340 = vector.broadcast %add3A_339 : i32 to vector<16xi32>
    %add3A_341 = arith.addi %add3A_340, %iota3A : vector<16xi32>
    %mul3A_342 = arith.constant 2048 : i32
    %mul3A_343 = vector.broadcast %mul3A_342 : i32 to vector<16xi32>
    %mul3A_344 = arith.muli %add3A_341, %mul3A_343 : vector<16xi32>
    %add3A_345 = arith.addi %mul3A_344, %gather3A_338 : vector<16xi32>
    %gather3A_346 = tpu.vector_load_idx %arg6[%add3A_345] : memref<65536xf32, #tpu.memory_space<vmem>>[vector<16xi32>], vector<16xf32>,
    %add3A_347 = arith.addf %gather3A_346, %broadcast_in_dim3A_8 : vector<16xf32>
    tpu.vector_store_idx %arg6[%add3A_345], %add3A_347 : memref<65536xf32, #tpu.memory_space<vmem>>[vector<16xi32>], vector<16xf32>,
    %add3A_348 = arith.constant 13 : i32
    %add3A_349 = vector.broadcast %add3A_348 : i32 to vector<16xi32>
    %add3A_350 = arith.addi %mul3A_7, %add3A_349 : vector<16xi32>
    %gather3A_351 = tpu.vector_load_idx %arg5[%add3A_350] : memref<2560xi32, #tpu.memory_space<vmem>>[vector<16xi32>], vector<16xi32>,
    %add3A_352 = arith.constant 0 : i32
    %add3A_353 = vector.broadcast %add3A_352 : i32 to vector<16xi32>
    %add3A_354 = arith.addi %add3A_353, %iota3A : vector<16xi32>
    %mul3A_355 = arith.constant 2048 : i32
    %mul3A_356 = vector.broadcast %mul3A_355 : i32 to vector<16xi32>
    %mul3A_357 = arith.muli %add3A_354, %mul3A_356 : vector<16xi32>
    %add3A_358 = arith.addi %mul3A_357, %gather3A_351 : vector<16xi32>
    %gather3A_359 = tpu.vector_load_idx %arg6[%add3A_358] : memref<65536xf32, #tpu.memory_space<vmem>>[vector<16xi32>], vector<16xf32>,
    %add3A_360 = arith.addf %gather3A_359, %broadcast_in_dim3A_8 : vector<16xf32>
    tpu.vector_store_idx %arg6[%add3A_358], %add3A_360 : memref<65536xf32, #tpu.memory_space<vmem>>[vector<16xi32>], vector<16xf32>,
    %add3A_361 = arith.constant 653 : i32
    %add3A_362 = vector.broadcast %add3A_361 : i32 to vector<16xi32>
    %add3A_363 = arith.addi %mul3A_7, %add3A_362 : vector<16xi32>
    %gather3A_364 = tpu.vector_load_idx %arg5[%add3A_363] : memref<2560xi32, #tpu.memory_space<vmem>>[vector<16xi32>], vector<16xi32>,
    %add3A_365 = arith.constant 16 : i32
    %add3A_366 = vector.broadcast %add3A_365 : i32 to vector<16xi32>
    %add3A_367 = arith.addi %add3A_366, %iota3A : vector<16xi32>
    %mul3A_368 = arith.constant 2048 : i32
    %mul3A_369 = vector.broadcast %mul3A_368 : i32 to vector<16xi32>
    %mul3A_370 = arith.muli %add3A_367, %mul3A_369 : vector<16xi32>
    %add3A_371 = arith.addi %mul3A_370, %gather3A_364 : vector<16xi32>
    %gather3A_372 = tpu.vector_load_idx %arg6[%add3A_371] : memref<65536xf32, #tpu.memory_space<vmem>>[vector<16xi32>], vector<16xf32>,
    %add3A_373 = arith.addf %gather3A_372, %broadcast_in_dim3A_8 : vector<16xf32>
    tpu.vector_store_idx %arg6[%add3A_371], %add3A_373 : memref<65536xf32, #tpu.memory_space<vmem>>[vector<16xi32>], vector<16xf32>,
    %add3A_374 = arith.constant 14 : i32
    %add3A_375 = vector.broadcast %add3A_374 : i32 to vector<16xi32>
    %add3A_376 = arith.addi %mul3A_7, %add3A_375 : vector<16xi32>
    %gather3A_377 = tpu.vector_load_idx %arg5[%add3A_376] : memref<2560xi32, #tpu.memory_space<vmem>>[vector<16xi32>], vector<16xi32>,
    %add3A_378 = arith.constant 0 : i32
    %add3A_379 = vector.broadcast %add3A_378 : i32 to vector<16xi32>
    %add3A_380 = arith.addi %add3A_379, %iota3A : vector<16xi32>
    %mul3A_381 = arith.constant 2048 : i32
    %mul3A_382 = vector.broadcast %mul3A_381 : i32 to vector<16xi32>
    %mul3A_383 = arith.muli %add3A_380, %mul3A_382 : vector<16xi32>
    %add3A_384 = arith.addi %mul3A_383, %gather3A_377 : vector<16xi32>
    %gather3A_385 = tpu.vector_load_idx %arg6[%add3A_384] : memref<65536xf32, #tpu.memory_space<vmem>>[vector<16xi32>], vector<16xf32>,
    %add3A_386 = arith.addf %gather3A_385, %broadcast_in_dim3A_8 : vector<16xf32>
    tpu.vector_store_idx %arg6[%add3A_384], %add3A_386 : memref<65536xf32, #tpu.memory_space<vmem>>[vector<16xi32>], vector<16xf32>,
    %add3A_387 = arith.constant 654 : i32
    %add3A_388 = vector.broadcast %add3A_387 : i32 to vector<16xi32>
    %add3A_389 = arith.addi %mul3A_7, %add3A_388 : vector<16xi32>
    %gather3A_390 = tpu.vector_load_idx %arg5[%add3A_389] : memref<2560xi32, #tpu.memory_space<vmem>>[vector<16xi32>], vector<16xi32>,
    %add3A_391 = arith.constant 16 : i32
    %add3A_392 = vector.broadcast %add3A_391 : i32 to vector<16xi32>
    %add3A_393 = arith.addi %add3A_392, %iota3A : vector<16xi32>
    %mul3A_394 = arith.constant 2048 : i32
    %mul3A_395 = vector.broadcast %mul3A_394 : i32 to vector<16xi32>
    %mul3A_396 = arith.muli %add3A_393, %mul3A_395 : vector<16xi32>
    %add3A_397 = arith.addi %mul3A_396, %gather3A_390 : vector<16xi32>
    %gather3A_398 = tpu.vector_load_idx %arg6[%add3A_397] : memref<65536xf32, #tpu.memory_space<vmem>>[vector<16xi32>], vector<16xf32>,
    %add3A_399 = arith.addf %gather3A_398, %broadcast_in_dim3A_8 : vector<16xf32>
    tpu.vector_store_idx %arg6[%add3A_397], %add3A_399 : memref<65536xf32, #tpu.memory_space<vmem>>[vector<16xi32>], vector<16xf32>,
    %add3A_400 = arith.constant 15 : i32
    %add3A_401 = vector.broadcast %add3A_400 : i32 to vector<16xi32>
    %add3A_402 = arith.addi %mul3A_7, %add3A_401 : vector<16xi32>
    %gather3A_403 = tpu.vector_load_idx %arg5[%add3A_402] : memref<2560xi32, #tpu.memory_space<vmem>>[vector<16xi32>], vector<16xi32>,
    %add3A_404 = arith.constant 0 : i32
    %add3A_405 = vector.broadcast %add3A_404 : i32 to vector<16xi32>
    %add3A_406 = arith.addi %add3A_405, %iota3A : vector<16xi32>
    %mul3A_407 = arith.constant 2048 : i32
    %mul3A_408 = vector.broadcast %mul3A_407 : i32 to vector<16xi32>
    %mul3A_409 = arith.muli %add3A_406, %mul3A_408 : vector<16xi32>
    %add3A_410 = arith.addi %mul3A_409, %gather3A_403 : vector<16xi32>
    %gather3A_411 = tpu.vector_load_idx %arg6[%add3A_410] : memref<65536xf32, #tpu.memory_space<vmem>>[vector<16xi32>], vector<16xf32>,
    %add3A_412 = arith.addf %gather3A_411, %broadcast_in_dim3A_8 : vector<16xf32>
    tpu.vector_store_idx %arg6[%add3A_410], %add3A_412 : memref<65536xf32, #tpu.memory_space<vmem>>[vector<16xi32>], vector<16xf32>,
    %add3A_413 = arith.constant 655 : i32
    %add3A_414 = vector.broadcast %add3A_413 : i32 to vector<16xi32>
    %add3A_415 = arith.addi %mul3A_7, %add3A_414 : vector<16xi32>
    %gather3A_416 = tpu.vector_load_idx %arg5[%add3A_415] : memref<2560xi32, #tpu.memory_space<vmem>>[vector<16xi32>], vector<16xi32>,
    %add3A_417 = arith.constant 16 : i32
    %add3A_418 = vector.broadcast %add3A_417 : i32 to vector<16xi32>
    %add3A_419 = arith.addi %add3A_418, %iota3A : vector<16xi32>
    %mul3A_420 = arith.constant 2048 : i32
    %mul3A_421 = vector.broadcast %mul3A_420 : i32 to vector<16xi32>
    %mul3A_422 = arith.muli %add3A_419, %mul3A_421 : vector<16xi32>
    %add3A_423 = arith.addi %mul3A_422, %gather3A_416 : vector<16xi32>
    %gather3A_424 = tpu.vector_load_idx %arg6[%add3A_423] : memref<65536xf32, #tpu.memory_space<vmem>>[vector<16xi32>], vector<16xf32>,
    %add3A_425 = arith.addf %gather3A_424, %broadcast_in_dim3A_8 : vector<16xf32>
    tpu.vector_store_idx %arg6[%add3A_423], %add3A_425 : memref<65536xf32, #tpu.memory_space<vmem>>[vector<16xi32>], vector<16xf32>,
    %add3A_426 = arith.constant 16 : i32
    %add3A_427 = vector.broadcast %add3A_426 : i32 to vector<16xi32>
    %add3A_428 = arith.addi %mul3A_7, %add3A_427 : vector<16xi32>
    %gather3A_429 = tpu.vector_load_idx %arg5[%add3A_428] : memref<2560xi32, #tpu.memory_space<vmem>>[vector<16xi32>], vector<16xi32>,
    %add3A_430 = arith.constant 0 : i32
    %add3A_431 = vector.broadcast %add3A_430 : i32 to vector<16xi32>
    %add3A_432 = arith.addi %add3A_431, %iota3A : vector<16xi32>
    %mul3A_433 = arith.constant 2048 : i32
    %mul3A_434 = vector.broadcast %mul3A_433 : i32 to vector<16xi32>
    %mul3A_435 = arith.muli %add3A_432, %mul3A_434 : vector<16xi32>
    %add3A_436 = arith.addi %mul3A_435, %gather3A_429 : vector<16xi32>
    %gather3A_437 = tpu.vector_load_idx %arg6[%add3A_436] : memref<65536xf32, #tpu.memory_space<vmem>>[vector<16xi32>], vector<16xf32>,
    %add3A_438 = arith.addf %gather3A_437, %broadcast_in_dim3A_8 : vector<16xf32>
    tpu.vector_store_idx %arg6[%add3A_436], %add3A_438 : memref<65536xf32, #tpu.memory_space<vmem>>[vector<16xi32>], vector<16xf32>,
    %add3A_439 = arith.constant 656 : i32
    %add3A_440 = vector.broadcast %add3A_439 : i32 to vector<16xi32>
    %add3A_441 = arith.addi %mul3A_7, %add3A_440 : vector<16xi32>
    %gather3A_442 = tpu.vector_load_idx %arg5[%add3A_441] : memref<2560xi32, #tpu.memory_space<vmem>>[vector<16xi32>], vector<16xi32>,
    %add3A_443 = arith.constant 16 : i32
    %add3A_444 = vector.broadcast %add3A_443 : i32 to vector<16xi32>
    %add3A_445 = arith.addi %add3A_444, %iota3A : vector<16xi32>
    %mul3A_446 = arith.constant 2048 : i32
    %mul3A_447 = vector.broadcast %mul3A_446 : i32 to vector<16xi32>
    %mul3A_448 = arith.muli %add3A_445, %mul3A_447 : vector<16xi32>
    %add3A_449 = arith.addi %mul3A_448, %gather3A_442 : vector<16xi32>
    %gather3A_450 = tpu.vector_load_idx %arg6[%add3A_449] : memref<65536xf32, #tpu.memory_space<vmem>>[vector<16xi32>], vector<16xf32>,
    %add3A_451 = arith.addf %gather3A_450, %broadcast_in_dim3A_8 : vector<16xf32>
    tpu.vector_store_idx %arg6[%add3A_449], %add3A_451 : memref<65536xf32, #tpu.memory_space<vmem>>[vector<16xi32>], vector<16xf32>,
    %add3A_452 = arith.constant 17 : i32
    %add3A_453 = vector.broadcast %add3A_452 : i32 to vector<16xi32>
    %add3A_454 = arith.addi %mul3A_7, %add3A_453 : vector<16xi32>
    %gather3A_455 = tpu.vector_load_idx %arg5[%add3A_454] : memref<2560xi32, #tpu.memory_space<vmem>>[vector<16xi32>], vector<16xi32>,
    %add3A_456 = arith.constant 0 : i32
    %add3A_457 = vector.broadcast %add3A_456 : i32 to vector<16xi32>
    %add3A_458 = arith.addi %add3A_457, %iota3A : vector<16xi32>
    %mul3A_459 = arith.constant 2048 : i32
    %mul3A_460 = vector.broadcast %mul3A_459 : i32 to vector<16xi32>
    %mul3A_461 = arith.muli %add3A_458, %mul3A_460 : vector<16xi32>
    %add3A_462 = arith.addi %mul3A_461, %gather3A_455 : vector<16xi32>
    %gather3A_463 = tpu.vector_load_idx %arg6[%add3A_462] : memref<65536xf32, #tpu.memory_space<vmem>>[vector<16xi32>], vector<16xf32>,
    %add3A_464 = arith.addf %gather3A_463, %broadcast_in_dim3A_8 : vector<16xf32>
    tpu.vector_store_idx %arg6[%add3A_462], %add3A_464 : memref<65536xf32, #tpu.memory_space<vmem>>[vector<16xi32>], vector<16xf32>,
    %add3A_465 = arith.constant 657 : i32
    %add3A_466 = vector.broadcast %add3A_465 : i32 to vector<16xi32>
    %add3A_467 = arith.addi %mul3A_7, %add3A_466 : vector<16xi32>
    %gather3A_468 = tpu.vector_load_idx %arg5[%add3A_467] : memref<2560xi32, #tpu.memory_space<vmem>>[vector<16xi32>], vector<16xi32>,
    %add3A_469 = arith.constant 16 : i32
    %add3A_470 = vector.broadcast %add3A_469 : i32 to vector<16xi32>
    %add3A_471 = arith.addi %add3A_470, %iota3A : vector<16xi32>
    %mul3A_472 = arith.constant 2048 : i32
    %mul3A_473 = vector.broadcast %mul3A_472 : i32 to vector<16xi32>
    %mul3A_474 = arith.muli %add3A_471, %mul3A_473 : vector<16xi32>
    %add3A_475 = arith.addi %mul3A_474, %gather3A_468 : vector<16xi32>
    %gather3A_476 = tpu.vector_load_idx %arg6[%add3A_475] : memref<65536xf32, #tpu.memory_space<vmem>>[vector<16xi32>], vector<16xf32>,
    %add3A_477 = arith.addf %gather3A_476, %broadcast_in_dim3A_8 : vector<16xf32>
    tpu.vector_store_idx %arg6[%add3A_475], %add3A_477 : memref<65536xf32, #tpu.memory_space<vmem>>[vector<16xi32>], vector<16xf32>,
    %add3A_478 = arith.constant 18 : i32
    %add3A_479 = vector.broadcast %add3A_478 : i32 to vector<16xi32>
    %add3A_480 = arith.addi %mul3A_7, %add3A_479 : vector<16xi32>
    %gather3A_481 = tpu.vector_load_idx %arg5[%add3A_480] : memref<2560xi32, #tpu.memory_space<vmem>>[vector<16xi32>], vector<16xi32>,
    %add3A_482 = arith.constant 0 : i32
    %add3A_483 = vector.broadcast %add3A_482 : i32 to vector<16xi32>
    %add3A_484 = arith.addi %add3A_483, %iota3A : vector<16xi32>
    %mul3A_485 = arith.constant 2048 : i32
    %mul3A_486 = vector.broadcast %mul3A_485 : i32 to vector<16xi32>
    %mul3A_487 = arith.muli %add3A_484, %mul3A_486 : vector<16xi32>
    %add3A_488 = arith.addi %mul3A_487, %gather3A_481 : vector<16xi32>
    %gather3A_489 = tpu.vector_load_idx %arg6[%add3A_488] : memref<65536xf32, #tpu.memory_space<vmem>>[vector<16xi32>], vector<16xf32>,
    %add3A_490 = arith.addf %gather3A_489, %broadcast_in_dim3A_8 : vector<16xf32>
    tpu.vector_store_idx %arg6[%add3A_488], %add3A_490 : memref<65536xf32, #tpu.memory_space<vmem>>[vector<16xi32>], vector<16xf32>,
    %add3A_491 = arith.constant 658 : i32
    %add3A_492 = vector.broadcast %add3A_491 : i32 to vector<16xi32>
    %add3A_493 = arith.addi %mul3A_7, %add3A_492 : vector<16xi32>
    %gather3A_494 = tpu.vector_load_idx %arg5[%add3A_493] : memref<2560xi32, #tpu.memory_space<vmem>>[vector<16xi32>], vector<16xi32>,
    %add3A_495 = arith.constant 16 : i32
    %add3A_496 = vector.broadcast %add3A_495 : i32 to vector<16xi32>
    %add3A_497 = arith.addi %add3A_496, %iota3A : vector<16xi32>
    %mul3A_498 = arith.constant 2048 : i32
    %mul3A_499 = vector.broadcast %mul3A_498 : i32 to vector<16xi32>
    %mul3A_500 = arith.muli %add3A_497, %mul3A_499 : vector<16xi32>
    %add3A_501 = arith.addi %mul3A_500, %gather3A_494 : vector<16xi32>
    %gather3A_502 = tpu.vector_load_idx %arg6[%add3A_501] : memref<65536xf32, #tpu.memory_space<vmem>>[vector<16xi32>], vector<16xf32>,
    %add3A_503 = arith.addf %gather3A_502, %broadcast_in_dim3A_8 : vector<16xf32>
    tpu.vector_store_idx %arg6[%add3A_501], %add3A_503 : memref<65536xf32, #tpu.memory_space<vmem>>[vector<16xi32>], vector<16xf32>,
    %add3A_504 = arith.constant 19 : i32
    %add3A_505 = vector.broadcast %add3A_504 : i32 to vector<16xi32>
    %add3A_506 = arith.addi %mul3A_7, %add3A_505 : vector<16xi32>
    %gather3A_507 = tpu.vector_load_idx %arg5[%add3A_506] : memref<2560xi32, #tpu.memory_space<vmem>>[vector<16xi32>], vector<16xi32>,
    %add3A_508 = arith.constant 0 : i32
    %add3A_509 = vector.broadcast %add3A_508 : i32 to vector<16xi32>
    %add3A_510 = arith.addi %add3A_509, %iota3A : vector<16xi32>
    %mul3A_511 = arith.constant 2048 : i32
    %mul3A_512 = vector.broadcast %mul3A_511 : i32 to vector<16xi32>
    %mul3A_513 = arith.muli %add3A_510, %mul3A_512 : vector<16xi32>
    %add3A_514 = arith.addi %mul3A_513, %gather3A_507 : vector<16xi32>
    %gather3A_515 = tpu.vector_load_idx %arg6[%add3A_514] : memref<65536xf32, #tpu.memory_space<vmem>>[vector<16xi32>], vector<16xf32>,
    %add3A_516 = arith.addf %gather3A_515, %broadcast_in_dim3A_8 : vector<16xf32>
    tpu.vector_store_idx %arg6[%add3A_514], %add3A_516 : memref<65536xf32, #tpu.memory_space<vmem>>[vector<16xi32>], vector<16xf32>,
    %add3A_517 = arith.constant 659 : i32
    %add3A_518 = vector.broadcast %add3A_517 : i32 to vector<16xi32>
    %add3A_519 = arith.addi %mul3A_7, %add3A_518 : vector<16xi32>
    %gather3A_520 = tpu.vector_load_idx %arg5[%add3A_519] : memref<2560xi32, #tpu.memory_space<vmem>>[vector<16xi32>], vector<16xi32>,
    %add3A_521 = arith.constant 16 : i32
    %add3A_522 = vector.broadcast %add3A_521 : i32 to vector<16xi32>
    %add3A_523 = arith.addi %add3A_522, %iota3A : vector<16xi32>
    %mul3A_524 = arith.constant 2048 : i32
    %mul3A_525 = vector.broadcast %mul3A_524 : i32 to vector<16xi32>
    %mul3A_526 = arith.muli %add3A_523, %mul3A_525 : vector<16xi32>
    %add3A_527 = arith.addi %mul3A_526, %gather3A_520 : vector<16xi32>
    %gather3A_528 = tpu.vector_load_idx %arg6[%add3A_527] : memref<65536xf32, #tpu.memory_space<vmem>>[vector<16xi32>], vector<16xf32>,
    %add3A_529 = arith.addf %gather3A_528, %broadcast_in_dim3A_8 : vector<16xf32>
    tpu.vector_store_idx %arg6[%add3A_527], %add3A_529 : memref<65536xf32, #tpu.memory_space<vmem>>[vector<16xi32>], vector<16xf32>,
    %add3A_530 = arith.constant 20 : i32
    %add3A_531 = vector.broadcast %add3A_530 : i32 to vector<16xi32>
    %add3A_532 = arith.addi %mul3A_7, %add3A_531 : vector<16xi32>
    %gather3A_533 = tpu.vector_load_idx %arg5[%add3A_532] : memref<2560xi32, #tpu.memory_space<vmem>>[vector<16xi32>], vector<16xi32>,
    %add3A_534 = arith.constant 0 : i32
    %add3A_535 = vector.broadcast %add3A_534 : i32 to vector<16xi32>
    %add3A_536 = arith.addi %add3A_535, %iota3A : vector<16xi32>
    %mul3A_537 = arith.constant 2048 : i32
    %mul3A_538 = vector.broadcast %mul3A_537 : i32 to vector<16xi32>
    %mul3A_539 = arith.muli %add3A_536, %mul3A_538 : vector<16xi32>
    %add3A_540 = arith.addi %mul3A_539, %gather3A_533 : vector<16xi32>
    %gather3A_541 = tpu.vector_load_idx %arg6[%add3A_540] : memref<65536xf32, #tpu.memory_space<vmem>>[vector<16xi32>], vector<16xf32>,
    %add3A_542 = arith.addf %gather3A_541, %broadcast_in_dim3A_8 : vector<16xf32>
    tpu.vector_store_idx %arg6[%add3A_540], %add3A_542 : memref<65536xf32, #tpu.memory_space<vmem>>[vector<16xi32>], vector<16xf32>,
    %add3A_543 = arith.constant 660 : i32
    %add3A_544 = vector.broadcast %add3A_543 : i32 to vector<16xi32>
    %add3A_545 = arith.addi %mul3A_7, %add3A_544 : vector<16xi32>
    %gather3A_546 = tpu.vector_load_idx %arg5[%add3A_545] : memref<2560xi32, #tpu.memory_space<vmem>>[vector<16xi32>], vector<16xi32>,
    %add3A_547 = arith.constant 16 : i32
    %add3A_548 = vector.broadcast %add3A_547 : i32 to vector<16xi32>
    %add3A_549 = arith.addi %add3A_548, %iota3A : vector<16xi32>
    %mul3A_550 = arith.constant 2048 : i32
    %mul3A_551 = vector.broadcast %mul3A_550 : i32 to vector<16xi32>
    %mul3A_552 = arith.muli %add3A_549, %mul3A_551 : vector<16xi32>
    %add3A_553 = arith.addi %mul3A_552, %gather3A_546 : vector<16xi32>
    %gather3A_554 = tpu.vector_load_idx %arg6[%add3A_553] : memref<65536xf32, #tpu.memory_space<vmem>>[vector<16xi32>], vector<16xf32>,
    %add3A_555 = arith.addf %gather3A_554, %broadcast_in_dim3A_8 : vector<16xf32>
    tpu.vector_store_idx %arg6[%add3A_553], %add3A_555 : memref<65536xf32, #tpu.memory_space<vmem>>[vector<16xi32>], vector<16xf32>,
    %add3A_556 = arith.constant 21 : i32
    %add3A_557 = vector.broadcast %add3A_556 : i32 to vector<16xi32>
    %add3A_558 = arith.addi %mul3A_7, %add3A_557 : vector<16xi32>
    %gather3A_559 = tpu.vector_load_idx %arg5[%add3A_558] : memref<2560xi32, #tpu.memory_space<vmem>>[vector<16xi32>], vector<16xi32>,
    %add3A_560 = arith.constant 0 : i32
    %add3A_561 = vector.broadcast %add3A_560 : i32 to vector<16xi32>
    %add3A_562 = arith.addi %add3A_561, %iota3A : vector<16xi32>
    %mul3A_563 = arith.constant 2048 : i32
    %mul3A_564 = vector.broadcast %mul3A_563 : i32 to vector<16xi32>
    %mul3A_565 = arith.muli %add3A_562, %mul3A_564 : vector<16xi32>
    %add3A_566 = arith.addi %mul3A_565, %gather3A_559 : vector<16xi32>
    %gather3A_567 = tpu.vector_load_idx %arg6[%add3A_566] : memref<65536xf32, #tpu.memory_space<vmem>>[vector<16xi32>], vector<16xf32>,
    %add3A_568 = arith.addf %gather3A_567, %broadcast_in_dim3A_8 : vector<16xf32>
    tpu.vector_store_idx %arg6[%add3A_566], %add3A_568 : memref<65536xf32, #tpu.memory_space<vmem>>[vector<16xi32>], vector<16xf32>,
    %add3A_569 = arith.constant 661 : i32
    %add3A_570 = vector.broadcast %add3A_569 : i32 to vector<16xi32>
    %add3A_571 = arith.addi %mul3A_7, %add3A_570 : vector<16xi32>
    %gather3A_572 = tpu.vector_load_idx %arg5[%add3A_571] : memref<2560xi32, #tpu.memory_space<vmem>>[vector<16xi32>], vector<16xi32>,
    %add3A_573 = arith.constant 16 : i32
    %add3A_574 = vector.broadcast %add3A_573 : i32 to vector<16xi32>
    %add3A_575 = arith.addi %add3A_574, %iota3A : vector<16xi32>
    %mul3A_576 = arith.constant 2048 : i32
    %mul3A_577 = vector.broadcast %mul3A_576 : i32 to vector<16xi32>
    %mul3A_578 = arith.muli %add3A_575, %mul3A_577 : vector<16xi32>
    %add3A_579 = arith.addi %mul3A_578, %gather3A_572 : vector<16xi32>
    %gather3A_580 = tpu.vector_load_idx %arg6[%add3A_579] : memref<65536xf32, #tpu.memory_space<vmem>>[vector<16xi32>], vector<16xf32>,
    %add3A_581 = arith.addf %gather3A_580, %broadcast_in_dim3A_8 : vector<16xf32>
    tpu.vector_store_idx %arg6[%add3A_579], %add3A_581 : memref<65536xf32, #tpu.memory_space<vmem>>[vector<16xi32>], vector<16xf32>,
    %add3A_582 = arith.constant 22 : i32
    %add3A_583 = vector.broadcast %add3A_582 : i32 to vector<16xi32>
    %add3A_584 = arith.addi %mul3A_7, %add3A_583 : vector<16xi32>
    %gather3A_585 = tpu.vector_load_idx %arg5[%add3A_584] : memref<2560xi32, #tpu.memory_space<vmem>>[vector<16xi32>], vector<16xi32>,
    %add3A_586 = arith.constant 0 : i32
    %add3A_587 = vector.broadcast %add3A_586 : i32 to vector<16xi32>
    %add3A_588 = arith.addi %add3A_587, %iota3A : vector<16xi32>
    %mul3A_589 = arith.constant 2048 : i32
    %mul3A_590 = vector.broadcast %mul3A_589 : i32 to vector<16xi32>
    %mul3A_591 = arith.muli %add3A_588, %mul3A_590 : vector<16xi32>
    %add3A_592 = arith.addi %mul3A_591, %gather3A_585 : vector<16xi32>
    %gather3A_593 = tpu.vector_load_idx %arg6[%add3A_592] : memref<65536xf32, #tpu.memory_space<vmem>>[vector<16xi32>], vector<16xf32>,
    %add3A_594 = arith.addf %gather3A_593, %broadcast_in_dim3A_8 : vector<16xf32>
    tpu.vector_store_idx %arg6[%add3A_592], %add3A_594 : memref<65536xf32, #tpu.memory_space<vmem>>[vector<16xi32>], vector<16xf32>,
    %add3A_595 = arith.constant 662 : i32
    %add3A_596 = vector.broadcast %add3A_595 : i32 to vector<16xi32>
    %add3A_597 = arith.addi %mul3A_7, %add3A_596 : vector<16xi32>
    %gather3A_598 = tpu.vector_load_idx %arg5[%add3A_597] : memref<2560xi32, #tpu.memory_space<vmem>>[vector<16xi32>], vector<16xi32>,
    %add3A_599 = arith.constant 16 : i32
    %add3A_600 = vector.broadcast %add3A_599 : i32 to vector<16xi32>
    %add3A_601 = arith.addi %add3A_600, %iota3A : vector<16xi32>
    %mul3A_602 = arith.constant 2048 : i32
    %mul3A_603 = vector.broadcast %mul3A_602 : i32 to vector<16xi32>
    %mul3A_604 = arith.muli %add3A_601, %mul3A_603 : vector<16xi32>
    %add3A_605 = arith.addi %mul3A_604, %gather3A_598 : vector<16xi32>
    %gather3A_606 = tpu.vector_load_idx %arg6[%add3A_605] : memref<65536xf32, #tpu.memory_space<vmem>>[vector<16xi32>], vector<16xf32>,
    %add3A_607 = arith.addf %gather3A_606, %broadcast_in_dim3A_8 : vector<16xf32>
    tpu.vector_store_idx %arg6[%add3A_605], %add3A_607 : memref<65536xf32, #tpu.memory_space<vmem>>[vector<16xi32>], vector<16xf32>,
    %add3A_608 = arith.constant 23 : i32
    %add3A_609 = vector.broadcast %add3A_608 : i32 to vector<16xi32>
    %add3A_610 = arith.addi %mul3A_7, %add3A_609 : vector<16xi32>
    %gather3A_611 = tpu.vector_load_idx %arg5[%add3A_610] : memref<2560xi32, #tpu.memory_space<vmem>>[vector<16xi32>], vector<16xi32>,
    %add3A_612 = arith.constant 0 : i32
    %add3A_613 = vector.broadcast %add3A_612 : i32 to vector<16xi32>
    %add3A_614 = arith.addi %add3A_613, %iota3A : vector<16xi32>
    %mul3A_615 = arith.constant 2048 : i32
    %mul3A_616 = vector.broadcast %mul3A_615 : i32 to vector<16xi32>
    %mul3A_617 = arith.muli %add3A_614, %mul3A_616 : vector<16xi32>
    %add3A_618 = arith.addi %mul3A_617, %gather3A_611 : vector<16xi32>
    %gather3A_619 = tpu.vector_load_idx %arg6[%add3A_618] : memref<65536xf32, #tpu.memory_space<vmem>>[vector<16xi32>], vector<16xf32>,
    %add3A_620 = arith.addf %gather3A_619, %broadcast_in_dim3A_8 : vector<16xf32>
    tpu.vector_store_idx %arg6[%add3A_618], %add3A_620 : memref<65536xf32, #tpu.memory_space<vmem>>[vector<16xi32>], vector<16xf32>,
    %add3A_621 = arith.constant 663 : i32
    %add3A_622 = vector.broadcast %add3A_621 : i32 to vector<16xi32>
    %add3A_623 = arith.addi %mul3A_7, %add3A_622 : vector<16xi32>
    %gather3A_624 = tpu.vector_load_idx %arg5[%add3A_623] : memref<2560xi32, #tpu.memory_space<vmem>>[vector<16xi32>], vector<16xi32>,
    %add3A_625 = arith.constant 16 : i32
    %add3A_626 = vector.broadcast %add3A_625 : i32 to vector<16xi32>
    %add3A_627 = arith.addi %add3A_626, %iota3A : vector<16xi32>
    %mul3A_628 = arith.constant 2048 : i32
    %mul3A_629 = vector.broadcast %mul3A_628 : i32 to vector<16xi32>
    %mul3A_630 = arith.muli %add3A_627, %mul3A_629 : vector<16xi32>
    %add3A_631 = arith.addi %mul3A_630, %gather3A_624 : vector<16xi32>
    %gather3A_632 = tpu.vector_load_idx %arg6[%add3A_631] : memref<65536xf32, #tpu.memory_space<vmem>>[vector<16xi32>], vector<16xf32>,
    %add3A_633 = arith.addf %gather3A_632, %broadcast_in_dim3A_8 : vector<16xf32>
    tpu.vector_store_idx %arg6[%add3A_631], %add3A_633 : memref<65536xf32, #tpu.memory_space<vmem>>[vector<16xi32>], vector<16xf32>,
    %add3A_634 = arith.constant 24 : i32
    %add3A_635 = vector.broadcast %add3A_634 : i32 to vector<16xi32>
    %add3A_636 = arith.addi %mul3A_7, %add3A_635 : vector<16xi32>
    %gather3A_637 = tpu.vector_load_idx %arg5[%add3A_636] : memref<2560xi32, #tpu.memory_space<vmem>>[vector<16xi32>], vector<16xi32>,
    %add3A_638 = arith.constant 0 : i32
    %add3A_639 = vector.broadcast %add3A_638 : i32 to vector<16xi32>
    %add3A_640 = arith.addi %add3A_639, %iota3A : vector<16xi32>
    %mul3A_641 = arith.constant 2048 : i32
    %mul3A_642 = vector.broadcast %mul3A_641 : i32 to vector<16xi32>
    %mul3A_643 = arith.muli %add3A_640, %mul3A_642 : vector<16xi32>
    %add3A_644 = arith.addi %mul3A_643, %gather3A_637 : vector<16xi32>
    %gather3A_645 = tpu.vector_load_idx %arg6[%add3A_644] : memref<65536xf32, #tpu.memory_space<vmem>>[vector<16xi32>], vector<16xf32>,
    %add3A_646 = arith.addf %gather3A_645, %broadcast_in_dim3A_8 : vector<16xf32>
    tpu.vector_store_idx %arg6[%add3A_644], %add3A_646 : memref<65536xf32, #tpu.memory_space<vmem>>[vector<16xi32>], vector<16xf32>,
    %add3A_647 = arith.constant 664 : i32
    %add3A_648 = vector.broadcast %add3A_647 : i32 to vector<16xi32>
    %add3A_649 = arith.addi %mul3A_7, %add3A_648 : vector<16xi32>
    %gather3A_650 = tpu.vector_load_idx %arg5[%add3A_649] : memref<2560xi32, #tpu.memory_space<vmem>>[vector<16xi32>], vector<16xi32>,
    %add3A_651 = arith.constant 16 : i32
    %add3A_652 = vector.broadcast %add3A_651 : i32 to vector<16xi32>
    %add3A_653 = arith.addi %add3A_652, %iota3A : vector<16xi32>
    %mul3A_654 = arith.constant 2048 : i32
    %mul3A_655 = vector.broadcast %mul3A_654 : i32 to vector<16xi32>
    %mul3A_656 = arith.muli %add3A_653, %mul3A_655 : vector<16xi32>
    %add3A_657 = arith.addi %mul3A_656, %gather3A_650 : vector<16xi32>
    %gather3A_658 = tpu.vector_load_idx %arg6[%add3A_657] : memref<65536xf32, #tpu.memory_space<vmem>>[vector<16xi32>], vector<16xf32>,
    %add3A_659 = arith.addf %gather3A_658, %broadcast_in_dim3A_8 : vector<16xf32>
    tpu.vector_store_idx %arg6[%add3A_657], %add3A_659 : memref<65536xf32, #tpu.memory_space<vmem>>[vector<16xi32>], vector<16xf32>,
    %add3A_660 = arith.constant 25 : i32
    %add3A_661 = vector.broadcast %add3A_660 : i32 to vector<16xi32>
    %add3A_662 = arith.addi %mul3A_7, %add3A_661 : vector<16xi32>
    %gather3A_663 = tpu.vector_load_idx %arg5[%add3A_662] : memref<2560xi32, #tpu.memory_space<vmem>>[vector<16xi32>], vector<16xi32>,
    %add3A_664 = arith.constant 0 : i32
    %add3A_665 = vector.broadcast %add3A_664 : i32 to vector<16xi32>
    %add3A_666 = arith.addi %add3A_665, %iota3A : vector<16xi32>
    %mul3A_667 = arith.constant 2048 : i32
    %mul3A_668 = vector.broadcast %mul3A_667 : i32 to vector<16xi32>
    %mul3A_669 = arith.muli %add3A_666, %mul3A_668 : vector<16xi32>
    %add3A_670 = arith.addi %mul3A_669, %gather3A_663 : vector<16xi32>
    %gather3A_671 = tpu.vector_load_idx %arg6[%add3A_670] : memref<65536xf32, #tpu.memory_space<vmem>>[vector<16xi32>], vector<16xf32>,
    %add3A_672 = arith.addf %gather3A_671, %broadcast_in_dim3A_8 : vector<16xf32>
    tpu.vector_store_idx %arg6[%add3A_670], %add3A_672 : memref<65536xf32, #tpu.memory_space<vmem>>[vector<16xi32>], vector<16xf32>,
    %add3A_673 = arith.constant 665 : i32
    %add3A_674 = vector.broadcast %add3A_673 : i32 to vector<16xi32>
    %add3A_675 = arith.addi %mul3A_7, %add3A_674 : vector<16xi32>
    %gather3A_676 = tpu.vector_load_idx %arg5[%add3A_675] : memref<2560xi32, #tpu.memory_space<vmem>>[vector<16xi32>], vector<16xi32>,
    %add3A_677 = arith.constant 16 : i32
    %add3A_678 = vector.broadcast %add3A_677 : i32 to vector<16xi32>
    %add3A_679 = arith.addi %add3A_678, %iota3A : vector<16xi32>
    %mul3A_680 = arith.constant 2048 : i32
    %mul3A_681 = vector.broadcast %mul3A_680 : i32 to vector<16xi32>
    %mul3A_682 = arith.muli %add3A_679, %mul3A_681 : vector<16xi32>
    %add3A_683 = arith.addi %mul3A_682, %gather3A_676 : vector<16xi32>
    %gather3A_684 = tpu.vector_load_idx %arg6[%add3A_683] : memref<65536xf32, #tpu.memory_space<vmem>>[vector<16xi32>], vector<16xf32>,
    %add3A_685 = arith.addf %gather3A_684, %broadcast_in_dim3A_8 : vector<16xf32>
    tpu.vector_store_idx %arg6[%add3A_683], %add3A_685 : memref<65536xf32, #tpu.memory_space<vmem>>[vector<16xi32>], vector<16xf32>,
    %add3A_686 = arith.constant 26 : i32
    %add3A_687 = vector.broadcast %add3A_686 : i32 to vector<16xi32>
    %add3A_688 = arith.addi %mul3A_7, %add3A_687 : vector<16xi32>
    %gather3A_689 = tpu.vector_load_idx %arg5[%add3A_688] : memref<2560xi32, #tpu.memory_space<vmem>>[vector<16xi32>], vector<16xi32>,
    %add3A_690 = arith.constant 0 : i32
    %add3A_691 = vector.broadcast %add3A_690 : i32 to vector<16xi32>
    %add3A_692 = arith.addi %add3A_691, %iota3A : vector<16xi32>
    %mul3A_693 = arith.constant 2048 : i32
    %mul3A_694 = vector.broadcast %mul3A_693 : i32 to vector<16xi32>
    %mul3A_695 = arith.muli %add3A_692, %mul3A_694 : vector<16xi32>
    %add3A_696 = arith.addi %mul3A_695, %gather3A_689 : vector<16xi32>
    %gather3A_697 = tpu.vector_load_idx %arg6[%add3A_696] : memref<65536xf32, #tpu.memory_space<vmem>>[vector<16xi32>], vector<16xf32>,
    %add3A_698 = arith.addf %gather3A_697, %broadcast_in_dim3A_8 : vector<16xf32>
    tpu.vector_store_idx %arg6[%add3A_696], %add3A_698 : memref<65536xf32, #tpu.memory_space<vmem>>[vector<16xi32>], vector<16xf32>,
    %add3A_699 = arith.constant 666 : i32
    %add3A_700 = vector.broadcast %add3A_699 : i32 to vector<16xi32>
    %add3A_701 = arith.addi %mul3A_7, %add3A_700 : vector<16xi32>
    %gather3A_702 = tpu.vector_load_idx %arg5[%add3A_701] : memref<2560xi32, #tpu.memory_space<vmem>>[vector<16xi32>], vector<16xi32>,
    %add3A_703 = arith.constant 16 : i32
    %add3A_704 = vector.broadcast %add3A_703 : i32 to vector<16xi32>
    %add3A_705 = arith.addi %add3A_704, %iota3A : vector<16xi32>
    %mul3A_706 = arith.constant 2048 : i32
    %mul3A_707 = vector.broadcast %mul3A_706 : i32 to vector<16xi32>
    %mul3A_708 = arith.muli %add3A_705, %mul3A_707 : vector<16xi32>
    %add3A_709 = arith.addi %mul3A_708, %gather3A_702 : vector<16xi32>
    %gather3A_710 = tpu.vector_load_idx %arg6[%add3A_709] : memref<65536xf32, #tpu.memory_space<vmem>>[vector<16xi32>], vector<16xf32>,
    %add3A_711 = arith.addf %gather3A_710, %broadcast_in_dim3A_8 : vector<16xf32>
    tpu.vector_store_idx %arg6[%add3A_709], %add3A_711 : memref<65536xf32, #tpu.memory_space<vmem>>[vector<16xi32>], vector<16xf32>,
    %add3A_712 = arith.constant 27 : i32
    %add3A_713 = vector.broadcast %add3A_712 : i32 to vector<16xi32>
    %add3A_714 = arith.addi %mul3A_7, %add3A_713 : vector<16xi32>
    %gather3A_715 = tpu.vector_load_idx %arg5[%add3A_714] : memref<2560xi32, #tpu.memory_space<vmem>>[vector<16xi32>], vector<16xi32>,
    %add3A_716 = arith.constant 0 : i32
    %add3A_717 = vector.broadcast %add3A_716 : i32 to vector<16xi32>
    %add3A_718 = arith.addi %add3A_717, %iota3A : vector<16xi32>
    %mul3A_719 = arith.constant 2048 : i32
    %mul3A_720 = vector.broadcast %mul3A_719 : i32 to vector<16xi32>
    %mul3A_721 = arith.muli %add3A_718, %mul3A_720 : vector<16xi32>
    %add3A_722 = arith.addi %mul3A_721, %gather3A_715 : vector<16xi32>
    %gather3A_723 = tpu.vector_load_idx %arg6[%add3A_722] : memref<65536xf32, #tpu.memory_space<vmem>>[vector<16xi32>], vector<16xf32>,
    %add3A_724 = arith.addf %gather3A_723, %broadcast_in_dim3A_8 : vector<16xf32>
    tpu.vector_store_idx %arg6[%add3A_722], %add3A_724 : memref<65536xf32, #tpu.memory_space<vmem>>[vector<16xi32>], vector<16xf32>,
    %add3A_725 = arith.constant 667 : i32
    %add3A_726 = vector.broadcast %add3A_725 : i32 to vector<16xi32>
    %add3A_727 = arith.addi %mul3A_7, %add3A_726 : vector<16xi32>
    %gather3A_728 = tpu.vector_load_idx %arg5[%add3A_727] : memref<2560xi32, #tpu.memory_space<vmem>>[vector<16xi32>], vector<16xi32>,
    %add3A_729 = arith.constant 16 : i32
    %add3A_730 = vector.broadcast %add3A_729 : i32 to vector<16xi32>
    %add3A_731 = arith.addi %add3A_730, %iota3A : vector<16xi32>
    %mul3A_732 = arith.constant 2048 : i32
    %mul3A_733 = vector.broadcast %mul3A_732 : i32 to vector<16xi32>
    %mul3A_734 = arith.muli %add3A_731, %mul3A_733 : vector<16xi32>
    %add3A_735 = arith.addi %mul3A_734, %gather3A_728 : vector<16xi32>
    %gather3A_736 = tpu.vector_load_idx %arg6[%add3A_735] : memref<65536xf32, #tpu.memory_space<vmem>>[vector<16xi32>], vector<16xf32>,
    %add3A_737 = arith.addf %gather3A_736, %broadcast_in_dim3A_8 : vector<16xf32>
    tpu.vector_store_idx %arg6[%add3A_735], %add3A_737 : memref<65536xf32, #tpu.memory_space<vmem>>[vector<16xi32>], vector<16xf32>,
    %add3A_738 = arith.constant 28 : i32
    %add3A_739 = vector.broadcast %add3A_738 : i32 to vector<16xi32>
    %add3A_740 = arith.addi %mul3A_7, %add3A_739 : vector<16xi32>
    %gather3A_741 = tpu.vector_load_idx %arg5[%add3A_740] : memref<2560xi32, #tpu.memory_space<vmem>>[vector<16xi32>], vector<16xi32>,
    %add3A_742 = arith.constant 0 : i32
    %add3A_743 = vector.broadcast %add3A_742 : i32 to vector<16xi32>
    %add3A_744 = arith.addi %add3A_743, %iota3A : vector<16xi32>
    %mul3A_745 = arith.constant 2048 : i32
    %mul3A_746 = vector.broadcast %mul3A_745 : i32 to vector<16xi32>
    %mul3A_747 = arith.muli %add3A_744, %mul3A_746 : vector<16xi32>
    %add3A_748 = arith.addi %mul3A_747, %gather3A_741 : vector<16xi32>
    %gather3A_749 = tpu.vector_load_idx %arg6[%add3A_748] : memref<65536xf32, #tpu.memory_space<vmem>>[vector<16xi32>], vector<16xf32>,
    %add3A_750 = arith.addf %gather3A_749, %broadcast_in_dim3A_8 : vector<16xf32>
    tpu.vector_store_idx %arg6[%add3A_748], %add3A_750 : memref<65536xf32, #tpu.memory_space<vmem>>[vector<16xi32>], vector<16xf32>,
    %add3A_751 = arith.constant 668 : i32
    %add3A_752 = vector.broadcast %add3A_751 : i32 to vector<16xi32>
    %add3A_753 = arith.addi %mul3A_7, %add3A_752 : vector<16xi32>
    %gather3A_754 = tpu.vector_load_idx %arg5[%add3A_753] : memref<2560xi32, #tpu.memory_space<vmem>>[vector<16xi32>], vector<16xi32>,
    %add3A_755 = arith.constant 16 : i32
    %add3A_756 = vector.broadcast %add3A_755 : i32 to vector<16xi32>
    %add3A_757 = arith.addi %add3A_756, %iota3A : vector<16xi32>
    %mul3A_758 = arith.constant 2048 : i32
    %mul3A_759 = vector.broadcast %mul3A_758 : i32 to vector<16xi32>
    %mul3A_760 = arith.muli %add3A_757, %mul3A_759 : vector<16xi32>
    %add3A_761 = arith.addi %mul3A_760, %gather3A_754 : vector<16xi32>
    %gather3A_762 = tpu.vector_load_idx %arg6[%add3A_761] : memref<65536xf32, #tpu.memory_space<vmem>>[vector<16xi32>], vector<16xf32>,
    %add3A_763 = arith.addf %gather3A_762, %broadcast_in_dim3A_8 : vector<16xf32>
    tpu.vector_store_idx %arg6[%add3A_761], %add3A_763 : memref<65536xf32, #tpu.memory_space<vmem>>[vector<16xi32>], vector<16xf32>,
    %add3A_764 = arith.constant 29 : i32
    %add3A_765 = vector.broadcast %add3A_764 : i32 to vector<16xi32>
    %add3A_766 = arith.addi %mul3A_7, %add3A_765 : vector<16xi32>
    %gather3A_767 = tpu.vector_load_idx %arg5[%add3A_766] : memref<2560xi32, #tpu.memory_space<vmem>>[vector<16xi32>], vector<16xi32>,
    %add3A_768 = arith.constant 0 : i32
    %add3A_769 = vector.broadcast %add3A_768 : i32 to vector<16xi32>
    %add3A_770 = arith.addi %add3A_769, %iota3A : vector<16xi32>
    %mul3A_771 = arith.constant 2048 : i32
    %mul3A_772 = vector.broadcast %mul3A_771 : i32 to vector<16xi32>
    %mul3A_773 = arith.muli %add3A_770, %mul3A_772 : vector<16xi32>
    %add3A_774 = arith.addi %mul3A_773, %gather3A_767 : vector<16xi32>
    %gather3A_775 = tpu.vector_load_idx %arg6[%add3A_774] : memref<65536xf32, #tpu.memory_space<vmem>>[vector<16xi32>], vector<16xf32>,
    %add3A_776 = arith.addf %gather3A_775, %broadcast_in_dim3A_8 : vector<16xf32>
    tpu.vector_store_idx %arg6[%add3A_774], %add3A_776 : memref<65536xf32, #tpu.memory_space<vmem>>[vector<16xi32>], vector<16xf32>,
    %add3A_777 = arith.constant 669 : i32
    %add3A_778 = vector.broadcast %add3A_777 : i32 to vector<16xi32>
    %add3A_779 = arith.addi %mul3A_7, %add3A_778 : vector<16xi32>
    %gather3A_780 = tpu.vector_load_idx %arg5[%add3A_779] : memref<2560xi32, #tpu.memory_space<vmem>>[vector<16xi32>], vector<16xi32>,
    %add3A_781 = arith.constant 16 : i32
    %add3A_782 = vector.broadcast %add3A_781 : i32 to vector<16xi32>
    %add3A_783 = arith.addi %add3A_782, %iota3A : vector<16xi32>
    %mul3A_784 = arith.constant 2048 : i32
    %mul3A_785 = vector.broadcast %mul3A_784 : i32 to vector<16xi32>
    %mul3A_786 = arith.muli %add3A_783, %mul3A_785 : vector<16xi32>
    %add3A_787 = arith.addi %mul3A_786, %gather3A_780 : vector<16xi32>
    %gather3A_788 = tpu.vector_load_idx %arg6[%add3A_787] : memref<65536xf32, #tpu.memory_space<vmem>>[vector<16xi32>], vector<16xf32>,
    %add3A_789 = arith.addf %gather3A_788, %broadcast_in_dim3A_8 : vector<16xf32>
    tpu.vector_store_idx %arg6[%add3A_787], %add3A_789 : memref<65536xf32, #tpu.memory_space<vmem>>[vector<16xi32>], vector<16xf32>,
    %add3A_790 = arith.constant 30 : i32
    %add3A_791 = vector.broadcast %add3A_790 : i32 to vector<16xi32>
    %add3A_792 = arith.addi %mul3A_7, %add3A_791 : vector<16xi32>
    %gather3A_793 = tpu.vector_load_idx %arg5[%add3A_792] : memref<2560xi32, #tpu.memory_space<vmem>>[vector<16xi32>], vector<16xi32>,
    %add3A_794 = arith.constant 0 : i32
    %add3A_795 = vector.broadcast %add3A_794 : i32 to vector<16xi32>
    %add3A_796 = arith.addi %add3A_795, %iota3A : vector<16xi32>
    %mul3A_797 = arith.constant 2048 : i32
    %mul3A_798 = vector.broadcast %mul3A_797 : i32 to vector<16xi32>
    %mul3A_799 = arith.muli %add3A_796, %mul3A_798 : vector<16xi32>
    %add3A_800 = arith.addi %mul3A_799, %gather3A_793 : vector<16xi32>
    %gather3A_801 = tpu.vector_load_idx %arg6[%add3A_800] : memref<65536xf32, #tpu.memory_space<vmem>>[vector<16xi32>], vector<16xf32>,
    %add3A_802 = arith.addf %gather3A_801, %broadcast_in_dim3A_8 : vector<16xf32>
    tpu.vector_store_idx %arg6[%add3A_800], %add3A_802 : memref<65536xf32, #tpu.memory_space<vmem>>[vector<16xi32>], vector<16xf32>,
    %add3A_803 = arith.constant 670 : i32
    %add3A_804 = vector.broadcast %add3A_803 : i32 to vector<16xi32>
    %add3A_805 = arith.addi %mul3A_7, %add3A_804 : vector<16xi32>
    %gather3A_806 = tpu.vector_load_idx %arg5[%add3A_805] : memref<2560xi32, #tpu.memory_space<vmem>>[vector<16xi32>], vector<16xi32>,
    %add3A_807 = arith.constant 16 : i32
    %add3A_808 = vector.broadcast %add3A_807 : i32 to vector<16xi32>
    %add3A_809 = arith.addi %add3A_808, %iota3A : vector<16xi32>
    %mul3A_810 = arith.constant 2048 : i32
    %mul3A_811 = vector.broadcast %mul3A_810 : i32 to vector<16xi32>
    %mul3A_812 = arith.muli %add3A_809, %mul3A_811 : vector<16xi32>
    %add3A_813 = arith.addi %mul3A_812, %gather3A_806 : vector<16xi32>
    %gather3A_814 = tpu.vector_load_idx %arg6[%add3A_813] : memref<65536xf32, #tpu.memory_space<vmem>>[vector<16xi32>], vector<16xf32>,
    %add3A_815 = arith.addf %gather3A_814, %broadcast_in_dim3A_8 : vector<16xf32>
    tpu.vector_store_idx %arg6[%add3A_813], %add3A_815 : memref<65536xf32, #tpu.memory_space<vmem>>[vector<16xi32>], vector<16xf32>,
    %add3A_816 = arith.constant 31 : i32
    %add3A_817 = vector.broadcast %add3A_816 : i32 to vector<16xi32>
    %add3A_818 = arith.addi %mul3A_7, %add3A_817 : vector<16xi32>
    %gather3A_819 = tpu.vector_load_idx %arg5[%add3A_818] : memref<2560xi32, #tpu.memory_space<vmem>>[vector<16xi32>], vector<16xi32>,
    %add3A_820 = arith.constant 0 : i32
    %add3A_821 = vector.broadcast %add3A_820 : i32 to vector<16xi32>
    %add3A_822 = arith.addi %add3A_821, %iota3A : vector<16xi32>
    %mul3A_823 = arith.constant 2048 : i32
    %mul3A_824 = vector.broadcast %mul3A_823 : i32 to vector<16xi32>
    %mul3A_825 = arith.muli %add3A_822, %mul3A_824 : vector<16xi32>
    %add3A_826 = arith.addi %mul3A_825, %gather3A_819 : vector<16xi32>
    %gather3A_827 = tpu.vector_load_idx %arg6[%add3A_826] : memref<65536xf32, #tpu.memory_space<vmem>>[vector<16xi32>], vector<16xf32>,
    %add3A_828 = arith.addf %gather3A_827, %broadcast_in_dim3A_8 : vector<16xf32>
    tpu.vector_store_idx %arg6[%add3A_826], %add3A_828 : memref<65536xf32, #tpu.memory_space<vmem>>[vector<16xi32>], vector<16xf32>,
    %add3A_829 = arith.constant 671 : i32
    %add3A_830 = vector.broadcast %add3A_829 : i32 to vector<16xi32>
    %add3A_831 = arith.addi %mul3A_7, %add3A_830 : vector<16xi32>
    %gather3A_832 = tpu.vector_load_idx %arg5[%add3A_831] : memref<2560xi32, #tpu.memory_space<vmem>>[vector<16xi32>], vector<16xi32>,
    %add3A_833 = arith.constant 16 : i32
    %add3A_834 = vector.broadcast %add3A_833 : i32 to vector<16xi32>
    %add3A_835 = arith.addi %add3A_834, %iota3A : vector<16xi32>
    %mul3A_836 = arith.constant 2048 : i32
    %mul3A_837 = vector.broadcast %mul3A_836 : i32 to vector<16xi32>
    %mul3A_838 = arith.muli %add3A_835, %mul3A_837 : vector<16xi32>
    %add3A_839 = arith.addi %mul3A_838, %gather3A_832 : vector<16xi32>
    %gather3A_840 = tpu.vector_load_idx %arg6[%add3A_839] : memref<65536xf32, #tpu.memory_space<vmem>>[vector<16xi32>], vector<16xf32>,
    %add3A_841 = arith.addf %gather3A_840, %broadcast_in_dim3A_8 : vector<16xf32>
    tpu.vector_store_idx %arg6[%add3A_839], %add3A_841 : memref<65536xf32, #tpu.memory_space<vmem>>[vector<16xi32>], vector<16xf32>,
    %add3A_842 = arith.constant 32 : i32
    %add3A_843 = vector.broadcast %add3A_842 : i32 to vector<16xi32>
    %add3A_844 = arith.addi %mul3A_7, %add3A_843 : vector<16xi32>
    %gather3A_845 = tpu.vector_load_idx %arg5[%add3A_844] : memref<2560xi32, #tpu.memory_space<vmem>>[vector<16xi32>], vector<16xi32>,
    %add3A_846 = arith.constant 0 : i32
    %add3A_847 = vector.broadcast %add3A_846 : i32 to vector<16xi32>
    %add3A_848 = arith.addi %add3A_847, %iota3A : vector<16xi32>
    %mul3A_849 = arith.constant 2048 : i32
    %mul3A_850 = vector.broadcast %mul3A_849 : i32 to vector<16xi32>
    %mul3A_851 = arith.muli %add3A_848, %mul3A_850 : vector<16xi32>
    %add3A_852 = arith.addi %mul3A_851, %gather3A_845 : vector<16xi32>
    %gather3A_853 = tpu.vector_load_idx %arg6[%add3A_852] : memref<65536xf32, #tpu.memory_space<vmem>>[vector<16xi32>], vector<16xf32>,
    %add3A_854 = arith.addf %gather3A_853, %broadcast_in_dim3A_8 : vector<16xf32>
    tpu.vector_store_idx %arg6[%add3A_852], %add3A_854 : memref<65536xf32, #tpu.memory_space<vmem>>[vector<16xi32>], vector<16xf32>,
    %add3A_855 = arith.constant 672 : i32
    %add3A_856 = vector.broadcast %add3A_855 : i32 to vector<16xi32>
    %add3A_857 = arith.addi %mul3A_7, %add3A_856 : vector<16xi32>
    %gather3A_858 = tpu.vector_load_idx %arg5[%add3A_857] : memref<2560xi32, #tpu.memory_space<vmem>>[vector<16xi32>], vector<16xi32>,
    %add3A_859 = arith.constant 16 : i32
    %add3A_860 = vector.broadcast %add3A_859 : i32 to vector<16xi32>
    %add3A_861 = arith.addi %add3A_860, %iota3A : vector<16xi32>
    %mul3A_862 = arith.constant 2048 : i32
    %mul3A_863 = vector.broadcast %mul3A_862 : i32 to vector<16xi32>
    %mul3A_864 = arith.muli %add3A_861, %mul3A_863 : vector<16xi32>
    %add3A_865 = arith.addi %mul3A_864, %gather3A_858 : vector<16xi32>
    %gather3A_866 = tpu.vector_load_idx %arg6[%add3A_865] : memref<65536xf32, #tpu.memory_space<vmem>>[vector<16xi32>], vector<16xf32>,
    %add3A_867 = arith.addf %gather3A_866, %broadcast_in_dim3A_8 : vector<16xf32>
    tpu.vector_store_idx %arg6[%add3A_865], %add3A_867 : memref<65536xf32, #tpu.memory_space<vmem>>[vector<16xi32>], vector<16xf32>,
    %add3A_868 = arith.constant 33 : i32
    %add3A_869 = vector.broadcast %add3A_868 : i32 to vector<16xi32>
    %add3A_870 = arith.addi %mul3A_7, %add3A_869 : vector<16xi32>
    %gather3A_871 = tpu.vector_load_idx %arg5[%add3A_870] : memref<2560xi32, #tpu.memory_space<vmem>>[vector<16xi32>], vector<16xi32>,
    %add3A_872 = arith.constant 0 : i32
    %add3A_873 = vector.broadcast %add3A_872 : i32 to vector<16xi32>
    %add3A_874 = arith.addi %add3A_873, %iota3A : vector<16xi32>
    %mul3A_875 = arith.constant 2048 : i32
    %mul3A_876 = vector.broadcast %mul3A_875 : i32 to vector<16xi32>
    %mul3A_877 = arith.muli %add3A_874, %mul3A_876 : vector<16xi32>
    %add3A_878 = arith.addi %mul3A_877, %gather3A_871 : vector<16xi32>
    %gather3A_879 = tpu.vector_load_idx %arg6[%add3A_878] : memref<65536xf32, #tpu.memory_space<vmem>>[vector<16xi32>], vector<16xf32>,
    %add3A_880 = arith.addf %gather3A_879, %broadcast_in_dim3A_8 : vector<16xf32>
    tpu.vector_store_idx %arg6[%add3A_878], %add3A_880 : memref<65536xf32, #tpu.memory_space<vmem>>[vector<16xi32>], vector<16xf32>,
    %add3A_881 = arith.constant 673 : i32
    %add3A_882 = vector.broadcast %add3A_881 : i32 to vector<16xi32>
    %add3A_883 = arith.addi %mul3A_7, %add3A_882 : vector<16xi32>
    %gather3A_884 = tpu.vector_load_idx %arg5[%add3A_883] : memref<2560xi32, #tpu.memory_space<vmem>>[vector<16xi32>], vector<16xi32>,
    %add3A_885 = arith.constant 16 : i32
    %add3A_886 = vector.broadcast %add3A_885 : i32 to vector<16xi32>
    %add3A_887 = arith.addi %add3A_886, %iota3A : vector<16xi32>
    %mul3A_888 = arith.constant 2048 : i32
    %mul3A_889 = vector.broadcast %mul3A_888 : i32 to vector<16xi32>
    %mul3A_890 = arith.muli %add3A_887, %mul3A_889 : vector<16xi32>
    %add3A_891 = arith.addi %mul3A_890, %gather3A_884 : vector<16xi32>
    %gather3A_892 = tpu.vector_load_idx %arg6[%add3A_891] : memref<65536xf32, #tpu.memory_space<vmem>>[vector<16xi32>], vector<16xf32>,
    %add3A_893 = arith.addf %gather3A_892, %broadcast_in_dim3A_8 : vector<16xf32>
    tpu.vector_store_idx %arg6[%add3A_891], %add3A_893 : memref<65536xf32, #tpu.memory_space<vmem>>[vector<16xi32>], vector<16xf32>,
    %add3A_894 = arith.constant 34 : i32
    %add3A_895 = vector.broadcast %add3A_894 : i32 to vector<16xi32>
    %add3A_896 = arith.addi %mul3A_7, %add3A_895 : vector<16xi32>
    %gather3A_897 = tpu.vector_load_idx %arg5[%add3A_896] : memref<2560xi32, #tpu.memory_space<vmem>>[vector<16xi32>], vector<16xi32>,
    %add3A_898 = arith.constant 0 : i32
    %add3A_899 = vector.broadcast %add3A_898 : i32 to vector<16xi32>
    %add3A_900 = arith.addi %add3A_899, %iota3A : vector<16xi32>
    %mul3A_901 = arith.constant 2048 : i32
    %mul3A_902 = vector.broadcast %mul3A_901 : i32 to vector<16xi32>
    %mul3A_903 = arith.muli %add3A_900, %mul3A_902 : vector<16xi32>
    %add3A_904 = arith.addi %mul3A_903, %gather3A_897 : vector<16xi32>
    %gather3A_905 = tpu.vector_load_idx %arg6[%add3A_904] : memref<65536xf32, #tpu.memory_space<vmem>>[vector<16xi32>], vector<16xf32>,
    %add3A_906 = arith.addf %gather3A_905, %broadcast_in_dim3A_8 : vector<16xf32>
    tpu.vector_store_idx %arg6[%add3A_904], %add3A_906 : memref<65536xf32, #tpu.memory_space<vmem>>[vector<16xi32>], vector<16xf32>,
    %add3A_907 = arith.constant 674 : i32
    %add3A_908 = vector.broadcast %add3A_907 : i32 to vector<16xi32>
    %add3A_909 = arith.addi %mul3A_7, %add3A_908 : vector<16xi32>
    %gather3A_910 = tpu.vector_load_idx %arg5[%add3A_909] : memref<2560xi32, #tpu.memory_space<vmem>>[vector<16xi32>], vector<16xi32>,
    %add3A_911 = arith.constant 16 : i32
    %add3A_912 = vector.broadcast %add3A_911 : i32 to vector<16xi32>
    %add3A_913 = arith.addi %add3A_912, %iota3A : vector<16xi32>
    %mul3A_914 = arith.constant 2048 : i32
    %mul3A_915 = vector.broadcast %mul3A_914 : i32 to vector<16xi32>
    %mul3A_916 = arith.muli %add3A_913, %mul3A_915 : vector<16xi32>
    %add3A_917 = arith.addi %mul3A_916, %gather3A_910 : vector<16xi32>
    %gather3A_918 = tpu.vector_load_idx %arg6[%add3A_917] : memref<65536xf32, #tpu.memory_space<vmem>>[vector<16xi32>], vector<16xf32>,
    %add3A_919 = arith.addf %gather3A_918, %broadcast_in_dim3A_8 : vector<16xf32>
    tpu.vector_store_idx %arg6[%add3A_917], %add3A_919 : memref<65536xf32, #tpu.memory_space<vmem>>[vector<16xi32>], vector<16xf32>,
    %add3A_920 = arith.constant 35 : i32
    %add3A_921 = vector.broadcast %add3A_920 : i32 to vector<16xi32>
    %add3A_922 = arith.addi %mul3A_7, %add3A_921 : vector<16xi32>
    %gather3A_923 = tpu.vector_load_idx %arg5[%add3A_922] : memref<2560xi32, #tpu.memory_space<vmem>>[vector<16xi32>], vector<16xi32>,
    %add3A_924 = arith.constant 0 : i32
    %add3A_925 = vector.broadcast %add3A_924 : i32 to vector<16xi32>
    %add3A_926 = arith.addi %add3A_925, %iota3A : vector<16xi32>
    %mul3A_927 = arith.constant 2048 : i32
    %mul3A_928 = vector.broadcast %mul3A_927 : i32 to vector<16xi32>
    %mul3A_929 = arith.muli %add3A_926, %mul3A_928 : vector<16xi32>
    %add3A_930 = arith.addi %mul3A_929, %gather3A_923 : vector<16xi32>
    %gather3A_931 = tpu.vector_load_idx %arg6[%add3A_930] : memref<65536xf32, #tpu.memory_space<vmem>>[vector<16xi32>], vector<16xf32>,
    %add3A_932 = arith.addf %gather3A_931, %broadcast_in_dim3A_8 : vector<16xf32>
    tpu.vector_store_idx %arg6[%add3A_930], %add3A_932 : memref<65536xf32, #tpu.memory_space<vmem>>[vector<16xi32>], vector<16xf32>,
    %add3A_933 = arith.constant 675 : i32
    %add3A_934 = vector.broadcast %add3A_933 : i32 to vector<16xi32>
    %add3A_935 = arith.addi %mul3A_7, %add3A_934 : vector<16xi32>
    %gather3A_936 = tpu.vector_load_idx %arg5[%add3A_935] : memref<2560xi32, #tpu.memory_space<vmem>>[vector<16xi32>], vector<16xi32>,
    %add3A_937 = arith.constant 16 : i32
    %add3A_938 = vector.broadcast %add3A_937 : i32 to vector<16xi32>
    %add3A_939 = arith.addi %add3A_938, %iota3A : vector<16xi32>
    %mul3A_940 = arith.constant 2048 : i32
    %mul3A_941 = vector.broadcast %mul3A_940 : i32 to vector<16xi32>
    %mul3A_942 = arith.muli %add3A_939, %mul3A_941 : vector<16xi32>
    %add3A_943 = arith.addi %mul3A_942, %gather3A_936 : vector<16xi32>
    %gather3A_944 = tpu.vector_load_idx %arg6[%add3A_943] : memref<65536xf32, #tpu.memory_space<vmem>>[vector<16xi32>], vector<16xf32>,
    %add3A_945 = arith.addf %gather3A_944, %broadcast_in_dim3A_8 : vector<16xf32>
    tpu.vector_store_idx %arg6[%add3A_943], %add3A_945 : memref<65536xf32, #tpu.memory_space<vmem>>[vector<16xi32>], vector<16xf32>,
    %add3A_946 = arith.constant 36 : i32
    %add3A_947 = vector.broadcast %add3A_946 : i32 to vector<16xi32>
    %add3A_948 = arith.addi %mul3A_7, %add3A_947 : vector<16xi32>
    %gather3A_949 = tpu.vector_load_idx %arg5[%add3A_948] : memref<2560xi32, #tpu.memory_space<vmem>>[vector<16xi32>], vector<16xi32>,
    %add3A_950 = arith.constant 0 : i32
    %add3A_951 = vector.broadcast %add3A_950 : i32 to vector<16xi32>
    %add3A_952 = arith.addi %add3A_951, %iota3A : vector<16xi32>
    %mul3A_953 = arith.constant 2048 : i32
    %mul3A_954 = vector.broadcast %mul3A_953 : i32 to vector<16xi32>
    %mul3A_955 = arith.muli %add3A_952, %mul3A_954 : vector<16xi32>
    %add3A_956 = arith.addi %mul3A_955, %gather3A_949 : vector<16xi32>
    %gather3A_957 = tpu.vector_load_idx %arg6[%add3A_956] : memref<65536xf32, #tpu.memory_space<vmem>>[vector<16xi32>], vector<16xf32>,
    %add3A_958 = arith.addf %gather3A_957, %broadcast_in_dim3A_8 : vector<16xf32>
    tpu.vector_store_idx %arg6[%add3A_956], %add3A_958 : memref<65536xf32, #tpu.memory_space<vmem>>[vector<16xi32>], vector<16xf32>,
    %add3A_959 = arith.constant 676 : i32
    %add3A_960 = vector.broadcast %add3A_959 : i32 to vector<16xi32>
    %add3A_961 = arith.addi %mul3A_7, %add3A_960 : vector<16xi32>
    %gather3A_962 = tpu.vector_load_idx %arg5[%add3A_961] : memref<2560xi32, #tpu.memory_space<vmem>>[vector<16xi32>], vector<16xi32>,
    %add3A_963 = arith.constant 16 : i32
    %add3A_964 = vector.broadcast %add3A_963 : i32 to vector<16xi32>
    %add3A_965 = arith.addi %add3A_964, %iota3A : vector<16xi32>
    %mul3A_966 = arith.constant 2048 : i32
    %mul3A_967 = vector.broadcast %mul3A_966 : i32 to vector<16xi32>
    %mul3A_968 = arith.muli %add3A_965, %mul3A_967 : vector<16xi32>
    %add3A_969 = arith.addi %mul3A_968, %gather3A_962 : vector<16xi32>
    %gather3A_970 = tpu.vector_load_idx %arg6[%add3A_969] : memref<65536xf32, #tpu.memory_space<vmem>>[vector<16xi32>], vector<16xf32>,
    %add3A_971 = arith.addf %gather3A_970, %broadcast_in_dim3A_8 : vector<16xf32>
    tpu.vector_store_idx %arg6[%add3A_969], %add3A_971 : memref<65536xf32, #tpu.memory_space<vmem>>[vector<16xi32>], vector<16xf32>,
    %add3A_972 = arith.constant 37 : i32
    %add3A_973 = vector.broadcast %add3A_972 : i32 to vector<16xi32>
    %add3A_974 = arith.addi %mul3A_7, %add3A_973 : vector<16xi32>
    %gather3A_975 = tpu.vector_load_idx %arg5[%add3A_974] : memref<2560xi32, #tpu.memory_space<vmem>>[vector<16xi32>], vector<16xi32>,
    %add3A_976 = arith.constant 0 : i32
    %add3A_977 = vector.broadcast %add3A_976 : i32 to vector<16xi32>
    %add3A_978 = arith.addi %add3A_977, %iota3A : vector<16xi32>
    %mul3A_979 = arith.constant 2048 : i32
    %mul3A_980 = vector.broadcast %mul3A_979 : i32 to vector<16xi32>
    %mul3A_981 = arith.muli %add3A_978, %mul3A_980 : vector<16xi32>
    %add3A_982 = arith.addi %mul3A_981, %gather3A_975 : vector<16xi32>
    %gather3A_983 = tpu.vector_load_idx %arg6[%add3A_982] : memref<65536xf32, #tpu.memory_space<vmem>>[vector<16xi32>], vector<16xf32>,
    %add3A_984 = arith.addf %gather3A_983, %broadcast_in_dim3A_8 : vector<16xf32>
    tpu.vector_store_idx %arg6[%add3A_982], %add3A_984 : memref<65536xf32, #tpu.memory_space<vmem>>[vector<16xi32>], vector<16xf32>,
    %add3A_985 = arith.constant 677 : i32
    %add3A_986 = vector.broadcast %add3A_985 : i32 to vector<16xi32>
    %add3A_987 = arith.addi %mul3A_7, %add3A_986 : vector<16xi32>
    %gather3A_988 = tpu.vector_load_idx %arg5[%add3A_987] : memref<2560xi32, #tpu.memory_space<vmem>>[vector<16xi32>], vector<16xi32>,
    %add3A_989 = arith.constant 16 : i32
    %add3A_990 = vector.broadcast %add3A_989 : i32 to vector<16xi32>
    %add3A_991 = arith.addi %add3A_990, %iota3A : vector<16xi32>
    %mul3A_992 = arith.constant 2048 : i32
    %mul3A_993 = vector.broadcast %mul3A_992 : i32 to vector<16xi32>
    %mul3A_994 = arith.muli %add3A_991, %mul3A_993 : vector<16xi32>
    %add3A_995 = arith.addi %mul3A_994, %gather3A_988 : vector<16xi32>
    %gather3A_996 = tpu.vector_load_idx %arg6[%add3A_995] : memref<65536xf32, #tpu.memory_space<vmem>>[vector<16xi32>], vector<16xf32>,
    %add3A_997 = arith.addf %gather3A_996, %broadcast_in_dim3A_8 : vector<16xf32>
    tpu.vector_store_idx %arg6[%add3A_995], %add3A_997 : memref<65536xf32, #tpu.memory_space<vmem>>[vector<16xi32>], vector<16xf32>,
    %add3A_998 = arith.constant 38 : i32
    %add3A_999 = vector.broadcast %add3A_998 : i32 to vector<16xi32>
    %add3A_1000 = arith.addi %mul3A_7, %add3A_999 : vector<16xi32>
    %gather3A_1001 = tpu.vector_load_idx %arg5[%add3A_1000] : memref<2560xi32, #tpu.memory_space<vmem>>[vector<16xi32>], vector<16xi32>,
    %add3A_1002 = arith.constant 0 : i32
    %add3A_1003 = vector.broadcast %add3A_1002 : i32 to vector<16xi32>
    %add3A_1004 = arith.addi %add3A_1003, %iota3A : vector<16xi32>
    %mul3A_1005 = arith.constant 2048 : i32
    %mul3A_1006 = vector.broadcast %mul3A_1005 : i32 to vector<16xi32>
    %mul3A_1007 = arith.muli %add3A_1004, %mul3A_1006 : vector<16xi32>
    %add3A_1008 = arith.addi %mul3A_1007, %gather3A_1001 : vector<16xi32>
    %gather3A_1009 = tpu.vector_load_idx %arg6[%add3A_1008] : memref<65536xf32, #tpu.memory_space<vmem>>[vector<16xi32>], vector<16xf32>,
    %add3A_1010 = arith.addf %gather3A_1009, %broadcast_in_dim3A_8 : vector<16xf32>
    tpu.vector_store_idx %arg6[%add3A_1008], %add3A_1010 : memref<65536xf32, #tpu.memory_space<vmem>>[vector<16xi32>], vector<16xf32>,
    %add3A_1011 = arith.constant 678 : i32
    %add3A_1012 = vector.broadcast %add3A_1011 : i32 to vector<16xi32>
    %add3A_1013 = arith.addi %mul3A_7, %add3A_1012 : vector<16xi32>
    %gather3A_1014 = tpu.vector_load_idx %arg5[%add3A_1013] : memref<2560xi32, #tpu.memory_space<vmem>>[vector<16xi32>], vector<16xi32>,
    %add3A_1015 = arith.constant 16 : i32
    %add3A_1016 = vector.broadcast %add3A_1015 : i32 to vector<16xi32>
    %add3A_1017 = arith.addi %add3A_1016, %iota3A : vector<16xi32>
    %mul3A_1018 = arith.constant 2048 : i32
    %mul3A_1019 = vector.broadcast %mul3A_1018 : i32 to vector<16xi32>
    %mul3A_1020 = arith.muli %add3A_1017, %mul3A_1019 : vector<16xi32>
    %add3A_1021 = arith.addi %mul3A_1020, %gather3A_1014 : vector<16xi32>
    %gather3A_1022 = tpu.vector_load_idx %arg6[%add3A_1021] : memref<65536xf32, #tpu.memory_space<vmem>>[vector<16xi32>], vector<16xf32>,
    %add3A_1023 = arith.addf %gather3A_1022, %broadcast_in_dim3A_8 : vector<16xf32>
    tpu.vector_store_idx %arg6[%add3A_1021], %add3A_1023 : memref<65536xf32, #tpu.memory_space<vmem>>[vector<16xi32>], vector<16xf32>,
    %add3A_1024 = arith.constant 39 : i32
    %add3A_1025 = vector.broadcast %add3A_1024 : i32 to vector<16xi32>
    %add3A_1026 = arith.addi %mul3A_7, %add3A_1025 : vector<16xi32>
    %gather3A_1027 = tpu.vector_load_idx %arg5[%add3A_1026] : memref<2560xi32, #tpu.memory_space<vmem>>[vector<16xi32>], vector<16xi32>,
    %add3A_1028 = arith.constant 0 : i32
    %add3A_1029 = vector.broadcast %add3A_1028 : i32 to vector<16xi32>
    %add3A_1030 = arith.addi %add3A_1029, %iota3A : vector<16xi32>
    %mul3A_1031 = arith.constant 2048 : i32
    %mul3A_1032 = vector.broadcast %mul3A_1031 : i32 to vector<16xi32>
    %mul3A_1033 = arith.muli %add3A_1030, %mul3A_1032 : vector<16xi32>
    %add3A_1034 = arith.addi %mul3A_1033, %gather3A_1027 : vector<16xi32>
    %gather3A_1035 = tpu.vector_load_idx %arg6[%add3A_1034] : memref<65536xf32, #tpu.memory_space<vmem>>[vector<16xi32>], vector<16xf32>,
    %add3A_1036 = arith.addf %gather3A_1035, %broadcast_in_dim3A_8 : vector<16xf32>
    tpu.vector_store_idx %arg6[%add3A_1034], %add3A_1036 : memref<65536xf32, #tpu.memory_space<vmem>>[vector<16xi32>], vector<16xf32>,
    %add3A_1037 = arith.constant 679 : i32
    %add3A_1038 = vector.broadcast %add3A_1037 : i32 to vector<16xi32>
    %add3A_1039 = arith.addi %mul3A_7, %add3A_1038 : vector<16xi32>
    %gather3A_1040 = tpu.vector_load_idx %arg5[%add3A_1039] : memref<2560xi32, #tpu.memory_space<vmem>>[vector<16xi32>], vector<16xi32>,
    %add3A_1041 = arith.constant 16 : i32
    %add3A_1042 = vector.broadcast %add3A_1041 : i32 to vector<16xi32>
    %add3A_1043 = arith.addi %add3A_1042, %iota3A : vector<16xi32>
    %mul3A_1044 = arith.constant 2048 : i32
    %mul3A_1045 = vector.broadcast %mul3A_1044 : i32 to vector<16xi32>
    %mul3A_1046 = arith.muli %add3A_1043, %mul3A_1045 : vector<16xi32>
    %add3A_1047 = arith.addi %mul3A_1046, %gather3A_1040 : vector<16xi32>
    %gather3A_1048 = tpu.vector_load_idx %arg6[%add3A_1047] : memref<65536xf32, #tpu.memory_space<vmem>>[vector<16xi32>], vector<16xf32>,
    %add3A_1049 = arith.addf %gather3A_1048, %broadcast_in_dim3A_8 : vector<16xf32>
    tpu.vector_store_idx %arg6[%add3A_1047], %add3A_1049 : memref<65536xf32, #tpu.memory_space<vmem>>[vector<16xi32>], vector<16xf32>,
    %mul3A_1050 = arith.constant 64 : i32
    %mul3A_1051 = arith.muli %add3A, %mul3A_1050 : i32
    %add3A_1052 = arith.constant 0 : i32
    %add3A_1053 = arith.addi %mul3A_1051, %add3A_1052 : i32
    %mul3A_1054 = arith.constant 2048 : i32
    %mul3A_1055 = arith.muli %add3A_1053, %mul3A_1054 : i32
    "tpu.region"() ({
      %run_scoped3A = tpu.sem_alloc : memref<!tpu.dma_semaphore, #tpu.memory_space<semaphore_mem>>
      %dma_start3A = tpu.memref_slice %arg4[%mul3A_1055] : memref<4194304xf32, #tpu.memory_space<hbm>> -> memref<65536xf32, #tpu.memory_space<hbm>>
      %dma_start3A_2982 = tpu.memref_slice %arg4[%mul3A_1055] : memref<4194304xf32, #tpu.memory_space<hbm>> -> memref<65536xf32, #tpu.memory_space<hbm>>
      tpu.enqueue_dma source(%arg6 : memref<65536xf32, #tpu.memory_space<vmem>>) target(%dma_start3A_2982 : memref<65536xf32, #tpu.memory_space<hbm>>) target_semaphore(%run_scoped3A : memref<!tpu.dma_semaphore, #tpu.memory_space<semaphore_mem>>)
      %dma_wait3A = tpu.memref_slice %arg4[%mul3A_1055] : memref<4194304xf32, #tpu.memory_space<hbm>> -> memref<65536xf32, #tpu.memory_space<hbm>>
      %dma_wait3A_2983 = tpu.memref_slice %arg4[%mul3A_1055] : memref<4194304xf32, #tpu.memory_space<hbm>> -> memref<65536xf32, #tpu.memory_space<hbm>>
      tpu.wait_dma2 semaphore(%run_scoped3A : memref<!tpu.dma_semaphore, #tpu.memory_space<semaphore_mem>>) src(%arg6 : memref<65536xf32, #tpu.memory_space<vmem>>) dst(%dma_wait3A_2983 : memref<65536xf32, #tpu.memory_space<hbm>>)
      tpu.yield
    }) : () -> ()
    %add3A_1056 = arith.constant 0 : i32
    %add3A_1057 = vector.broadcast %add3A_1056 : i32 to vector<16xi32>
    %add3A_1058 = arith.addi %mul3A_7, %add3A_1057 : vector<16xi32>
    %gather3A_1059 = tpu.vector_load_idx %arg5[%add3A_1058] : memref<2560xi32, #tpu.memory_space<vmem>>[vector<16xi32>], vector<16xi32>,
    %add3A_1060 = arith.constant 0 : i32
    %add3A_1061 = vector.broadcast %add3A_1060 : i32 to vector<16xi32>
    %add3A_1062 = arith.addi %add3A_1061, %iota3A : vector<16xi32>
    %mul3A_1063 = arith.constant 2048 : i32
    %mul3A_1064 = vector.broadcast %mul3A_1063 : i32 to vector<16xi32>
    %mul3A_1065 = arith.muli %add3A_1062, %mul3A_1064 : vector<16xi32>
    %add3A_1066 = arith.addi %mul3A_1065, %gather3A_1059 : vector<16xi32>
    tpu.vector_store_idx %arg6[%add3A_1066], %broadcast_in_dim3A_10 : memref<65536xf32, #tpu.memory_space<vmem>>[vector<16xi32>], vector<16xf32>,
    %add3A_1067 = arith.constant 640 : i32
    %add3A_1068 = vector.broadcast %add3A_1067 : i32 to vector<16xi32>
    %add3A_1069 = arith.addi %mul3A_7, %add3A_1068 : vector<16xi32>
    %gather3A_1070 = tpu.vector_load_idx %arg5[%add3A_1069] : memref<2560xi32, #tpu.memory_space<vmem>>[vector<16xi32>], vector<16xi32>,
    %add3A_1071 = arith.constant 16 : i32
    %add3A_1072 = vector.broadcast %add3A_1071 : i32 to vector<16xi32>
    %add3A_1073 = arith.addi %add3A_1072, %iota3A : vector<16xi32>
    %mul3A_1074 = arith.constant 2048 : i32
    %mul3A_1075 = vector.broadcast %mul3A_1074 : i32 to vector<16xi32>
    %mul3A_1076 = arith.muli %add3A_1073, %mul3A_1075 : vector<16xi32>
    %add3A_1077 = arith.addi %mul3A_1076, %gather3A_1070 : vector<16xi32>
    tpu.vector_store_idx %arg6[%add3A_1077], %broadcast_in_dim3A_10 : memref<65536xf32, #tpu.memory_space<vmem>>[vector<16xi32>], vector<16xf32>,
    %add3A_1078 = arith.constant 1 : i32
    %add3A_1079 = vector.broadcast %add3A_1078 : i32 to vector<16xi32>
    %add3A_1080 = arith.addi %mul3A_7, %add3A_1079 : vector<16xi32>
    %gather3A_1081 = tpu.vector_load_idx %arg5[%add3A_1080] : memref<2560xi32, #tpu.memory_space<vmem>>[vector<16xi32>], vector<16xi32>,
    %add3A_1082 = arith.constant 0 : i32
    %add3A_1083 = vector.broadcast %add3A_1082 : i32 to vector<16xi32>
    %add3A_1084 = arith.addi %add3A_1083, %iota3A : vector<16xi32>
    %mul3A_1085 = arith.constant 2048 : i32
    %mul3A_1086 = vector.broadcast %mul3A_1085 : i32 to vector<16xi32>
    %mul3A_1087 = arith.muli %add3A_1084, %mul3A_1086 : vector<16xi32>
    %add3A_1088 = arith.addi %mul3A_1087, %gather3A_1081 : vector<16xi32>
    tpu.vector_store_idx %arg6[%add3A_1088], %broadcast_in_dim3A_10 : memref<65536xf32, #tpu.memory_space<vmem>>[vector<16xi32>], vector<16xf32>,
    %add3A_1089 = arith.constant 641 : i32
    %add3A_1090 = vector.broadcast %add3A_1089 : i32 to vector<16xi32>
    %add3A_1091 = arith.addi %mul3A_7, %add3A_1090 : vector<16xi32>
    %gather3A_1092 = tpu.vector_load_idx %arg5[%add3A_1091] : memref<2560xi32, #tpu.memory_space<vmem>>[vector<16xi32>], vector<16xi32>,
    %add3A_1093 = arith.constant 16 : i32
    %add3A_1094 = vector.broadcast %add3A_1093 : i32 to vector<16xi32>
    %add3A_1095 = arith.addi %add3A_1094, %iota3A : vector<16xi32>
    %mul3A_1096 = arith.constant 2048 : i32
    %mul3A_1097 = vector.broadcast %mul3A_1096 : i32 to vector<16xi32>
    %mul3A_1098 = arith.muli %add3A_1095, %mul3A_1097 : vector<16xi32>
    %add3A_1099 = arith.addi %mul3A_1098, %gather3A_1092 : vector<16xi32>
    tpu.vector_store_idx %arg6[%add3A_1099], %broadcast_in_dim3A_10 : memref<65536xf32, #tpu.memory_space<vmem>>[vector<16xi32>], vector<16xf32>,
    %add3A_1100 = arith.constant 2 : i32
    %add3A_1101 = vector.broadcast %add3A_1100 : i32 to vector<16xi32>
    %add3A_1102 = arith.addi %mul3A_7, %add3A_1101 : vector<16xi32>
    %gather3A_1103 = tpu.vector_load_idx %arg5[%add3A_1102] : memref<2560xi32, #tpu.memory_space<vmem>>[vector<16xi32>], vector<16xi32>,
    %add3A_1104 = arith.constant 0 : i32
    %add3A_1105 = vector.broadcast %add3A_1104 : i32 to vector<16xi32>
    %add3A_1106 = arith.addi %add3A_1105, %iota3A : vector<16xi32>
    %mul3A_1107 = arith.constant 2048 : i32
    %mul3A_1108 = vector.broadcast %mul3A_1107 : i32 to vector<16xi32>
    %mul3A_1109 = arith.muli %add3A_1106, %mul3A_1108 : vector<16xi32>
    %add3A_1110 = arith.addi %mul3A_1109, %gather3A_1103 : vector<16xi32>
    tpu.vector_store_idx %arg6[%add3A_1110], %broadcast_in_dim3A_10 : memref<65536xf32, #tpu.memory_space<vmem>>[vector<16xi32>], vector<16xf32>,
    %add3A_1111 = arith.constant 642 : i32
    %add3A_1112 = vector.broadcast %add3A_1111 : i32 to vector<16xi32>
    %add3A_1113 = arith.addi %mul3A_7, %add3A_1112 : vector<16xi32>
    %gather3A_1114 = tpu.vector_load_idx %arg5[%add3A_1113] : memref<2560xi32, #tpu.memory_space<vmem>>[vector<16xi32>], vector<16xi32>,
    %add3A_1115 = arith.constant 16 : i32
    %add3A_1116 = vector.broadcast %add3A_1115 : i32 to vector<16xi32>
    %add3A_1117 = arith.addi %add3A_1116, %iota3A : vector<16xi32>
    %mul3A_1118 = arith.constant 2048 : i32
    %mul3A_1119 = vector.broadcast %mul3A_1118 : i32 to vector<16xi32>
    %mul3A_1120 = arith.muli %add3A_1117, %mul3A_1119 : vector<16xi32>
    %add3A_1121 = arith.addi %mul3A_1120, %gather3A_1114 : vector<16xi32>
    tpu.vector_store_idx %arg6[%add3A_1121], %broadcast_in_dim3A_10 : memref<65536xf32, #tpu.memory_space<vmem>>[vector<16xi32>], vector<16xf32>,
    %add3A_1122 = arith.constant 3 : i32
    %add3A_1123 = vector.broadcast %add3A_1122 : i32 to vector<16xi32>
    %add3A_1124 = arith.addi %mul3A_7, %add3A_1123 : vector<16xi32>
    %gather3A_1125 = tpu.vector_load_idx %arg5[%add3A_1124] : memref<2560xi32, #tpu.memory_space<vmem>>[vector<16xi32>], vector<16xi32>,
    %add3A_1126 = arith.constant 0 : i32
    %add3A_1127 = vector.broadcast %add3A_1126 : i32 to vector<16xi32>
    %add3A_1128 = arith.addi %add3A_1127, %iota3A : vector<16xi32>
    %mul3A_1129 = arith.constant 2048 : i32
    %mul3A_1130 = vector.broadcast %mul3A_1129 : i32 to vector<16xi32>
    %mul3A_1131 = arith.muli %add3A_1128, %mul3A_1130 : vector<16xi32>
    %add3A_1132 = arith.addi %mul3A_1131, %gather3A_1125 : vector<16xi32>
    tpu.vector_store_idx %arg6[%add3A_1132], %broadcast_in_dim3A_10 : memref<65536xf32, #tpu.memory_space<vmem>>[vector<16xi32>], vector<16xf32>,
    %add3A_1133 = arith.constant 643 : i32
    %add3A_1134 = vector.broadcast %add3A_1133 : i32 to vector<16xi32>
    %add3A_1135 = arith.addi %mul3A_7, %add3A_1134 : vector<16xi32>
    %gather3A_1136 = tpu.vector_load_idx %arg5[%add3A_1135] : memref<2560xi32, #tpu.memory_space<vmem>>[vector<16xi32>], vector<16xi32>,
    %add3A_1137 = arith.constant 16 : i32
    %add3A_1138 = vector.broadcast %add3A_1137 : i32 to vector<16xi32>
    %add3A_1139 = arith.addi %add3A_1138, %iota3A : vector<16xi32>
    %mul3A_1140 = arith.constant 2048 : i32
    %mul3A_1141 = vector.broadcast %mul3A_1140 : i32 to vector<16xi32>
    %mul3A_1142 = arith.muli %add3A_1139, %mul3A_1141 : vector<16xi32>
    %add3A_1143 = arith.addi %mul3A_1142, %gather3A_1136 : vector<16xi32>
    tpu.vector_store_idx %arg6[%add3A_1143], %broadcast_in_dim3A_10 : memref<65536xf32, #tpu.memory_space<vmem>>[vector<16xi32>], vector<16xf32>,
    %add3A_1144 = arith.constant 4 : i32
    %add3A_1145 = vector.broadcast %add3A_1144 : i32 to vector<16xi32>
    %add3A_1146 = arith.addi %mul3A_7, %add3A_1145 : vector<16xi32>
    %gather3A_1147 = tpu.vector_load_idx %arg5[%add3A_1146] : memref<2560xi32, #tpu.memory_space<vmem>>[vector<16xi32>], vector<16xi32>,
    %add3A_1148 = arith.constant 0 : i32
    %add3A_1149 = vector.broadcast %add3A_1148 : i32 to vector<16xi32>
    %add3A_1150 = arith.addi %add3A_1149, %iota3A : vector<16xi32>
    %mul3A_1151 = arith.constant 2048 : i32
    %mul3A_1152 = vector.broadcast %mul3A_1151 : i32 to vector<16xi32>
    %mul3A_1153 = arith.muli %add3A_1150, %mul3A_1152 : vector<16xi32>
    %add3A_1154 = arith.addi %mul3A_1153, %gather3A_1147 : vector<16xi32>
    tpu.vector_store_idx %arg6[%add3A_1154], %broadcast_in_dim3A_10 : memref<65536xf32, #tpu.memory_space<vmem>>[vector<16xi32>], vector<16xf32>,
    %add3A_1155 = arith.constant 644 : i32
    %add3A_1156 = vector.broadcast %add3A_1155 : i32 to vector<16xi32>
    %add3A_1157 = arith.addi %mul3A_7, %add3A_1156 : vector<16xi32>
    %gather3A_1158 = tpu.vector_load_idx %arg5[%add3A_1157] : memref<2560xi32, #tpu.memory_space<vmem>>[vector<16xi32>], vector<16xi32>,
    %add3A_1159 = arith.constant 16 : i32
    %add3A_1160 = vector.broadcast %add3A_1159 : i32 to vector<16xi32>
    %add3A_1161 = arith.addi %add3A_1160, %iota3A : vector<16xi32>
    %mul3A_1162 = arith.constant 2048 : i32
    %mul3A_1163 = vector.broadcast %mul3A_1162 : i32 to vector<16xi32>
    %mul3A_1164 = arith.muli %add3A_1161, %mul3A_1163 : vector<16xi32>
    %add3A_1165 = arith.addi %mul3A_1164, %gather3A_1158 : vector<16xi32>
    tpu.vector_store_idx %arg6[%add3A_1165], %broadcast_in_dim3A_10 : memref<65536xf32, #tpu.memory_space<vmem>>[vector<16xi32>], vector<16xf32>,
    %add3A_1166 = arith.constant 5 : i32
    %add3A_1167 = vector.broadcast %add3A_1166 : i32 to vector<16xi32>
    %add3A_1168 = arith.addi %mul3A_7, %add3A_1167 : vector<16xi32>
    %gather3A_1169 = tpu.vector_load_idx %arg5[%add3A_1168] : memref<2560xi32, #tpu.memory_space<vmem>>[vector<16xi32>], vector<16xi32>,
    %add3A_1170 = arith.constant 0 : i32
    %add3A_1171 = vector.broadcast %add3A_1170 : i32 to vector<16xi32>
    %add3A_1172 = arith.addi %add3A_1171, %iota3A : vector<16xi32>
    %mul3A_1173 = arith.constant 2048 : i32
    %mul3A_1174 = vector.broadcast %mul3A_1173 : i32 to vector<16xi32>
    %mul3A_1175 = arith.muli %add3A_1172, %mul3A_1174 : vector<16xi32>
    %add3A_1176 = arith.addi %mul3A_1175, %gather3A_1169 : vector<16xi32>
    tpu.vector_store_idx %arg6[%add3A_1176], %broadcast_in_dim3A_10 : memref<65536xf32, #tpu.memory_space<vmem>>[vector<16xi32>], vector<16xf32>,
    %add3A_1177 = arith.constant 645 : i32
    %add3A_1178 = vector.broadcast %add3A_1177 : i32 to vector<16xi32>
    %add3A_1179 = arith.addi %mul3A_7, %add3A_1178 : vector<16xi32>
    %gather3A_1180 = tpu.vector_load_idx %arg5[%add3A_1179] : memref<2560xi32, #tpu.memory_space<vmem>>[vector<16xi32>], vector<16xi32>,
    %add3A_1181 = arith.constant 16 : i32
    %add3A_1182 = vector.broadcast %add3A_1181 : i32 to vector<16xi32>
    %add3A_1183 = arith.addi %add3A_1182, %iota3A : vector<16xi32>
    %mul3A_1184 = arith.constant 2048 : i32
    %mul3A_1185 = vector.broadcast %mul3A_1184 : i32 to vector<16xi32>
    %mul3A_1186 = arith.muli %add3A_1183, %mul3A_1185 : vector<16xi32>
    %add3A_1187 = arith.addi %mul3A_1186, %gather3A_1180 : vector<16xi32>
    tpu.vector_store_idx %arg6[%add3A_1187], %broadcast_in_dim3A_10 : memref<65536xf32, #tpu.memory_space<vmem>>[vector<16xi32>], vector<16xf32>,
    %add3A_1188 = arith.constant 6 : i32
    %add3A_1189 = vector.broadcast %add3A_1188 : i32 to vector<16xi32>
    %add3A_1190 = arith.addi %mul3A_7, %add3A_1189 : vector<16xi32>
    %gather3A_1191 = tpu.vector_load_idx %arg5[%add3A_1190] : memref<2560xi32, #tpu.memory_space<vmem>>[vector<16xi32>], vector<16xi32>,
    %add3A_1192 = arith.constant 0 : i32
    %add3A_1193 = vector.broadcast %add3A_1192 : i32 to vector<16xi32>
    %add3A_1194 = arith.addi %add3A_1193, %iota3A : vector<16xi32>
    %mul3A_1195 = arith.constant 2048 : i32
    %mul3A_1196 = vector.broadcast %mul3A_1195 : i32 to vector<16xi32>
    %mul3A_1197 = arith.muli %add3A_1194, %mul3A_1196 : vector<16xi32>
    %add3A_1198 = arith.addi %mul3A_1197, %gather3A_1191 : vector<16xi32>
    tpu.vector_store_idx %arg6[%add3A_1198], %broadcast_in_dim3A_10 : memref<65536xf32, #tpu.memory_space<vmem>>[vector<16xi32>], vector<16xf32>,
    %add3A_1199 = arith.constant 646 : i32
    %add3A_1200 = vector.broadcast %add3A_1199 : i32 to vector<16xi32>
    %add3A_1201 = arith.addi %mul3A_7, %add3A_1200 : vector<16xi32>
    %gather3A_1202 = tpu.vector_load_idx %arg5[%add3A_1201] : memref<2560xi32, #tpu.memory_space<vmem>>[vector<16xi32>], vector<16xi32>,
    %add3A_1203 = arith.constant 16 : i32
    %add3A_1204 = vector.broadcast %add3A_1203 : i32 to vector<16xi32>
    %add3A_1205 = arith.addi %add3A_1204, %iota3A : vector<16xi32>
    %mul3A_1206 = arith.constant 2048 : i32
    %mul3A_1207 = vector.broadcast %mul3A_1206 : i32 to vector<16xi32>
    %mul3A_1208 = arith.muli %add3A_1205, %mul3A_1207 : vector<16xi32>
    %add3A_1209 = arith.addi %mul3A_1208, %gather3A_1202 : vector<16xi32>
    tpu.vector_store_idx %arg6[%add3A_1209], %broadcast_in_dim3A_10 : memref<65536xf32, #tpu.memory_space<vmem>>[vector<16xi32>], vector<16xf32>,
    %add3A_1210 = arith.constant 7 : i32
    %add3A_1211 = vector.broadcast %add3A_1210 : i32 to vector<16xi32>
    %add3A_1212 = arith.addi %mul3A_7, %add3A_1211 : vector<16xi32>
    %gather3A_1213 = tpu.vector_load_idx %arg5[%add3A_1212] : memref<2560xi32, #tpu.memory_space<vmem>>[vector<16xi32>], vector<16xi32>,
    %add3A_1214 = arith.constant 0 : i32
    %add3A_1215 = vector.broadcast %add3A_1214 : i32 to vector<16xi32>
    %add3A_1216 = arith.addi %add3A_1215, %iota3A : vector<16xi32>
    %mul3A_1217 = arith.constant 2048 : i32
    %mul3A_1218 = vector.broadcast %mul3A_1217 : i32 to vector<16xi32>
    %mul3A_1219 = arith.muli %add3A_1216, %mul3A_1218 : vector<16xi32>
    %add3A_1220 = arith.addi %mul3A_1219, %gather3A_1213 : vector<16xi32>
    tpu.vector_store_idx %arg6[%add3A_1220], %broadcast_in_dim3A_10 : memref<65536xf32, #tpu.memory_space<vmem>>[vector<16xi32>], vector<16xf32>,
    %add3A_1221 = arith.constant 647 : i32
    %add3A_1222 = vector.broadcast %add3A_1221 : i32 to vector<16xi32>
    %add3A_1223 = arith.addi %mul3A_7, %add3A_1222 : vector<16xi32>
    %gather3A_1224 = tpu.vector_load_idx %arg5[%add3A_1223] : memref<2560xi32, #tpu.memory_space<vmem>>[vector<16xi32>], vector<16xi32>,
    %add3A_1225 = arith.constant 16 : i32
    %add3A_1226 = vector.broadcast %add3A_1225 : i32 to vector<16xi32>
    %add3A_1227 = arith.addi %add3A_1226, %iota3A : vector<16xi32>
    %mul3A_1228 = arith.constant 2048 : i32
    %mul3A_1229 = vector.broadcast %mul3A_1228 : i32 to vector<16xi32>
    %mul3A_1230 = arith.muli %add3A_1227, %mul3A_1229 : vector<16xi32>
    %add3A_1231 = arith.addi %mul3A_1230, %gather3A_1224 : vector<16xi32>
    tpu.vector_store_idx %arg6[%add3A_1231], %broadcast_in_dim3A_10 : memref<65536xf32, #tpu.memory_space<vmem>>[vector<16xi32>], vector<16xf32>,
    %add3A_1232 = arith.constant 8 : i32
    %add3A_1233 = vector.broadcast %add3A_1232 : i32 to vector<16xi32>
    %add3A_1234 = arith.addi %mul3A_7, %add3A_1233 : vector<16xi32>
    %gather3A_1235 = tpu.vector_load_idx %arg5[%add3A_1234] : memref<2560xi32, #tpu.memory_space<vmem>>[vector<16xi32>], vector<16xi32>,
    %add3A_1236 = arith.constant 0 : i32
    %add3A_1237 = vector.broadcast %add3A_1236 : i32 to vector<16xi32>
    %add3A_1238 = arith.addi %add3A_1237, %iota3A : vector<16xi32>
    %mul3A_1239 = arith.constant 2048 : i32
    %mul3A_1240 = vector.broadcast %mul3A_1239 : i32 to vector<16xi32>
    %mul3A_1241 = arith.muli %add3A_1238, %mul3A_1240 : vector<16xi32>
    %add3A_1242 = arith.addi %mul3A_1241, %gather3A_1235 : vector<16xi32>
    tpu.vector_store_idx %arg6[%add3A_1242], %broadcast_in_dim3A_10 : memref<65536xf32, #tpu.memory_space<vmem>>[vector<16xi32>], vector<16xf32>,
    %add3A_1243 = arith.constant 648 : i32
    %add3A_1244 = vector.broadcast %add3A_1243 : i32 to vector<16xi32>
    %add3A_1245 = arith.addi %mul3A_7, %add3A_1244 : vector<16xi32>
    %gather3A_1246 = tpu.vector_load_idx %arg5[%add3A_1245] : memref<2560xi32, #tpu.memory_space<vmem>>[vector<16xi32>], vector<16xi32>,
    %add3A_1247 = arith.constant 16 : i32
    %add3A_1248 = vector.broadcast %add3A_1247 : i32 to vector<16xi32>
    %add3A_1249 = arith.addi %add3A_1248, %iota3A : vector<16xi32>
    %mul3A_1250 = arith.constant 2048 : i32
    %mul3A_1251 = vector.broadcast %mul3A_1250 : i32 to vector<16xi32>
    %mul3A_1252 = arith.muli %add3A_1249, %mul3A_1251 : vector<16xi32>
    %add3A_1253 = arith.addi %mul3A_1252, %gather3A_1246 : vector<16xi32>
    tpu.vector_store_idx %arg6[%add3A_1253], %broadcast_in_dim3A_10 : memref<65536xf32, #tpu.memory_space<vmem>>[vector<16xi32>], vector<16xf32>,
    %add3A_1254 = arith.constant 9 : i32
    %add3A_1255 = vector.broadcast %add3A_1254 : i32 to vector<16xi32>
    %add3A_1256 = arith.addi %mul3A_7, %add3A_1255 : vector<16xi32>
    %gather3A_1257 = tpu.vector_load_idx %arg5[%add3A_1256] : memref<2560xi32, #tpu.memory_space<vmem>>[vector<16xi32>], vector<16xi32>,
    %add3A_1258 = arith.constant 0 : i32
    %add3A_1259 = vector.broadcast %add3A_1258 : i32 to vector<16xi32>
    %add3A_1260 = arith.addi %add3A_1259, %iota3A : vector<16xi32>
    %mul3A_1261 = arith.constant 2048 : i32
    %mul3A_1262 = vector.broadcast %mul3A_1261 : i32 to vector<16xi32>
    %mul3A_1263 = arith.muli %add3A_1260, %mul3A_1262 : vector<16xi32>
    %add3A_1264 = arith.addi %mul3A_1263, %gather3A_1257 : vector<16xi32>
    tpu.vector_store_idx %arg6[%add3A_1264], %broadcast_in_dim3A_10 : memref<65536xf32, #tpu.memory_space<vmem>>[vector<16xi32>], vector<16xf32>,
    %add3A_1265 = arith.constant 649 : i32
    %add3A_1266 = vector.broadcast %add3A_1265 : i32 to vector<16xi32>
    %add3A_1267 = arith.addi %mul3A_7, %add3A_1266 : vector<16xi32>
    %gather3A_1268 = tpu.vector_load_idx %arg5[%add3A_1267] : memref<2560xi32, #tpu.memory_space<vmem>>[vector<16xi32>], vector<16xi32>,
    %add3A_1269 = arith.constant 16 : i32
    %add3A_1270 = vector.broadcast %add3A_1269 : i32 to vector<16xi32>
    %add3A_1271 = arith.addi %add3A_1270, %iota3A : vector<16xi32>
    %mul3A_1272 = arith.constant 2048 : i32
    %mul3A_1273 = vector.broadcast %mul3A_1272 : i32 to vector<16xi32>
    %mul3A_1274 = arith.muli %add3A_1271, %mul3A_1273 : vector<16xi32>
    %add3A_1275 = arith.addi %mul3A_1274, %gather3A_1268 : vector<16xi32>
    tpu.vector_store_idx %arg6[%add3A_1275], %broadcast_in_dim3A_10 : memref<65536xf32, #tpu.memory_space<vmem>>[vector<16xi32>], vector<16xf32>,
    %add3A_1276 = arith.constant 10 : i32
    %add3A_1277 = vector.broadcast %add3A_1276 : i32 to vector<16xi32>
    %add3A_1278 = arith.addi %mul3A_7, %add3A_1277 : vector<16xi32>
    %gather3A_1279 = tpu.vector_load_idx %arg5[%add3A_1278] : memref<2560xi32, #tpu.memory_space<vmem>>[vector<16xi32>], vector<16xi32>,
    %add3A_1280 = arith.constant 0 : i32
    %add3A_1281 = vector.broadcast %add3A_1280 : i32 to vector<16xi32>
    %add3A_1282 = arith.addi %add3A_1281, %iota3A : vector<16xi32>
    %mul3A_1283 = arith.constant 2048 : i32
    %mul3A_1284 = vector.broadcast %mul3A_1283 : i32 to vector<16xi32>
    %mul3A_1285 = arith.muli %add3A_1282, %mul3A_1284 : vector<16xi32>
    %add3A_1286 = arith.addi %mul3A_1285, %gather3A_1279 : vector<16xi32>
    tpu.vector_store_idx %arg6[%add3A_1286], %broadcast_in_dim3A_10 : memref<65536xf32, #tpu.memory_space<vmem>>[vector<16xi32>], vector<16xf32>,
    %add3A_1287 = arith.constant 650 : i32
    %add3A_1288 = vector.broadcast %add3A_1287 : i32 to vector<16xi32>
    %add3A_1289 = arith.addi %mul3A_7, %add3A_1288 : vector<16xi32>
    %gather3A_1290 = tpu.vector_load_idx %arg5[%add3A_1289] : memref<2560xi32, #tpu.memory_space<vmem>>[vector<16xi32>], vector<16xi32>,
    %add3A_1291 = arith.constant 16 : i32
    %add3A_1292 = vector.broadcast %add3A_1291 : i32 to vector<16xi32>
    %add3A_1293 = arith.addi %add3A_1292, %iota3A : vector<16xi32>
    %mul3A_1294 = arith.constant 2048 : i32
    %mul3A_1295 = vector.broadcast %mul3A_1294 : i32 to vector<16xi32>
    %mul3A_1296 = arith.muli %add3A_1293, %mul3A_1295 : vector<16xi32>
    %add3A_1297 = arith.addi %mul3A_1296, %gather3A_1290 : vector<16xi32>
    tpu.vector_store_idx %arg6[%add3A_1297], %broadcast_in_dim3A_10 : memref<65536xf32, #tpu.memory_space<vmem>>[vector<16xi32>], vector<16xf32>,
    %add3A_1298 = arith.constant 11 : i32
    %add3A_1299 = vector.broadcast %add3A_1298 : i32 to vector<16xi32>
    %add3A_1300 = arith.addi %mul3A_7, %add3A_1299 : vector<16xi32>
    %gather3A_1301 = tpu.vector_load_idx %arg5[%add3A_1300] : memref<2560xi32, #tpu.memory_space<vmem>>[vector<16xi32>], vector<16xi32>,
    %add3A_1302 = arith.constant 0 : i32
    %add3A_1303 = vector.broadcast %add3A_1302 : i32 to vector<16xi32>
    %add3A_1304 = arith.addi %add3A_1303, %iota3A : vector<16xi32>
    %mul3A_1305 = arith.constant 2048 : i32
    %mul3A_1306 = vector.broadcast %mul3A_1305 : i32 to vector<16xi32>
    %mul3A_1307 = arith.muli %add3A_1304, %mul3A_1306 : vector<16xi32>
    %add3A_1308 = arith.addi %mul3A_1307, %gather3A_1301 : vector<16xi32>
    tpu.vector_store_idx %arg6[%add3A_1308], %broadcast_in_dim3A_10 : memref<65536xf32, #tpu.memory_space<vmem>>[vector<16xi32>], vector<16xf32>,
    %add3A_1309 = arith.constant 651 : i32
    %add3A_1310 = vector.broadcast %add3A_1309 : i32 to vector<16xi32>
    %add3A_1311 = arith.addi %mul3A_7, %add3A_1310 : vector<16xi32>
    %gather3A_1312 = tpu.vector_load_idx %arg5[%add3A_1311] : memref<2560xi32, #tpu.memory_space<vmem>>[vector<16xi32>], vector<16xi32>,
    %add3A_1313 = arith.constant 16 : i32
    %add3A_1314 = vector.broadcast %add3A_1313 : i32 to vector<16xi32>
    %add3A_1315 = arith.addi %add3A_1314, %iota3A : vector<16xi32>
    %mul3A_1316 = arith.constant 2048 : i32
    %mul3A_1317 = vector.broadcast %mul3A_1316 : i32 to vector<16xi32>
    %mul3A_1318 = arith.muli %add3A_1315, %mul3A_1317 : vector<16xi32>
    %add3A_1319 = arith.addi %mul3A_1318, %gather3A_1312 : vector<16xi32>
    tpu.vector_store_idx %arg6[%add3A_1319], %broadcast_in_dim3A_10 : memref<65536xf32, #tpu.memory_space<vmem>>[vector<16xi32>], vector<16xf32>,
    %add3A_1320 = arith.constant 12 : i32
    %add3A_1321 = vector.broadcast %add3A_1320 : i32 to vector<16xi32>
    %add3A_1322 = arith.addi %mul3A_7, %add3A_1321 : vector<16xi32>
    %gather3A_1323 = tpu.vector_load_idx %arg5[%add3A_1322] : memref<2560xi32, #tpu.memory_space<vmem>>[vector<16xi32>], vector<16xi32>,
    %add3A_1324 = arith.constant 0 : i32
    %add3A_1325 = vector.broadcast %add3A_1324 : i32 to vector<16xi32>
    %add3A_1326 = arith.addi %add3A_1325, %iota3A : vector<16xi32>
    %mul3A_1327 = arith.constant 2048 : i32
    %mul3A_1328 = vector.broadcast %mul3A_1327 : i32 to vector<16xi32>
    %mul3A_1329 = arith.muli %add3A_1326, %mul3A_1328 : vector<16xi32>
    %add3A_1330 = arith.addi %mul3A_1329, %gather3A_1323 : vector<16xi32>
    tpu.vector_store_idx %arg6[%add3A_1330], %broadcast_in_dim3A_10 : memref<65536xf32, #tpu.memory_space<vmem>>[vector<16xi32>], vector<16xf32>,
    %add3A_1331 = arith.constant 652 : i32
    %add3A_1332 = vector.broadcast %add3A_1331 : i32 to vector<16xi32>
    %add3A_1333 = arith.addi %mul3A_7, %add3A_1332 : vector<16xi32>
    %gather3A_1334 = tpu.vector_load_idx %arg5[%add3A_1333] : memref<2560xi32, #tpu.memory_space<vmem>>[vector<16xi32>], vector<16xi32>,
    %add3A_1335 = arith.constant 16 : i32
    %add3A_1336 = vector.broadcast %add3A_1335 : i32 to vector<16xi32>
    %add3A_1337 = arith.addi %add3A_1336, %iota3A : vector<16xi32>
    %mul3A_1338 = arith.constant 2048 : i32
    %mul3A_1339 = vector.broadcast %mul3A_1338 : i32 to vector<16xi32>
    %mul3A_1340 = arith.muli %add3A_1337, %mul3A_1339 : vector<16xi32>
    %add3A_1341 = arith.addi %mul3A_1340, %gather3A_1334 : vector<16xi32>
    tpu.vector_store_idx %arg6[%add3A_1341], %broadcast_in_dim3A_10 : memref<65536xf32, #tpu.memory_space<vmem>>[vector<16xi32>], vector<16xf32>,
    %add3A_1342 = arith.constant 13 : i32
    %add3A_1343 = vector.broadcast %add3A_1342 : i32 to vector<16xi32>
    %add3A_1344 = arith.addi %mul3A_7, %add3A_1343 : vector<16xi32>
    %gather3A_1345 = tpu.vector_load_idx %arg5[%add3A_1344] : memref<2560xi32, #tpu.memory_space<vmem>>[vector<16xi32>], vector<16xi32>,
    %add3A_1346 = arith.constant 0 : i32
    %add3A_1347 = vector.broadcast %add3A_1346 : i32 to vector<16xi32>
    %add3A_1348 = arith.addi %add3A_1347, %iota3A : vector<16xi32>
    %mul3A_1349 = arith.constant 2048 : i32
    %mul3A_1350 = vector.broadcast %mul3A_1349 : i32 to vector<16xi32>
    %mul3A_1351 = arith.muli %add3A_1348, %mul3A_1350 : vector<16xi32>
    %add3A_1352 = arith.addi %mul3A_1351, %gather3A_1345 : vector<16xi32>
    tpu.vector_store_idx %arg6[%add3A_1352], %broadcast_in_dim3A_10 : memref<65536xf32, #tpu.memory_space<vmem>>[vector<16xi32>], vector<16xf32>,
    %add3A_1353 = arith.constant 653 : i32
    %add3A_1354 = vector.broadcast %add3A_1353 : i32 to vector<16xi32>
    %add3A_1355 = arith.addi %mul3A_7, %add3A_1354 : vector<16xi32>
    %gather3A_1356 = tpu.vector_load_idx %arg5[%add3A_1355] : memref<2560xi32, #tpu.memory_space<vmem>>[vector<16xi32>], vector<16xi32>,
    %add3A_1357 = arith.constant 16 : i32
    %add3A_1358 = vector.broadcast %add3A_1357 : i32 to vector<16xi32>
    %add3A_1359 = arith.addi %add3A_1358, %iota3A : vector<16xi32>
    %mul3A_1360 = arith.constant 2048 : i32
    %mul3A_1361 = vector.broadcast %mul3A_1360 : i32 to vector<16xi32>
    %mul3A_1362 = arith.muli %add3A_1359, %mul3A_1361 : vector<16xi32>
    %add3A_1363 = arith.addi %mul3A_1362, %gather3A_1356 : vector<16xi32>
    tpu.vector_store_idx %arg6[%add3A_1363], %broadcast_in_dim3A_10 : memref<65536xf32, #tpu.memory_space<vmem>>[vector<16xi32>], vector<16xf32>,
    %add3A_1364 = arith.constant 14 : i32
    %add3A_1365 = vector.broadcast %add3A_1364 : i32 to vector<16xi32>
    %add3A_1366 = arith.addi %mul3A_7, %add3A_1365 : vector<16xi32>
    %gather3A_1367 = tpu.vector_load_idx %arg5[%add3A_1366] : memref<2560xi32, #tpu.memory_space<vmem>>[vector<16xi32>], vector<16xi32>,
    %add3A_1368 = arith.constant 0 : i32
    %add3A_1369 = vector.broadcast %add3A_1368 : i32 to vector<16xi32>
    %add3A_1370 = arith.addi %add3A_1369, %iota3A : vector<16xi32>
    %mul3A_1371 = arith.constant 2048 : i32
    %mul3A_1372 = vector.broadcast %mul3A_1371 : i32 to vector<16xi32>
    %mul3A_1373 = arith.muli %add3A_1370, %mul3A_1372 : vector<16xi32>
    %add3A_1374 = arith.addi %mul3A_1373, %gather3A_1367 : vector<16xi32>
    tpu.vector_store_idx %arg6[%add3A_1374], %broadcast_in_dim3A_10 : memref<65536xf32, #tpu.memory_space<vmem>>[vector<16xi32>], vector<16xf32>,
    %add3A_1375 = arith.constant 654 : i32
    %add3A_1376 = vector.broadcast %add3A_1375 : i32 to vector<16xi32>
    %add3A_1377 = arith.addi %mul3A_7, %add3A_1376 : vector<16xi32>
    %gather3A_1378 = tpu.vector_load_idx %arg5[%add3A_1377] : memref<2560xi32, #tpu.memory_space<vmem>>[vector<16xi32>], vector<16xi32>,
    %add3A_1379 = arith.constant 16 : i32
    %add3A_1380 = vector.broadcast %add3A_1379 : i32 to vector<16xi32>
    %add3A_1381 = arith.addi %add3A_1380, %iota3A : vector<16xi32>
    %mul3A_1382 = arith.constant 2048 : i32
    %mul3A_1383 = vector.broadcast %mul3A_1382 : i32 to vector<16xi32>
    %mul3A_1384 = arith.muli %add3A_1381, %mul3A_1383 : vector<16xi32>
    %add3A_1385 = arith.addi %mul3A_1384, %gather3A_1378 : vector<16xi32>
    tpu.vector_store_idx %arg6[%add3A_1385], %broadcast_in_dim3A_10 : memref<65536xf32, #tpu.memory_space<vmem>>[vector<16xi32>], vector<16xf32>,
    %add3A_1386 = arith.constant 15 : i32
    %add3A_1387 = vector.broadcast %add3A_1386 : i32 to vector<16xi32>
    %add3A_1388 = arith.addi %mul3A_7, %add3A_1387 : vector<16xi32>
    %gather3A_1389 = tpu.vector_load_idx %arg5[%add3A_1388] : memref<2560xi32, #tpu.memory_space<vmem>>[vector<16xi32>], vector<16xi32>,
    %add3A_1390 = arith.constant 0 : i32
    %add3A_1391 = vector.broadcast %add3A_1390 : i32 to vector<16xi32>
    %add3A_1392 = arith.addi %add3A_1391, %iota3A : vector<16xi32>
    %mul3A_1393 = arith.constant 2048 : i32
    %mul3A_1394 = vector.broadcast %mul3A_1393 : i32 to vector<16xi32>
    %mul3A_1395 = arith.muli %add3A_1392, %mul3A_1394 : vector<16xi32>
    %add3A_1396 = arith.addi %mul3A_1395, %gather3A_1389 : vector<16xi32>
    tpu.vector_store_idx %arg6[%add3A_1396], %broadcast_in_dim3A_10 : memref<65536xf32, #tpu.memory_space<vmem>>[vector<16xi32>], vector<16xf32>,
    %add3A_1397 = arith.constant 655 : i32
    %add3A_1398 = vector.broadcast %add3A_1397 : i32 to vector<16xi32>
    %add3A_1399 = arith.addi %mul3A_7, %add3A_1398 : vector<16xi32>
    %gather3A_1400 = tpu.vector_load_idx %arg5[%add3A_1399] : memref<2560xi32, #tpu.memory_space<vmem>>[vector<16xi32>], vector<16xi32>,
    %add3A_1401 = arith.constant 16 : i32
    %add3A_1402 = vector.broadcast %add3A_1401 : i32 to vector<16xi32>
    %add3A_1403 = arith.addi %add3A_1402, %iota3A : vector<16xi32>
    %mul3A_1404 = arith.constant 2048 : i32
    %mul3A_1405 = vector.broadcast %mul3A_1404 : i32 to vector<16xi32>
    %mul3A_1406 = arith.muli %add3A_1403, %mul3A_1405 : vector<16xi32>
    %add3A_1407 = arith.addi %mul3A_1406, %gather3A_1400 : vector<16xi32>
    tpu.vector_store_idx %arg6[%add3A_1407], %broadcast_in_dim3A_10 : memref<65536xf32, #tpu.memory_space<vmem>>[vector<16xi32>], vector<16xf32>,
    %add3A_1408 = arith.constant 16 : i32
    %add3A_1409 = vector.broadcast %add3A_1408 : i32 to vector<16xi32>
    %add3A_1410 = arith.addi %mul3A_7, %add3A_1409 : vector<16xi32>
    %gather3A_1411 = tpu.vector_load_idx %arg5[%add3A_1410] : memref<2560xi32, #tpu.memory_space<vmem>>[vector<16xi32>], vector<16xi32>,
    %add3A_1412 = arith.constant 0 : i32
    %add3A_1413 = vector.broadcast %add3A_1412 : i32 to vector<16xi32>
    %add3A_1414 = arith.addi %add3A_1413, %iota3A : vector<16xi32>
    %mul3A_1415 = arith.constant 2048 : i32
    %mul3A_1416 = vector.broadcast %mul3A_1415 : i32 to vector<16xi32>
    %mul3A_1417 = arith.muli %add3A_1414, %mul3A_1416 : vector<16xi32>
    %add3A_1418 = arith.addi %mul3A_1417, %gather3A_1411 : vector<16xi32>
    tpu.vector_store_idx %arg6[%add3A_1418], %broadcast_in_dim3A_10 : memref<65536xf32, #tpu.memory_space<vmem>>[vector<16xi32>], vector<16xf32>,
    %add3A_1419 = arith.constant 656 : i32
    %add3A_1420 = vector.broadcast %add3A_1419 : i32 to vector<16xi32>
    %add3A_1421 = arith.addi %mul3A_7, %add3A_1420 : vector<16xi32>
    %gather3A_1422 = tpu.vector_load_idx %arg5[%add3A_1421] : memref<2560xi32, #tpu.memory_space<vmem>>[vector<16xi32>], vector<16xi32>,
    %add3A_1423 = arith.constant 16 : i32
    %add3A_1424 = vector.broadcast %add3A_1423 : i32 to vector<16xi32>
    %add3A_1425 = arith.addi %add3A_1424, %iota3A : vector<16xi32>
    %mul3A_1426 = arith.constant 2048 : i32
    %mul3A_1427 = vector.broadcast %mul3A_1426 : i32 to vector<16xi32>
    %mul3A_1428 = arith.muli %add3A_1425, %mul3A_1427 : vector<16xi32>
    %add3A_1429 = arith.addi %mul3A_1428, %gather3A_1422 : vector<16xi32>
    tpu.vector_store_idx %arg6[%add3A_1429], %broadcast_in_dim3A_10 : memref<65536xf32, #tpu.memory_space<vmem>>[vector<16xi32>], vector<16xf32>,
    %add3A_1430 = arith.constant 17 : i32
    %add3A_1431 = vector.broadcast %add3A_1430 : i32 to vector<16xi32>
    %add3A_1432 = arith.addi %mul3A_7, %add3A_1431 : vector<16xi32>
    %gather3A_1433 = tpu.vector_load_idx %arg5[%add3A_1432] : memref<2560xi32, #tpu.memory_space<vmem>>[vector<16xi32>], vector<16xi32>,
    %add3A_1434 = arith.constant 0 : i32
    %add3A_1435 = vector.broadcast %add3A_1434 : i32 to vector<16xi32>
    %add3A_1436 = arith.addi %add3A_1435, %iota3A : vector<16xi32>
    %mul3A_1437 = arith.constant 2048 : i32
    %mul3A_1438 = vector.broadcast %mul3A_1437 : i32 to vector<16xi32>
    %mul3A_1439 = arith.muli %add3A_1436, %mul3A_1438 : vector<16xi32>
    %add3A_1440 = arith.addi %mul3A_1439, %gather3A_1433 : vector<16xi32>
    tpu.vector_store_idx %arg6[%add3A_1440], %broadcast_in_dim3A_10 : memref<65536xf32, #tpu.memory_space<vmem>>[vector<16xi32>], vector<16xf32>,
    %add3A_1441 = arith.constant 657 : i32
    %add3A_1442 = vector.broadcast %add3A_1441 : i32 to vector<16xi32>
    %add3A_1443 = arith.addi %mul3A_7, %add3A_1442 : vector<16xi32>
    %gather3A_1444 = tpu.vector_load_idx %arg5[%add3A_1443] : memref<2560xi32, #tpu.memory_space<vmem>>[vector<16xi32>], vector<16xi32>,
    %add3A_1445 = arith.constant 16 : i32
    %add3A_1446 = vector.broadcast %add3A_1445 : i32 to vector<16xi32>
    %add3A_1447 = arith.addi %add3A_1446, %iota3A : vector<16xi32>
    %mul3A_1448 = arith.constant 2048 : i32
    %mul3A_1449 = vector.broadcast %mul3A_1448 : i32 to vector<16xi32>
    %mul3A_1450 = arith.muli %add3A_1447, %mul3A_1449 : vector<16xi32>
    %add3A_1451 = arith.addi %mul3A_1450, %gather3A_1444 : vector<16xi32>
    tpu.vector_store_idx %arg6[%add3A_1451], %broadcast_in_dim3A_10 : memref<65536xf32, #tpu.memory_space<vmem>>[vector<16xi32>], vector<16xf32>,
    %add3A_1452 = arith.constant 18 : i32
    %add3A_1453 = vector.broadcast %add3A_1452 : i32 to vector<16xi32>
    %add3A_1454 = arith.addi %mul3A_7, %add3A_1453 : vector<16xi32>
    %gather3A_1455 = tpu.vector_load_idx %arg5[%add3A_1454] : memref<2560xi32, #tpu.memory_space<vmem>>[vector<16xi32>], vector<16xi32>,
    %add3A_1456 = arith.constant 0 : i32
    %add3A_1457 = vector.broadcast %add3A_1456 : i32 to vector<16xi32>
    %add3A_1458 = arith.addi %add3A_1457, %iota3A : vector<16xi32>
    %mul3A_1459 = arith.constant 2048 : i32
    %mul3A_1460 = vector.broadcast %mul3A_1459 : i32 to vector<16xi32>
    %mul3A_1461 = arith.muli %add3A_1458, %mul3A_1460 : vector<16xi32>
    %add3A_1462 = arith.addi %mul3A_1461, %gather3A_1455 : vector<16xi32>
    tpu.vector_store_idx %arg6[%add3A_1462], %broadcast_in_dim3A_10 : memref<65536xf32, #tpu.memory_space<vmem>>[vector<16xi32>], vector<16xf32>,
    %add3A_1463 = arith.constant 658 : i32
    %add3A_1464 = vector.broadcast %add3A_1463 : i32 to vector<16xi32>
    %add3A_1465 = arith.addi %mul3A_7, %add3A_1464 : vector<16xi32>
    %gather3A_1466 = tpu.vector_load_idx %arg5[%add3A_1465] : memref<2560xi32, #tpu.memory_space<vmem>>[vector<16xi32>], vector<16xi32>,
    %add3A_1467 = arith.constant 16 : i32
    %add3A_1468 = vector.broadcast %add3A_1467 : i32 to vector<16xi32>
    %add3A_1469 = arith.addi %add3A_1468, %iota3A : vector<16xi32>
    %mul3A_1470 = arith.constant 2048 : i32
    %mul3A_1471 = vector.broadcast %mul3A_1470 : i32 to vector<16xi32>
    %mul3A_1472 = arith.muli %add3A_1469, %mul3A_1471 : vector<16xi32>
    %add3A_1473 = arith.addi %mul3A_1472, %gather3A_1466 : vector<16xi32>
    tpu.vector_store_idx %arg6[%add3A_1473], %broadcast_in_dim3A_10 : memref<65536xf32, #tpu.memory_space<vmem>>[vector<16xi32>], vector<16xf32>,
    %add3A_1474 = arith.constant 19 : i32
    %add3A_1475 = vector.broadcast %add3A_1474 : i32 to vector<16xi32>
    %add3A_1476 = arith.addi %mul3A_7, %add3A_1475 : vector<16xi32>
    %gather3A_1477 = tpu.vector_load_idx %arg5[%add3A_1476] : memref<2560xi32, #tpu.memory_space<vmem>>[vector<16xi32>], vector<16xi32>,
    %add3A_1478 = arith.constant 0 : i32
    %add3A_1479 = vector.broadcast %add3A_1478 : i32 to vector<16xi32>
    %add3A_1480 = arith.addi %add3A_1479, %iota3A : vector<16xi32>
    %mul3A_1481 = arith.constant 2048 : i32
    %mul3A_1482 = vector.broadcast %mul3A_1481 : i32 to vector<16xi32>
    %mul3A_1483 = arith.muli %add3A_1480, %mul3A_1482 : vector<16xi32>
    %add3A_1484 = arith.addi %mul3A_1483, %gather3A_1477 : vector<16xi32>
    tpu.vector_store_idx %arg6[%add3A_1484], %broadcast_in_dim3A_10 : memref<65536xf32, #tpu.memory_space<vmem>>[vector<16xi32>], vector<16xf32>,
    %add3A_1485 = arith.constant 659 : i32
    %add3A_1486 = vector.broadcast %add3A_1485 : i32 to vector<16xi32>
    %add3A_1487 = arith.addi %mul3A_7, %add3A_1486 : vector<16xi32>
    %gather3A_1488 = tpu.vector_load_idx %arg5[%add3A_1487] : memref<2560xi32, #tpu.memory_space<vmem>>[vector<16xi32>], vector<16xi32>,
    %add3A_1489 = arith.constant 16 : i32
    %add3A_1490 = vector.broadcast %add3A_1489 : i32 to vector<16xi32>
    %add3A_1491 = arith.addi %add3A_1490, %iota3A : vector<16xi32>
    %mul3A_1492 = arith.constant 2048 : i32
    %mul3A_1493 = vector.broadcast %mul3A_1492 : i32 to vector<16xi32>
    %mul3A_1494 = arith.muli %add3A_1491, %mul3A_1493 : vector<16xi32>
    %add3A_1495 = arith.addi %mul3A_1494, %gather3A_1488 : vector<16xi32>
    tpu.vector_store_idx %arg6[%add3A_1495], %broadcast_in_dim3A_10 : memref<65536xf32, #tpu.memory_space<vmem>>[vector<16xi32>], vector<16xf32>,
    %add3A_1496 = arith.constant 20 : i32
    %add3A_1497 = vector.broadcast %add3A_1496 : i32 to vector<16xi32>
    %add3A_1498 = arith.addi %mul3A_7, %add3A_1497 : vector<16xi32>
    %gather3A_1499 = tpu.vector_load_idx %arg5[%add3A_1498] : memref<2560xi32, #tpu.memory_space<vmem>>[vector<16xi32>], vector<16xi32>,
    %add3A_1500 = arith.constant 0 : i32
    %add3A_1501 = vector.broadcast %add3A_1500 : i32 to vector<16xi32>
    %add3A_1502 = arith.addi %add3A_1501, %iota3A : vector<16xi32>
    %mul3A_1503 = arith.constant 2048 : i32
    %mul3A_1504 = vector.broadcast %mul3A_1503 : i32 to vector<16xi32>
    %mul3A_1505 = arith.muli %add3A_1502, %mul3A_1504 : vector<16xi32>
    %add3A_1506 = arith.addi %mul3A_1505, %gather3A_1499 : vector<16xi32>
    tpu.vector_store_idx %arg6[%add3A_1506], %broadcast_in_dim3A_10 : memref<65536xf32, #tpu.memory_space<vmem>>[vector<16xi32>], vector<16xf32>,
    %add3A_1507 = arith.constant 660 : i32
    %add3A_1508 = vector.broadcast %add3A_1507 : i32 to vector<16xi32>
    %add3A_1509 = arith.addi %mul3A_7, %add3A_1508 : vector<16xi32>
    %gather3A_1510 = tpu.vector_load_idx %arg5[%add3A_1509] : memref<2560xi32, #tpu.memory_space<vmem>>[vector<16xi32>], vector<16xi32>,
    %add3A_1511 = arith.constant 16 : i32
    %add3A_1512 = vector.broadcast %add3A_1511 : i32 to vector<16xi32>
    %add3A_1513 = arith.addi %add3A_1512, %iota3A : vector<16xi32>
    %mul3A_1514 = arith.constant 2048 : i32
    %mul3A_1515 = vector.broadcast %mul3A_1514 : i32 to vector<16xi32>
    %mul3A_1516 = arith.muli %add3A_1513, %mul3A_1515 : vector<16xi32>
    %add3A_1517 = arith.addi %mul3A_1516, %gather3A_1510 : vector<16xi32>
    tpu.vector_store_idx %arg6[%add3A_1517], %broadcast_in_dim3A_10 : memref<65536xf32, #tpu.memory_space<vmem>>[vector<16xi32>], vector<16xf32>,
    %add3A_1518 = arith.constant 21 : i32
    %add3A_1519 = vector.broadcast %add3A_1518 : i32 to vector<16xi32>
    %add3A_1520 = arith.addi %mul3A_7, %add3A_1519 : vector<16xi32>
    %gather3A_1521 = tpu.vector_load_idx %arg5[%add3A_1520] : memref<2560xi32, #tpu.memory_space<vmem>>[vector<16xi32>], vector<16xi32>,
    %add3A_1522 = arith.constant 0 : i32
    %add3A_1523 = vector.broadcast %add3A_1522 : i32 to vector<16xi32>
    %add3A_1524 = arith.addi %add3A_1523, %iota3A : vector<16xi32>
    %mul3A_1525 = arith.constant 2048 : i32
    %mul3A_1526 = vector.broadcast %mul3A_1525 : i32 to vector<16xi32>
    %mul3A_1527 = arith.muli %add3A_1524, %mul3A_1526 : vector<16xi32>
    %add3A_1528 = arith.addi %mul3A_1527, %gather3A_1521 : vector<16xi32>
    tpu.vector_store_idx %arg6[%add3A_1528], %broadcast_in_dim3A_10 : memref<65536xf32, #tpu.memory_space<vmem>>[vector<16xi32>], vector<16xf32>,
    %add3A_1529 = arith.constant 661 : i32
    %add3A_1530 = vector.broadcast %add3A_1529 : i32 to vector<16xi32>
    %add3A_1531 = arith.addi %mul3A_7, %add3A_1530 : vector<16xi32>
    %gather3A_1532 = tpu.vector_load_idx %arg5[%add3A_1531] : memref<2560xi32, #tpu.memory_space<vmem>>[vector<16xi32>], vector<16xi32>,
    %add3A_1533 = arith.constant 16 : i32
    %add3A_1534 = vector.broadcast %add3A_1533 : i32 to vector<16xi32>
    %add3A_1535 = arith.addi %add3A_1534, %iota3A : vector<16xi32>
    %mul3A_1536 = arith.constant 2048 : i32
    %mul3A_1537 = vector.broadcast %mul3A_1536 : i32 to vector<16xi32>
    %mul3A_1538 = arith.muli %add3A_1535, %mul3A_1537 : vector<16xi32>
    %add3A_1539 = arith.addi %mul3A_1538, %gather3A_1532 : vector<16xi32>
    tpu.vector_store_idx %arg6[%add3A_1539], %broadcast_in_dim3A_10 : memref<65536xf32, #tpu.memory_space<vmem>>[vector<16xi32>], vector<16xf32>,
    %add3A_1540 = arith.constant 22 : i32
    %add3A_1541 = vector.broadcast %add3A_1540 : i32 to vector<16xi32>
    %add3A_1542 = arith.addi %mul3A_7, %add3A_1541 : vector<16xi32>
    %gather3A_1543 = tpu.vector_load_idx %arg5[%add3A_1542] : memref<2560xi32, #tpu.memory_space<vmem>>[vector<16xi32>], vector<16xi32>,
    %add3A_1544 = arith.constant 0 : i32
    %add3A_1545 = vector.broadcast %add3A_1544 : i32 to vector<16xi32>
    %add3A_1546 = arith.addi %add3A_1545, %iota3A : vector<16xi32>
    %mul3A_1547 = arith.constant 2048 : i32
    %mul3A_1548 = vector.broadcast %mul3A_1547 : i32 to vector<16xi32>
    %mul3A_1549 = arith.muli %add3A_1546, %mul3A_1548 : vector<16xi32>
    %add3A_1550 = arith.addi %mul3A_1549, %gather3A_1543 : vector<16xi32>
    tpu.vector_store_idx %arg6[%add3A_1550], %broadcast_in_dim3A_10 : memref<65536xf32, #tpu.memory_space<vmem>>[vector<16xi32>], vector<16xf32>,
    %add3A_1551 = arith.constant 662 : i32
    %add3A_1552 = vector.broadcast %add3A_1551 : i32 to vector<16xi32>
    %add3A_1553 = arith.addi %mul3A_7, %add3A_1552 : vector<16xi32>
    %gather3A_1554 = tpu.vector_load_idx %arg5[%add3A_1553] : memref<2560xi32, #tpu.memory_space<vmem>>[vector<16xi32>], vector<16xi32>,
    %add3A_1555 = arith.constant 16 : i32
    %add3A_1556 = vector.broadcast %add3A_1555 : i32 to vector<16xi32>
    %add3A_1557 = arith.addi %add3A_1556, %iota3A : vector<16xi32>
    %mul3A_1558 = arith.constant 2048 : i32
    %mul3A_1559 = vector.broadcast %mul3A_1558 : i32 to vector<16xi32>
    %mul3A_1560 = arith.muli %add3A_1557, %mul3A_1559 : vector<16xi32>
    %add3A_1561 = arith.addi %mul3A_1560, %gather3A_1554 : vector<16xi32>
    tpu.vector_store_idx %arg6[%add3A_1561], %broadcast_in_dim3A_10 : memref<65536xf32, #tpu.memory_space<vmem>>[vector<16xi32>], vector<16xf32>,
    %add3A_1562 = arith.constant 23 : i32
    %add3A_1563 = vector.broadcast %add3A_1562 : i32 to vector<16xi32>
    %add3A_1564 = arith.addi %mul3A_7, %add3A_1563 : vector<16xi32>
    %gather3A_1565 = tpu.vector_load_idx %arg5[%add3A_1564] : memref<2560xi32, #tpu.memory_space<vmem>>[vector<16xi32>], vector<16xi32>,
    %add3A_1566 = arith.constant 0 : i32
    %add3A_1567 = vector.broadcast %add3A_1566 : i32 to vector<16xi32>
    %add3A_1568 = arith.addi %add3A_1567, %iota3A : vector<16xi32>
    %mul3A_1569 = arith.constant 2048 : i32
    %mul3A_1570 = vector.broadcast %mul3A_1569 : i32 to vector<16xi32>
    %mul3A_1571 = arith.muli %add3A_1568, %mul3A_1570 : vector<16xi32>
    %add3A_1572 = arith.addi %mul3A_1571, %gather3A_1565 : vector<16xi32>
    tpu.vector_store_idx %arg6[%add3A_1572], %broadcast_in_dim3A_10 : memref<65536xf32, #tpu.memory_space<vmem>>[vector<16xi32>], vector<16xf32>,
    %add3A_1573 = arith.constant 663 : i32
    %add3A_1574 = vector.broadcast %add3A_1573 : i32 to vector<16xi32>
    %add3A_1575 = arith.addi %mul3A_7, %add3A_1574 : vector<16xi32>
    %gather3A_1576 = tpu.vector_load_idx %arg5[%add3A_1575] : memref<2560xi32, #tpu.memory_space<vmem>>[vector<16xi32>], vector<16xi32>,
    %add3A_1577 = arith.constant 16 : i32
    %add3A_1578 = vector.broadcast %add3A_1577 : i32 to vector<16xi32>
    %add3A_1579 = arith.addi %add3A_1578, %iota3A : vector<16xi32>
    %mul3A_1580 = arith.constant 2048 : i32
    %mul3A_1581 = vector.broadcast %mul3A_1580 : i32 to vector<16xi32>
    %mul3A_1582 = arith.muli %add3A_1579, %mul3A_1581 : vector<16xi32>
    %add3A_1583 = arith.addi %mul3A_1582, %gather3A_1576 : vector<16xi32>
    tpu.vector_store_idx %arg6[%add3A_1583], %broadcast_in_dim3A_10 : memref<65536xf32, #tpu.memory_space<vmem>>[vector<16xi32>], vector<16xf32>,
    %add3A_1584 = arith.constant 24 : i32
    %add3A_1585 = vector.broadcast %add3A_1584 : i32 to vector<16xi32>
    %add3A_1586 = arith.addi %mul3A_7, %add3A_1585 : vector<16xi32>
    %gather3A_1587 = tpu.vector_load_idx %arg5[%add3A_1586] : memref<2560xi32, #tpu.memory_space<vmem>>[vector<16xi32>], vector<16xi32>,
    %add3A_1588 = arith.constant 0 : i32
    %add3A_1589 = vector.broadcast %add3A_1588 : i32 to vector<16xi32>
    %add3A_1590 = arith.addi %add3A_1589, %iota3A : vector<16xi32>
    %mul3A_1591 = arith.constant 2048 : i32
    %mul3A_1592 = vector.broadcast %mul3A_1591 : i32 to vector<16xi32>
    %mul3A_1593 = arith.muli %add3A_1590, %mul3A_1592 : vector<16xi32>
    %add3A_1594 = arith.addi %mul3A_1593, %gather3A_1587 : vector<16xi32>
    tpu.vector_store_idx %arg6[%add3A_1594], %broadcast_in_dim3A_10 : memref<65536xf32, #tpu.memory_space<vmem>>[vector<16xi32>], vector<16xf32>,
    %add3A_1595 = arith.constant 664 : i32
    %add3A_1596 = vector.broadcast %add3A_1595 : i32 to vector<16xi32>
    %add3A_1597 = arith.addi %mul3A_7, %add3A_1596 : vector<16xi32>
    %gather3A_1598 = tpu.vector_load_idx %arg5[%add3A_1597] : memref<2560xi32, #tpu.memory_space<vmem>>[vector<16xi32>], vector<16xi32>,
    %add3A_1599 = arith.constant 16 : i32
    %add3A_1600 = vector.broadcast %add3A_1599 : i32 to vector<16xi32>
    %add3A_1601 = arith.addi %add3A_1600, %iota3A : vector<16xi32>
    %mul3A_1602 = arith.constant 2048 : i32
    %mul3A_1603 = vector.broadcast %mul3A_1602 : i32 to vector<16xi32>
    %mul3A_1604 = arith.muli %add3A_1601, %mul3A_1603 : vector<16xi32>
    %add3A_1605 = arith.addi %mul3A_1604, %gather3A_1598 : vector<16xi32>
    tpu.vector_store_idx %arg6[%add3A_1605], %broadcast_in_dim3A_10 : memref<65536xf32, #tpu.memory_space<vmem>>[vector<16xi32>], vector<16xf32>,
    %add3A_1606 = arith.constant 25 : i32
    %add3A_1607 = vector.broadcast %add3A_1606 : i32 to vector<16xi32>
    %add3A_1608 = arith.addi %mul3A_7, %add3A_1607 : vector<16xi32>
    %gather3A_1609 = tpu.vector_load_idx %arg5[%add3A_1608] : memref<2560xi32, #tpu.memory_space<vmem>>[vector<16xi32>], vector<16xi32>,
    %add3A_1610 = arith.constant 0 : i32
    %add3A_1611 = vector.broadcast %add3A_1610 : i32 to vector<16xi32>
    %add3A_1612 = arith.addi %add3A_1611, %iota3A : vector<16xi32>
    %mul3A_1613 = arith.constant 2048 : i32
    %mul3A_1614 = vector.broadcast %mul3A_1613 : i32 to vector<16xi32>
    %mul3A_1615 = arith.muli %add3A_1612, %mul3A_1614 : vector<16xi32>
    %add3A_1616 = arith.addi %mul3A_1615, %gather3A_1609 : vector<16xi32>
    tpu.vector_store_idx %arg6[%add3A_1616], %broadcast_in_dim3A_10 : memref<65536xf32, #tpu.memory_space<vmem>>[vector<16xi32>], vector<16xf32>,
    %add3A_1617 = arith.constant 665 : i32
    %add3A_1618 = vector.broadcast %add3A_1617 : i32 to vector<16xi32>
    %add3A_1619 = arith.addi %mul3A_7, %add3A_1618 : vector<16xi32>
    %gather3A_1620 = tpu.vector_load_idx %arg5[%add3A_1619] : memref<2560xi32, #tpu.memory_space<vmem>>[vector<16xi32>], vector<16xi32>,
    %add3A_1621 = arith.constant 16 : i32
    %add3A_1622 = vector.broadcast %add3A_1621 : i32 to vector<16xi32>
    %add3A_1623 = arith.addi %add3A_1622, %iota3A : vector<16xi32>
    %mul3A_1624 = arith.constant 2048 : i32
    %mul3A_1625 = vector.broadcast %mul3A_1624 : i32 to vector<16xi32>
    %mul3A_1626 = arith.muli %add3A_1623, %mul3A_1625 : vector<16xi32>
    %add3A_1627 = arith.addi %mul3A_1626, %gather3A_1620 : vector<16xi32>
    tpu.vector_store_idx %arg6[%add3A_1627], %broadcast_in_dim3A_10 : memref<65536xf32, #tpu.memory_space<vmem>>[vector<16xi32>], vector<16xf32>,
    %add3A_1628 = arith.constant 26 : i32
    %add3A_1629 = vector.broadcast %add3A_1628 : i32 to vector<16xi32>
    %add3A_1630 = arith.addi %mul3A_7, %add3A_1629 : vector<16xi32>
    %gather3A_1631 = tpu.vector_load_idx %arg5[%add3A_1630] : memref<2560xi32, #tpu.memory_space<vmem>>[vector<16xi32>], vector<16xi32>,
    %add3A_1632 = arith.constant 0 : i32
    %add3A_1633 = vector.broadcast %add3A_1632 : i32 to vector<16xi32>
    %add3A_1634 = arith.addi %add3A_1633, %iota3A : vector<16xi32>
    %mul3A_1635 = arith.constant 2048 : i32
    %mul3A_1636 = vector.broadcast %mul3A_1635 : i32 to vector<16xi32>
    %mul3A_1637 = arith.muli %add3A_1634, %mul3A_1636 : vector<16xi32>
    %add3A_1638 = arith.addi %mul3A_1637, %gather3A_1631 : vector<16xi32>
    tpu.vector_store_idx %arg6[%add3A_1638], %broadcast_in_dim3A_10 : memref<65536xf32, #tpu.memory_space<vmem>>[vector<16xi32>], vector<16xf32>,
    %add3A_1639 = arith.constant 666 : i32
    %add3A_1640 = vector.broadcast %add3A_1639 : i32 to vector<16xi32>
    %add3A_1641 = arith.addi %mul3A_7, %add3A_1640 : vector<16xi32>
    %gather3A_1642 = tpu.vector_load_idx %arg5[%add3A_1641] : memref<2560xi32, #tpu.memory_space<vmem>>[vector<16xi32>], vector<16xi32>,
    %add3A_1643 = arith.constant 16 : i32
    %add3A_1644 = vector.broadcast %add3A_1643 : i32 to vector<16xi32>
    %add3A_1645 = arith.addi %add3A_1644, %iota3A : vector<16xi32>
    %mul3A_1646 = arith.constant 2048 : i32
    %mul3A_1647 = vector.broadcast %mul3A_1646 : i32 to vector<16xi32>
    %mul3A_1648 = arith.muli %add3A_1645, %mul3A_1647 : vector<16xi32>
    %add3A_1649 = arith.addi %mul3A_1648, %gather3A_1642 : vector<16xi32>
    tpu.vector_store_idx %arg6[%add3A_1649], %broadcast_in_dim3A_10 : memref<65536xf32, #tpu.memory_space<vmem>>[vector<16xi32>], vector<16xf32>,
    %add3A_1650 = arith.constant 27 : i32
    %add3A_1651 = vector.broadcast %add3A_1650 : i32 to vector<16xi32>
    %add3A_1652 = arith.addi %mul3A_7, %add3A_1651 : vector<16xi32>
    %gather3A_1653 = tpu.vector_load_idx %arg5[%add3A_1652] : memref<2560xi32, #tpu.memory_space<vmem>>[vector<16xi32>], vector<16xi32>,
    %add3A_1654 = arith.constant 0 : i32
    %add3A_1655 = vector.broadcast %add3A_1654 : i32 to vector<16xi32>
    %add3A_1656 = arith.addi %add3A_1655, %iota3A : vector<16xi32>
    %mul3A_1657 = arith.constant 2048 : i32
    %mul3A_1658 = vector.broadcast %mul3A_1657 : i32 to vector<16xi32>
    %mul3A_1659 = arith.muli %add3A_1656, %mul3A_1658 : vector<16xi32>
    %add3A_1660 = arith.addi %mul3A_1659, %gather3A_1653 : vector<16xi32>
    tpu.vector_store_idx %arg6[%add3A_1660], %broadcast_in_dim3A_10 : memref<65536xf32, #tpu.memory_space<vmem>>[vector<16xi32>], vector<16xf32>,
    %add3A_1661 = arith.constant 667 : i32
    %add3A_1662 = vector.broadcast %add3A_1661 : i32 to vector<16xi32>
    %add3A_1663 = arith.addi %mul3A_7, %add3A_1662 : vector<16xi32>
    %gather3A_1664 = tpu.vector_load_idx %arg5[%add3A_1663] : memref<2560xi32, #tpu.memory_space<vmem>>[vector<16xi32>], vector<16xi32>,
    %add3A_1665 = arith.constant 16 : i32
    %add3A_1666 = vector.broadcast %add3A_1665 : i32 to vector<16xi32>
    %add3A_1667 = arith.addi %add3A_1666, %iota3A : vector<16xi32>
    %mul3A_1668 = arith.constant 2048 : i32
    %mul3A_1669 = vector.broadcast %mul3A_1668 : i32 to vector<16xi32>
    %mul3A_1670 = arith.muli %add3A_1667, %mul3A_1669 : vector<16xi32>
    %add3A_1671 = arith.addi %mul3A_1670, %gather3A_1664 : vector<16xi32>
    tpu.vector_store_idx %arg6[%add3A_1671], %broadcast_in_dim3A_10 : memref<65536xf32, #tpu.memory_space<vmem>>[vector<16xi32>], vector<16xf32>,
    %add3A_1672 = arith.constant 28 : i32
    %add3A_1673 = vector.broadcast %add3A_1672 : i32 to vector<16xi32>
    %add3A_1674 = arith.addi %mul3A_7, %add3A_1673 : vector<16xi32>
    %gather3A_1675 = tpu.vector_load_idx %arg5[%add3A_1674] : memref<2560xi32, #tpu.memory_space<vmem>>[vector<16xi32>], vector<16xi32>,
    %add3A_1676 = arith.constant 0 : i32
    %add3A_1677 = vector.broadcast %add3A_1676 : i32 to vector<16xi32>
    %add3A_1678 = arith.addi %add3A_1677, %iota3A : vector<16xi32>
    %mul3A_1679 = arith.constant 2048 : i32
    %mul3A_1680 = vector.broadcast %mul3A_1679 : i32 to vector<16xi32>
    %mul3A_1681 = arith.muli %add3A_1678, %mul3A_1680 : vector<16xi32>
    %add3A_1682 = arith.addi %mul3A_1681, %gather3A_1675 : vector<16xi32>
    tpu.vector_store_idx %arg6[%add3A_1682], %broadcast_in_dim3A_10 : memref<65536xf32, #tpu.memory_space<vmem>>[vector<16xi32>], vector<16xf32>,
    %add3A_1683 = arith.constant 668 : i32
    %add3A_1684 = vector.broadcast %add3A_1683 : i32 to vector<16xi32>
    %add3A_1685 = arith.addi %mul3A_7, %add3A_1684 : vector<16xi32>
    %gather3A_1686 = tpu.vector_load_idx %arg5[%add3A_1685] : memref<2560xi32, #tpu.memory_space<vmem>>[vector<16xi32>], vector<16xi32>,
    %add3A_1687 = arith.constant 16 : i32
    %add3A_1688 = vector.broadcast %add3A_1687 : i32 to vector<16xi32>
    %add3A_1689 = arith.addi %add3A_1688, %iota3A : vector<16xi32>
    %mul3A_1690 = arith.constant 2048 : i32
    %mul3A_1691 = vector.broadcast %mul3A_1690 : i32 to vector<16xi32>
    %mul3A_1692 = arith.muli %add3A_1689, %mul3A_1691 : vector<16xi32>
    %add3A_1693 = arith.addi %mul3A_1692, %gather3A_1686 : vector<16xi32>
    tpu.vector_store_idx %arg6[%add3A_1693], %broadcast_in_dim3A_10 : memref<65536xf32, #tpu.memory_space<vmem>>[vector<16xi32>], vector<16xf32>,
    %add3A_1694 = arith.constant 29 : i32
    %add3A_1695 = vector.broadcast %add3A_1694 : i32 to vector<16xi32>
    %add3A_1696 = arith.addi %mul3A_7, %add3A_1695 : vector<16xi32>
    %gather3A_1697 = tpu.vector_load_idx %arg5[%add3A_1696] : memref<2560xi32, #tpu.memory_space<vmem>>[vector<16xi32>], vector<16xi32>,
    %add3A_1698 = arith.constant 0 : i32
    %add3A_1699 = vector.broadcast %add3A_1698 : i32 to vector<16xi32>
    %add3A_1700 = arith.addi %add3A_1699, %iota3A : vector<16xi32>
    %mul3A_1701 = arith.constant 2048 : i32
    %mul3A_1702 = vector.broadcast %mul3A_1701 : i32 to vector<16xi32>
    %mul3A_1703 = arith.muli %add3A_1700, %mul3A_1702 : vector<16xi32>
    %add3A_1704 = arith.addi %mul3A_1703, %gather3A_1697 : vector<16xi32>
    tpu.vector_store_idx %arg6[%add3A_1704], %broadcast_in_dim3A_10 : memref<65536xf32, #tpu.memory_space<vmem>>[vector<16xi32>], vector<16xf32>,
    %add3A_1705 = arith.constant 669 : i32
    %add3A_1706 = vector.broadcast %add3A_1705 : i32 to vector<16xi32>
    %add3A_1707 = arith.addi %mul3A_7, %add3A_1706 : vector<16xi32>
    %gather3A_1708 = tpu.vector_load_idx %arg5[%add3A_1707] : memref<2560xi32, #tpu.memory_space<vmem>>[vector<16xi32>], vector<16xi32>,
    %add3A_1709 = arith.constant 16 : i32
    %add3A_1710 = vector.broadcast %add3A_1709 : i32 to vector<16xi32>
    %add3A_1711 = arith.addi %add3A_1710, %iota3A : vector<16xi32>
    %mul3A_1712 = arith.constant 2048 : i32
    %mul3A_1713 = vector.broadcast %mul3A_1712 : i32 to vector<16xi32>
    %mul3A_1714 = arith.muli %add3A_1711, %mul3A_1713 : vector<16xi32>
    %add3A_1715 = arith.addi %mul3A_1714, %gather3A_1708 : vector<16xi32>
    tpu.vector_store_idx %arg6[%add3A_1715], %broadcast_in_dim3A_10 : memref<65536xf32, #tpu.memory_space<vmem>>[vector<16xi32>], vector<16xf32>,
    %add3A_1716 = arith.constant 30 : i32
    %add3A_1717 = vector.broadcast %add3A_1716 : i32 to vector<16xi32>
    %add3A_1718 = arith.addi %mul3A_7, %add3A_1717 : vector<16xi32>
    %gather3A_1719 = tpu.vector_load_idx %arg5[%add3A_1718] : memref<2560xi32, #tpu.memory_space<vmem>>[vector<16xi32>], vector<16xi32>,
    %add3A_1720 = arith.constant 0 : i32
    %add3A_1721 = vector.broadcast %add3A_1720 : i32 to vector<16xi32>
    %add3A_1722 = arith.addi %add3A_1721, %iota3A : vector<16xi32>
    %mul3A_1723 = arith.constant 2048 : i32
    %mul3A_1724 = vector.broadcast %mul3A_1723 : i32 to vector<16xi32>
    %mul3A_1725 = arith.muli %add3A_1722, %mul3A_1724 : vector<16xi32>
    %add3A_1726 = arith.addi %mul3A_1725, %gather3A_1719 : vector<16xi32>
    tpu.vector_store_idx %arg6[%add3A_1726], %broadcast_in_dim3A_10 : memref<65536xf32, #tpu.memory_space<vmem>>[vector<16xi32>], vector<16xf32>,
    %add3A_1727 = arith.constant 670 : i32
    %add3A_1728 = vector.broadcast %add3A_1727 : i32 to vector<16xi32>
    %add3A_1729 = arith.addi %mul3A_7, %add3A_1728 : vector<16xi32>
    %gather3A_1730 = tpu.vector_load_idx %arg5[%add3A_1729] : memref<2560xi32, #tpu.memory_space<vmem>>[vector<16xi32>], vector<16xi32>,
    %add3A_1731 = arith.constant 16 : i32
    %add3A_1732 = vector.broadcast %add3A_1731 : i32 to vector<16xi32>
    %add3A_1733 = arith.addi %add3A_1732, %iota3A : vector<16xi32>
    %mul3A_1734 = arith.constant 2048 : i32
    %mul3A_1735 = vector.broadcast %mul3A_1734 : i32 to vector<16xi32>
    %mul3A_1736 = arith.muli %add3A_1733, %mul3A_1735 : vector<16xi32>
    %add3A_1737 = arith.addi %mul3A_1736, %gather3A_1730 : vector<16xi32>
    tpu.vector_store_idx %arg6[%add3A_1737], %broadcast_in_dim3A_10 : memref<65536xf32, #tpu.memory_space<vmem>>[vector<16xi32>], vector<16xf32>,
    %add3A_1738 = arith.constant 31 : i32
    %add3A_1739 = vector.broadcast %add3A_1738 : i32 to vector<16xi32>
    %add3A_1740 = arith.addi %mul3A_7, %add3A_1739 : vector<16xi32>
    %gather3A_1741 = tpu.vector_load_idx %arg5[%add3A_1740] : memref<2560xi32, #tpu.memory_space<vmem>>[vector<16xi32>], vector<16xi32>,
    %add3A_1742 = arith.constant 0 : i32
    %add3A_1743 = vector.broadcast %add3A_1742 : i32 to vector<16xi32>
    %add3A_1744 = arith.addi %add3A_1743, %iota3A : vector<16xi32>
    %mul3A_1745 = arith.constant 2048 : i32
    %mul3A_1746 = vector.broadcast %mul3A_1745 : i32 to vector<16xi32>
    %mul3A_1747 = arith.muli %add3A_1744, %mul3A_1746 : vector<16xi32>
    %add3A_1748 = arith.addi %mul3A_1747, %gather3A_1741 : vector<16xi32>
    tpu.vector_store_idx %arg6[%add3A_1748], %broadcast_in_dim3A_10 : memref<65536xf32, #tpu.memory_space<vmem>>[vector<16xi32>], vector<16xf32>,
    %add3A_1749 = arith.constant 671 : i32
    %add3A_1750 = vector.broadcast %add3A_1749 : i32 to vector<16xi32>
    %add3A_1751 = arith.addi %mul3A_7, %add3A_1750 : vector<16xi32>
    %gather3A_1752 = tpu.vector_load_idx %arg5[%add3A_1751] : memref<2560xi32, #tpu.memory_space<vmem>>[vector<16xi32>], vector<16xi32>,
    %add3A_1753 = arith.constant 16 : i32
    %add3A_1754 = vector.broadcast %add3A_1753 : i32 to vector<16xi32>
    %add3A_1755 = arith.addi %add3A_1754, %iota3A : vector<16xi32>
    %mul3A_1756 = arith.constant 2048 : i32
    %mul3A_1757 = vector.broadcast %mul3A_1756 : i32 to vector<16xi32>
    %mul3A_1758 = arith.muli %add3A_1755, %mul3A_1757 : vector<16xi32>
    %add3A_1759 = arith.addi %mul3A_1758, %gather3A_1752 : vector<16xi32>
    tpu.vector_store_idx %arg6[%add3A_1759], %broadcast_in_dim3A_10 : memref<65536xf32, #tpu.memory_space<vmem>>[vector<16xi32>], vector<16xf32>,
    %add3A_1760 = arith.constant 32 : i32
    %add3A_1761 = vector.broadcast %add3A_1760 : i32 to vector<16xi32>
    %add3A_1762 = arith.addi %mul3A_7, %add3A_1761 : vector<16xi32>
    %gather3A_1763 = tpu.vector_load_idx %arg5[%add3A_1762] : memref<2560xi32, #tpu.memory_space<vmem>>[vector<16xi32>], vector<16xi32>,
    %add3A_1764 = arith.constant 0 : i32
    %add3A_1765 = vector.broadcast %add3A_1764 : i32 to vector<16xi32>
    %add3A_1766 = arith.addi %add3A_1765, %iota3A : vector<16xi32>
    %mul3A_1767 = arith.constant 2048 : i32
    %mul3A_1768 = vector.broadcast %mul3A_1767 : i32 to vector<16xi32>
    %mul3A_1769 = arith.muli %add3A_1766, %mul3A_1768 : vector<16xi32>
    %add3A_1770 = arith.addi %mul3A_1769, %gather3A_1763 : vector<16xi32>
    tpu.vector_store_idx %arg6[%add3A_1770], %broadcast_in_dim3A_10 : memref<65536xf32, #tpu.memory_space<vmem>>[vector<16xi32>], vector<16xf32>,
    %add3A_1771 = arith.constant 672 : i32
    %add3A_1772 = vector.broadcast %add3A_1771 : i32 to vector<16xi32>
    %add3A_1773 = arith.addi %mul3A_7, %add3A_1772 : vector<16xi32>
    %gather3A_1774 = tpu.vector_load_idx %arg5[%add3A_1773] : memref<2560xi32, #tpu.memory_space<vmem>>[vector<16xi32>], vector<16xi32>,
    %add3A_1775 = arith.constant 16 : i32
    %add3A_1776 = vector.broadcast %add3A_1775 : i32 to vector<16xi32>
    %add3A_1777 = arith.addi %add3A_1776, %iota3A : vector<16xi32>
    %mul3A_1778 = arith.constant 2048 : i32
    %mul3A_1779 = vector.broadcast %mul3A_1778 : i32 to vector<16xi32>
    %mul3A_1780 = arith.muli %add3A_1777, %mul3A_1779 : vector<16xi32>
    %add3A_1781 = arith.addi %mul3A_1780, %gather3A_1774 : vector<16xi32>
    tpu.vector_store_idx %arg6[%add3A_1781], %broadcast_in_dim3A_10 : memref<65536xf32, #tpu.memory_space<vmem>>[vector<16xi32>], vector<16xf32>,
    %add3A_1782 = arith.constant 33 : i32
    %add3A_1783 = vector.broadcast %add3A_1782 : i32 to vector<16xi32>
    %add3A_1784 = arith.addi %mul3A_7, %add3A_1783 : vector<16xi32>
    %gather3A_1785 = tpu.vector_load_idx %arg5[%add3A_1784] : memref<2560xi32, #tpu.memory_space<vmem>>[vector<16xi32>], vector<16xi32>,
    %add3A_1786 = arith.constant 0 : i32
    %add3A_1787 = vector.broadcast %add3A_1786 : i32 to vector<16xi32>
    %add3A_1788 = arith.addi %add3A_1787, %iota3A : vector<16xi32>
    %mul3A_1789 = arith.constant 2048 : i32
    %mul3A_1790 = vector.broadcast %mul3A_1789 : i32 to vector<16xi32>
    %mul3A_1791 = arith.muli %add3A_1788, %mul3A_1790 : vector<16xi32>
    %add3A_1792 = arith.addi %mul3A_1791, %gather3A_1785 : vector<16xi32>
    tpu.vector_store_idx %arg6[%add3A_1792], %broadcast_in_dim3A_10 : memref<65536xf32, #tpu.memory_space<vmem>>[vector<16xi32>], vector<16xf32>,
    %add3A_1793 = arith.constant 673 : i32
    %add3A_1794 = vector.broadcast %add3A_1793 : i32 to vector<16xi32>
    %add3A_1795 = arith.addi %mul3A_7, %add3A_1794 : vector<16xi32>
    %gather3A_1796 = tpu.vector_load_idx %arg5[%add3A_1795] : memref<2560xi32, #tpu.memory_space<vmem>>[vector<16xi32>], vector<16xi32>,
    %add3A_1797 = arith.constant 16 : i32
    %add3A_1798 = vector.broadcast %add3A_1797 : i32 to vector<16xi32>
    %add3A_1799 = arith.addi %add3A_1798, %iota3A : vector<16xi32>
    %mul3A_1800 = arith.constant 2048 : i32
    %mul3A_1801 = vector.broadcast %mul3A_1800 : i32 to vector<16xi32>
    %mul3A_1802 = arith.muli %add3A_1799, %mul3A_1801 : vector<16xi32>
    %add3A_1803 = arith.addi %mul3A_1802, %gather3A_1796 : vector<16xi32>
    tpu.vector_store_idx %arg6[%add3A_1803], %broadcast_in_dim3A_10 : memref<65536xf32, #tpu.memory_space<vmem>>[vector<16xi32>], vector<16xf32>,
    %add3A_1804 = arith.constant 34 : i32
    %add3A_1805 = vector.broadcast %add3A_1804 : i32 to vector<16xi32>
    %add3A_1806 = arith.addi %mul3A_7, %add3A_1805 : vector<16xi32>
    %gather3A_1807 = tpu.vector_load_idx %arg5[%add3A_1806] : memref<2560xi32, #tpu.memory_space<vmem>>[vector<16xi32>], vector<16xi32>,
    %add3A_1808 = arith.constant 0 : i32
    %add3A_1809 = vector.broadcast %add3A_1808 : i32 to vector<16xi32>
    %add3A_1810 = arith.addi %add3A_1809, %iota3A : vector<16xi32>
    %mul3A_1811 = arith.constant 2048 : i32
    %mul3A_1812 = vector.broadcast %mul3A_1811 : i32 to vector<16xi32>
    %mul3A_1813 = arith.muli %add3A_1810, %mul3A_1812 : vector<16xi32>
    %add3A_1814 = arith.addi %mul3A_1813, %gather3A_1807 : vector<16xi32>
    tpu.vector_store_idx %arg6[%add3A_1814], %broadcast_in_dim3A_10 : memref<65536xf32, #tpu.memory_space<vmem>>[vector<16xi32>], vector<16xf32>,
    %add3A_1815 = arith.constant 674 : i32
    %add3A_1816 = vector.broadcast %add3A_1815 : i32 to vector<16xi32>
    %add3A_1817 = arith.addi %mul3A_7, %add3A_1816 : vector<16xi32>
    %gather3A_1818 = tpu.vector_load_idx %arg5[%add3A_1817] : memref<2560xi32, #tpu.memory_space<vmem>>[vector<16xi32>], vector<16xi32>,
    %add3A_1819 = arith.constant 16 : i32
    %add3A_1820 = vector.broadcast %add3A_1819 : i32 to vector<16xi32>
    %add3A_1821 = arith.addi %add3A_1820, %iota3A : vector<16xi32>
    %mul3A_1822 = arith.constant 2048 : i32
    %mul3A_1823 = vector.broadcast %mul3A_1822 : i32 to vector<16xi32>
    %mul3A_1824 = arith.muli %add3A_1821, %mul3A_1823 : vector<16xi32>
    %add3A_1825 = arith.addi %mul3A_1824, %gather3A_1818 : vector<16xi32>
    tpu.vector_store_idx %arg6[%add3A_1825], %broadcast_in_dim3A_10 : memref<65536xf32, #tpu.memory_space<vmem>>[vector<16xi32>], vector<16xf32>,
    %add3A_1826 = arith.constant 35 : i32
    %add3A_1827 = vector.broadcast %add3A_1826 : i32 to vector<16xi32>
    %add3A_1828 = arith.addi %mul3A_7, %add3A_1827 : vector<16xi32>
    %gather3A_1829 = tpu.vector_load_idx %arg5[%add3A_1828] : memref<2560xi32, #tpu.memory_space<vmem>>[vector<16xi32>], vector<16xi32>,
    %add3A_1830 = arith.constant 0 : i32
    %add3A_1831 = vector.broadcast %add3A_1830 : i32 to vector<16xi32>
    %add3A_1832 = arith.addi %add3A_1831, %iota3A : vector<16xi32>
    %mul3A_1833 = arith.constant 2048 : i32
    %mul3A_1834 = vector.broadcast %mul3A_1833 : i32 to vector<16xi32>
    %mul3A_1835 = arith.muli %add3A_1832, %mul3A_1834 : vector<16xi32>
    %add3A_1836 = arith.addi %mul3A_1835, %gather3A_1829 : vector<16xi32>
    tpu.vector_store_idx %arg6[%add3A_1836], %broadcast_in_dim3A_10 : memref<65536xf32, #tpu.memory_space<vmem>>[vector<16xi32>], vector<16xf32>,
    %add3A_1837 = arith.constant 675 : i32
    %add3A_1838 = vector.broadcast %add3A_1837 : i32 to vector<16xi32>
    %add3A_1839 = arith.addi %mul3A_7, %add3A_1838 : vector<16xi32>
    %gather3A_1840 = tpu.vector_load_idx %arg5[%add3A_1839] : memref<2560xi32, #tpu.memory_space<vmem>>[vector<16xi32>], vector<16xi32>,
    %add3A_1841 = arith.constant 16 : i32
    %add3A_1842 = vector.broadcast %add3A_1841 : i32 to vector<16xi32>
    %add3A_1843 = arith.addi %add3A_1842, %iota3A : vector<16xi32>
    %mul3A_1844 = arith.constant 2048 : i32
    %mul3A_1845 = vector.broadcast %mul3A_1844 : i32 to vector<16xi32>
    %mul3A_1846 = arith.muli %add3A_1843, %mul3A_1845 : vector<16xi32>
    %add3A_1847 = arith.addi %mul3A_1846, %gather3A_1840 : vector<16xi32>
    tpu.vector_store_idx %arg6[%add3A_1847], %broadcast_in_dim3A_10 : memref<65536xf32, #tpu.memory_space<vmem>>[vector<16xi32>], vector<16xf32>,
    %add3A_1848 = arith.constant 36 : i32
    %add3A_1849 = vector.broadcast %add3A_1848 : i32 to vector<16xi32>
    %add3A_1850 = arith.addi %mul3A_7, %add3A_1849 : vector<16xi32>
    %gather3A_1851 = tpu.vector_load_idx %arg5[%add3A_1850] : memref<2560xi32, #tpu.memory_space<vmem>>[vector<16xi32>], vector<16xi32>,
    %add3A_1852 = arith.constant 0 : i32
    %add3A_1853 = vector.broadcast %add3A_1852 : i32 to vector<16xi32>
    %add3A_1854 = arith.addi %add3A_1853, %iota3A : vector<16xi32>
    %mul3A_1855 = arith.constant 2048 : i32
    %mul3A_1856 = vector.broadcast %mul3A_1855 : i32 to vector<16xi32>
    %mul3A_1857 = arith.muli %add3A_1854, %mul3A_1856 : vector<16xi32>
    %add3A_1858 = arith.addi %mul3A_1857, %gather3A_1851 : vector<16xi32>
    tpu.vector_store_idx %arg6[%add3A_1858], %broadcast_in_dim3A_10 : memref<65536xf32, #tpu.memory_space<vmem>>[vector<16xi32>], vector<16xf32>,
    %add3A_1859 = arith.constant 676 : i32
    %add3A_1860 = vector.broadcast %add3A_1859 : i32 to vector<16xi32>
    %add3A_1861 = arith.addi %mul3A_7, %add3A_1860 : vector<16xi32>
    %gather3A_1862 = tpu.vector_load_idx %arg5[%add3A_1861] : memref<2560xi32, #tpu.memory_space<vmem>>[vector<16xi32>], vector<16xi32>,
    %add3A_1863 = arith.constant 16 : i32
    %add3A_1864 = vector.broadcast %add3A_1863 : i32 to vector<16xi32>
    %add3A_1865 = arith.addi %add3A_1864, %iota3A : vector<16xi32>
    %mul3A_1866 = arith.constant 2048 : i32
    %mul3A_1867 = vector.broadcast %mul3A_1866 : i32 to vector<16xi32>
    %mul3A_1868 = arith.muli %add3A_1865, %mul3A_1867 : vector<16xi32>
    %add3A_1869 = arith.addi %mul3A_1868, %gather3A_1862 : vector<16xi32>
    tpu.vector_store_idx %arg6[%add3A_1869], %broadcast_in_dim3A_10 : memref<65536xf32, #tpu.memory_space<vmem>>[vector<16xi32>], vector<16xf32>,
    %add3A_1870 = arith.constant 37 : i32
    %add3A_1871 = vector.broadcast %add3A_1870 : i32 to vector<16xi32>
    %add3A_1872 = arith.addi %mul3A_7, %add3A_1871 : vector<16xi32>
    %gather3A_1873 = tpu.vector_load_idx %arg5[%add3A_1872] : memref<2560xi32, #tpu.memory_space<vmem>>[vector<16xi32>], vector<16xi32>,
    %add3A_1874 = arith.constant 0 : i32
    %add3A_1875 = vector.broadcast %add3A_1874 : i32 to vector<16xi32>
    %add3A_1876 = arith.addi %add3A_1875, %iota3A : vector<16xi32>
    %mul3A_1877 = arith.constant 2048 : i32
    %mul3A_1878 = vector.broadcast %mul3A_1877 : i32 to vector<16xi32>
    %mul3A_1879 = arith.muli %add3A_1876, %mul3A_1878 : vector<16xi32>
    %add3A_1880 = arith.addi %mul3A_1879, %gather3A_1873 : vector<16xi32>
    tpu.vector_store_idx %arg6[%add3A_1880], %broadcast_in_dim3A_10 : memref<65536xf32, #tpu.memory_space<vmem>>[vector<16xi32>], vector<16xf32>,
    %add3A_1881 = arith.constant 677 : i32
    %add3A_1882 = vector.broadcast %add3A_1881 : i32 to vector<16xi32>
    %add3A_1883 = arith.addi %mul3A_7, %add3A_1882 : vector<16xi32>
    %gather3A_1884 = tpu.vector_load_idx %arg5[%add3A_1883] : memref<2560xi32, #tpu.memory_space<vmem>>[vector<16xi32>], vector<16xi32>,
    %add3A_1885 = arith.constant 16 : i32
    %add3A_1886 = vector.broadcast %add3A_1885 : i32 to vector<16xi32>
    %add3A_1887 = arith.addi %add3A_1886, %iota3A : vector<16xi32>
    %mul3A_1888 = arith.constant 2048 : i32
    %mul3A_1889 = vector.broadcast %mul3A_1888 : i32 to vector<16xi32>
    %mul3A_1890 = arith.muli %add3A_1887, %mul3A_1889 : vector<16xi32>
    %add3A_1891 = arith.addi %mul3A_1890, %gather3A_1884 : vector<16xi32>
    tpu.vector_store_idx %arg6[%add3A_1891], %broadcast_in_dim3A_10 : memref<65536xf32, #tpu.memory_space<vmem>>[vector<16xi32>], vector<16xf32>,
    %add3A_1892 = arith.constant 38 : i32
    %add3A_1893 = vector.broadcast %add3A_1892 : i32 to vector<16xi32>
    %add3A_1894 = arith.addi %mul3A_7, %add3A_1893 : vector<16xi32>
    %gather3A_1895 = tpu.vector_load_idx %arg5[%add3A_1894] : memref<2560xi32, #tpu.memory_space<vmem>>[vector<16xi32>], vector<16xi32>,
    %add3A_1896 = arith.constant 0 : i32
    %add3A_1897 = vector.broadcast %add3A_1896 : i32 to vector<16xi32>
    %add3A_1898 = arith.addi %add3A_1897, %iota3A : vector<16xi32>
    %mul3A_1899 = arith.constant 2048 : i32
    %mul3A_1900 = vector.broadcast %mul3A_1899 : i32 to vector<16xi32>
    %mul3A_1901 = arith.muli %add3A_1898, %mul3A_1900 : vector<16xi32>
    %add3A_1902 = arith.addi %mul3A_1901, %gather3A_1895 : vector<16xi32>
    tpu.vector_store_idx %arg6[%add3A_1902], %broadcast_in_dim3A_10 : memref<65536xf32, #tpu.memory_space<vmem>>[vector<16xi32>], vector<16xf32>,
    %add3A_1903 = arith.constant 678 : i32
    %add3A_1904 = vector.broadcast %add3A_1903 : i32 to vector<16xi32>
    %add3A_1905 = arith.addi %mul3A_7, %add3A_1904 : vector<16xi32>
    %gather3A_1906 = tpu.vector_load_idx %arg5[%add3A_1905] : memref<2560xi32, #tpu.memory_space<vmem>>[vector<16xi32>], vector<16xi32>,
    %add3A_1907 = arith.constant 16 : i32
    %add3A_1908 = vector.broadcast %add3A_1907 : i32 to vector<16xi32>
    %add3A_1909 = arith.addi %add3A_1908, %iota3A : vector<16xi32>
    %mul3A_1910 = arith.constant 2048 : i32
    %mul3A_1911 = vector.broadcast %mul3A_1910 : i32 to vector<16xi32>
    %mul3A_1912 = arith.muli %add3A_1909, %mul3A_1911 : vector<16xi32>
    %add3A_1913 = arith.addi %mul3A_1912, %gather3A_1906 : vector<16xi32>
    tpu.vector_store_idx %arg6[%add3A_1913], %broadcast_in_dim3A_10 : memref<65536xf32, #tpu.memory_space<vmem>>[vector<16xi32>], vector<16xf32>,
    %add3A_1914 = arith.constant 39 : i32
    %add3A_1915 = vector.broadcast %add3A_1914 : i32 to vector<16xi32>
    %add3A_1916 = arith.addi %mul3A_7, %add3A_1915 : vector<16xi32>
    %gather3A_1917 = tpu.vector_load_idx %arg5[%add3A_1916] : memref<2560xi32, #tpu.memory_space<vmem>>[vector<16xi32>], vector<16xi32>,
    %add3A_1918 = arith.constant 0 : i32
    %add3A_1919 = vector.broadcast %add3A_1918 : i32 to vector<16xi32>
    %add3A_1920 = arith.addi %add3A_1919, %iota3A : vector<16xi32>
    %mul3A_1921 = arith.constant 2048 : i32
    %mul3A_1922 = vector.broadcast %mul3A_1921 : i32 to vector<16xi32>
    %mul3A_1923 = arith.muli %add3A_1920, %mul3A_1922 : vector<16xi32>
    %add3A_1924 = arith.addi %mul3A_1923, %gather3A_1917 : vector<16xi32>
    tpu.vector_store_idx %arg6[%add3A_1924], %broadcast_in_dim3A_10 : memref<65536xf32, #tpu.memory_space<vmem>>[vector<16xi32>], vector<16xf32>,
    %add3A_1925 = arith.constant 679 : i32
    %add3A_1926 = vector.broadcast %add3A_1925 : i32 to vector<16xi32>
    %add3A_1927 = arith.addi %mul3A_7, %add3A_1926 : vector<16xi32>
    %gather3A_1928 = tpu.vector_load_idx %arg5[%add3A_1927] : memref<2560xi32, #tpu.memory_space<vmem>>[vector<16xi32>], vector<16xi32>,
    %add3A_1929 = arith.constant 16 : i32
    %add3A_1930 = vector.broadcast %add3A_1929 : i32 to vector<16xi32>
    %add3A_1931 = arith.addi %add3A_1930, %iota3A : vector<16xi32>
    %mul3A_1932 = arith.constant 2048 : i32
    %mul3A_1933 = vector.broadcast %mul3A_1932 : i32 to vector<16xi32>
    %mul3A_1934 = arith.muli %add3A_1931, %mul3A_1933 : vector<16xi32>
    %add3A_1935 = arith.addi %mul3A_1934, %gather3A_1928 : vector<16xi32>
    tpu.vector_store_idx %arg6[%add3A_1935], %broadcast_in_dim3A_10 : memref<65536xf32, #tpu.memory_space<vmem>>[vector<16xi32>], vector<16xf32>,
    %add3A_1936 = arith.constant 1280 : i32
    %add3A_1937 = vector.broadcast %add3A_1936 : i32 to vector<16xi32>
    %add3A_1938 = arith.addi %mul3A_7, %add3A_1937 : vector<16xi32>
    %gather3A_1939 = tpu.vector_load_idx %arg5[%add3A_1938] : memref<2560xi32, #tpu.memory_space<vmem>>[vector<16xi32>], vector<16xi32>,
    %add3A_1940 = arith.constant 0 : i32
    %add3A_1941 = vector.broadcast %add3A_1940 : i32 to vector<16xi32>
    %add3A_1942 = arith.addi %add3A_1941, %iota3A : vector<16xi32>
    %mul3A_1943 = arith.constant 2048 : i32
    %mul3A_1944 = vector.broadcast %mul3A_1943 : i32 to vector<16xi32>
    %mul3A_1945 = arith.muli %add3A_1942, %mul3A_1944 : vector<16xi32>
    %add3A_1946 = arith.addi %mul3A_1945, %gather3A_1939 : vector<16xi32>
    %gather3A_1947 = tpu.vector_load_idx %arg6[%add3A_1946] : memref<65536xf32, #tpu.memory_space<vmem>>[vector<16xi32>], vector<16xf32>,
    %add3A_1948 = arith.addf %gather3A_1947, %broadcast_in_dim3A_8 : vector<16xf32>
    tpu.vector_store_idx %arg6[%add3A_1946], %add3A_1948 : memref<65536xf32, #tpu.memory_space<vmem>>[vector<16xi32>], vector<16xf32>,
    %add3A_1949 = arith.constant 1920 : i32
    %add3A_1950 = vector.broadcast %add3A_1949 : i32 to vector<16xi32>
    %add3A_1951 = arith.addi %mul3A_7, %add3A_1950 : vector<16xi32>
    %gather3A_1952 = tpu.vector_load_idx %arg5[%add3A_1951] : memref<2560xi32, #tpu.memory_space<vmem>>[vector<16xi32>], vector<16xi32>,
    %add3A_1953 = arith.constant 16 : i32
    %add3A_1954 = vector.broadcast %add3A_1953 : i32 to vector<16xi32>
    %add3A_1955 = arith.addi %add3A_1954, %iota3A : vector<16xi32>
    %mul3A_1956 = arith.constant 2048 : i32
    %mul3A_1957 = vector.broadcast %mul3A_1956 : i32 to vector<16xi32>
    %mul3A_1958 = arith.muli %add3A_1955, %mul3A_1957 : vector<16xi32>
    %add3A_1959 = arith.addi %mul3A_1958, %gather3A_1952 : vector<16xi32>
    %gather3A_1960 = tpu.vector_load_idx %arg6[%add3A_1959] : memref<65536xf32, #tpu.memory_space<vmem>>[vector<16xi32>], vector<16xf32>,
    %add3A_1961 = arith.addf %gather3A_1960, %broadcast_in_dim3A_8 : vector<16xf32>
    tpu.vector_store_idx %arg6[%add3A_1959], %add3A_1961 : memref<65536xf32, #tpu.memory_space<vmem>>[vector<16xi32>], vector<16xf32>,
    %add3A_1962 = arith.constant 1281 : i32
    %add3A_1963 = vector.broadcast %add3A_1962 : i32 to vector<16xi32>
    %add3A_1964 = arith.addi %mul3A_7, %add3A_1963 : vector<16xi32>
    %gather3A_1965 = tpu.vector_load_idx %arg5[%add3A_1964] : memref<2560xi32, #tpu.memory_space<vmem>>[vector<16xi32>], vector<16xi32>,
    %add3A_1966 = arith.constant 0 : i32
    %add3A_1967 = vector.broadcast %add3A_1966 : i32 to vector<16xi32>
    %add3A_1968 = arith.addi %add3A_1967, %iota3A : vector<16xi32>
    %mul3A_1969 = arith.constant 2048 : i32
    %mul3A_1970 = vector.broadcast %mul3A_1969 : i32 to vector<16xi32>
    %mul3A_1971 = arith.muli %add3A_1968, %mul3A_1970 : vector<16xi32>
    %add3A_1972 = arith.addi %mul3A_1971, %gather3A_1965 : vector<16xi32>
    %gather3A_1973 = tpu.vector_load_idx %arg6[%add3A_1972] : memref<65536xf32, #tpu.memory_space<vmem>>[vector<16xi32>], vector<16xf32>,
    %add3A_1974 = arith.addf %gather3A_1973, %broadcast_in_dim3A_8 : vector<16xf32>
    tpu.vector_store_idx %arg6[%add3A_1972], %add3A_1974 : memref<65536xf32, #tpu.memory_space<vmem>>[vector<16xi32>], vector<16xf32>,
    %add3A_1975 = arith.constant 1921 : i32
    %add3A_1976 = vector.broadcast %add3A_1975 : i32 to vector<16xi32>
    %add3A_1977 = arith.addi %mul3A_7, %add3A_1976 : vector<16xi32>
    %gather3A_1978 = tpu.vector_load_idx %arg5[%add3A_1977] : memref<2560xi32, #tpu.memory_space<vmem>>[vector<16xi32>], vector<16xi32>,
    %add3A_1979 = arith.constant 16 : i32
    %add3A_1980 = vector.broadcast %add3A_1979 : i32 to vector<16xi32>
    %add3A_1981 = arith.addi %add3A_1980, %iota3A : vector<16xi32>
    %mul3A_1982 = arith.constant 2048 : i32
    %mul3A_1983 = vector.broadcast %mul3A_1982 : i32 to vector<16xi32>
    %mul3A_1984 = arith.muli %add3A_1981, %mul3A_1983 : vector<16xi32>
    %add3A_1985 = arith.addi %mul3A_1984, %gather3A_1978 : vector<16xi32>
    %gather3A_1986 = tpu.vector_load_idx %arg6[%add3A_1985] : memref<65536xf32, #tpu.memory_space<vmem>>[vector<16xi32>], vector<16xf32>,
    %add3A_1987 = arith.addf %gather3A_1986, %broadcast_in_dim3A_8 : vector<16xf32>
    tpu.vector_store_idx %arg6[%add3A_1985], %add3A_1987 : memref<65536xf32, #tpu.memory_space<vmem>>[vector<16xi32>], vector<16xf32>,
    %add3A_1988 = arith.constant 1282 : i32
    %add3A_1989 = vector.broadcast %add3A_1988 : i32 to vector<16xi32>
    %add3A_1990 = arith.addi %mul3A_7, %add3A_1989 : vector<16xi32>
    %gather3A_1991 = tpu.vector_load_idx %arg5[%add3A_1990] : memref<2560xi32, #tpu.memory_space<vmem>>[vector<16xi32>], vector<16xi32>,
    %add3A_1992 = arith.constant 0 : i32
    %add3A_1993 = vector.broadcast %add3A_1992 : i32 to vector<16xi32>
    %add3A_1994 = arith.addi %add3A_1993, %iota3A : vector<16xi32>
    %mul3A_1995 = arith.constant 2048 : i32
    %mul3A_1996 = vector.broadcast %mul3A_1995 : i32 to vector<16xi32>
    %mul3A_1997 = arith.muli %add3A_1994, %mul3A_1996 : vector<16xi32>
    %add3A_1998 = arith.addi %mul3A_1997, %gather3A_1991 : vector<16xi32>
    %gather3A_1999 = tpu.vector_load_idx %arg6[%add3A_1998] : memref<65536xf32, #tpu.memory_space<vmem>>[vector<16xi32>], vector<16xf32>,
    %add3A_2000 = arith.addf %gather3A_1999, %broadcast_in_dim3A_8 : vector<16xf32>
    tpu.vector_store_idx %arg6[%add3A_1998], %add3A_2000 : memref<65536xf32, #tpu.memory_space<vmem>>[vector<16xi32>], vector<16xf32>,
    %add3A_2001 = arith.constant 1922 : i32
    %add3A_2002 = vector.broadcast %add3A_2001 : i32 to vector<16xi32>
    %add3A_2003 = arith.addi %mul3A_7, %add3A_2002 : vector<16xi32>
    %gather3A_2004 = tpu.vector_load_idx %arg5[%add3A_2003] : memref<2560xi32, #tpu.memory_space<vmem>>[vector<16xi32>], vector<16xi32>,
    %add3A_2005 = arith.constant 16 : i32
    %add3A_2006 = vector.broadcast %add3A_2005 : i32 to vector<16xi32>
    %add3A_2007 = arith.addi %add3A_2006, %iota3A : vector<16xi32>
    %mul3A_2008 = arith.constant 2048 : i32
    %mul3A_2009 = vector.broadcast %mul3A_2008 : i32 to vector<16xi32>
    %mul3A_2010 = arith.muli %add3A_2007, %mul3A_2009 : vector<16xi32>
    %add3A_2011 = arith.addi %mul3A_2010, %gather3A_2004 : vector<16xi32>
    %gather3A_2012 = tpu.vector_load_idx %arg6[%add3A_2011] : memref<65536xf32, #tpu.memory_space<vmem>>[vector<16xi32>], vector<16xf32>,
    %add3A_2013 = arith.addf %gather3A_2012, %broadcast_in_dim3A_8 : vector<16xf32>
    tpu.vector_store_idx %arg6[%add3A_2011], %add3A_2013 : memref<65536xf32, #tpu.memory_space<vmem>>[vector<16xi32>], vector<16xf32>,
    %add3A_2014 = arith.constant 1283 : i32
    %add3A_2015 = vector.broadcast %add3A_2014 : i32 to vector<16xi32>
    %add3A_2016 = arith.addi %mul3A_7, %add3A_2015 : vector<16xi32>
    %gather3A_2017 = tpu.vector_load_idx %arg5[%add3A_2016] : memref<2560xi32, #tpu.memory_space<vmem>>[vector<16xi32>], vector<16xi32>,
    %add3A_2018 = arith.constant 0 : i32
    %add3A_2019 = vector.broadcast %add3A_2018 : i32 to vector<16xi32>
    %add3A_2020 = arith.addi %add3A_2019, %iota3A : vector<16xi32>
    %mul3A_2021 = arith.constant 2048 : i32
    %mul3A_2022 = vector.broadcast %mul3A_2021 : i32 to vector<16xi32>
    %mul3A_2023 = arith.muli %add3A_2020, %mul3A_2022 : vector<16xi32>
    %add3A_2024 = arith.addi %mul3A_2023, %gather3A_2017 : vector<16xi32>
    %gather3A_2025 = tpu.vector_load_idx %arg6[%add3A_2024] : memref<65536xf32, #tpu.memory_space<vmem>>[vector<16xi32>], vector<16xf32>,
    %add3A_2026 = arith.addf %gather3A_2025, %broadcast_in_dim3A_8 : vector<16xf32>
    tpu.vector_store_idx %arg6[%add3A_2024], %add3A_2026 : memref<65536xf32, #tpu.memory_space<vmem>>[vector<16xi32>], vector<16xf32>,
    %add3A_2027 = arith.constant 1923 : i32
    %add3A_2028 = vector.broadcast %add3A_2027 : i32 to vector<16xi32>
    %add3A_2029 = arith.addi %mul3A_7, %add3A_2028 : vector<16xi32>
    %gather3A_2030 = tpu.vector_load_idx %arg5[%add3A_2029] : memref<2560xi32, #tpu.memory_space<vmem>>[vector<16xi32>], vector<16xi32>,
    %add3A_2031 = arith.constant 16 : i32
    %add3A_2032 = vector.broadcast %add3A_2031 : i32 to vector<16xi32>
    %add3A_2033 = arith.addi %add3A_2032, %iota3A : vector<16xi32>
    %mul3A_2034 = arith.constant 2048 : i32
    %mul3A_2035 = vector.broadcast %mul3A_2034 : i32 to vector<16xi32>
    %mul3A_2036 = arith.muli %add3A_2033, %mul3A_2035 : vector<16xi32>
    %add3A_2037 = arith.addi %mul3A_2036, %gather3A_2030 : vector<16xi32>
    %gather3A_2038 = tpu.vector_load_idx %arg6[%add3A_2037] : memref<65536xf32, #tpu.memory_space<vmem>>[vector<16xi32>], vector<16xf32>,
    %add3A_2039 = arith.addf %gather3A_2038, %broadcast_in_dim3A_8 : vector<16xf32>
    tpu.vector_store_idx %arg6[%add3A_2037], %add3A_2039 : memref<65536xf32, #tpu.memory_space<vmem>>[vector<16xi32>], vector<16xf32>,
    %add3A_2040 = arith.constant 1284 : i32
    %add3A_2041 = vector.broadcast %add3A_2040 : i32 to vector<16xi32>
    %add3A_2042 = arith.addi %mul3A_7, %add3A_2041 : vector<16xi32>
    %gather3A_2043 = tpu.vector_load_idx %arg5[%add3A_2042] : memref<2560xi32, #tpu.memory_space<vmem>>[vector<16xi32>], vector<16xi32>,
    %add3A_2044 = arith.constant 0 : i32
    %add3A_2045 = vector.broadcast %add3A_2044 : i32 to vector<16xi32>
    %add3A_2046 = arith.addi %add3A_2045, %iota3A : vector<16xi32>
    %mul3A_2047 = arith.constant 2048 : i32
    %mul3A_2048 = vector.broadcast %mul3A_2047 : i32 to vector<16xi32>
    %mul3A_2049 = arith.muli %add3A_2046, %mul3A_2048 : vector<16xi32>
    %add3A_2050 = arith.addi %mul3A_2049, %gather3A_2043 : vector<16xi32>
    %gather3A_2051 = tpu.vector_load_idx %arg6[%add3A_2050] : memref<65536xf32, #tpu.memory_space<vmem>>[vector<16xi32>], vector<16xf32>,
    %add3A_2052 = arith.addf %gather3A_2051, %broadcast_in_dim3A_8 : vector<16xf32>
    tpu.vector_store_idx %arg6[%add3A_2050], %add3A_2052 : memref<65536xf32, #tpu.memory_space<vmem>>[vector<16xi32>], vector<16xf32>,
    %add3A_2053 = arith.constant 1924 : i32
    %add3A_2054 = vector.broadcast %add3A_2053 : i32 to vector<16xi32>
    %add3A_2055 = arith.addi %mul3A_7, %add3A_2054 : vector<16xi32>
    %gather3A_2056 = tpu.vector_load_idx %arg5[%add3A_2055] : memref<2560xi32, #tpu.memory_space<vmem>>[vector<16xi32>], vector<16xi32>,
    %add3A_2057 = arith.constant 16 : i32
    %add3A_2058 = vector.broadcast %add3A_2057 : i32 to vector<16xi32>
    %add3A_2059 = arith.addi %add3A_2058, %iota3A : vector<16xi32>
    %mul3A_2060 = arith.constant 2048 : i32
    %mul3A_2061 = vector.broadcast %mul3A_2060 : i32 to vector<16xi32>
    %mul3A_2062 = arith.muli %add3A_2059, %mul3A_2061 : vector<16xi32>
    %add3A_2063 = arith.addi %mul3A_2062, %gather3A_2056 : vector<16xi32>
    %gather3A_2064 = tpu.vector_load_idx %arg6[%add3A_2063] : memref<65536xf32, #tpu.memory_space<vmem>>[vector<16xi32>], vector<16xf32>,
    %add3A_2065 = arith.addf %gather3A_2064, %broadcast_in_dim3A_8 : vector<16xf32>
    tpu.vector_store_idx %arg6[%add3A_2063], %add3A_2065 : memref<65536xf32, #tpu.memory_space<vmem>>[vector<16xi32>], vector<16xf32>,
    %add3A_2066 = arith.constant 1285 : i32
    %add3A_2067 = vector.broadcast %add3A_2066 : i32 to vector<16xi32>
    %add3A_2068 = arith.addi %mul3A_7, %add3A_2067 : vector<16xi32>
    %gather3A_2069 = tpu.vector_load_idx %arg5[%add3A_2068] : memref<2560xi32, #tpu.memory_space<vmem>>[vector<16xi32>], vector<16xi32>,
    %add3A_2070 = arith.constant 0 : i32
    %add3A_2071 = vector.broadcast %add3A_2070 : i32 to vector<16xi32>
    %add3A_2072 = arith.addi %add3A_2071, %iota3A : vector<16xi32>
    %mul3A_2073 = arith.constant 2048 : i32
    %mul3A_2074 = vector.broadcast %mul3A_2073 : i32 to vector<16xi32>
    %mul3A_2075 = arith.muli %add3A_2072, %mul3A_2074 : vector<16xi32>
    %add3A_2076 = arith.addi %mul3A_2075, %gather3A_2069 : vector<16xi32>
    %gather3A_2077 = tpu.vector_load_idx %arg6[%add3A_2076] : memref<65536xf32, #tpu.memory_space<vmem>>[vector<16xi32>], vector<16xf32>,
    %add3A_2078 = arith.addf %gather3A_2077, %broadcast_in_dim3A_8 : vector<16xf32>
    tpu.vector_store_idx %arg6[%add3A_2076], %add3A_2078 : memref<65536xf32, #tpu.memory_space<vmem>>[vector<16xi32>], vector<16xf32>,
    %add3A_2079 = arith.constant 1925 : i32
    %add3A_2080 = vector.broadcast %add3A_2079 : i32 to vector<16xi32>
    %add3A_2081 = arith.addi %mul3A_7, %add3A_2080 : vector<16xi32>
    %gather3A_2082 = tpu.vector_load_idx %arg5[%add3A_2081] : memref<2560xi32, #tpu.memory_space<vmem>>[vector<16xi32>], vector<16xi32>,
    %add3A_2083 = arith.constant 16 : i32
    %add3A_2084 = vector.broadcast %add3A_2083 : i32 to vector<16xi32>
    %add3A_2085 = arith.addi %add3A_2084, %iota3A : vector<16xi32>
    %mul3A_2086 = arith.constant 2048 : i32
    %mul3A_2087 = vector.broadcast %mul3A_2086 : i32 to vector<16xi32>
    %mul3A_2088 = arith.muli %add3A_2085, %mul3A_2087 : vector<16xi32>
    %add3A_2089 = arith.addi %mul3A_2088, %gather3A_2082 : vector<16xi32>
    %gather3A_2090 = tpu.vector_load_idx %arg6[%add3A_2089] : memref<65536xf32, #tpu.memory_space<vmem>>[vector<16xi32>], vector<16xf32>,
    %add3A_2091 = arith.addf %gather3A_2090, %broadcast_in_dim3A_8 : vector<16xf32>
    tpu.vector_store_idx %arg6[%add3A_2089], %add3A_2091 : memref<65536xf32, #tpu.memory_space<vmem>>[vector<16xi32>], vector<16xf32>,
    %add3A_2092 = arith.constant 1286 : i32
    %add3A_2093 = vector.broadcast %add3A_2092 : i32 to vector<16xi32>
    %add3A_2094 = arith.addi %mul3A_7, %add3A_2093 : vector<16xi32>
    %gather3A_2095 = tpu.vector_load_idx %arg5[%add3A_2094] : memref<2560xi32, #tpu.memory_space<vmem>>[vector<16xi32>], vector<16xi32>,
    %add3A_2096 = arith.constant 0 : i32
    %add3A_2097 = vector.broadcast %add3A_2096 : i32 to vector<16xi32>
    %add3A_2098 = arith.addi %add3A_2097, %iota3A : vector<16xi32>
    %mul3A_2099 = arith.constant 2048 : i32
    %mul3A_2100 = vector.broadcast %mul3A_2099 : i32 to vector<16xi32>
    %mul3A_2101 = arith.muli %add3A_2098, %mul3A_2100 : vector<16xi32>
    %add3A_2102 = arith.addi %mul3A_2101, %gather3A_2095 : vector<16xi32>
    %gather3A_2103 = tpu.vector_load_idx %arg6[%add3A_2102] : memref<65536xf32, #tpu.memory_space<vmem>>[vector<16xi32>], vector<16xf32>,
    %add3A_2104 = arith.addf %gather3A_2103, %broadcast_in_dim3A_8 : vector<16xf32>
    tpu.vector_store_idx %arg6[%add3A_2102], %add3A_2104 : memref<65536xf32, #tpu.memory_space<vmem>>[vector<16xi32>], vector<16xf32>,
    %add3A_2105 = arith.constant 1926 : i32
    %add3A_2106 = vector.broadcast %add3A_2105 : i32 to vector<16xi32>
    %add3A_2107 = arith.addi %mul3A_7, %add3A_2106 : vector<16xi32>
    %gather3A_2108 = tpu.vector_load_idx %arg5[%add3A_2107] : memref<2560xi32, #tpu.memory_space<vmem>>[vector<16xi32>], vector<16xi32>,
    %add3A_2109 = arith.constant 16 : i32
    %add3A_2110 = vector.broadcast %add3A_2109 : i32 to vector<16xi32>
    %add3A_2111 = arith.addi %add3A_2110, %iota3A : vector<16xi32>
    %mul3A_2112 = arith.constant 2048 : i32
    %mul3A_2113 = vector.broadcast %mul3A_2112 : i32 to vector<16xi32>
    %mul3A_2114 = arith.muli %add3A_2111, %mul3A_2113 : vector<16xi32>
    %add3A_2115 = arith.addi %mul3A_2114, %gather3A_2108 : vector<16xi32>
    %gather3A_2116 = tpu.vector_load_idx %arg6[%add3A_2115] : memref<65536xf32, #tpu.memory_space<vmem>>[vector<16xi32>], vector<16xf32>,
    %add3A_2117 = arith.addf %gather3A_2116, %broadcast_in_dim3A_8 : vector<16xf32>
    tpu.vector_store_idx %arg6[%add3A_2115], %add3A_2117 : memref<65536xf32, #tpu.memory_space<vmem>>[vector<16xi32>], vector<16xf32>,
    %add3A_2118 = arith.constant 1287 : i32
    %add3A_2119 = vector.broadcast %add3A_2118 : i32 to vector<16xi32>
    %add3A_2120 = arith.addi %mul3A_7, %add3A_2119 : vector<16xi32>
    %gather3A_2121 = tpu.vector_load_idx %arg5[%add3A_2120] : memref<2560xi32, #tpu.memory_space<vmem>>[vector<16xi32>], vector<16xi32>,
    %add3A_2122 = arith.constant 0 : i32
    %add3A_2123 = vector.broadcast %add3A_2122 : i32 to vector<16xi32>
    %add3A_2124 = arith.addi %add3A_2123, %iota3A : vector<16xi32>
    %mul3A_2125 = arith.constant 2048 : i32
    %mul3A_2126 = vector.broadcast %mul3A_2125 : i32 to vector<16xi32>
    %mul3A_2127 = arith.muli %add3A_2124, %mul3A_2126 : vector<16xi32>
    %add3A_2128 = arith.addi %mul3A_2127, %gather3A_2121 : vector<16xi32>
    %gather3A_2129 = tpu.vector_load_idx %arg6[%add3A_2128] : memref<65536xf32, #tpu.memory_space<vmem>>[vector<16xi32>], vector<16xf32>,
    %add3A_2130 = arith.addf %gather3A_2129, %broadcast_in_dim3A_8 : vector<16xf32>
    tpu.vector_store_idx %arg6[%add3A_2128], %add3A_2130 : memref<65536xf32, #tpu.memory_space<vmem>>[vector<16xi32>], vector<16xf32>,
    %add3A_2131 = arith.constant 1927 : i32
    %add3A_2132 = vector.broadcast %add3A_2131 : i32 to vector<16xi32>
    %add3A_2133 = arith.addi %mul3A_7, %add3A_2132 : vector<16xi32>
    %gather3A_2134 = tpu.vector_load_idx %arg5[%add3A_2133] : memref<2560xi32, #tpu.memory_space<vmem>>[vector<16xi32>], vector<16xi32>,
    %add3A_2135 = arith.constant 16 : i32
    %add3A_2136 = vector.broadcast %add3A_2135 : i32 to vector<16xi32>
    %add3A_2137 = arith.addi %add3A_2136, %iota3A : vector<16xi32>
    %mul3A_2138 = arith.constant 2048 : i32
    %mul3A_2139 = vector.broadcast %mul3A_2138 : i32 to vector<16xi32>
    %mul3A_2140 = arith.muli %add3A_2137, %mul3A_2139 : vector<16xi32>
    %add3A_2141 = arith.addi %mul3A_2140, %gather3A_2134 : vector<16xi32>
    %gather3A_2142 = tpu.vector_load_idx %arg6[%add3A_2141] : memref<65536xf32, #tpu.memory_space<vmem>>[vector<16xi32>], vector<16xf32>,
    %add3A_2143 = arith.addf %gather3A_2142, %broadcast_in_dim3A_8 : vector<16xf32>
    tpu.vector_store_idx %arg6[%add3A_2141], %add3A_2143 : memref<65536xf32, #tpu.memory_space<vmem>>[vector<16xi32>], vector<16xf32>,
    %add3A_2144 = arith.constant 1288 : i32
    %add3A_2145 = vector.broadcast %add3A_2144 : i32 to vector<16xi32>
    %add3A_2146 = arith.addi %mul3A_7, %add3A_2145 : vector<16xi32>
    %gather3A_2147 = tpu.vector_load_idx %arg5[%add3A_2146] : memref<2560xi32, #tpu.memory_space<vmem>>[vector<16xi32>], vector<16xi32>,
    %add3A_2148 = arith.constant 0 : i32
    %add3A_2149 = vector.broadcast %add3A_2148 : i32 to vector<16xi32>
    %add3A_2150 = arith.addi %add3A_2149, %iota3A : vector<16xi32>
    %mul3A_2151 = arith.constant 2048 : i32
    %mul3A_2152 = vector.broadcast %mul3A_2151 : i32 to vector<16xi32>
    %mul3A_2153 = arith.muli %add3A_2150, %mul3A_2152 : vector<16xi32>
    %add3A_2154 = arith.addi %mul3A_2153, %gather3A_2147 : vector<16xi32>
    %gather3A_2155 = tpu.vector_load_idx %arg6[%add3A_2154] : memref<65536xf32, #tpu.memory_space<vmem>>[vector<16xi32>], vector<16xf32>,
    %add3A_2156 = arith.addf %gather3A_2155, %broadcast_in_dim3A_8 : vector<16xf32>
    tpu.vector_store_idx %arg6[%add3A_2154], %add3A_2156 : memref<65536xf32, #tpu.memory_space<vmem>>[vector<16xi32>], vector<16xf32>,
    %add3A_2157 = arith.constant 1928 : i32
    %add3A_2158 = vector.broadcast %add3A_2157 : i32 to vector<16xi32>
    %add3A_2159 = arith.addi %mul3A_7, %add3A_2158 : vector<16xi32>
    %gather3A_2160 = tpu.vector_load_idx %arg5[%add3A_2159] : memref<2560xi32, #tpu.memory_space<vmem>>[vector<16xi32>], vector<16xi32>,
    %add3A_2161 = arith.constant 16 : i32
    %add3A_2162 = vector.broadcast %add3A_2161 : i32 to vector<16xi32>
    %add3A_2163 = arith.addi %add3A_2162, %iota3A : vector<16xi32>
    %mul3A_2164 = arith.constant 2048 : i32
    %mul3A_2165 = vector.broadcast %mul3A_2164 : i32 to vector<16xi32>
    %mul3A_2166 = arith.muli %add3A_2163, %mul3A_2165 : vector<16xi32>
    %add3A_2167 = arith.addi %mul3A_2166, %gather3A_2160 : vector<16xi32>
    %gather3A_2168 = tpu.vector_load_idx %arg6[%add3A_2167] : memref<65536xf32, #tpu.memory_space<vmem>>[vector<16xi32>], vector<16xf32>,
    %add3A_2169 = arith.addf %gather3A_2168, %broadcast_in_dim3A_8 : vector<16xf32>
    tpu.vector_store_idx %arg6[%add3A_2167], %add3A_2169 : memref<65536xf32, #tpu.memory_space<vmem>>[vector<16xi32>], vector<16xf32>,
    %add3A_2170 = arith.constant 1289 : i32
    %add3A_2171 = vector.broadcast %add3A_2170 : i32 to vector<16xi32>
    %add3A_2172 = arith.addi %mul3A_7, %add3A_2171 : vector<16xi32>
    %gather3A_2173 = tpu.vector_load_idx %arg5[%add3A_2172] : memref<2560xi32, #tpu.memory_space<vmem>>[vector<16xi32>], vector<16xi32>,
    %add3A_2174 = arith.constant 0 : i32
    %add3A_2175 = vector.broadcast %add3A_2174 : i32 to vector<16xi32>
    %add3A_2176 = arith.addi %add3A_2175, %iota3A : vector<16xi32>
    %mul3A_2177 = arith.constant 2048 : i32
    %mul3A_2178 = vector.broadcast %mul3A_2177 : i32 to vector<16xi32>
    %mul3A_2179 = arith.muli %add3A_2176, %mul3A_2178 : vector<16xi32>
    %add3A_2180 = arith.addi %mul3A_2179, %gather3A_2173 : vector<16xi32>
    %gather3A_2181 = tpu.vector_load_idx %arg6[%add3A_2180] : memref<65536xf32, #tpu.memory_space<vmem>>[vector<16xi32>], vector<16xf32>,
    %add3A_2182 = arith.addf %gather3A_2181, %broadcast_in_dim3A_8 : vector<16xf32>
    tpu.vector_store_idx %arg6[%add3A_2180], %add3A_2182 : memref<65536xf32, #tpu.memory_space<vmem>>[vector<16xi32>], vector<16xf32>,
    %add3A_2183 = arith.constant 1929 : i32
    %add3A_2184 = vector.broadcast %add3A_2183 : i32 to vector<16xi32>
    %add3A_2185 = arith.addi %mul3A_7, %add3A_2184 : vector<16xi32>
    %gather3A_2186 = tpu.vector_load_idx %arg5[%add3A_2185] : memref<2560xi32, #tpu.memory_space<vmem>>[vector<16xi32>], vector<16xi32>,
    %add3A_2187 = arith.constant 16 : i32
    %add3A_2188 = vector.broadcast %add3A_2187 : i32 to vector<16xi32>
    %add3A_2189 = arith.addi %add3A_2188, %iota3A : vector<16xi32>
    %mul3A_2190 = arith.constant 2048 : i32
    %mul3A_2191 = vector.broadcast %mul3A_2190 : i32 to vector<16xi32>
    %mul3A_2192 = arith.muli %add3A_2189, %mul3A_2191 : vector<16xi32>
    %add3A_2193 = arith.addi %mul3A_2192, %gather3A_2186 : vector<16xi32>
    %gather3A_2194 = tpu.vector_load_idx %arg6[%add3A_2193] : memref<65536xf32, #tpu.memory_space<vmem>>[vector<16xi32>], vector<16xf32>,
    %add3A_2195 = arith.addf %gather3A_2194, %broadcast_in_dim3A_8 : vector<16xf32>
    tpu.vector_store_idx %arg6[%add3A_2193], %add3A_2195 : memref<65536xf32, #tpu.memory_space<vmem>>[vector<16xi32>], vector<16xf32>,
    %add3A_2196 = arith.constant 1290 : i32
    %add3A_2197 = vector.broadcast %add3A_2196 : i32 to vector<16xi32>
    %add3A_2198 = arith.addi %mul3A_7, %add3A_2197 : vector<16xi32>
    %gather3A_2199 = tpu.vector_load_idx %arg5[%add3A_2198] : memref<2560xi32, #tpu.memory_space<vmem>>[vector<16xi32>], vector<16xi32>,
    %add3A_2200 = arith.constant 0 : i32
    %add3A_2201 = vector.broadcast %add3A_2200 : i32 to vector<16xi32>
    %add3A_2202 = arith.addi %add3A_2201, %iota3A : vector<16xi32>
    %mul3A_2203 = arith.constant 2048 : i32
    %mul3A_2204 = vector.broadcast %mul3A_2203 : i32 to vector<16xi32>
    %mul3A_2205 = arith.muli %add3A_2202, %mul3A_2204 : vector<16xi32>
    %add3A_2206 = arith.addi %mul3A_2205, %gather3A_2199 : vector<16xi32>
    %gather3A_2207 = tpu.vector_load_idx %arg6[%add3A_2206] : memref<65536xf32, #tpu.memory_space<vmem>>[vector<16xi32>], vector<16xf32>,
    %add3A_2208 = arith.addf %gather3A_2207, %broadcast_in_dim3A_8 : vector<16xf32>
    tpu.vector_store_idx %arg6[%add3A_2206], %add3A_2208 : memref<65536xf32, #tpu.memory_space<vmem>>[vector<16xi32>], vector<16xf32>,
    %add3A_2209 = arith.constant 1930 : i32
    %add3A_2210 = vector.broadcast %add3A_2209 : i32 to vector<16xi32>
    %add3A_2211 = arith.addi %mul3A_7, %add3A_2210 : vector<16xi32>
    %gather3A_2212 = tpu.vector_load_idx %arg5[%add3A_2211] : memref<2560xi32, #tpu.memory_space<vmem>>[vector<16xi32>], vector<16xi32>,
    %add3A_2213 = arith.constant 16 : i32
    %add3A_2214 = vector.broadcast %add3A_2213 : i32 to vector<16xi32>
    %add3A_2215 = arith.addi %add3A_2214, %iota3A : vector<16xi32>
    %mul3A_2216 = arith.constant 2048 : i32
    %mul3A_2217 = vector.broadcast %mul3A_2216 : i32 to vector<16xi32>
    %mul3A_2218 = arith.muli %add3A_2215, %mul3A_2217 : vector<16xi32>
    %add3A_2219 = arith.addi %mul3A_2218, %gather3A_2212 : vector<16xi32>
    %gather3A_2220 = tpu.vector_load_idx %arg6[%add3A_2219] : memref<65536xf32, #tpu.memory_space<vmem>>[vector<16xi32>], vector<16xf32>,
    %add3A_2221 = arith.addf %gather3A_2220, %broadcast_in_dim3A_8 : vector<16xf32>
    tpu.vector_store_idx %arg6[%add3A_2219], %add3A_2221 : memref<65536xf32, #tpu.memory_space<vmem>>[vector<16xi32>], vector<16xf32>,
    %add3A_2222 = arith.constant 1291 : i32
    %add3A_2223 = vector.broadcast %add3A_2222 : i32 to vector<16xi32>
    %add3A_2224 = arith.addi %mul3A_7, %add3A_2223 : vector<16xi32>
    %gather3A_2225 = tpu.vector_load_idx %arg5[%add3A_2224] : memref<2560xi32, #tpu.memory_space<vmem>>[vector<16xi32>], vector<16xi32>,
    %add3A_2226 = arith.constant 0 : i32
    %add3A_2227 = vector.broadcast %add3A_2226 : i32 to vector<16xi32>
    %add3A_2228 = arith.addi %add3A_2227, %iota3A : vector<16xi32>
    %mul3A_2229 = arith.constant 2048 : i32
    %mul3A_2230 = vector.broadcast %mul3A_2229 : i32 to vector<16xi32>
    %mul3A_2231 = arith.muli %add3A_2228, %mul3A_2230 : vector<16xi32>
    %add3A_2232 = arith.addi %mul3A_2231, %gather3A_2225 : vector<16xi32>
    %gather3A_2233 = tpu.vector_load_idx %arg6[%add3A_2232] : memref<65536xf32, #tpu.memory_space<vmem>>[vector<16xi32>], vector<16xf32>,
    %add3A_2234 = arith.addf %gather3A_2233, %broadcast_in_dim3A_8 : vector<16xf32>
    tpu.vector_store_idx %arg6[%add3A_2232], %add3A_2234 : memref<65536xf32, #tpu.memory_space<vmem>>[vector<16xi32>], vector<16xf32>,
    %add3A_2235 = arith.constant 1931 : i32
    %add3A_2236 = vector.broadcast %add3A_2235 : i32 to vector<16xi32>
    %add3A_2237 = arith.addi %mul3A_7, %add3A_2236 : vector<16xi32>
    %gather3A_2238 = tpu.vector_load_idx %arg5[%add3A_2237] : memref<2560xi32, #tpu.memory_space<vmem>>[vector<16xi32>], vector<16xi32>,
    %add3A_2239 = arith.constant 16 : i32
    %add3A_2240 = vector.broadcast %add3A_2239 : i32 to vector<16xi32>
    %add3A_2241 = arith.addi %add3A_2240, %iota3A : vector<16xi32>
    %mul3A_2242 = arith.constant 2048 : i32
    %mul3A_2243 = vector.broadcast %mul3A_2242 : i32 to vector<16xi32>
    %mul3A_2244 = arith.muli %add3A_2241, %mul3A_2243 : vector<16xi32>
    %add3A_2245 = arith.addi %mul3A_2244, %gather3A_2238 : vector<16xi32>
    %gather3A_2246 = tpu.vector_load_idx %arg6[%add3A_2245] : memref<65536xf32, #tpu.memory_space<vmem>>[vector<16xi32>], vector<16xf32>,
    %add3A_2247 = arith.addf %gather3A_2246, %broadcast_in_dim3A_8 : vector<16xf32>
    tpu.vector_store_idx %arg6[%add3A_2245], %add3A_2247 : memref<65536xf32, #tpu.memory_space<vmem>>[vector<16xi32>], vector<16xf32>,
    %add3A_2248 = arith.constant 1292 : i32
    %add3A_2249 = vector.broadcast %add3A_2248 : i32 to vector<16xi32>
    %add3A_2250 = arith.addi %mul3A_7, %add3A_2249 : vector<16xi32>
    %gather3A_2251 = tpu.vector_load_idx %arg5[%add3A_2250] : memref<2560xi32, #tpu.memory_space<vmem>>[vector<16xi32>], vector<16xi32>,
    %add3A_2252 = arith.constant 0 : i32
    %add3A_2253 = vector.broadcast %add3A_2252 : i32 to vector<16xi32>
    %add3A_2254 = arith.addi %add3A_2253, %iota3A : vector<16xi32>
    %mul3A_2255 = arith.constant 2048 : i32
    %mul3A_2256 = vector.broadcast %mul3A_2255 : i32 to vector<16xi32>
    %mul3A_2257 = arith.muli %add3A_2254, %mul3A_2256 : vector<16xi32>
    %add3A_2258 = arith.addi %mul3A_2257, %gather3A_2251 : vector<16xi32>
    %gather3A_2259 = tpu.vector_load_idx %arg6[%add3A_2258] : memref<65536xf32, #tpu.memory_space<vmem>>[vector<16xi32>], vector<16xf32>,
    %add3A_2260 = arith.addf %gather3A_2259, %broadcast_in_dim3A_8 : vector<16xf32>
    tpu.vector_store_idx %arg6[%add3A_2258], %add3A_2260 : memref<65536xf32, #tpu.memory_space<vmem>>[vector<16xi32>], vector<16xf32>,
    %add3A_2261 = arith.constant 1932 : i32
    %add3A_2262 = vector.broadcast %add3A_2261 : i32 to vector<16xi32>
    %add3A_2263 = arith.addi %mul3A_7, %add3A_2262 : vector<16xi32>
    %gather3A_2264 = tpu.vector_load_idx %arg5[%add3A_2263] : memref<2560xi32, #tpu.memory_space<vmem>>[vector<16xi32>], vector<16xi32>,
    %add3A_2265 = arith.constant 16 : i32
    %add3A_2266 = vector.broadcast %add3A_2265 : i32 to vector<16xi32>
    %add3A_2267 = arith.addi %add3A_2266, %iota3A : vector<16xi32>
    %mul3A_2268 = arith.constant 2048 : i32
    %mul3A_2269 = vector.broadcast %mul3A_2268 : i32 to vector<16xi32>
    %mul3A_2270 = arith.muli %add3A_2267, %mul3A_2269 : vector<16xi32>
    %add3A_2271 = arith.addi %mul3A_2270, %gather3A_2264 : vector<16xi32>
    %gather3A_2272 = tpu.vector_load_idx %arg6[%add3A_2271] : memref<65536xf32, #tpu.memory_space<vmem>>[vector<16xi32>], vector<16xf32>,
    %add3A_2273 = arith.addf %gather3A_2272, %broadcast_in_dim3A_8 : vector<16xf32>
    tpu.vector_store_idx %arg6[%add3A_2271], %add3A_2273 : memref<65536xf32, #tpu.memory_space<vmem>>[vector<16xi32>], vector<16xf32>,
    %add3A_2274 = arith.constant 1293 : i32
    %add3A_2275 = vector.broadcast %add3A_2274 : i32 to vector<16xi32>
    %add3A_2276 = arith.addi %mul3A_7, %add3A_2275 : vector<16xi32>
    %gather3A_2277 = tpu.vector_load_idx %arg5[%add3A_2276] : memref<2560xi32, #tpu.memory_space<vmem>>[vector<16xi32>], vector<16xi32>,
    %add3A_2278 = arith.constant 0 : i32
    %add3A_2279 = vector.broadcast %add3A_2278 : i32 to vector<16xi32>
    %add3A_2280 = arith.addi %add3A_2279, %iota3A : vector<16xi32>
    %mul3A_2281 = arith.constant 2048 : i32
    %mul3A_2282 = vector.broadcast %mul3A_2281 : i32 to vector<16xi32>
    %mul3A_2283 = arith.muli %add3A_2280, %mul3A_2282 : vector<16xi32>
    %add3A_2284 = arith.addi %mul3A_2283, %gather3A_2277 : vector<16xi32>
    %gather3A_2285 = tpu.vector_load_idx %arg6[%add3A_2284] : memref<65536xf32, #tpu.memory_space<vmem>>[vector<16xi32>], vector<16xf32>,
    %add3A_2286 = arith.addf %gather3A_2285, %broadcast_in_dim3A_8 : vector<16xf32>
    tpu.vector_store_idx %arg6[%add3A_2284], %add3A_2286 : memref<65536xf32, #tpu.memory_space<vmem>>[vector<16xi32>], vector<16xf32>,
    %add3A_2287 = arith.constant 1933 : i32
    %add3A_2288 = vector.broadcast %add3A_2287 : i32 to vector<16xi32>
    %add3A_2289 = arith.addi %mul3A_7, %add3A_2288 : vector<16xi32>
    %gather3A_2290 = tpu.vector_load_idx %arg5[%add3A_2289] : memref<2560xi32, #tpu.memory_space<vmem>>[vector<16xi32>], vector<16xi32>,
    %add3A_2291 = arith.constant 16 : i32
    %add3A_2292 = vector.broadcast %add3A_2291 : i32 to vector<16xi32>
    %add3A_2293 = arith.addi %add3A_2292, %iota3A : vector<16xi32>
    %mul3A_2294 = arith.constant 2048 : i32
    %mul3A_2295 = vector.broadcast %mul3A_2294 : i32 to vector<16xi32>
    %mul3A_2296 = arith.muli %add3A_2293, %mul3A_2295 : vector<16xi32>
    %add3A_2297 = arith.addi %mul3A_2296, %gather3A_2290 : vector<16xi32>
    %gather3A_2298 = tpu.vector_load_idx %arg6[%add3A_2297] : memref<65536xf32, #tpu.memory_space<vmem>>[vector<16xi32>], vector<16xf32>,
    %add3A_2299 = arith.addf %gather3A_2298, %broadcast_in_dim3A_8 : vector<16xf32>
    tpu.vector_store_idx %arg6[%add3A_2297], %add3A_2299 : memref<65536xf32, #tpu.memory_space<vmem>>[vector<16xi32>], vector<16xf32>,
    %add3A_2300 = arith.constant 1294 : i32
    %add3A_2301 = vector.broadcast %add3A_2300 : i32 to vector<16xi32>
    %add3A_2302 = arith.addi %mul3A_7, %add3A_2301 : vector<16xi32>
    %gather3A_2303 = tpu.vector_load_idx %arg5[%add3A_2302] : memref<2560xi32, #tpu.memory_space<vmem>>[vector<16xi32>], vector<16xi32>,
    %add3A_2304 = arith.constant 0 : i32
    %add3A_2305 = vector.broadcast %add3A_2304 : i32 to vector<16xi32>
    %add3A_2306 = arith.addi %add3A_2305, %iota3A : vector<16xi32>
    %mul3A_2307 = arith.constant 2048 : i32
    %mul3A_2308 = vector.broadcast %mul3A_2307 : i32 to vector<16xi32>
    %mul3A_2309 = arith.muli %add3A_2306, %mul3A_2308 : vector<16xi32>
    %add3A_2310 = arith.addi %mul3A_2309, %gather3A_2303 : vector<16xi32>
    %gather3A_2311 = tpu.vector_load_idx %arg6[%add3A_2310] : memref<65536xf32, #tpu.memory_space<vmem>>[vector<16xi32>], vector<16xf32>,
    %add3A_2312 = arith.addf %gather3A_2311, %broadcast_in_dim3A_8 : vector<16xf32>
    tpu.vector_store_idx %arg6[%add3A_2310], %add3A_2312 : memref<65536xf32, #tpu.memory_space<vmem>>[vector<16xi32>], vector<16xf32>,
    %add3A_2313 = arith.constant 1934 : i32
    %add3A_2314 = vector.broadcast %add3A_2313 : i32 to vector<16xi32>
    %add3A_2315 = arith.addi %mul3A_7, %add3A_2314 : vector<16xi32>
    %gather3A_2316 = tpu.vector_load_idx %arg5[%add3A_2315] : memref<2560xi32, #tpu.memory_space<vmem>>[vector<16xi32>], vector<16xi32>,
    %add3A_2317 = arith.constant 16 : i32
    %add3A_2318 = vector.broadcast %add3A_2317 : i32 to vector<16xi32>
    %add3A_2319 = arith.addi %add3A_2318, %iota3A : vector<16xi32>
    %mul3A_2320 = arith.constant 2048 : i32
    %mul3A_2321 = vector.broadcast %mul3A_2320 : i32 to vector<16xi32>
    %mul3A_2322 = arith.muli %add3A_2319, %mul3A_2321 : vector<16xi32>
    %add3A_2323 = arith.addi %mul3A_2322, %gather3A_2316 : vector<16xi32>
    %gather3A_2324 = tpu.vector_load_idx %arg6[%add3A_2323] : memref<65536xf32, #tpu.memory_space<vmem>>[vector<16xi32>], vector<16xf32>,
    %add3A_2325 = arith.addf %gather3A_2324, %broadcast_in_dim3A_8 : vector<16xf32>
    tpu.vector_store_idx %arg6[%add3A_2323], %add3A_2325 : memref<65536xf32, #tpu.memory_space<vmem>>[vector<16xi32>], vector<16xf32>,
    %add3A_2326 = arith.constant 1295 : i32
    %add3A_2327 = vector.broadcast %add3A_2326 : i32 to vector<16xi32>
    %add3A_2328 = arith.addi %mul3A_7, %add3A_2327 : vector<16xi32>
    %gather3A_2329 = tpu.vector_load_idx %arg5[%add3A_2328] : memref<2560xi32, #tpu.memory_space<vmem>>[vector<16xi32>], vector<16xi32>,
    %add3A_2330 = arith.constant 0 : i32
    %add3A_2331 = vector.broadcast %add3A_2330 : i32 to vector<16xi32>
    %add3A_2332 = arith.addi %add3A_2331, %iota3A : vector<16xi32>
    %mul3A_2333 = arith.constant 2048 : i32
    %mul3A_2334 = vector.broadcast %mul3A_2333 : i32 to vector<16xi32>
    %mul3A_2335 = arith.muli %add3A_2332, %mul3A_2334 : vector<16xi32>
    %add3A_2336 = arith.addi %mul3A_2335, %gather3A_2329 : vector<16xi32>
    %gather3A_2337 = tpu.vector_load_idx %arg6[%add3A_2336] : memref<65536xf32, #tpu.memory_space<vmem>>[vector<16xi32>], vector<16xf32>,
    %add3A_2338 = arith.addf %gather3A_2337, %broadcast_in_dim3A_8 : vector<16xf32>
    tpu.vector_store_idx %arg6[%add3A_2336], %add3A_2338 : memref<65536xf32, #tpu.memory_space<vmem>>[vector<16xi32>], vector<16xf32>,
    %add3A_2339 = arith.constant 1935 : i32
    %add3A_2340 = vector.broadcast %add3A_2339 : i32 to vector<16xi32>
    %add3A_2341 = arith.addi %mul3A_7, %add3A_2340 : vector<16xi32>
    %gather3A_2342 = tpu.vector_load_idx %arg5[%add3A_2341] : memref<2560xi32, #tpu.memory_space<vmem>>[vector<16xi32>], vector<16xi32>,
    %add3A_2343 = arith.constant 16 : i32
    %add3A_2344 = vector.broadcast %add3A_2343 : i32 to vector<16xi32>
    %add3A_2345 = arith.addi %add3A_2344, %iota3A : vector<16xi32>
    %mul3A_2346 = arith.constant 2048 : i32
    %mul3A_2347 = vector.broadcast %mul3A_2346 : i32 to vector<16xi32>
    %mul3A_2348 = arith.muli %add3A_2345, %mul3A_2347 : vector<16xi32>
    %add3A_2349 = arith.addi %mul3A_2348, %gather3A_2342 : vector<16xi32>
    %gather3A_2350 = tpu.vector_load_idx %arg6[%add3A_2349] : memref<65536xf32, #tpu.memory_space<vmem>>[vector<16xi32>], vector<16xf32>,
    %add3A_2351 = arith.addf %gather3A_2350, %broadcast_in_dim3A_8 : vector<16xf32>
    tpu.vector_store_idx %arg6[%add3A_2349], %add3A_2351 : memref<65536xf32, #tpu.memory_space<vmem>>[vector<16xi32>], vector<16xf32>,
    %add3A_2352 = arith.constant 1296 : i32
    %add3A_2353 = vector.broadcast %add3A_2352 : i32 to vector<16xi32>
    %add3A_2354 = arith.addi %mul3A_7, %add3A_2353 : vector<16xi32>
    %gather3A_2355 = tpu.vector_load_idx %arg5[%add3A_2354] : memref<2560xi32, #tpu.memory_space<vmem>>[vector<16xi32>], vector<16xi32>,
    %add3A_2356 = arith.constant 0 : i32
    %add3A_2357 = vector.broadcast %add3A_2356 : i32 to vector<16xi32>
    %add3A_2358 = arith.addi %add3A_2357, %iota3A : vector<16xi32>
    %mul3A_2359 = arith.constant 2048 : i32
    %mul3A_2360 = vector.broadcast %mul3A_2359 : i32 to vector<16xi32>
    %mul3A_2361 = arith.muli %add3A_2358, %mul3A_2360 : vector<16xi32>
    %add3A_2362 = arith.addi %mul3A_2361, %gather3A_2355 : vector<16xi32>
    %gather3A_2363 = tpu.vector_load_idx %arg6[%add3A_2362] : memref<65536xf32, #tpu.memory_space<vmem>>[vector<16xi32>], vector<16xf32>,
    %add3A_2364 = arith.addf %gather3A_2363, %broadcast_in_dim3A_8 : vector<16xf32>
    tpu.vector_store_idx %arg6[%add3A_2362], %add3A_2364 : memref<65536xf32, #tpu.memory_space<vmem>>[vector<16xi32>], vector<16xf32>,
    %add3A_2365 = arith.constant 1936 : i32
    %add3A_2366 = vector.broadcast %add3A_2365 : i32 to vector<16xi32>
    %add3A_2367 = arith.addi %mul3A_7, %add3A_2366 : vector<16xi32>
    %gather3A_2368 = tpu.vector_load_idx %arg5[%add3A_2367] : memref<2560xi32, #tpu.memory_space<vmem>>[vector<16xi32>], vector<16xi32>,
    %add3A_2369 = arith.constant 16 : i32
    %add3A_2370 = vector.broadcast %add3A_2369 : i32 to vector<16xi32>
    %add3A_2371 = arith.addi %add3A_2370, %iota3A : vector<16xi32>
    %mul3A_2372 = arith.constant 2048 : i32
    %mul3A_2373 = vector.broadcast %mul3A_2372 : i32 to vector<16xi32>
    %mul3A_2374 = arith.muli %add3A_2371, %mul3A_2373 : vector<16xi32>
    %add3A_2375 = arith.addi %mul3A_2374, %gather3A_2368 : vector<16xi32>
    %gather3A_2376 = tpu.vector_load_idx %arg6[%add3A_2375] : memref<65536xf32, #tpu.memory_space<vmem>>[vector<16xi32>], vector<16xf32>,
    %add3A_2377 = arith.addf %gather3A_2376, %broadcast_in_dim3A_8 : vector<16xf32>
    tpu.vector_store_idx %arg6[%add3A_2375], %add3A_2377 : memref<65536xf32, #tpu.memory_space<vmem>>[vector<16xi32>], vector<16xf32>,
    %add3A_2378 = arith.constant 1297 : i32
    %add3A_2379 = vector.broadcast %add3A_2378 : i32 to vector<16xi32>
    %add3A_2380 = arith.addi %mul3A_7, %add3A_2379 : vector<16xi32>
    %gather3A_2381 = tpu.vector_load_idx %arg5[%add3A_2380] : memref<2560xi32, #tpu.memory_space<vmem>>[vector<16xi32>], vector<16xi32>,
    %add3A_2382 = arith.constant 0 : i32
    %add3A_2383 = vector.broadcast %add3A_2382 : i32 to vector<16xi32>
    %add3A_2384 = arith.addi %add3A_2383, %iota3A : vector<16xi32>
    %mul3A_2385 = arith.constant 2048 : i32
    %mul3A_2386 = vector.broadcast %mul3A_2385 : i32 to vector<16xi32>
    %mul3A_2387 = arith.muli %add3A_2384, %mul3A_2386 : vector<16xi32>
    %add3A_2388 = arith.addi %mul3A_2387, %gather3A_2381 : vector<16xi32>
    %gather3A_2389 = tpu.vector_load_idx %arg6[%add3A_2388] : memref<65536xf32, #tpu.memory_space<vmem>>[vector<16xi32>], vector<16xf32>,
    %add3A_2390 = arith.addf %gather3A_2389, %broadcast_in_dim3A_8 : vector<16xf32>
    tpu.vector_store_idx %arg6[%add3A_2388], %add3A_2390 : memref<65536xf32, #tpu.memory_space<vmem>>[vector<16xi32>], vector<16xf32>,
    %add3A_2391 = arith.constant 1937 : i32
    %add3A_2392 = vector.broadcast %add3A_2391 : i32 to vector<16xi32>
    %add3A_2393 = arith.addi %mul3A_7, %add3A_2392 : vector<16xi32>
    %gather3A_2394 = tpu.vector_load_idx %arg5[%add3A_2393] : memref<2560xi32, #tpu.memory_space<vmem>>[vector<16xi32>], vector<16xi32>,
    %add3A_2395 = arith.constant 16 : i32
    %add3A_2396 = vector.broadcast %add3A_2395 : i32 to vector<16xi32>
    %add3A_2397 = arith.addi %add3A_2396, %iota3A : vector<16xi32>
    %mul3A_2398 = arith.constant 2048 : i32
    %mul3A_2399 = vector.broadcast %mul3A_2398 : i32 to vector<16xi32>
    %mul3A_2400 = arith.muli %add3A_2397, %mul3A_2399 : vector<16xi32>
    %add3A_2401 = arith.addi %mul3A_2400, %gather3A_2394 : vector<16xi32>
    %gather3A_2402 = tpu.vector_load_idx %arg6[%add3A_2401] : memref<65536xf32, #tpu.memory_space<vmem>>[vector<16xi32>], vector<16xf32>,
    %add3A_2403 = arith.addf %gather3A_2402, %broadcast_in_dim3A_8 : vector<16xf32>
    tpu.vector_store_idx %arg6[%add3A_2401], %add3A_2403 : memref<65536xf32, #tpu.memory_space<vmem>>[vector<16xi32>], vector<16xf32>,
    %add3A_2404 = arith.constant 1298 : i32
    %add3A_2405 = vector.broadcast %add3A_2404 : i32 to vector<16xi32>
    %add3A_2406 = arith.addi %mul3A_7, %add3A_2405 : vector<16xi32>
    %gather3A_2407 = tpu.vector_load_idx %arg5[%add3A_2406] : memref<2560xi32, #tpu.memory_space<vmem>>[vector<16xi32>], vector<16xi32>,
    %add3A_2408 = arith.constant 0 : i32
    %add3A_2409 = vector.broadcast %add3A_2408 : i32 to vector<16xi32>
    %add3A_2410 = arith.addi %add3A_2409, %iota3A : vector<16xi32>
    %mul3A_2411 = arith.constant 2048 : i32
    %mul3A_2412 = vector.broadcast %mul3A_2411 : i32 to vector<16xi32>
    %mul3A_2413 = arith.muli %add3A_2410, %mul3A_2412 : vector<16xi32>
    %add3A_2414 = arith.addi %mul3A_2413, %gather3A_2407 : vector<16xi32>
    %gather3A_2415 = tpu.vector_load_idx %arg6[%add3A_2414] : memref<65536xf32, #tpu.memory_space<vmem>>[vector<16xi32>], vector<16xf32>,
    %add3A_2416 = arith.addf %gather3A_2415, %broadcast_in_dim3A_8 : vector<16xf32>
    tpu.vector_store_idx %arg6[%add3A_2414], %add3A_2416 : memref<65536xf32, #tpu.memory_space<vmem>>[vector<16xi32>], vector<16xf32>,
    %add3A_2417 = arith.constant 1938 : i32
    %add3A_2418 = vector.broadcast %add3A_2417 : i32 to vector<16xi32>
    %add3A_2419 = arith.addi %mul3A_7, %add3A_2418 : vector<16xi32>
    %gather3A_2420 = tpu.vector_load_idx %arg5[%add3A_2419] : memref<2560xi32, #tpu.memory_space<vmem>>[vector<16xi32>], vector<16xi32>,
    %add3A_2421 = arith.constant 16 : i32
    %add3A_2422 = vector.broadcast %add3A_2421 : i32 to vector<16xi32>
    %add3A_2423 = arith.addi %add3A_2422, %iota3A : vector<16xi32>
    %mul3A_2424 = arith.constant 2048 : i32
    %mul3A_2425 = vector.broadcast %mul3A_2424 : i32 to vector<16xi32>
    %mul3A_2426 = arith.muli %add3A_2423, %mul3A_2425 : vector<16xi32>
    %add3A_2427 = arith.addi %mul3A_2426, %gather3A_2420 : vector<16xi32>
    %gather3A_2428 = tpu.vector_load_idx %arg6[%add3A_2427] : memref<65536xf32, #tpu.memory_space<vmem>>[vector<16xi32>], vector<16xf32>,
    %add3A_2429 = arith.addf %gather3A_2428, %broadcast_in_dim3A_8 : vector<16xf32>
    tpu.vector_store_idx %arg6[%add3A_2427], %add3A_2429 : memref<65536xf32, #tpu.memory_space<vmem>>[vector<16xi32>], vector<16xf32>,
    %add3A_2430 = arith.constant 1299 : i32
    %add3A_2431 = vector.broadcast %add3A_2430 : i32 to vector<16xi32>
    %add3A_2432 = arith.addi %mul3A_7, %add3A_2431 : vector<16xi32>
    %gather3A_2433 = tpu.vector_load_idx %arg5[%add3A_2432] : memref<2560xi32, #tpu.memory_space<vmem>>[vector<16xi32>], vector<16xi32>,
    %add3A_2434 = arith.constant 0 : i32
    %add3A_2435 = vector.broadcast %add3A_2434 : i32 to vector<16xi32>
    %add3A_2436 = arith.addi %add3A_2435, %iota3A : vector<16xi32>
    %mul3A_2437 = arith.constant 2048 : i32
    %mul3A_2438 = vector.broadcast %mul3A_2437 : i32 to vector<16xi32>
    %mul3A_2439 = arith.muli %add3A_2436, %mul3A_2438 : vector<16xi32>
    %add3A_2440 = arith.addi %mul3A_2439, %gather3A_2433 : vector<16xi32>
    %gather3A_2441 = tpu.vector_load_idx %arg6[%add3A_2440] : memref<65536xf32, #tpu.memory_space<vmem>>[vector<16xi32>], vector<16xf32>,
    %add3A_2442 = arith.addf %gather3A_2441, %broadcast_in_dim3A_8 : vector<16xf32>
    tpu.vector_store_idx %arg6[%add3A_2440], %add3A_2442 : memref<65536xf32, #tpu.memory_space<vmem>>[vector<16xi32>], vector<16xf32>,
    %add3A_2443 = arith.constant 1939 : i32
    %add3A_2444 = vector.broadcast %add3A_2443 : i32 to vector<16xi32>
    %add3A_2445 = arith.addi %mul3A_7, %add3A_2444 : vector<16xi32>
    %gather3A_2446 = tpu.vector_load_idx %arg5[%add3A_2445] : memref<2560xi32, #tpu.memory_space<vmem>>[vector<16xi32>], vector<16xi32>,
    %add3A_2447 = arith.constant 16 : i32
    %add3A_2448 = vector.broadcast %add3A_2447 : i32 to vector<16xi32>
    %add3A_2449 = arith.addi %add3A_2448, %iota3A : vector<16xi32>
    %mul3A_2450 = arith.constant 2048 : i32
    %mul3A_2451 = vector.broadcast %mul3A_2450 : i32 to vector<16xi32>
    %mul3A_2452 = arith.muli %add3A_2449, %mul3A_2451 : vector<16xi32>
    %add3A_2453 = arith.addi %mul3A_2452, %gather3A_2446 : vector<16xi32>
    %gather3A_2454 = tpu.vector_load_idx %arg6[%add3A_2453] : memref<65536xf32, #tpu.memory_space<vmem>>[vector<16xi32>], vector<16xf32>,
    %add3A_2455 = arith.addf %gather3A_2454, %broadcast_in_dim3A_8 : vector<16xf32>
    tpu.vector_store_idx %arg6[%add3A_2453], %add3A_2455 : memref<65536xf32, #tpu.memory_space<vmem>>[vector<16xi32>], vector<16xf32>,
    %add3A_2456 = arith.constant 1300 : i32
    %add3A_2457 = vector.broadcast %add3A_2456 : i32 to vector<16xi32>
    %add3A_2458 = arith.addi %mul3A_7, %add3A_2457 : vector<16xi32>
    %gather3A_2459 = tpu.vector_load_idx %arg5[%add3A_2458] : memref<2560xi32, #tpu.memory_space<vmem>>[vector<16xi32>], vector<16xi32>,
    %add3A_2460 = arith.constant 0 : i32
    %add3A_2461 = vector.broadcast %add3A_2460 : i32 to vector<16xi32>
    %add3A_2462 = arith.addi %add3A_2461, %iota3A : vector<16xi32>
    %mul3A_2463 = arith.constant 2048 : i32
    %mul3A_2464 = vector.broadcast %mul3A_2463 : i32 to vector<16xi32>
    %mul3A_2465 = arith.muli %add3A_2462, %mul3A_2464 : vector<16xi32>
    %add3A_2466 = arith.addi %mul3A_2465, %gather3A_2459 : vector<16xi32>
    %gather3A_2467 = tpu.vector_load_idx %arg6[%add3A_2466] : memref<65536xf32, #tpu.memory_space<vmem>>[vector<16xi32>], vector<16xf32>,
    %add3A_2468 = arith.addf %gather3A_2467, %broadcast_in_dim3A_8 : vector<16xf32>
    tpu.vector_store_idx %arg6[%add3A_2466], %add3A_2468 : memref<65536xf32, #tpu.memory_space<vmem>>[vector<16xi32>], vector<16xf32>,
    %add3A_2469 = arith.constant 1940 : i32
    %add3A_2470 = vector.broadcast %add3A_2469 : i32 to vector<16xi32>
    %add3A_2471 = arith.addi %mul3A_7, %add3A_2470 : vector<16xi32>
    %gather3A_2472 = tpu.vector_load_idx %arg5[%add3A_2471] : memref<2560xi32, #tpu.memory_space<vmem>>[vector<16xi32>], vector<16xi32>,
    %add3A_2473 = arith.constant 16 : i32
    %add3A_2474 = vector.broadcast %add3A_2473 : i32 to vector<16xi32>
    %add3A_2475 = arith.addi %add3A_2474, %iota3A : vector<16xi32>
    %mul3A_2476 = arith.constant 2048 : i32
    %mul3A_2477 = vector.broadcast %mul3A_2476 : i32 to vector<16xi32>
    %mul3A_2478 = arith.muli %add3A_2475, %mul3A_2477 : vector<16xi32>
    %add3A_2479 = arith.addi %mul3A_2478, %gather3A_2472 : vector<16xi32>
    %gather3A_2480 = tpu.vector_load_idx %arg6[%add3A_2479] : memref<65536xf32, #tpu.memory_space<vmem>>[vector<16xi32>], vector<16xf32>,
    %add3A_2481 = arith.addf %gather3A_2480, %broadcast_in_dim3A_8 : vector<16xf32>
    tpu.vector_store_idx %arg6[%add3A_2479], %add3A_2481 : memref<65536xf32, #tpu.memory_space<vmem>>[vector<16xi32>], vector<16xf32>,
    %add3A_2482 = arith.constant 1301 : i32
    %add3A_2483 = vector.broadcast %add3A_2482 : i32 to vector<16xi32>
    %add3A_2484 = arith.addi %mul3A_7, %add3A_2483 : vector<16xi32>
    %gather3A_2485 = tpu.vector_load_idx %arg5[%add3A_2484] : memref<2560xi32, #tpu.memory_space<vmem>>[vector<16xi32>], vector<16xi32>,
    %add3A_2486 = arith.constant 0 : i32
    %add3A_2487 = vector.broadcast %add3A_2486 : i32 to vector<16xi32>
    %add3A_2488 = arith.addi %add3A_2487, %iota3A : vector<16xi32>
    %mul3A_2489 = arith.constant 2048 : i32
    %mul3A_2490 = vector.broadcast %mul3A_2489 : i32 to vector<16xi32>
    %mul3A_2491 = arith.muli %add3A_2488, %mul3A_2490 : vector<16xi32>
    %add3A_2492 = arith.addi %mul3A_2491, %gather3A_2485 : vector<16xi32>
    %gather3A_2493 = tpu.vector_load_idx %arg6[%add3A_2492] : memref<65536xf32, #tpu.memory_space<vmem>>[vector<16xi32>], vector<16xf32>,
    %add3A_2494 = arith.addf %gather3A_2493, %broadcast_in_dim3A_8 : vector<16xf32>
    tpu.vector_store_idx %arg6[%add3A_2492], %add3A_2494 : memref<65536xf32, #tpu.memory_space<vmem>>[vector<16xi32>], vector<16xf32>,
    %add3A_2495 = arith.constant 1941 : i32
    %add3A_2496 = vector.broadcast %add3A_2495 : i32 to vector<16xi32>
    %add3A_2497 = arith.addi %mul3A_7, %add3A_2496 : vector<16xi32>
    %gather3A_2498 = tpu.vector_load_idx %arg5[%add3A_2497] : memref<2560xi32, #tpu.memory_space<vmem>>[vector<16xi32>], vector<16xi32>,
    %add3A_2499 = arith.constant 16 : i32
    %add3A_2500 = vector.broadcast %add3A_2499 : i32 to vector<16xi32>
    %add3A_2501 = arith.addi %add3A_2500, %iota3A : vector<16xi32>
    %mul3A_2502 = arith.constant 2048 : i32
    %mul3A_2503 = vector.broadcast %mul3A_2502 : i32 to vector<16xi32>
    %mul3A_2504 = arith.muli %add3A_2501, %mul3A_2503 : vector<16xi32>
    %add3A_2505 = arith.addi %mul3A_2504, %gather3A_2498 : vector<16xi32>
    %gather3A_2506 = tpu.vector_load_idx %arg6[%add3A_2505] : memref<65536xf32, #tpu.memory_space<vmem>>[vector<16xi32>], vector<16xf32>,
    %add3A_2507 = arith.addf %gather3A_2506, %broadcast_in_dim3A_8 : vector<16xf32>
    tpu.vector_store_idx %arg6[%add3A_2505], %add3A_2507 : memref<65536xf32, #tpu.memory_space<vmem>>[vector<16xi32>], vector<16xf32>,
    %add3A_2508 = arith.constant 1302 : i32
    %add3A_2509 = vector.broadcast %add3A_2508 : i32 to vector<16xi32>
    %add3A_2510 = arith.addi %mul3A_7, %add3A_2509 : vector<16xi32>
    %gather3A_2511 = tpu.vector_load_idx %arg5[%add3A_2510] : memref<2560xi32, #tpu.memory_space<vmem>>[vector<16xi32>], vector<16xi32>,
    %add3A_2512 = arith.constant 0 : i32
    %add3A_2513 = vector.broadcast %add3A_2512 : i32 to vector<16xi32>
    %add3A_2514 = arith.addi %add3A_2513, %iota3A : vector<16xi32>
    %mul3A_2515 = arith.constant 2048 : i32
    %mul3A_2516 = vector.broadcast %mul3A_2515 : i32 to vector<16xi32>
    %mul3A_2517 = arith.muli %add3A_2514, %mul3A_2516 : vector<16xi32>
    %add3A_2518 = arith.addi %mul3A_2517, %gather3A_2511 : vector<16xi32>
    %gather3A_2519 = tpu.vector_load_idx %arg6[%add3A_2518] : memref<65536xf32, #tpu.memory_space<vmem>>[vector<16xi32>], vector<16xf32>,
    %add3A_2520 = arith.addf %gather3A_2519, %broadcast_in_dim3A_8 : vector<16xf32>
    tpu.vector_store_idx %arg6[%add3A_2518], %add3A_2520 : memref<65536xf32, #tpu.memory_space<vmem>>[vector<16xi32>], vector<16xf32>,
    %add3A_2521 = arith.constant 1942 : i32
    %add3A_2522 = vector.broadcast %add3A_2521 : i32 to vector<16xi32>
    %add3A_2523 = arith.addi %mul3A_7, %add3A_2522 : vector<16xi32>
    %gather3A_2524 = tpu.vector_load_idx %arg5[%add3A_2523] : memref<2560xi32, #tpu.memory_space<vmem>>[vector<16xi32>], vector<16xi32>,
    %add3A_2525 = arith.constant 16 : i32
    %add3A_2526 = vector.broadcast %add3A_2525 : i32 to vector<16xi32>
    %add3A_2527 = arith.addi %add3A_2526, %iota3A : vector<16xi32>
    %mul3A_2528 = arith.constant 2048 : i32
    %mul3A_2529 = vector.broadcast %mul3A_2528 : i32 to vector<16xi32>
    %mul3A_2530 = arith.muli %add3A_2527, %mul3A_2529 : vector<16xi32>
    %add3A_2531 = arith.addi %mul3A_2530, %gather3A_2524 : vector<16xi32>
    %gather3A_2532 = tpu.vector_load_idx %arg6[%add3A_2531] : memref<65536xf32, #tpu.memory_space<vmem>>[vector<16xi32>], vector<16xf32>,
    %add3A_2533 = arith.addf %gather3A_2532, %broadcast_in_dim3A_8 : vector<16xf32>
    tpu.vector_store_idx %arg6[%add3A_2531], %add3A_2533 : memref<65536xf32, #tpu.memory_space<vmem>>[vector<16xi32>], vector<16xf32>,
    %add3A_2534 = arith.constant 1303 : i32
    %add3A_2535 = vector.broadcast %add3A_2534 : i32 to vector<16xi32>
    %add3A_2536 = arith.addi %mul3A_7, %add3A_2535 : vector<16xi32>
    %gather3A_2537 = tpu.vector_load_idx %arg5[%add3A_2536] : memref<2560xi32, #tpu.memory_space<vmem>>[vector<16xi32>], vector<16xi32>,
    %add3A_2538 = arith.constant 0 : i32
    %add3A_2539 = vector.broadcast %add3A_2538 : i32 to vector<16xi32>
    %add3A_2540 = arith.addi %add3A_2539, %iota3A : vector<16xi32>
    %mul3A_2541 = arith.constant 2048 : i32
    %mul3A_2542 = vector.broadcast %mul3A_2541 : i32 to vector<16xi32>
    %mul3A_2543 = arith.muli %add3A_2540, %mul3A_2542 : vector<16xi32>
    %add3A_2544 = arith.addi %mul3A_2543, %gather3A_2537 : vector<16xi32>
    %gather3A_2545 = tpu.vector_load_idx %arg6[%add3A_2544] : memref<65536xf32, #tpu.memory_space<vmem>>[vector<16xi32>], vector<16xf32>,
    %add3A_2546 = arith.addf %gather3A_2545, %broadcast_in_dim3A_8 : vector<16xf32>
    tpu.vector_store_idx %arg6[%add3A_2544], %add3A_2546 : memref<65536xf32, #tpu.memory_space<vmem>>[vector<16xi32>], vector<16xf32>,
    %add3A_2547 = arith.constant 1943 : i32
    %add3A_2548 = vector.broadcast %add3A_2547 : i32 to vector<16xi32>
    %add3A_2549 = arith.addi %mul3A_7, %add3A_2548 : vector<16xi32>
    %gather3A_2550 = tpu.vector_load_idx %arg5[%add3A_2549] : memref<2560xi32, #tpu.memory_space<vmem>>[vector<16xi32>], vector<16xi32>,
    %add3A_2551 = arith.constant 16 : i32
    %add3A_2552 = vector.broadcast %add3A_2551 : i32 to vector<16xi32>
    %add3A_2553 = arith.addi %add3A_2552, %iota3A : vector<16xi32>
    %mul3A_2554 = arith.constant 2048 : i32
    %mul3A_2555 = vector.broadcast %mul3A_2554 : i32 to vector<16xi32>
    %mul3A_2556 = arith.muli %add3A_2553, %mul3A_2555 : vector<16xi32>
    %add3A_2557 = arith.addi %mul3A_2556, %gather3A_2550 : vector<16xi32>
    %gather3A_2558 = tpu.vector_load_idx %arg6[%add3A_2557] : memref<65536xf32, #tpu.memory_space<vmem>>[vector<16xi32>], vector<16xf32>,
    %add3A_2559 = arith.addf %gather3A_2558, %broadcast_in_dim3A_8 : vector<16xf32>
    tpu.vector_store_idx %arg6[%add3A_2557], %add3A_2559 : memref<65536xf32, #tpu.memory_space<vmem>>[vector<16xi32>], vector<16xf32>,
    %add3A_2560 = arith.constant 1304 : i32
    %add3A_2561 = vector.broadcast %add3A_2560 : i32 to vector<16xi32>
    %add3A_2562 = arith.addi %mul3A_7, %add3A_2561 : vector<16xi32>
    %gather3A_2563 = tpu.vector_load_idx %arg5[%add3A_2562] : memref<2560xi32, #tpu.memory_space<vmem>>[vector<16xi32>], vector<16xi32>,
    %add3A_2564 = arith.constant 0 : i32
    %add3A_2565 = vector.broadcast %add3A_2564 : i32 to vector<16xi32>
    %add3A_2566 = arith.addi %add3A_2565, %iota3A : vector<16xi32>
    %mul3A_2567 = arith.constant 2048 : i32
    %mul3A_2568 = vector.broadcast %mul3A_2567 : i32 to vector<16xi32>
    %mul3A_2569 = arith.muli %add3A_2566, %mul3A_2568 : vector<16xi32>
    %add3A_2570 = arith.addi %mul3A_2569, %gather3A_2563 : vector<16xi32>
    %gather3A_2571 = tpu.vector_load_idx %arg6[%add3A_2570] : memref<65536xf32, #tpu.memory_space<vmem>>[vector<16xi32>], vector<16xf32>,
    %add3A_2572 = arith.addf %gather3A_2571, %broadcast_in_dim3A_8 : vector<16xf32>
    tpu.vector_store_idx %arg6[%add3A_2570], %add3A_2572 : memref<65536xf32, #tpu.memory_space<vmem>>[vector<16xi32>], vector<16xf32>,
    %add3A_2573 = arith.constant 1944 : i32
    %add3A_2574 = vector.broadcast %add3A_2573 : i32 to vector<16xi32>
    %add3A_2575 = arith.addi %mul3A_7, %add3A_2574 : vector<16xi32>
    %gather3A_2576 = tpu.vector_load_idx %arg5[%add3A_2575] : memref<2560xi32, #tpu.memory_space<vmem>>[vector<16xi32>], vector<16xi32>,
    %add3A_2577 = arith.constant 16 : i32
    %add3A_2578 = vector.broadcast %add3A_2577 : i32 to vector<16xi32>
    %add3A_2579 = arith.addi %add3A_2578, %iota3A : vector<16xi32>
    %mul3A_2580 = arith.constant 2048 : i32
    %mul3A_2581 = vector.broadcast %mul3A_2580 : i32 to vector<16xi32>
    %mul3A_2582 = arith.muli %add3A_2579, %mul3A_2581 : vector<16xi32>
    %add3A_2583 = arith.addi %mul3A_2582, %gather3A_2576 : vector<16xi32>
    %gather3A_2584 = tpu.vector_load_idx %arg6[%add3A_2583] : memref<65536xf32, #tpu.memory_space<vmem>>[vector<16xi32>], vector<16xf32>,
    %add3A_2585 = arith.addf %gather3A_2584, %broadcast_in_dim3A_8 : vector<16xf32>
    tpu.vector_store_idx %arg6[%add3A_2583], %add3A_2585 : memref<65536xf32, #tpu.memory_space<vmem>>[vector<16xi32>], vector<16xf32>,
    %add3A_2586 = arith.constant 1305 : i32
    %add3A_2587 = vector.broadcast %add3A_2586 : i32 to vector<16xi32>
    %add3A_2588 = arith.addi %mul3A_7, %add3A_2587 : vector<16xi32>
    %gather3A_2589 = tpu.vector_load_idx %arg5[%add3A_2588] : memref<2560xi32, #tpu.memory_space<vmem>>[vector<16xi32>], vector<16xi32>,
    %add3A_2590 = arith.constant 0 : i32
    %add3A_2591 = vector.broadcast %add3A_2590 : i32 to vector<16xi32>
    %add3A_2592 = arith.addi %add3A_2591, %iota3A : vector<16xi32>
    %mul3A_2593 = arith.constant 2048 : i32
    %mul3A_2594 = vector.broadcast %mul3A_2593 : i32 to vector<16xi32>
    %mul3A_2595 = arith.muli %add3A_2592, %mul3A_2594 : vector<16xi32>
    %add3A_2596 = arith.addi %mul3A_2595, %gather3A_2589 : vector<16xi32>
    %gather3A_2597 = tpu.vector_load_idx %arg6[%add3A_2596] : memref<65536xf32, #tpu.memory_space<vmem>>[vector<16xi32>], vector<16xf32>,
    %add3A_2598 = arith.addf %gather3A_2597, %broadcast_in_dim3A_8 : vector<16xf32>
    tpu.vector_store_idx %arg6[%add3A_2596], %add3A_2598 : memref<65536xf32, #tpu.memory_space<vmem>>[vector<16xi32>], vector<16xf32>,
    %add3A_2599 = arith.constant 1945 : i32
    %add3A_2600 = vector.broadcast %add3A_2599 : i32 to vector<16xi32>
    %add3A_2601 = arith.addi %mul3A_7, %add3A_2600 : vector<16xi32>
    %gather3A_2602 = tpu.vector_load_idx %arg5[%add3A_2601] : memref<2560xi32, #tpu.memory_space<vmem>>[vector<16xi32>], vector<16xi32>,
    %add3A_2603 = arith.constant 16 : i32
    %add3A_2604 = vector.broadcast %add3A_2603 : i32 to vector<16xi32>
    %add3A_2605 = arith.addi %add3A_2604, %iota3A : vector<16xi32>
    %mul3A_2606 = arith.constant 2048 : i32
    %mul3A_2607 = vector.broadcast %mul3A_2606 : i32 to vector<16xi32>
    %mul3A_2608 = arith.muli %add3A_2605, %mul3A_2607 : vector<16xi32>
    %add3A_2609 = arith.addi %mul3A_2608, %gather3A_2602 : vector<16xi32>
    %gather3A_2610 = tpu.vector_load_idx %arg6[%add3A_2609] : memref<65536xf32, #tpu.memory_space<vmem>>[vector<16xi32>], vector<16xf32>,
    %add3A_2611 = arith.addf %gather3A_2610, %broadcast_in_dim3A_8 : vector<16xf32>
    tpu.vector_store_idx %arg6[%add3A_2609], %add3A_2611 : memref<65536xf32, #tpu.memory_space<vmem>>[vector<16xi32>], vector<16xf32>,
    %add3A_2612 = arith.constant 1306 : i32
    %add3A_2613 = vector.broadcast %add3A_2612 : i32 to vector<16xi32>
    %add3A_2614 = arith.addi %mul3A_7, %add3A_2613 : vector<16xi32>
    %gather3A_2615 = tpu.vector_load_idx %arg5[%add3A_2614] : memref<2560xi32, #tpu.memory_space<vmem>>[vector<16xi32>], vector<16xi32>,
    %add3A_2616 = arith.constant 0 : i32
    %add3A_2617 = vector.broadcast %add3A_2616 : i32 to vector<16xi32>
    %add3A_2618 = arith.addi %add3A_2617, %iota3A : vector<16xi32>
    %mul3A_2619 = arith.constant 2048 : i32
    %mul3A_2620 = vector.broadcast %mul3A_2619 : i32 to vector<16xi32>
    %mul3A_2621 = arith.muli %add3A_2618, %mul3A_2620 : vector<16xi32>
    %add3A_2622 = arith.addi %mul3A_2621, %gather3A_2615 : vector<16xi32>
    %gather3A_2623 = tpu.vector_load_idx %arg6[%add3A_2622] : memref<65536xf32, #tpu.memory_space<vmem>>[vector<16xi32>], vector<16xf32>,
    %add3A_2624 = arith.addf %gather3A_2623, %broadcast_in_dim3A_8 : vector<16xf32>
    tpu.vector_store_idx %arg6[%add3A_2622], %add3A_2624 : memref<65536xf32, #tpu.memory_space<vmem>>[vector<16xi32>], vector<16xf32>,
    %add3A_2625 = arith.constant 1946 : i32
    %add3A_2626 = vector.broadcast %add3A_2625 : i32 to vector<16xi32>
    %add3A_2627 = arith.addi %mul3A_7, %add3A_2626 : vector<16xi32>
    %gather3A_2628 = tpu.vector_load_idx %arg5[%add3A_2627] : memref<2560xi32, #tpu.memory_space<vmem>>[vector<16xi32>], vector<16xi32>,
    %add3A_2629 = arith.constant 16 : i32
    %add3A_2630 = vector.broadcast %add3A_2629 : i32 to vector<16xi32>
    %add3A_2631 = arith.addi %add3A_2630, %iota3A : vector<16xi32>
    %mul3A_2632 = arith.constant 2048 : i32
    %mul3A_2633 = vector.broadcast %mul3A_2632 : i32 to vector<16xi32>
    %mul3A_2634 = arith.muli %add3A_2631, %mul3A_2633 : vector<16xi32>
    %add3A_2635 = arith.addi %mul3A_2634, %gather3A_2628 : vector<16xi32>
    %gather3A_2636 = tpu.vector_load_idx %arg6[%add3A_2635] : memref<65536xf32, #tpu.memory_space<vmem>>[vector<16xi32>], vector<16xf32>,
    %add3A_2637 = arith.addf %gather3A_2636, %broadcast_in_dim3A_8 : vector<16xf32>
    tpu.vector_store_idx %arg6[%add3A_2635], %add3A_2637 : memref<65536xf32, #tpu.memory_space<vmem>>[vector<16xi32>], vector<16xf32>,
    %add3A_2638 = arith.constant 1307 : i32
    %add3A_2639 = vector.broadcast %add3A_2638 : i32 to vector<16xi32>
    %add3A_2640 = arith.addi %mul3A_7, %add3A_2639 : vector<16xi32>
    %gather3A_2641 = tpu.vector_load_idx %arg5[%add3A_2640] : memref<2560xi32, #tpu.memory_space<vmem>>[vector<16xi32>], vector<16xi32>,
    %add3A_2642 = arith.constant 0 : i32
    %add3A_2643 = vector.broadcast %add3A_2642 : i32 to vector<16xi32>
    %add3A_2644 = arith.addi %add3A_2643, %iota3A : vector<16xi32>
    %mul3A_2645 = arith.constant 2048 : i32
    %mul3A_2646 = vector.broadcast %mul3A_2645 : i32 to vector<16xi32>
    %mul3A_2647 = arith.muli %add3A_2644, %mul3A_2646 : vector<16xi32>
    %add3A_2648 = arith.addi %mul3A_2647, %gather3A_2641 : vector<16xi32>
    %gather3A_2649 = tpu.vector_load_idx %arg6[%add3A_2648] : memref<65536xf32, #tpu.memory_space<vmem>>[vector<16xi32>], vector<16xf32>,
    %add3A_2650 = arith.addf %gather3A_2649, %broadcast_in_dim3A_8 : vector<16xf32>
    tpu.vector_store_idx %arg6[%add3A_2648], %add3A_2650 : memref<65536xf32, #tpu.memory_space<vmem>>[vector<16xi32>], vector<16xf32>,
    %add3A_2651 = arith.constant 1947 : i32
    %add3A_2652 = vector.broadcast %add3A_2651 : i32 to vector<16xi32>
    %add3A_2653 = arith.addi %mul3A_7, %add3A_2652 : vector<16xi32>
    %gather3A_2654 = tpu.vector_load_idx %arg5[%add3A_2653] : memref<2560xi32, #tpu.memory_space<vmem>>[vector<16xi32>], vector<16xi32>,
    %add3A_2655 = arith.constant 16 : i32
    %add3A_2656 = vector.broadcast %add3A_2655 : i32 to vector<16xi32>
    %add3A_2657 = arith.addi %add3A_2656, %iota3A : vector<16xi32>
    %mul3A_2658 = arith.constant 2048 : i32
    %mul3A_2659 = vector.broadcast %mul3A_2658 : i32 to vector<16xi32>
    %mul3A_2660 = arith.muli %add3A_2657, %mul3A_2659 : vector<16xi32>
    %add3A_2661 = arith.addi %mul3A_2660, %gather3A_2654 : vector<16xi32>
    %gather3A_2662 = tpu.vector_load_idx %arg6[%add3A_2661] : memref<65536xf32, #tpu.memory_space<vmem>>[vector<16xi32>], vector<16xf32>,
    %add3A_2663 = arith.addf %gather3A_2662, %broadcast_in_dim3A_8 : vector<16xf32>
    tpu.vector_store_idx %arg6[%add3A_2661], %add3A_2663 : memref<65536xf32, #tpu.memory_space<vmem>>[vector<16xi32>], vector<16xf32>,
    %add3A_2664 = arith.constant 1308 : i32
    %add3A_2665 = vector.broadcast %add3A_2664 : i32 to vector<16xi32>
    %add3A_2666 = arith.addi %mul3A_7, %add3A_2665 : vector<16xi32>
    %gather3A_2667 = tpu.vector_load_idx %arg5[%add3A_2666] : memref<2560xi32, #tpu.memory_space<vmem>>[vector<16xi32>], vector<16xi32>,
    %add3A_2668 = arith.constant 0 : i32
    %add3A_2669 = vector.broadcast %add3A_2668 : i32 to vector<16xi32>
    %add3A_2670 = arith.addi %add3A_2669, %iota3A : vector<16xi32>
    %mul3A_2671 = arith.constant 2048 : i32
    %mul3A_2672 = vector.broadcast %mul3A_2671 : i32 to vector<16xi32>
    %mul3A_2673 = arith.muli %add3A_2670, %mul3A_2672 : vector<16xi32>
    %add3A_2674 = arith.addi %mul3A_2673, %gather3A_2667 : vector<16xi32>
    %gather3A_2675 = tpu.vector_load_idx %arg6[%add3A_2674] : memref<65536xf32, #tpu.memory_space<vmem>>[vector<16xi32>], vector<16xf32>,
    %add3A_2676 = arith.addf %gather3A_2675, %broadcast_in_dim3A_8 : vector<16xf32>
    tpu.vector_store_idx %arg6[%add3A_2674], %add3A_2676 : memref<65536xf32, #tpu.memory_space<vmem>>[vector<16xi32>], vector<16xf32>,
    %add3A_2677 = arith.constant 1948 : i32
    %add3A_2678 = vector.broadcast %add3A_2677 : i32 to vector<16xi32>
    %add3A_2679 = arith.addi %mul3A_7, %add3A_2678 : vector<16xi32>
    %gather3A_2680 = tpu.vector_load_idx %arg5[%add3A_2679] : memref<2560xi32, #tpu.memory_space<vmem>>[vector<16xi32>], vector<16xi32>,
    %add3A_2681 = arith.constant 16 : i32
    %add3A_2682 = vector.broadcast %add3A_2681 : i32 to vector<16xi32>
    %add3A_2683 = arith.addi %add3A_2682, %iota3A : vector<16xi32>
    %mul3A_2684 = arith.constant 2048 : i32
    %mul3A_2685 = vector.broadcast %mul3A_2684 : i32 to vector<16xi32>
    %mul3A_2686 = arith.muli %add3A_2683, %mul3A_2685 : vector<16xi32>
    %add3A_2687 = arith.addi %mul3A_2686, %gather3A_2680 : vector<16xi32>
    %gather3A_2688 = tpu.vector_load_idx %arg6[%add3A_2687] : memref<65536xf32, #tpu.memory_space<vmem>>[vector<16xi32>], vector<16xf32>,
    %add3A_2689 = arith.addf %gather3A_2688, %broadcast_in_dim3A_8 : vector<16xf32>
    tpu.vector_store_idx %arg6[%add3A_2687], %add3A_2689 : memref<65536xf32, #tpu.memory_space<vmem>>[vector<16xi32>], vector<16xf32>,
    %add3A_2690 = arith.constant 1309 : i32
    %add3A_2691 = vector.broadcast %add3A_2690 : i32 to vector<16xi32>
    %add3A_2692 = arith.addi %mul3A_7, %add3A_2691 : vector<16xi32>
    %gather3A_2693 = tpu.vector_load_idx %arg5[%add3A_2692] : memref<2560xi32, #tpu.memory_space<vmem>>[vector<16xi32>], vector<16xi32>,
    %add3A_2694 = arith.constant 0 : i32
    %add3A_2695 = vector.broadcast %add3A_2694 : i32 to vector<16xi32>
    %add3A_2696 = arith.addi %add3A_2695, %iota3A : vector<16xi32>
    %mul3A_2697 = arith.constant 2048 : i32
    %mul3A_2698 = vector.broadcast %mul3A_2697 : i32 to vector<16xi32>
    %mul3A_2699 = arith.muli %add3A_2696, %mul3A_2698 : vector<16xi32>
    %add3A_2700 = arith.addi %mul3A_2699, %gather3A_2693 : vector<16xi32>
    %gather3A_2701 = tpu.vector_load_idx %arg6[%add3A_2700] : memref<65536xf32, #tpu.memory_space<vmem>>[vector<16xi32>], vector<16xf32>,
    %add3A_2702 = arith.addf %gather3A_2701, %broadcast_in_dim3A_8 : vector<16xf32>
    tpu.vector_store_idx %arg6[%add3A_2700], %add3A_2702 : memref<65536xf32, #tpu.memory_space<vmem>>[vector<16xi32>], vector<16xf32>,
    %add3A_2703 = arith.constant 1949 : i32
    %add3A_2704 = vector.broadcast %add3A_2703 : i32 to vector<16xi32>
    %add3A_2705 = arith.addi %mul3A_7, %add3A_2704 : vector<16xi32>
    %gather3A_2706 = tpu.vector_load_idx %arg5[%add3A_2705] : memref<2560xi32, #tpu.memory_space<vmem>>[vector<16xi32>], vector<16xi32>,
    %add3A_2707 = arith.constant 16 : i32
    %add3A_2708 = vector.broadcast %add3A_2707 : i32 to vector<16xi32>
    %add3A_2709 = arith.addi %add3A_2708, %iota3A : vector<16xi32>
    %mul3A_2710 = arith.constant 2048 : i32
    %mul3A_2711 = vector.broadcast %mul3A_2710 : i32 to vector<16xi32>
    %mul3A_2712 = arith.muli %add3A_2709, %mul3A_2711 : vector<16xi32>
    %add3A_2713 = arith.addi %mul3A_2712, %gather3A_2706 : vector<16xi32>
    %gather3A_2714 = tpu.vector_load_idx %arg6[%add3A_2713] : memref<65536xf32, #tpu.memory_space<vmem>>[vector<16xi32>], vector<16xf32>,
    %add3A_2715 = arith.addf %gather3A_2714, %broadcast_in_dim3A_8 : vector<16xf32>
    tpu.vector_store_idx %arg6[%add3A_2713], %add3A_2715 : memref<65536xf32, #tpu.memory_space<vmem>>[vector<16xi32>], vector<16xf32>,
    %add3A_2716 = arith.constant 1310 : i32
    %add3A_2717 = vector.broadcast %add3A_2716 : i32 to vector<16xi32>
    %add3A_2718 = arith.addi %mul3A_7, %add3A_2717 : vector<16xi32>
    %gather3A_2719 = tpu.vector_load_idx %arg5[%add3A_2718] : memref<2560xi32, #tpu.memory_space<vmem>>[vector<16xi32>], vector<16xi32>,
    %add3A_2720 = arith.constant 0 : i32
    %add3A_2721 = vector.broadcast %add3A_2720 : i32 to vector<16xi32>
    %add3A_2722 = arith.addi %add3A_2721, %iota3A : vector<16xi32>
    %mul3A_2723 = arith.constant 2048 : i32
    %mul3A_2724 = vector.broadcast %mul3A_2723 : i32 to vector<16xi32>
    %mul3A_2725 = arith.muli %add3A_2722, %mul3A_2724 : vector<16xi32>
    %add3A_2726 = arith.addi %mul3A_2725, %gather3A_2719 : vector<16xi32>
    %gather3A_2727 = tpu.vector_load_idx %arg6[%add3A_2726] : memref<65536xf32, #tpu.memory_space<vmem>>[vector<16xi32>], vector<16xf32>,
    %add3A_2728 = arith.addf %gather3A_2727, %broadcast_in_dim3A_8 : vector<16xf32>
    tpu.vector_store_idx %arg6[%add3A_2726], %add3A_2728 : memref<65536xf32, #tpu.memory_space<vmem>>[vector<16xi32>], vector<16xf32>,
    %add3A_2729 = arith.constant 1950 : i32
    %add3A_2730 = vector.broadcast %add3A_2729 : i32 to vector<16xi32>
    %add3A_2731 = arith.addi %mul3A_7, %add3A_2730 : vector<16xi32>
    %gather3A_2732 = tpu.vector_load_idx %arg5[%add3A_2731] : memref<2560xi32, #tpu.memory_space<vmem>>[vector<16xi32>], vector<16xi32>,
    %add3A_2733 = arith.constant 16 : i32
    %add3A_2734 = vector.broadcast %add3A_2733 : i32 to vector<16xi32>
    %add3A_2735 = arith.addi %add3A_2734, %iota3A : vector<16xi32>
    %mul3A_2736 = arith.constant 2048 : i32
    %mul3A_2737 = vector.broadcast %mul3A_2736 : i32 to vector<16xi32>
    %mul3A_2738 = arith.muli %add3A_2735, %mul3A_2737 : vector<16xi32>
    %add3A_2739 = arith.addi %mul3A_2738, %gather3A_2732 : vector<16xi32>
    %gather3A_2740 = tpu.vector_load_idx %arg6[%add3A_2739] : memref<65536xf32, #tpu.memory_space<vmem>>[vector<16xi32>], vector<16xf32>,
    %add3A_2741 = arith.addf %gather3A_2740, %broadcast_in_dim3A_8 : vector<16xf32>
    tpu.vector_store_idx %arg6[%add3A_2739], %add3A_2741 : memref<65536xf32, #tpu.memory_space<vmem>>[vector<16xi32>], vector<16xf32>,
    %add3A_2742 = arith.constant 1311 : i32
    %add3A_2743 = vector.broadcast %add3A_2742 : i32 to vector<16xi32>
    %add3A_2744 = arith.addi %mul3A_7, %add3A_2743 : vector<16xi32>
    %gather3A_2745 = tpu.vector_load_idx %arg5[%add3A_2744] : memref<2560xi32, #tpu.memory_space<vmem>>[vector<16xi32>], vector<16xi32>,
    %add3A_2746 = arith.constant 0 : i32
    %add3A_2747 = vector.broadcast %add3A_2746 : i32 to vector<16xi32>
    %add3A_2748 = arith.addi %add3A_2747, %iota3A : vector<16xi32>
    %mul3A_2749 = arith.constant 2048 : i32
    %mul3A_2750 = vector.broadcast %mul3A_2749 : i32 to vector<16xi32>
    %mul3A_2751 = arith.muli %add3A_2748, %mul3A_2750 : vector<16xi32>
    %add3A_2752 = arith.addi %mul3A_2751, %gather3A_2745 : vector<16xi32>
    %gather3A_2753 = tpu.vector_load_idx %arg6[%add3A_2752] : memref<65536xf32, #tpu.memory_space<vmem>>[vector<16xi32>], vector<16xf32>,
    %add3A_2754 = arith.addf %gather3A_2753, %broadcast_in_dim3A_8 : vector<16xf32>
    tpu.vector_store_idx %arg6[%add3A_2752], %add3A_2754 : memref<65536xf32, #tpu.memory_space<vmem>>[vector<16xi32>], vector<16xf32>,
    %add3A_2755 = arith.constant 1951 : i32
    %add3A_2756 = vector.broadcast %add3A_2755 : i32 to vector<16xi32>
    %add3A_2757 = arith.addi %mul3A_7, %add3A_2756 : vector<16xi32>
    %gather3A_2758 = tpu.vector_load_idx %arg5[%add3A_2757] : memref<2560xi32, #tpu.memory_space<vmem>>[vector<16xi32>], vector<16xi32>,
    %add3A_2759 = arith.constant 16 : i32
    %add3A_2760 = vector.broadcast %add3A_2759 : i32 to vector<16xi32>
    %add3A_2761 = arith.addi %add3A_2760, %iota3A : vector<16xi32>
    %mul3A_2762 = arith.constant 2048 : i32
    %mul3A_2763 = vector.broadcast %mul3A_2762 : i32 to vector<16xi32>
    %mul3A_2764 = arith.muli %add3A_2761, %mul3A_2763 : vector<16xi32>
    %add3A_2765 = arith.addi %mul3A_2764, %gather3A_2758 : vector<16xi32>
    %gather3A_2766 = tpu.vector_load_idx %arg6[%add3A_2765] : memref<65536xf32, #tpu.memory_space<vmem>>[vector<16xi32>], vector<16xf32>,
    %add3A_2767 = arith.addf %gather3A_2766, %broadcast_in_dim3A_8 : vector<16xf32>
    tpu.vector_store_idx %arg6[%add3A_2765], %add3A_2767 : memref<65536xf32, #tpu.memory_space<vmem>>[vector<16xi32>], vector<16xf32>,
    %add3A_2768 = arith.constant 1312 : i32
    %add3A_2769 = vector.broadcast %add3A_2768 : i32 to vector<16xi32>
    %add3A_2770 = arith.addi %mul3A_7, %add3A_2769 : vector<16xi32>
    %gather3A_2771 = tpu.vector_load_idx %arg5[%add3A_2770] : memref<2560xi32, #tpu.memory_space<vmem>>[vector<16xi32>], vector<16xi32>,
    %add3A_2772 = arith.constant 0 : i32
    %add3A_2773 = vector.broadcast %add3A_2772 : i32 to vector<16xi32>
    %add3A_2774 = arith.addi %add3A_2773, %iota3A : vector<16xi32>
    %mul3A_2775 = arith.constant 2048 : i32
    %mul3A_2776 = vector.broadcast %mul3A_2775 : i32 to vector<16xi32>
    %mul3A_2777 = arith.muli %add3A_2774, %mul3A_2776 : vector<16xi32>
    %add3A_2778 = arith.addi %mul3A_2777, %gather3A_2771 : vector<16xi32>
    %gather3A_2779 = tpu.vector_load_idx %arg6[%add3A_2778] : memref<65536xf32, #tpu.memory_space<vmem>>[vector<16xi32>], vector<16xf32>,
    %add3A_2780 = arith.addf %gather3A_2779, %broadcast_in_dim3A_8 : vector<16xf32>
    tpu.vector_store_idx %arg6[%add3A_2778], %add3A_2780 : memref<65536xf32, #tpu.memory_space<vmem>>[vector<16xi32>], vector<16xf32>,
    %add3A_2781 = arith.constant 1952 : i32
    %add3A_2782 = vector.broadcast %add3A_2781 : i32 to vector<16xi32>
    %add3A_2783 = arith.addi %mul3A_7, %add3A_2782 : vector<16xi32>
    %gather3A_2784 = tpu.vector_load_idx %arg5[%add3A_2783] : memref<2560xi32, #tpu.memory_space<vmem>>[vector<16xi32>], vector<16xi32>,
    %add3A_2785 = arith.constant 16 : i32
    %add3A_2786 = vector.broadcast %add3A_2785 : i32 to vector<16xi32>
    %add3A_2787 = arith.addi %add3A_2786, %iota3A : vector<16xi32>
    %mul3A_2788 = arith.constant 2048 : i32
    %mul3A_2789 = vector.broadcast %mul3A_2788 : i32 to vector<16xi32>
    %mul3A_2790 = arith.muli %add3A_2787, %mul3A_2789 : vector<16xi32>
    %add3A_2791 = arith.addi %mul3A_2790, %gather3A_2784 : vector<16xi32>
    %gather3A_2792 = tpu.vector_load_idx %arg6[%add3A_2791] : memref<65536xf32, #tpu.memory_space<vmem>>[vector<16xi32>], vector<16xf32>,
    %add3A_2793 = arith.addf %gather3A_2792, %broadcast_in_dim3A_8 : vector<16xf32>
    tpu.vector_store_idx %arg6[%add3A_2791], %add3A_2793 : memref<65536xf32, #tpu.memory_space<vmem>>[vector<16xi32>], vector<16xf32>,
    %add3A_2794 = arith.constant 1313 : i32
    %add3A_2795 = vector.broadcast %add3A_2794 : i32 to vector<16xi32>
    %add3A_2796 = arith.addi %mul3A_7, %add3A_2795 : vector<16xi32>
    %gather3A_2797 = tpu.vector_load_idx %arg5[%add3A_2796] : memref<2560xi32, #tpu.memory_space<vmem>>[vector<16xi32>], vector<16xi32>,
    %add3A_2798 = arith.constant 0 : i32
    %add3A_2799 = vector.broadcast %add3A_2798 : i32 to vector<16xi32>
    %add3A_2800 = arith.addi %add3A_2799, %iota3A : vector<16xi32>
    %mul3A_2801 = arith.constant 2048 : i32
    %mul3A_2802 = vector.broadcast %mul3A_2801 : i32 to vector<16xi32>
    %mul3A_2803 = arith.muli %add3A_2800, %mul3A_2802 : vector<16xi32>
    %add3A_2804 = arith.addi %mul3A_2803, %gather3A_2797 : vector<16xi32>
    %gather3A_2805 = tpu.vector_load_idx %arg6[%add3A_2804] : memref<65536xf32, #tpu.memory_space<vmem>>[vector<16xi32>], vector<16xf32>,
    %add3A_2806 = arith.addf %gather3A_2805, %broadcast_in_dim3A_8 : vector<16xf32>
    tpu.vector_store_idx %arg6[%add3A_2804], %add3A_2806 : memref<65536xf32, #tpu.memory_space<vmem>>[vector<16xi32>], vector<16xf32>,
    %add3A_2807 = arith.constant 1953 : i32
    %add3A_2808 = vector.broadcast %add3A_2807 : i32 to vector<16xi32>
    %add3A_2809 = arith.addi %mul3A_7, %add3A_2808 : vector<16xi32>
    %gather3A_2810 = tpu.vector_load_idx %arg5[%add3A_2809] : memref<2560xi32, #tpu.memory_space<vmem>>[vector<16xi32>], vector<16xi32>,
    %add3A_2811 = arith.constant 16 : i32
    %add3A_2812 = vector.broadcast %add3A_2811 : i32 to vector<16xi32>
    %add3A_2813 = arith.addi %add3A_2812, %iota3A : vector<16xi32>
    %mul3A_2814 = arith.constant 2048 : i32
    %mul3A_2815 = vector.broadcast %mul3A_2814 : i32 to vector<16xi32>
    %mul3A_2816 = arith.muli %add3A_2813, %mul3A_2815 : vector<16xi32>
    %add3A_2817 = arith.addi %mul3A_2816, %gather3A_2810 : vector<16xi32>
    %gather3A_2818 = tpu.vector_load_idx %arg6[%add3A_2817] : memref<65536xf32, #tpu.memory_space<vmem>>[vector<16xi32>], vector<16xf32>,
    %add3A_2819 = arith.addf %gather3A_2818, %broadcast_in_dim3A_8 : vector<16xf32>
    tpu.vector_store_idx %arg6[%add3A_2817], %add3A_2819 : memref<65536xf32, #tpu.memory_space<vmem>>[vector<16xi32>], vector<16xf32>,
    %add3A_2820 = arith.constant 1314 : i32
    %add3A_2821 = vector.broadcast %add3A_2820 : i32 to vector<16xi32>
    %add3A_2822 = arith.addi %mul3A_7, %add3A_2821 : vector<16xi32>
    %gather3A_2823 = tpu.vector_load_idx %arg5[%add3A_2822] : memref<2560xi32, #tpu.memory_space<vmem>>[vector<16xi32>], vector<16xi32>,
    %add3A_2824 = arith.constant 0 : i32
    %add3A_2825 = vector.broadcast %add3A_2824 : i32 to vector<16xi32>
    %add3A_2826 = arith.addi %add3A_2825, %iota3A : vector<16xi32>
    %mul3A_2827 = arith.constant 2048 : i32
    %mul3A_2828 = vector.broadcast %mul3A_2827 : i32 to vector<16xi32>
    %mul3A_2829 = arith.muli %add3A_2826, %mul3A_2828 : vector<16xi32>
    %add3A_2830 = arith.addi %mul3A_2829, %gather3A_2823 : vector<16xi32>
    %gather3A_2831 = tpu.vector_load_idx %arg6[%add3A_2830] : memref<65536xf32, #tpu.memory_space<vmem>>[vector<16xi32>], vector<16xf32>,
    %add3A_2832 = arith.addf %gather3A_2831, %broadcast_in_dim3A_8 : vector<16xf32>
    tpu.vector_store_idx %arg6[%add3A_2830], %add3A_2832 : memref<65536xf32, #tpu.memory_space<vmem>>[vector<16xi32>], vector<16xf32>,
    %add3A_2833 = arith.constant 1954 : i32
    %add3A_2834 = vector.broadcast %add3A_2833 : i32 to vector<16xi32>
    %add3A_2835 = arith.addi %mul3A_7, %add3A_2834 : vector<16xi32>
    %gather3A_2836 = tpu.vector_load_idx %arg5[%add3A_2835] : memref<2560xi32, #tpu.memory_space<vmem>>[vector<16xi32>], vector<16xi32>,
    %add3A_2837 = arith.constant 16 : i32
    %add3A_2838 = vector.broadcast %add3A_2837 : i32 to vector<16xi32>
    %add3A_2839 = arith.addi %add3A_2838, %iota3A : vector<16xi32>
    %mul3A_2840 = arith.constant 2048 : i32
    %mul3A_2841 = vector.broadcast %mul3A_2840 : i32 to vector<16xi32>
    %mul3A_2842 = arith.muli %add3A_2839, %mul3A_2841 : vector<16xi32>
    %add3A_2843 = arith.addi %mul3A_2842, %gather3A_2836 : vector<16xi32>
    %gather3A_2844 = tpu.vector_load_idx %arg6[%add3A_2843] : memref<65536xf32, #tpu.memory_space<vmem>>[vector<16xi32>], vector<16xf32>,
    %add3A_2845 = arith.addf %gather3A_2844, %broadcast_in_dim3A_8 : vector<16xf32>
    tpu.vector_store_idx %arg6[%add3A_2843], %add3A_2845 : memref<65536xf32, #tpu.memory_space<vmem>>[vector<16xi32>], vector<16xf32>,
    %add3A_2846 = arith.constant 1315 : i32
    %add3A_2847 = vector.broadcast %add3A_2846 : i32 to vector<16xi32>
    %add3A_2848 = arith.addi %mul3A_7, %add3A_2847 : vector<16xi32>
    %gather3A_2849 = tpu.vector_load_idx %arg5[%add3A_2848] : memref<2560xi32, #tpu.memory_space<vmem>>[vector<16xi32>], vector<16xi32>,
    %add3A_2850 = arith.constant 0 : i32
    %add3A_2851 = vector.broadcast %add3A_2850 : i32 to vector<16xi32>
    %add3A_2852 = arith.addi %add3A_2851, %iota3A : vector<16xi32>
    %mul3A_2853 = arith.constant 2048 : i32
    %mul3A_2854 = vector.broadcast %mul3A_2853 : i32 to vector<16xi32>
    %mul3A_2855 = arith.muli %add3A_2852, %mul3A_2854 : vector<16xi32>
    %add3A_2856 = arith.addi %mul3A_2855, %gather3A_2849 : vector<16xi32>
    %gather3A_2857 = tpu.vector_load_idx %arg6[%add3A_2856] : memref<65536xf32, #tpu.memory_space<vmem>>[vector<16xi32>], vector<16xf32>,
    %add3A_2858 = arith.addf %gather3A_2857, %broadcast_in_dim3A_8 : vector<16xf32>
    tpu.vector_store_idx %arg6[%add3A_2856], %add3A_2858 : memref<65536xf32, #tpu.memory_space<vmem>>[vector<16xi32>], vector<16xf32>,
    %add3A_2859 = arith.constant 1955 : i32
    %add3A_2860 = vector.broadcast %add3A_2859 : i32 to vector<16xi32>
    %add3A_2861 = arith.addi %mul3A_7, %add3A_2860 : vector<16xi32>
    %gather3A_2862 = tpu.vector_load_idx %arg5[%add3A_2861] : memref<2560xi32, #tpu.memory_space<vmem>>[vector<16xi32>], vector<16xi32>,
    %add3A_2863 = arith.constant 16 : i32
    %add3A_2864 = vector.broadcast %add3A_2863 : i32 to vector<16xi32>
    %add3A_2865 = arith.addi %add3A_2864, %iota3A : vector<16xi32>
    %mul3A_2866 = arith.constant 2048 : i32
    %mul3A_2867 = vector.broadcast %mul3A_2866 : i32 to vector<16xi32>
    %mul3A_2868 = arith.muli %add3A_2865, %mul3A_2867 : vector<16xi32>
    %add3A_2869 = arith.addi %mul3A_2868, %gather3A_2862 : vector<16xi32>
    %gather3A_2870 = tpu.vector_load_idx %arg6[%add3A_2869] : memref<65536xf32, #tpu.memory_space<vmem>>[vector<16xi32>], vector<16xf32>,
    %add3A_2871 = arith.addf %gather3A_2870, %broadcast_in_dim3A_8 : vector<16xf32>
    tpu.vector_store_idx %arg6[%add3A_2869], %add3A_2871 : memref<65536xf32, #tpu.memory_space<vmem>>[vector<16xi32>], vector<16xf32>,
    %add3A_2872 = arith.constant 1316 : i32
    %add3A_2873 = vector.broadcast %add3A_2872 : i32 to vector<16xi32>
    %add3A_2874 = arith.addi %mul3A_7, %add3A_2873 : vector<16xi32>
    %gather3A_2875 = tpu.vector_load_idx %arg5[%add3A_2874] : memref<2560xi32, #tpu.memory_space<vmem>>[vector<16xi32>], vector<16xi32>,
    %add3A_2876 = arith.constant 0 : i32
    %add3A_2877 = vector.broadcast %add3A_2876 : i32 to vector<16xi32>
    %add3A_2878 = arith.addi %add3A_2877, %iota3A : vector<16xi32>
    %mul3A_2879 = arith.constant 2048 : i32
    %mul3A_2880 = vector.broadcast %mul3A_2879 : i32 to vector<16xi32>
    %mul3A_2881 = arith.muli %add3A_2878, %mul3A_2880 : vector<16xi32>
    %add3A_2882 = arith.addi %mul3A_2881, %gather3A_2875 : vector<16xi32>
    %gather3A_2883 = tpu.vector_load_idx %arg6[%add3A_2882] : memref<65536xf32, #tpu.memory_space<vmem>>[vector<16xi32>], vector<16xf32>,
    %add3A_2884 = arith.addf %gather3A_2883, %broadcast_in_dim3A_8 : vector<16xf32>
    tpu.vector_store_idx %arg6[%add3A_2882], %add3A_2884 : memref<65536xf32, #tpu.memory_space<vmem>>[vector<16xi32>], vector<16xf32>,
    %add3A_2885 = arith.constant 1956 : i32
    %add3A_2886 = vector.broadcast %add3A_2885 : i32 to vector<16xi32>
    %add3A_2887 = arith.addi %mul3A_7, %add3A_2886 : vector<16xi32>
    %gather3A_2888 = tpu.vector_load_idx %arg5[%add3A_2887] : memref<2560xi32, #tpu.memory_space<vmem>>[vector<16xi32>], vector<16xi32>,
    %add3A_2889 = arith.constant 16 : i32
    %add3A_2890 = vector.broadcast %add3A_2889 : i32 to vector<16xi32>
    %add3A_2891 = arith.addi %add3A_2890, %iota3A : vector<16xi32>
    %mul3A_2892 = arith.constant 2048 : i32
    %mul3A_2893 = vector.broadcast %mul3A_2892 : i32 to vector<16xi32>
    %mul3A_2894 = arith.muli %add3A_2891, %mul3A_2893 : vector<16xi32>
    %add3A_2895 = arith.addi %mul3A_2894, %gather3A_2888 : vector<16xi32>
    %gather3A_2896 = tpu.vector_load_idx %arg6[%add3A_2895] : memref<65536xf32, #tpu.memory_space<vmem>>[vector<16xi32>], vector<16xf32>,
    %add3A_2897 = arith.addf %gather3A_2896, %broadcast_in_dim3A_8 : vector<16xf32>
    tpu.vector_store_idx %arg6[%add3A_2895], %add3A_2897 : memref<65536xf32, #tpu.memory_space<vmem>>[vector<16xi32>], vector<16xf32>,
    %add3A_2898 = arith.constant 1317 : i32
    %add3A_2899 = vector.broadcast %add3A_2898 : i32 to vector<16xi32>
    %add3A_2900 = arith.addi %mul3A_7, %add3A_2899 : vector<16xi32>
    %gather3A_2901 = tpu.vector_load_idx %arg5[%add3A_2900] : memref<2560xi32, #tpu.memory_space<vmem>>[vector<16xi32>], vector<16xi32>,
    %add3A_2902 = arith.constant 0 : i32
    %add3A_2903 = vector.broadcast %add3A_2902 : i32 to vector<16xi32>
    %add3A_2904 = arith.addi %add3A_2903, %iota3A : vector<16xi32>
    %mul3A_2905 = arith.constant 2048 : i32
    %mul3A_2906 = vector.broadcast %mul3A_2905 : i32 to vector<16xi32>
    %mul3A_2907 = arith.muli %add3A_2904, %mul3A_2906 : vector<16xi32>
    %add3A_2908 = arith.addi %mul3A_2907, %gather3A_2901 : vector<16xi32>
    %gather3A_2909 = tpu.vector_load_idx %arg6[%add3A_2908] : memref<65536xf32, #tpu.memory_space<vmem>>[vector<16xi32>], vector<16xf32>,
    %add3A_2910 = arith.addf %gather3A_2909, %broadcast_in_dim3A_8 : vector<16xf32>
    tpu.vector_store_idx %arg6[%add3A_2908], %add3A_2910 : memref<65536xf32, #tpu.memory_space<vmem>>[vector<16xi32>], vector<16xf32>,
    %add3A_2911 = arith.constant 1957 : i32
    %add3A_2912 = vector.broadcast %add3A_2911 : i32 to vector<16xi32>
    %add3A_2913 = arith.addi %mul3A_7, %add3A_2912 : vector<16xi32>
    %gather3A_2914 = tpu.vector_load_idx %arg5[%add3A_2913] : memref<2560xi32, #tpu.memory_space<vmem>>[vector<16xi32>], vector<16xi32>,
    %add3A_2915 = arith.constant 16 : i32
    %add3A_2916 = vector.broadcast %add3A_2915 : i32 to vector<16xi32>
    %add3A_2917 = arith.addi %add3A_2916, %iota3A : vector<16xi32>
    %mul3A_2918 = arith.constant 2048 : i32
    %mul3A_2919 = vector.broadcast %mul3A_2918 : i32 to vector<16xi32>
    %mul3A_2920 = arith.muli %add3A_2917, %mul3A_2919 : vector<16xi32>
    %add3A_2921 = arith.addi %mul3A_2920, %gather3A_2914 : vector<16xi32>
    %gather3A_2922 = tpu.vector_load_idx %arg6[%add3A_2921] : memref<65536xf32, #tpu.memory_space<vmem>>[vector<16xi32>], vector<16xf32>,
    %add3A_2923 = arith.addf %gather3A_2922, %broadcast_in_dim3A_8 : vector<16xf32>
    tpu.vector_store_idx %arg6[%add3A_2921], %add3A_2923 : memref<65536xf32, #tpu.memory_space<vmem>>[vector<16xi32>], vector<16xf32>,
    %add3A_2924 = arith.constant 1318 : i32
    %add3A_2925 = vector.broadcast %add3A_2924 : i32 to vector<16xi32>
    %add3A_2926 = arith.addi %mul3A_7, %add3A_2925 : vector<16xi32>
    %gather3A_2927 = tpu.vector_load_idx %arg5[%add3A_2926] : memref<2560xi32, #tpu.memory_space<vmem>>[vector<16xi32>], vector<16xi32>,
    %add3A_2928 = arith.constant 0 : i32
    %add3A_2929 = vector.broadcast %add3A_2928 : i32 to vector<16xi32>
    %add3A_2930 = arith.addi %add3A_2929, %iota3A : vector<16xi32>
    %mul3A_2931 = arith.constant 2048 : i32
    %mul3A_2932 = vector.broadcast %mul3A_2931 : i32 to vector<16xi32>
    %mul3A_2933 = arith.muli %add3A_2930, %mul3A_2932 : vector<16xi32>
    %add3A_2934 = arith.addi %mul3A_2933, %gather3A_2927 : vector<16xi32>
    %gather3A_2935 = tpu.vector_load_idx %arg6[%add3A_2934] : memref<65536xf32, #tpu.memory_space<vmem>>[vector<16xi32>], vector<16xf32>,
    %add3A_2936 = arith.addf %gather3A_2935, %broadcast_in_dim3A_8 : vector<16xf32>
    tpu.vector_store_idx %arg6[%add3A_2934], %add3A_2936 : memref<65536xf32, #tpu.memory_space<vmem>>[vector<16xi32>], vector<16xf32>,
    %add3A_2937 = arith.constant 1958 : i32
    %add3A_2938 = vector.broadcast %add3A_2937 : i32 to vector<16xi32>
    %add3A_2939 = arith.addi %mul3A_7, %add3A_2938 : vector<16xi32>
    %gather3A_2940 = tpu.vector_load_idx %arg5[%add3A_2939] : memref<2560xi32, #tpu.memory_space<vmem>>[vector<16xi32>], vector<16xi32>,
    %add3A_2941 = arith.constant 16 : i32
    %add3A_2942 = vector.broadcast %add3A_2941 : i32 to vector<16xi32>
    %add3A_2943 = arith.addi %add3A_2942, %iota3A : vector<16xi32>
    %mul3A_2944 = arith.constant 2048 : i32
    %mul3A_2945 = vector.broadcast %mul3A_2944 : i32 to vector<16xi32>
    %mul3A_2946 = arith.muli %add3A_2943, %mul3A_2945 : vector<16xi32>
    %add3A_2947 = arith.addi %mul3A_2946, %gather3A_2940 : vector<16xi32>
    %gather3A_2948 = tpu.vector_load_idx %arg6[%add3A_2947] : memref<65536xf32, #tpu.memory_space<vmem>>[vector<16xi32>], vector<16xf32>,
    %add3A_2949 = arith.addf %gather3A_2948, %broadcast_in_dim3A_8 : vector<16xf32>
    tpu.vector_store_idx %arg6[%add3A_2947], %add3A_2949 : memref<65536xf32, #tpu.memory_space<vmem>>[vector<16xi32>], vector<16xf32>,
    %add3A_2950 = arith.constant 1319 : i32
    %add3A_2951 = vector.broadcast %add3A_2950 : i32 to vector<16xi32>
    %add3A_2952 = arith.addi %mul3A_7, %add3A_2951 : vector<16xi32>
    %gather3A_2953 = tpu.vector_load_idx %arg5[%add3A_2952] : memref<2560xi32, #tpu.memory_space<vmem>>[vector<16xi32>], vector<16xi32>,
    %add3A_2954 = arith.constant 0 : i32
    %add3A_2955 = vector.broadcast %add3A_2954 : i32 to vector<16xi32>
    %add3A_2956 = arith.addi %add3A_2955, %iota3A : vector<16xi32>
    %mul3A_2957 = arith.constant 2048 : i32
    %mul3A_2958 = vector.broadcast %mul3A_2957 : i32 to vector<16xi32>
    %mul3A_2959 = arith.muli %add3A_2956, %mul3A_2958 : vector<16xi32>
    %add3A_2960 = arith.addi %mul3A_2959, %gather3A_2953 : vector<16xi32>
    %gather3A_2961 = tpu.vector_load_idx %arg6[%add3A_2960] : memref<65536xf32, #tpu.memory_space<vmem>>[vector<16xi32>], vector<16xf32>,
    %add3A_2962 = arith.addf %gather3A_2961, %broadcast_in_dim3A_8 : vector<16xf32>
    tpu.vector_store_idx %arg6[%add3A_2960], %add3A_2962 : memref<65536xf32, #tpu.memory_space<vmem>>[vector<16xi32>], vector<16xf32>,
    %add3A_2963 = arith.constant 1959 : i32
    %add3A_2964 = vector.broadcast %add3A_2963 : i32 to vector<16xi32>
    %add3A_2965 = arith.addi %mul3A_7, %add3A_2964 : vector<16xi32>
    %gather3A_2966 = tpu.vector_load_idx %arg5[%add3A_2965] : memref<2560xi32, #tpu.memory_space<vmem>>[vector<16xi32>], vector<16xi32>,
    %add3A_2967 = arith.constant 16 : i32
    %add3A_2968 = vector.broadcast %add3A_2967 : i32 to vector<16xi32>
    %add3A_2969 = arith.addi %add3A_2968, %iota3A : vector<16xi32>
    %mul3A_2970 = arith.constant 2048 : i32
    %mul3A_2971 = vector.broadcast %mul3A_2970 : i32 to vector<16xi32>
    %mul3A_2972 = arith.muli %add3A_2969, %mul3A_2971 : vector<16xi32>
    %add3A_2973 = arith.addi %mul3A_2972, %gather3A_2966 : vector<16xi32>
    %gather3A_2974 = tpu.vector_load_idx %arg6[%add3A_2973] : memref<65536xf32, #tpu.memory_space<vmem>>[vector<16xi32>], vector<16xf32>,
    %add3A_2975 = arith.addf %gather3A_2974, %broadcast_in_dim3A_8 : vector<16xf32>
    tpu.vector_store_idx %arg6[%add3A_2973], %add3A_2975 : memref<65536xf32, #tpu.memory_space<vmem>>[vector<16xi32>], vector<16xf32>,
    %mul3A_2976 = arith.constant 64 : i32
    %mul3A_2977 = arith.muli %add3A, %mul3A_2976 : i32
    %add3A_2978 = arith.constant 32 : i32
    %add3A_2979 = arith.addi %mul3A_2977, %add3A_2978 : i32
    %mul3A_2980 = arith.constant 2048 : i32
    %mul3A_2981 = arith.muli %add3A_2979, %mul3A_2980 : i32
    "tpu.region"() ({
      %run_scoped3A = tpu.sem_alloc : memref<!tpu.dma_semaphore, #tpu.memory_space<semaphore_mem>>
      %dma_start3A = tpu.memref_slice %arg4[%mul3A_2981] : memref<4194304xf32, #tpu.memory_space<hbm>> -> memref<65536xf32, #tpu.memory_space<hbm>>
      %dma_start3A_2982 = tpu.memref_slice %arg4[%mul3A_2981] : memref<4194304xf32, #tpu.memory_space<hbm>> -> memref<65536xf32, #tpu.memory_space<hbm>>
      tpu.enqueue_dma source(%arg6 : memref<65536xf32, #tpu.memory_space<vmem>>) target(%dma_start3A_2982 : memref<65536xf32, #tpu.memory_space<hbm>>) target_semaphore(%run_scoped3A : memref<!tpu.dma_semaphore, #tpu.memory_space<semaphore_mem>>)
      %dma_wait3A = tpu.memref_slice %arg4[%mul3A_2981] : memref<4194304xf32, #tpu.memory_space<hbm>> -> memref<65536xf32, #tpu.memory_space<hbm>>
      %dma_wait3A_2983 = tpu.memref_slice %arg4[%mul3A_2981] : memref<4194304xf32, #tpu.memory_space<hbm>> -> memref<65536xf32, #tpu.memory_space<hbm>>
      tpu.wait_dma2 semaphore(%run_scoped3A : memref<!tpu.dma_semaphore, #tpu.memory_space<semaphore_mem>>) src(%arg6 : memref<65536xf32, #tpu.memory_space<vmem>>) dst(%dma_wait3A_2983 : memref<65536xf32, #tpu.memory_space<hbm>>)
      tpu.yield
    }) : () -> ()
    return
  }
}

module attributes {stable_mosaic.version = 14 : i64} {
  func.func @_m_kernel(%arg0: i32, %arg1: memref<512x2048xf32, #tpu.memory_space<vmem>>, %arg2: memref<512x1024xf32, #tpu.memory_space<vmem>>, %arg3: memref<2048x1024xf32, #tpu.memory_space<vmem>>, %arg4: memref<16x512xf32, #tpu.memory_space<vmem>>) attributes {dimension_semantics = [#tpu.dimension_semantics<arbitrary>], iteration_bounds = array<i64: 4>, scalar_prefetch = 0 : i64, scratch_operands = 0 : i64, tpu.core_type = #tpu.core_type<tc>, window_params = [{transform_indices = @transform_0, window_bounds = array<i64: 512, 2048>}, {transform_indices = @transform_1, window_bounds = array<i64: 512, 1024>}, {pipeline_mode = #tpu.pipeline_mode<synchronous>, transform_indices = @transform_2, window_bounds = array<i64: 2048, 1024>}, {transform_indices = @transform_3, window_bounds = array<i64: 16, 512>}]} {
    %get3A = arith.constant 0 : index
    %get3A_0 = arith.constant 0 : index
    %get3A_1 = vector.load %arg1[%get3A, %get3A_0] : memref<512x2048xf32, #tpu.memory_space<vmem>>, vector<512x2048xf32>
    %gt3A = arith.constant 0.000000e+00 : f32
    %gt3A_2 = vector.broadcast %gt3A : f32 to vector<512x2048xf32>
    %gt3A_3 = arith.cmpf ogt, %get3A_1, %gt3A_2 : vector<512x2048xf32>
    %get3A_4 = arith.constant 0 : index
    %get3A_5 = arith.constant 0 : index
    %get3A_6 = vector.load %arg3[%get3A_4, %get3A_5] : memref<2048x1024xf32, #tpu.memory_space<vmem>>, vector<2048x1024xf32>
    %dot_general3A = arith.constant dense<0.000000e+00> : vector<512x1024xf32>
    %dot_general3A_7 = tpu.matmul %get3A_1, %get3A_6, %dot_general3A {dimension_numbers = #tpu.dot_dimension_numbers<[1], [0], [0], [1], [0, 0, 1, 1], [], []>, transpose_lhs_hint = false} : vector<512x2048xf32>, vector<2048x1024xf32>, vector<512x1024xf32> -> vector<512x1024xf32>
    %get3A_8 = arith.constant 0 : index
    %get3A_9 = arith.constant 0 : index
    %get3A_10 = vector.load %arg2[%get3A_8, %get3A_9] : memref<512x1024xf32, #tpu.memory_space<vmem>>, vector<512x1024xf32>
    %mul3A = arith.mulf %get3A_10, %dot_general3A_7 : vector<512x1024xf32>
    %get3A_11 = arith.constant 0 : index
    %get3A_12 = arith.constant 0 : index
    %get3A_13 = vector.load %arg2[%get3A_11, %get3A_12] : memref<512x1024xf32, #tpu.memory_space<vmem>>, vector<512x64xf32>
    %get3A_14 = arith.constant 0 : index
    %get3A_15 = arith.constant 0 : index
    %get3A_16 = vector.load %arg3[%get3A_14, %get3A_15] : memref<2048x1024xf32, #tpu.memory_space<vmem>>, vector<2048x64xf32>
    %dot_general3A_17 = arith.constant dense<0.000000e+00> : vector<512x2048xf32>
    %dot_general3A_18 = tpu.matmul %get3A_13, %get3A_16, %dot_general3A_17 {dimension_numbers = #tpu.dot_dimension_numbers<[1], [1], [0], [0], [0, 0, 1, 0], [], []>, transpose_lhs_hint = false} : vector<512x64xf32>, vector<2048x64xf32>, vector<512x2048xf32> -> vector<512x2048xf32>
    %slice3A = vector.extract_strided_slice %mul3A {offsets = [0, 0], sizes = [512, 64], strides = [1, 1]} : vector<512x1024xf32> to vector<512x64xf32>
    %reduce_sum3A = arith.constant dense<0.000000e+00> : vector<512xf32>
    %reduce_sum3A_19 = vector.multi_reduction <add>, %slice3A, %reduce_sum3A [1] : vector<512x64xf32> to vector<512xf32>
    %jit3A = arith.constant -3.000000e+38 : f32
    %broadcast_in_dim3A = vector.broadcast %jit3A : f32 to vector<512x2048xf32>
    %select_n3A = arith.select %gt3A_3, %dot_general3A_18, %broadcast_in_dim3A : vector<512x2048xi1>, vector<512x2048xf32>
    %reduce_max3A = arith.constant dense<0xFF800000> : vector<512xf32>
    %reduce_max3A_20 = vector.multi_reduction <maximumf>, %select_n3A, %reduce_max3A [1] : vector<512x2048xf32> to vector<512xf32>
    %mul3A_21 = arith.constant 4.8828125E-4 : f32
    %mul3A_22 = vector.broadcast %mul3A_21 : f32 to vector<512xf32>
    %mul3A_23 = arith.mulf %reduce_sum3A_19, %mul3A_22 : vector<512xf32>
    %sub3A = arith.subf %reduce_max3A_20, %mul3A_23 : vector<512xf32>
    %swap3A = arith.constant 0 : index
    %swap3A_24 = arith.constant 0 : index
    %swap3A_25 = vector.load %arg4[%swap3A, %swap3A_24] : memref<16x512xf32, #tpu.memory_space<vmem>>, vector<1x512xf32>
    %swap3A_26 = vector.shape_cast %swap3A_25 : vector<1x512xf32> to vector<512xf32>
    %swap3A_27 = vector.shape_cast %sub3A : vector<512xf32> to vector<1x512xf32>
    tpu.vector_store %arg4[%swap3A, %swap3A_24], %swap3A_27 {strides = array<i32>} : memref<16x512xf32, #tpu.memory_space<vmem>>, vector<1x512xf32>,
    %get3A_28 = arith.constant 0 : index
    %get3A_29 = arith.constant 64 : index
    %get3A_30 = vector.load %arg2[%get3A_28, %get3A_29] : memref<512x1024xf32, #tpu.memory_space<vmem>>, vector<512x64xf32>
    %get3A_31 = arith.constant 0 : index
    %get3A_32 = arith.constant 64 : index
    %get3A_33 = vector.load %arg3[%get3A_31, %get3A_32] : memref<2048x1024xf32, #tpu.memory_space<vmem>>, vector<2048x64xf32>
    %dot_general3A_34 = arith.constant dense<0.000000e+00> : vector<512x2048xf32>
    %dot_general3A_35 = tpu.matmul %get3A_30, %get3A_33, %dot_general3A_34 {dimension_numbers = #tpu.dot_dimension_numbers<[1], [1], [0], [0], [0, 0, 1, 0], [], []>, transpose_lhs_hint = false} : vector<512x64xf32>, vector<2048x64xf32>, vector<512x2048xf32> -> vector<512x2048xf32>
    %slice3A_36 = vector.extract_strided_slice %mul3A {offsets = [0, 64], sizes = [512, 64], strides = [1, 1]} : vector<512x1024xf32> to vector<512x64xf32>
    %reduce_sum3A_37 = arith.constant dense<0.000000e+00> : vector<512xf32>
    %reduce_sum3A_38 = vector.multi_reduction <add>, %slice3A_36, %reduce_sum3A_37 [1] : vector<512x64xf32> to vector<512xf32>
    %jit3A_39 = arith.constant -3.000000e+38 : f32
    %broadcast_in_dim3A_40 = vector.broadcast %jit3A_39 : f32 to vector<512x2048xf32>
    %select_n3A_41 = arith.select %gt3A_3, %dot_general3A_35, %broadcast_in_dim3A_40 : vector<512x2048xi1>, vector<512x2048xf32>
    %reduce_max3A_42 = arith.constant dense<0xFF800000> : vector<512xf32>
    %reduce_max3A_43 = vector.multi_reduction <maximumf>, %select_n3A_41, %reduce_max3A_42 [1] : vector<512x2048xf32> to vector<512xf32>
    %mul3A_44 = arith.constant 4.8828125E-4 : f32
    %mul3A_45 = vector.broadcast %mul3A_44 : f32 to vector<512xf32>
    %mul3A_46 = arith.mulf %reduce_sum3A_38, %mul3A_45 : vector<512xf32>
    %sub3A_47 = arith.subf %reduce_max3A_43, %mul3A_46 : vector<512xf32>
    %swap3A_48 = arith.constant 1 : index
    %swap3A_49 = arith.constant 0 : index
    %swap3A_50 = vector.load %arg4[%swap3A_48, %swap3A_49] : memref<16x512xf32, #tpu.memory_space<vmem>>, vector<1x512xf32>
    %swap3A_51 = vector.shape_cast %swap3A_50 : vector<1x512xf32> to vector<512xf32>
    %swap3A_52 = vector.shape_cast %sub3A_47 : vector<512xf32> to vector<1x512xf32>
    tpu.vector_store %arg4[%swap3A_48, %swap3A_49], %swap3A_52 {strides = array<i32>} : memref<16x512xf32, #tpu.memory_space<vmem>>, vector<1x512xf32>,
    %get3A_53 = arith.constant 0 : index
    %get3A_54 = arith.constant 128 : index
    %get3A_55 = vector.load %arg2[%get3A_53, %get3A_54] : memref<512x1024xf32, #tpu.memory_space<vmem>>, vector<512x64xf32>
    %get3A_56 = arith.constant 0 : index
    %get3A_57 = arith.constant 128 : index
    %get3A_58 = vector.load %arg3[%get3A_56, %get3A_57] : memref<2048x1024xf32, #tpu.memory_space<vmem>>, vector<2048x64xf32>
    %dot_general3A_59 = arith.constant dense<0.000000e+00> : vector<512x2048xf32>
    %dot_general3A_60 = tpu.matmul %get3A_55, %get3A_58, %dot_general3A_59 {dimension_numbers = #tpu.dot_dimension_numbers<[1], [1], [0], [0], [0, 0, 1, 0], [], []>, transpose_lhs_hint = false} : vector<512x64xf32>, vector<2048x64xf32>, vector<512x2048xf32> -> vector<512x2048xf32>
    %slice3A_61 = vector.extract_strided_slice %mul3A {offsets = [0, 128], sizes = [512, 64], strides = [1, 1]} : vector<512x1024xf32> to vector<512x64xf32>
    %reduce_sum3A_62 = arith.constant dense<0.000000e+00> : vector<512xf32>
    %reduce_sum3A_63 = vector.multi_reduction <add>, %slice3A_61, %reduce_sum3A_62 [1] : vector<512x64xf32> to vector<512xf32>
    %jit3A_64 = arith.constant -3.000000e+38 : f32
    %broadcast_in_dim3A_65 = vector.broadcast %jit3A_64 : f32 to vector<512x2048xf32>
    %select_n3A_66 = arith.select %gt3A_3, %dot_general3A_60, %broadcast_in_dim3A_65 : vector<512x2048xi1>, vector<512x2048xf32>
    %reduce_max3A_67 = arith.constant dense<0xFF800000> : vector<512xf32>
    %reduce_max3A_68 = vector.multi_reduction <maximumf>, %select_n3A_66, %reduce_max3A_67 [1] : vector<512x2048xf32> to vector<512xf32>
    %mul3A_69 = arith.constant 4.8828125E-4 : f32
    %mul3A_70 = vector.broadcast %mul3A_69 : f32 to vector<512xf32>
    %mul3A_71 = arith.mulf %reduce_sum3A_63, %mul3A_70 : vector<512xf32>
    %sub3A_72 = arith.subf %reduce_max3A_68, %mul3A_71 : vector<512xf32>
    %swap3A_73 = arith.constant 2 : index
    %swap3A_74 = arith.constant 0 : index
    %swap3A_75 = vector.load %arg4[%swap3A_73, %swap3A_74] : memref<16x512xf32, #tpu.memory_space<vmem>>, vector<1x512xf32>
    %swap3A_76 = vector.shape_cast %swap3A_75 : vector<1x512xf32> to vector<512xf32>
    %swap3A_77 = vector.shape_cast %sub3A_72 : vector<512xf32> to vector<1x512xf32>
    tpu.vector_store %arg4[%swap3A_73, %swap3A_74], %swap3A_77 {strides = array<i32>} : memref<16x512xf32, #tpu.memory_space<vmem>>, vector<1x512xf32>,
    %get3A_78 = arith.constant 0 : index
    %get3A_79 = arith.constant 192 : index
    %get3A_80 = vector.load %arg2[%get3A_78, %get3A_79] : memref<512x1024xf32, #tpu.memory_space<vmem>>, vector<512x64xf32>
    %get3A_81 = arith.constant 0 : index
    %get3A_82 = arith.constant 192 : index
    %get3A_83 = vector.load %arg3[%get3A_81, %get3A_82] : memref<2048x1024xf32, #tpu.memory_space<vmem>>, vector<2048x64xf32>
    %dot_general3A_84 = arith.constant dense<0.000000e+00> : vector<512x2048xf32>
    %dot_general3A_85 = tpu.matmul %get3A_80, %get3A_83, %dot_general3A_84 {dimension_numbers = #tpu.dot_dimension_numbers<[1], [1], [0], [0], [0, 0, 1, 0], [], []>, transpose_lhs_hint = false} : vector<512x64xf32>, vector<2048x64xf32>, vector<512x2048xf32> -> vector<512x2048xf32>
    %slice3A_86 = vector.extract_strided_slice %mul3A {offsets = [0, 192], sizes = [512, 64], strides = [1, 1]} : vector<512x1024xf32> to vector<512x64xf32>
    %reduce_sum3A_87 = arith.constant dense<0.000000e+00> : vector<512xf32>
    %reduce_sum3A_88 = vector.multi_reduction <add>, %slice3A_86, %reduce_sum3A_87 [1] : vector<512x64xf32> to vector<512xf32>
    %jit3A_89 = arith.constant -3.000000e+38 : f32
    %broadcast_in_dim3A_90 = vector.broadcast %jit3A_89 : f32 to vector<512x2048xf32>
    %select_n3A_91 = arith.select %gt3A_3, %dot_general3A_85, %broadcast_in_dim3A_90 : vector<512x2048xi1>, vector<512x2048xf32>
    %reduce_max3A_92 = arith.constant dense<0xFF800000> : vector<512xf32>
    %reduce_max3A_93 = vector.multi_reduction <maximumf>, %select_n3A_91, %reduce_max3A_92 [1] : vector<512x2048xf32> to vector<512xf32>
    %mul3A_94 = arith.constant 4.8828125E-4 : f32
    %mul3A_95 = vector.broadcast %mul3A_94 : f32 to vector<512xf32>
    %mul3A_96 = arith.mulf %reduce_sum3A_88, %mul3A_95 : vector<512xf32>
    %sub3A_97 = arith.subf %reduce_max3A_93, %mul3A_96 : vector<512xf32>
    %swap3A_98 = arith.constant 3 : index
    %swap3A_99 = arith.constant 0 : index
    %swap3A_100 = vector.load %arg4[%swap3A_98, %swap3A_99] : memref<16x512xf32, #tpu.memory_space<vmem>>, vector<1x512xf32>
    %swap3A_101 = vector.shape_cast %swap3A_100 : vector<1x512xf32> to vector<512xf32>
    %swap3A_102 = vector.shape_cast %sub3A_97 : vector<512xf32> to vector<1x512xf32>
    tpu.vector_store %arg4[%swap3A_98, %swap3A_99], %swap3A_102 {strides = array<i32>} : memref<16x512xf32, #tpu.memory_space<vmem>>, vector<1x512xf32>,
    %get3A_103 = arith.constant 0 : index
    %get3A_104 = arith.constant 256 : index
    %get3A_105 = vector.load %arg2[%get3A_103, %get3A_104] : memref<512x1024xf32, #tpu.memory_space<vmem>>, vector<512x64xf32>
    %get3A_106 = arith.constant 0 : index
    %get3A_107 = arith.constant 256 : index
    %get3A_108 = vector.load %arg3[%get3A_106, %get3A_107] : memref<2048x1024xf32, #tpu.memory_space<vmem>>, vector<2048x64xf32>
    %dot_general3A_109 = arith.constant dense<0.000000e+00> : vector<512x2048xf32>
    %dot_general3A_110 = tpu.matmul %get3A_105, %get3A_108, %dot_general3A_109 {dimension_numbers = #tpu.dot_dimension_numbers<[1], [1], [0], [0], [0, 0, 1, 0], [], []>, transpose_lhs_hint = false} : vector<512x64xf32>, vector<2048x64xf32>, vector<512x2048xf32> -> vector<512x2048xf32>
    %slice3A_111 = vector.extract_strided_slice %mul3A {offsets = [0, 256], sizes = [512, 64], strides = [1, 1]} : vector<512x1024xf32> to vector<512x64xf32>
    %reduce_sum3A_112 = arith.constant dense<0.000000e+00> : vector<512xf32>
    %reduce_sum3A_113 = vector.multi_reduction <add>, %slice3A_111, %reduce_sum3A_112 [1] : vector<512x64xf32> to vector<512xf32>
    %jit3A_114 = arith.constant -3.000000e+38 : f32
    %broadcast_in_dim3A_115 = vector.broadcast %jit3A_114 : f32 to vector<512x2048xf32>
    %select_n3A_116 = arith.select %gt3A_3, %dot_general3A_110, %broadcast_in_dim3A_115 : vector<512x2048xi1>, vector<512x2048xf32>
    %reduce_max3A_117 = arith.constant dense<0xFF800000> : vector<512xf32>
    %reduce_max3A_118 = vector.multi_reduction <maximumf>, %select_n3A_116, %reduce_max3A_117 [1] : vector<512x2048xf32> to vector<512xf32>
    %mul3A_119 = arith.constant 4.8828125E-4 : f32
    %mul3A_120 = vector.broadcast %mul3A_119 : f32 to vector<512xf32>
    %mul3A_121 = arith.mulf %reduce_sum3A_113, %mul3A_120 : vector<512xf32>
    %sub3A_122 = arith.subf %reduce_max3A_118, %mul3A_121 : vector<512xf32>
    %swap3A_123 = arith.constant 4 : index
    %swap3A_124 = arith.constant 0 : index
    %swap3A_125 = vector.load %arg4[%swap3A_123, %swap3A_124] : memref<16x512xf32, #tpu.memory_space<vmem>>, vector<1x512xf32>
    %swap3A_126 = vector.shape_cast %swap3A_125 : vector<1x512xf32> to vector<512xf32>
    %swap3A_127 = vector.shape_cast %sub3A_122 : vector<512xf32> to vector<1x512xf32>
    tpu.vector_store %arg4[%swap3A_123, %swap3A_124], %swap3A_127 {strides = array<i32>} : memref<16x512xf32, #tpu.memory_space<vmem>>, vector<1x512xf32>,
    %get3A_128 = arith.constant 0 : index
    %get3A_129 = arith.constant 320 : index
    %get3A_130 = vector.load %arg2[%get3A_128, %get3A_129] : memref<512x1024xf32, #tpu.memory_space<vmem>>, vector<512x64xf32>
    %get3A_131 = arith.constant 0 : index
    %get3A_132 = arith.constant 320 : index
    %get3A_133 = vector.load %arg3[%get3A_131, %get3A_132] : memref<2048x1024xf32, #tpu.memory_space<vmem>>, vector<2048x64xf32>
    %dot_general3A_134 = arith.constant dense<0.000000e+00> : vector<512x2048xf32>
    %dot_general3A_135 = tpu.matmul %get3A_130, %get3A_133, %dot_general3A_134 {dimension_numbers = #tpu.dot_dimension_numbers<[1], [1], [0], [0], [0, 0, 1, 0], [], []>, transpose_lhs_hint = false} : vector<512x64xf32>, vector<2048x64xf32>, vector<512x2048xf32> -> vector<512x2048xf32>
    %slice3A_136 = vector.extract_strided_slice %mul3A {offsets = [0, 320], sizes = [512, 64], strides = [1, 1]} : vector<512x1024xf32> to vector<512x64xf32>
    %reduce_sum3A_137 = arith.constant dense<0.000000e+00> : vector<512xf32>
    %reduce_sum3A_138 = vector.multi_reduction <add>, %slice3A_136, %reduce_sum3A_137 [1] : vector<512x64xf32> to vector<512xf32>
    %jit3A_139 = arith.constant -3.000000e+38 : f32
    %broadcast_in_dim3A_140 = vector.broadcast %jit3A_139 : f32 to vector<512x2048xf32>
    %select_n3A_141 = arith.select %gt3A_3, %dot_general3A_135, %broadcast_in_dim3A_140 : vector<512x2048xi1>, vector<512x2048xf32>
    %reduce_max3A_142 = arith.constant dense<0xFF800000> : vector<512xf32>
    %reduce_max3A_143 = vector.multi_reduction <maximumf>, %select_n3A_141, %reduce_max3A_142 [1] : vector<512x2048xf32> to vector<512xf32>
    %mul3A_144 = arith.constant 4.8828125E-4 : f32
    %mul3A_145 = vector.broadcast %mul3A_144 : f32 to vector<512xf32>
    %mul3A_146 = arith.mulf %reduce_sum3A_138, %mul3A_145 : vector<512xf32>
    %sub3A_147 = arith.subf %reduce_max3A_143, %mul3A_146 : vector<512xf32>
    %swap3A_148 = arith.constant 5 : index
    %swap3A_149 = arith.constant 0 : index
    %swap3A_150 = vector.load %arg4[%swap3A_148, %swap3A_149] : memref<16x512xf32, #tpu.memory_space<vmem>>, vector<1x512xf32>
    %swap3A_151 = vector.shape_cast %swap3A_150 : vector<1x512xf32> to vector<512xf32>
    %swap3A_152 = vector.shape_cast %sub3A_147 : vector<512xf32> to vector<1x512xf32>
    tpu.vector_store %arg4[%swap3A_148, %swap3A_149], %swap3A_152 {strides = array<i32>} : memref<16x512xf32, #tpu.memory_space<vmem>>, vector<1x512xf32>,
    %get3A_153 = arith.constant 0 : index
    %get3A_154 = arith.constant 384 : index
    %get3A_155 = vector.load %arg2[%get3A_153, %get3A_154] : memref<512x1024xf32, #tpu.memory_space<vmem>>, vector<512x64xf32>
    %get3A_156 = arith.constant 0 : index
    %get3A_157 = arith.constant 384 : index
    %get3A_158 = vector.load %arg3[%get3A_156, %get3A_157] : memref<2048x1024xf32, #tpu.memory_space<vmem>>, vector<2048x64xf32>
    %dot_general3A_159 = arith.constant dense<0.000000e+00> : vector<512x2048xf32>
    %dot_general3A_160 = tpu.matmul %get3A_155, %get3A_158, %dot_general3A_159 {dimension_numbers = #tpu.dot_dimension_numbers<[1], [1], [0], [0], [0, 0, 1, 0], [], []>, transpose_lhs_hint = false} : vector<512x64xf32>, vector<2048x64xf32>, vector<512x2048xf32> -> vector<512x2048xf32>
    %slice3A_161 = vector.extract_strided_slice %mul3A {offsets = [0, 384], sizes = [512, 64], strides = [1, 1]} : vector<512x1024xf32> to vector<512x64xf32>
    %reduce_sum3A_162 = arith.constant dense<0.000000e+00> : vector<512xf32>
    %reduce_sum3A_163 = vector.multi_reduction <add>, %slice3A_161, %reduce_sum3A_162 [1] : vector<512x64xf32> to vector<512xf32>
    %jit3A_164 = arith.constant -3.000000e+38 : f32
    %broadcast_in_dim3A_165 = vector.broadcast %jit3A_164 : f32 to vector<512x2048xf32>
    %select_n3A_166 = arith.select %gt3A_3, %dot_general3A_160, %broadcast_in_dim3A_165 : vector<512x2048xi1>, vector<512x2048xf32>
    %reduce_max3A_167 = arith.constant dense<0xFF800000> : vector<512xf32>
    %reduce_max3A_168 = vector.multi_reduction <maximumf>, %select_n3A_166, %reduce_max3A_167 [1] : vector<512x2048xf32> to vector<512xf32>
    %mul3A_169 = arith.constant 4.8828125E-4 : f32
    %mul3A_170 = vector.broadcast %mul3A_169 : f32 to vector<512xf32>
    %mul3A_171 = arith.mulf %reduce_sum3A_163, %mul3A_170 : vector<512xf32>
    %sub3A_172 = arith.subf %reduce_max3A_168, %mul3A_171 : vector<512xf32>
    %swap3A_173 = arith.constant 6 : index
    %swap3A_174 = arith.constant 0 : index
    %swap3A_175 = vector.load %arg4[%swap3A_173, %swap3A_174] : memref<16x512xf32, #tpu.memory_space<vmem>>, vector<1x512xf32>
    %swap3A_176 = vector.shape_cast %swap3A_175 : vector<1x512xf32> to vector<512xf32>
    %swap3A_177 = vector.shape_cast %sub3A_172 : vector<512xf32> to vector<1x512xf32>
    tpu.vector_store %arg4[%swap3A_173, %swap3A_174], %swap3A_177 {strides = array<i32>} : memref<16x512xf32, #tpu.memory_space<vmem>>, vector<1x512xf32>,
    %get3A_178 = arith.constant 0 : index
    %get3A_179 = arith.constant 448 : index
    %get3A_180 = vector.load %arg2[%get3A_178, %get3A_179] : memref<512x1024xf32, #tpu.memory_space<vmem>>, vector<512x64xf32>
    %get3A_181 = arith.constant 0 : index
    %get3A_182 = arith.constant 448 : index
    %get3A_183 = vector.load %arg3[%get3A_181, %get3A_182] : memref<2048x1024xf32, #tpu.memory_space<vmem>>, vector<2048x64xf32>
    %dot_general3A_184 = arith.constant dense<0.000000e+00> : vector<512x2048xf32>
    %dot_general3A_185 = tpu.matmul %get3A_180, %get3A_183, %dot_general3A_184 {dimension_numbers = #tpu.dot_dimension_numbers<[1], [1], [0], [0], [0, 0, 1, 0], [], []>, transpose_lhs_hint = false} : vector<512x64xf32>, vector<2048x64xf32>, vector<512x2048xf32> -> vector<512x2048xf32>
    %slice3A_186 = vector.extract_strided_slice %mul3A {offsets = [0, 448], sizes = [512, 64], strides = [1, 1]} : vector<512x1024xf32> to vector<512x64xf32>
    %reduce_sum3A_187 = arith.constant dense<0.000000e+00> : vector<512xf32>
    %reduce_sum3A_188 = vector.multi_reduction <add>, %slice3A_186, %reduce_sum3A_187 [1] : vector<512x64xf32> to vector<512xf32>
    %jit3A_189 = arith.constant -3.000000e+38 : f32
    %broadcast_in_dim3A_190 = vector.broadcast %jit3A_189 : f32 to vector<512x2048xf32>
    %select_n3A_191 = arith.select %gt3A_3, %dot_general3A_185, %broadcast_in_dim3A_190 : vector<512x2048xi1>, vector<512x2048xf32>
    %reduce_max3A_192 = arith.constant dense<0xFF800000> : vector<512xf32>
    %reduce_max3A_193 = vector.multi_reduction <maximumf>, %select_n3A_191, %reduce_max3A_192 [1] : vector<512x2048xf32> to vector<512xf32>
    %mul3A_194 = arith.constant 4.8828125E-4 : f32
    %mul3A_195 = vector.broadcast %mul3A_194 : f32 to vector<512xf32>
    %mul3A_196 = arith.mulf %reduce_sum3A_188, %mul3A_195 : vector<512xf32>
    %sub3A_197 = arith.subf %reduce_max3A_193, %mul3A_196 : vector<512xf32>
    %swap3A_198 = arith.constant 7 : index
    %swap3A_199 = arith.constant 0 : index
    %swap3A_200 = vector.load %arg4[%swap3A_198, %swap3A_199] : memref<16x512xf32, #tpu.memory_space<vmem>>, vector<1x512xf32>
    %swap3A_201 = vector.shape_cast %swap3A_200 : vector<1x512xf32> to vector<512xf32>
    %swap3A_202 = vector.shape_cast %sub3A_197 : vector<512xf32> to vector<1x512xf32>
    tpu.vector_store %arg4[%swap3A_198, %swap3A_199], %swap3A_202 {strides = array<i32>} : memref<16x512xf32, #tpu.memory_space<vmem>>, vector<1x512xf32>,
    %get3A_203 = arith.constant 0 : index
    %get3A_204 = arith.constant 512 : index
    %get3A_205 = vector.load %arg2[%get3A_203, %get3A_204] : memref<512x1024xf32, #tpu.memory_space<vmem>>, vector<512x64xf32>
    %get3A_206 = arith.constant 0 : index
    %get3A_207 = arith.constant 512 : index
    %get3A_208 = vector.load %arg3[%get3A_206, %get3A_207] : memref<2048x1024xf32, #tpu.memory_space<vmem>>, vector<2048x64xf32>
    %dot_general3A_209 = arith.constant dense<0.000000e+00> : vector<512x2048xf32>
    %dot_general3A_210 = tpu.matmul %get3A_205, %get3A_208, %dot_general3A_209 {dimension_numbers = #tpu.dot_dimension_numbers<[1], [1], [0], [0], [0, 0, 1, 0], [], []>, transpose_lhs_hint = false} : vector<512x64xf32>, vector<2048x64xf32>, vector<512x2048xf32> -> vector<512x2048xf32>
    %slice3A_211 = vector.extract_strided_slice %mul3A {offsets = [0, 512], sizes = [512, 64], strides = [1, 1]} : vector<512x1024xf32> to vector<512x64xf32>
    %reduce_sum3A_212 = arith.constant dense<0.000000e+00> : vector<512xf32>
    %reduce_sum3A_213 = vector.multi_reduction <add>, %slice3A_211, %reduce_sum3A_212 [1] : vector<512x64xf32> to vector<512xf32>
    %jit3A_214 = arith.constant -3.000000e+38 : f32
    %broadcast_in_dim3A_215 = vector.broadcast %jit3A_214 : f32 to vector<512x2048xf32>
    %select_n3A_216 = arith.select %gt3A_3, %dot_general3A_210, %broadcast_in_dim3A_215 : vector<512x2048xi1>, vector<512x2048xf32>
    %reduce_max3A_217 = arith.constant dense<0xFF800000> : vector<512xf32>
    %reduce_max3A_218 = vector.multi_reduction <maximumf>, %select_n3A_216, %reduce_max3A_217 [1] : vector<512x2048xf32> to vector<512xf32>
    %mul3A_219 = arith.constant 4.8828125E-4 : f32
    %mul3A_220 = vector.broadcast %mul3A_219 : f32 to vector<512xf32>
    %mul3A_221 = arith.mulf %reduce_sum3A_213, %mul3A_220 : vector<512xf32>
    %sub3A_222 = arith.subf %reduce_max3A_218, %mul3A_221 : vector<512xf32>
    %swap3A_223 = arith.constant 8 : index
    %swap3A_224 = arith.constant 0 : index
    %swap3A_225 = vector.load %arg4[%swap3A_223, %swap3A_224] : memref<16x512xf32, #tpu.memory_space<vmem>>, vector<1x512xf32>
    %swap3A_226 = vector.shape_cast %swap3A_225 : vector<1x512xf32> to vector<512xf32>
    %swap3A_227 = vector.shape_cast %sub3A_222 : vector<512xf32> to vector<1x512xf32>
    tpu.vector_store %arg4[%swap3A_223, %swap3A_224], %swap3A_227 {strides = array<i32>} : memref<16x512xf32, #tpu.memory_space<vmem>>, vector<1x512xf32>,
    %get3A_228 = arith.constant 0 : index
    %get3A_229 = arith.constant 576 : index
    %get3A_230 = vector.load %arg2[%get3A_228, %get3A_229] : memref<512x1024xf32, #tpu.memory_space<vmem>>, vector<512x64xf32>
    %get3A_231 = arith.constant 0 : index
    %get3A_232 = arith.constant 576 : index
    %get3A_233 = vector.load %arg3[%get3A_231, %get3A_232] : memref<2048x1024xf32, #tpu.memory_space<vmem>>, vector<2048x64xf32>
    %dot_general3A_234 = arith.constant dense<0.000000e+00> : vector<512x2048xf32>
    %dot_general3A_235 = tpu.matmul %get3A_230, %get3A_233, %dot_general3A_234 {dimension_numbers = #tpu.dot_dimension_numbers<[1], [1], [0], [0], [0, 0, 1, 0], [], []>, transpose_lhs_hint = false} : vector<512x64xf32>, vector<2048x64xf32>, vector<512x2048xf32> -> vector<512x2048xf32>
    %slice3A_236 = vector.extract_strided_slice %mul3A {offsets = [0, 576], sizes = [512, 64], strides = [1, 1]} : vector<512x1024xf32> to vector<512x64xf32>
    %reduce_sum3A_237 = arith.constant dense<0.000000e+00> : vector<512xf32>
    %reduce_sum3A_238 = vector.multi_reduction <add>, %slice3A_236, %reduce_sum3A_237 [1] : vector<512x64xf32> to vector<512xf32>
    %jit3A_239 = arith.constant -3.000000e+38 : f32
    %broadcast_in_dim3A_240 = vector.broadcast %jit3A_239 : f32 to vector<512x2048xf32>
    %select_n3A_241 = arith.select %gt3A_3, %dot_general3A_235, %broadcast_in_dim3A_240 : vector<512x2048xi1>, vector<512x2048xf32>
    %reduce_max3A_242 = arith.constant dense<0xFF800000> : vector<512xf32>
    %reduce_max3A_243 = vector.multi_reduction <maximumf>, %select_n3A_241, %reduce_max3A_242 [1] : vector<512x2048xf32> to vector<512xf32>
    %mul3A_244 = arith.constant 4.8828125E-4 : f32
    %mul3A_245 = vector.broadcast %mul3A_244 : f32 to vector<512xf32>
    %mul3A_246 = arith.mulf %reduce_sum3A_238, %mul3A_245 : vector<512xf32>
    %sub3A_247 = arith.subf %reduce_max3A_243, %mul3A_246 : vector<512xf32>
    %swap3A_248 = arith.constant 9 : index
    %swap3A_249 = arith.constant 0 : index
    %swap3A_250 = vector.load %arg4[%swap3A_248, %swap3A_249] : memref<16x512xf32, #tpu.memory_space<vmem>>, vector<1x512xf32>
    %swap3A_251 = vector.shape_cast %swap3A_250 : vector<1x512xf32> to vector<512xf32>
    %swap3A_252 = vector.shape_cast %sub3A_247 : vector<512xf32> to vector<1x512xf32>
    tpu.vector_store %arg4[%swap3A_248, %swap3A_249], %swap3A_252 {strides = array<i32>} : memref<16x512xf32, #tpu.memory_space<vmem>>, vector<1x512xf32>,
    %get3A_253 = arith.constant 0 : index
    %get3A_254 = arith.constant 640 : index
    %get3A_255 = vector.load %arg2[%get3A_253, %get3A_254] : memref<512x1024xf32, #tpu.memory_space<vmem>>, vector<512x64xf32>
    %get3A_256 = arith.constant 0 : index
    %get3A_257 = arith.constant 640 : index
    %get3A_258 = vector.load %arg3[%get3A_256, %get3A_257] : memref<2048x1024xf32, #tpu.memory_space<vmem>>, vector<2048x64xf32>
    %dot_general3A_259 = arith.constant dense<0.000000e+00> : vector<512x2048xf32>
    %dot_general3A_260 = tpu.matmul %get3A_255, %get3A_258, %dot_general3A_259 {dimension_numbers = #tpu.dot_dimension_numbers<[1], [1], [0], [0], [0, 0, 1, 0], [], []>, transpose_lhs_hint = false} : vector<512x64xf32>, vector<2048x64xf32>, vector<512x2048xf32> -> vector<512x2048xf32>
    %slice3A_261 = vector.extract_strided_slice %mul3A {offsets = [0, 640], sizes = [512, 64], strides = [1, 1]} : vector<512x1024xf32> to vector<512x64xf32>
    %reduce_sum3A_262 = arith.constant dense<0.000000e+00> : vector<512xf32>
    %reduce_sum3A_263 = vector.multi_reduction <add>, %slice3A_261, %reduce_sum3A_262 [1] : vector<512x64xf32> to vector<512xf32>
    %jit3A_264 = arith.constant -3.000000e+38 : f32
    %broadcast_in_dim3A_265 = vector.broadcast %jit3A_264 : f32 to vector<512x2048xf32>
    %select_n3A_266 = arith.select %gt3A_3, %dot_general3A_260, %broadcast_in_dim3A_265 : vector<512x2048xi1>, vector<512x2048xf32>
    %reduce_max3A_267 = arith.constant dense<0xFF800000> : vector<512xf32>
    %reduce_max3A_268 = vector.multi_reduction <maximumf>, %select_n3A_266, %reduce_max3A_267 [1] : vector<512x2048xf32> to vector<512xf32>
    %mul3A_269 = arith.constant 4.8828125E-4 : f32
    %mul3A_270 = vector.broadcast %mul3A_269 : f32 to vector<512xf32>
    %mul3A_271 = arith.mulf %reduce_sum3A_263, %mul3A_270 : vector<512xf32>
    %sub3A_272 = arith.subf %reduce_max3A_268, %mul3A_271 : vector<512xf32>
    %swap3A_273 = arith.constant 10 : index
    %swap3A_274 = arith.constant 0 : index
    %swap3A_275 = vector.load %arg4[%swap3A_273, %swap3A_274] : memref<16x512xf32, #tpu.memory_space<vmem>>, vector<1x512xf32>
    %swap3A_276 = vector.shape_cast %swap3A_275 : vector<1x512xf32> to vector<512xf32>
    %swap3A_277 = vector.shape_cast %sub3A_272 : vector<512xf32> to vector<1x512xf32>
    tpu.vector_store %arg4[%swap3A_273, %swap3A_274], %swap3A_277 {strides = array<i32>} : memref<16x512xf32, #tpu.memory_space<vmem>>, vector<1x512xf32>,
    %get3A_278 = arith.constant 0 : index
    %get3A_279 = arith.constant 704 : index
    %get3A_280 = vector.load %arg2[%get3A_278, %get3A_279] : memref<512x1024xf32, #tpu.memory_space<vmem>>, vector<512x64xf32>
    %get3A_281 = arith.constant 0 : index
    %get3A_282 = arith.constant 704 : index
    %get3A_283 = vector.load %arg3[%get3A_281, %get3A_282] : memref<2048x1024xf32, #tpu.memory_space<vmem>>, vector<2048x64xf32>
    %dot_general3A_284 = arith.constant dense<0.000000e+00> : vector<512x2048xf32>
    %dot_general3A_285 = tpu.matmul %get3A_280, %get3A_283, %dot_general3A_284 {dimension_numbers = #tpu.dot_dimension_numbers<[1], [1], [0], [0], [0, 0, 1, 0], [], []>, transpose_lhs_hint = false} : vector<512x64xf32>, vector<2048x64xf32>, vector<512x2048xf32> -> vector<512x2048xf32>
    %slice3A_286 = vector.extract_strided_slice %mul3A {offsets = [0, 704], sizes = [512, 64], strides = [1, 1]} : vector<512x1024xf32> to vector<512x64xf32>
    %reduce_sum3A_287 = arith.constant dense<0.000000e+00> : vector<512xf32>
    %reduce_sum3A_288 = vector.multi_reduction <add>, %slice3A_286, %reduce_sum3A_287 [1] : vector<512x64xf32> to vector<512xf32>
    %jit3A_289 = arith.constant -3.000000e+38 : f32
    %broadcast_in_dim3A_290 = vector.broadcast %jit3A_289 : f32 to vector<512x2048xf32>
    %select_n3A_291 = arith.select %gt3A_3, %dot_general3A_285, %broadcast_in_dim3A_290 : vector<512x2048xi1>, vector<512x2048xf32>
    %reduce_max3A_292 = arith.constant dense<0xFF800000> : vector<512xf32>
    %reduce_max3A_293 = vector.multi_reduction <maximumf>, %select_n3A_291, %reduce_max3A_292 [1] : vector<512x2048xf32> to vector<512xf32>
    %mul3A_294 = arith.constant 4.8828125E-4 : f32
    %mul3A_295 = vector.broadcast %mul3A_294 : f32 to vector<512xf32>
    %mul3A_296 = arith.mulf %reduce_sum3A_288, %mul3A_295 : vector<512xf32>
    %sub3A_297 = arith.subf %reduce_max3A_293, %mul3A_296 : vector<512xf32>
    %swap3A_298 = arith.constant 11 : index
    %swap3A_299 = arith.constant 0 : index
    %swap3A_300 = vector.load %arg4[%swap3A_298, %swap3A_299] : memref<16x512xf32, #tpu.memory_space<vmem>>, vector<1x512xf32>
    %swap3A_301 = vector.shape_cast %swap3A_300 : vector<1x512xf32> to vector<512xf32>
    %swap3A_302 = vector.shape_cast %sub3A_297 : vector<512xf32> to vector<1x512xf32>
    tpu.vector_store %arg4[%swap3A_298, %swap3A_299], %swap3A_302 {strides = array<i32>} : memref<16x512xf32, #tpu.memory_space<vmem>>, vector<1x512xf32>,
    %get3A_303 = arith.constant 0 : index
    %get3A_304 = arith.constant 768 : index
    %get3A_305 = vector.load %arg2[%get3A_303, %get3A_304] : memref<512x1024xf32, #tpu.memory_space<vmem>>, vector<512x64xf32>
    %get3A_306 = arith.constant 0 : index
    %get3A_307 = arith.constant 768 : index
    %get3A_308 = vector.load %arg3[%get3A_306, %get3A_307] : memref<2048x1024xf32, #tpu.memory_space<vmem>>, vector<2048x64xf32>
    %dot_general3A_309 = arith.constant dense<0.000000e+00> : vector<512x2048xf32>
    %dot_general3A_310 = tpu.matmul %get3A_305, %get3A_308, %dot_general3A_309 {dimension_numbers = #tpu.dot_dimension_numbers<[1], [1], [0], [0], [0, 0, 1, 0], [], []>, transpose_lhs_hint = false} : vector<512x64xf32>, vector<2048x64xf32>, vector<512x2048xf32> -> vector<512x2048xf32>
    %slice3A_311 = vector.extract_strided_slice %mul3A {offsets = [0, 768], sizes = [512, 64], strides = [1, 1]} : vector<512x1024xf32> to vector<512x64xf32>
    %reduce_sum3A_312 = arith.constant dense<0.000000e+00> : vector<512xf32>
    %reduce_sum3A_313 = vector.multi_reduction <add>, %slice3A_311, %reduce_sum3A_312 [1] : vector<512x64xf32> to vector<512xf32>
    %jit3A_314 = arith.constant -3.000000e+38 : f32
    %broadcast_in_dim3A_315 = vector.broadcast %jit3A_314 : f32 to vector<512x2048xf32>
    %select_n3A_316 = arith.select %gt3A_3, %dot_general3A_310, %broadcast_in_dim3A_315 : vector<512x2048xi1>, vector<512x2048xf32>
    %reduce_max3A_317 = arith.constant dense<0xFF800000> : vector<512xf32>
    %reduce_max3A_318 = vector.multi_reduction <maximumf>, %select_n3A_316, %reduce_max3A_317 [1] : vector<512x2048xf32> to vector<512xf32>
    %mul3A_319 = arith.constant 4.8828125E-4 : f32
    %mul3A_320 = vector.broadcast %mul3A_319 : f32 to vector<512xf32>
    %mul3A_321 = arith.mulf %reduce_sum3A_313, %mul3A_320 : vector<512xf32>
    %sub3A_322 = arith.subf %reduce_max3A_318, %mul3A_321 : vector<512xf32>
    %swap3A_323 = arith.constant 12 : index
    %swap3A_324 = arith.constant 0 : index
    %swap3A_325 = vector.load %arg4[%swap3A_323, %swap3A_324] : memref<16x512xf32, #tpu.memory_space<vmem>>, vector<1x512xf32>
    %swap3A_326 = vector.shape_cast %swap3A_325 : vector<1x512xf32> to vector<512xf32>
    %swap3A_327 = vector.shape_cast %sub3A_322 : vector<512xf32> to vector<1x512xf32>
    tpu.vector_store %arg4[%swap3A_323, %swap3A_324], %swap3A_327 {strides = array<i32>} : memref<16x512xf32, #tpu.memory_space<vmem>>, vector<1x512xf32>,
    %get3A_328 = arith.constant 0 : index
    %get3A_329 = arith.constant 832 : index
    %get3A_330 = vector.load %arg2[%get3A_328, %get3A_329] : memref<512x1024xf32, #tpu.memory_space<vmem>>, vector<512x64xf32>
    %get3A_331 = arith.constant 0 : index
    %get3A_332 = arith.constant 832 : index
    %get3A_333 = vector.load %arg3[%get3A_331, %get3A_332] : memref<2048x1024xf32, #tpu.memory_space<vmem>>, vector<2048x64xf32>
    %dot_general3A_334 = arith.constant dense<0.000000e+00> : vector<512x2048xf32>
    %dot_general3A_335 = tpu.matmul %get3A_330, %get3A_333, %dot_general3A_334 {dimension_numbers = #tpu.dot_dimension_numbers<[1], [1], [0], [0], [0, 0, 1, 0], [], []>, transpose_lhs_hint = false} : vector<512x64xf32>, vector<2048x64xf32>, vector<512x2048xf32> -> vector<512x2048xf32>
    %slice3A_336 = vector.extract_strided_slice %mul3A {offsets = [0, 832], sizes = [512, 64], strides = [1, 1]} : vector<512x1024xf32> to vector<512x64xf32>
    %reduce_sum3A_337 = arith.constant dense<0.000000e+00> : vector<512xf32>
    %reduce_sum3A_338 = vector.multi_reduction <add>, %slice3A_336, %reduce_sum3A_337 [1] : vector<512x64xf32> to vector<512xf32>
    %jit3A_339 = arith.constant -3.000000e+38 : f32
    %broadcast_in_dim3A_340 = vector.broadcast %jit3A_339 : f32 to vector<512x2048xf32>
    %select_n3A_341 = arith.select %gt3A_3, %dot_general3A_335, %broadcast_in_dim3A_340 : vector<512x2048xi1>, vector<512x2048xf32>
    %reduce_max3A_342 = arith.constant dense<0xFF800000> : vector<512xf32>
    %reduce_max3A_343 = vector.multi_reduction <maximumf>, %select_n3A_341, %reduce_max3A_342 [1] : vector<512x2048xf32> to vector<512xf32>
    %mul3A_344 = arith.constant 4.8828125E-4 : f32
    %mul3A_345 = vector.broadcast %mul3A_344 : f32 to vector<512xf32>
    %mul3A_346 = arith.mulf %reduce_sum3A_338, %mul3A_345 : vector<512xf32>
    %sub3A_347 = arith.subf %reduce_max3A_343, %mul3A_346 : vector<512xf32>
    %swap3A_348 = arith.constant 13 : index
    %swap3A_349 = arith.constant 0 : index
    %swap3A_350 = vector.load %arg4[%swap3A_348, %swap3A_349] : memref<16x512xf32, #tpu.memory_space<vmem>>, vector<1x512xf32>
    %swap3A_351 = vector.shape_cast %swap3A_350 : vector<1x512xf32> to vector<512xf32>
    %swap3A_352 = vector.shape_cast %sub3A_347 : vector<512xf32> to vector<1x512xf32>
    tpu.vector_store %arg4[%swap3A_348, %swap3A_349], %swap3A_352 {strides = array<i32>} : memref<16x512xf32, #tpu.memory_space<vmem>>, vector<1x512xf32>,
    %get3A_353 = arith.constant 0 : index
    %get3A_354 = arith.constant 896 : index
    %get3A_355 = vector.load %arg2[%get3A_353, %get3A_354] : memref<512x1024xf32, #tpu.memory_space<vmem>>, vector<512x64xf32>
    %get3A_356 = arith.constant 0 : index
    %get3A_357 = arith.constant 896 : index
    %get3A_358 = vector.load %arg3[%get3A_356, %get3A_357] : memref<2048x1024xf32, #tpu.memory_space<vmem>>, vector<2048x64xf32>
    %dot_general3A_359 = arith.constant dense<0.000000e+00> : vector<512x2048xf32>
    %dot_general3A_360 = tpu.matmul %get3A_355, %get3A_358, %dot_general3A_359 {dimension_numbers = #tpu.dot_dimension_numbers<[1], [1], [0], [0], [0, 0, 1, 0], [], []>, transpose_lhs_hint = false} : vector<512x64xf32>, vector<2048x64xf32>, vector<512x2048xf32> -> vector<512x2048xf32>
    %slice3A_361 = vector.extract_strided_slice %mul3A {offsets = [0, 896], sizes = [512, 64], strides = [1, 1]} : vector<512x1024xf32> to vector<512x64xf32>
    %reduce_sum3A_362 = arith.constant dense<0.000000e+00> : vector<512xf32>
    %reduce_sum3A_363 = vector.multi_reduction <add>, %slice3A_361, %reduce_sum3A_362 [1] : vector<512x64xf32> to vector<512xf32>
    %jit3A_364 = arith.constant -3.000000e+38 : f32
    %broadcast_in_dim3A_365 = vector.broadcast %jit3A_364 : f32 to vector<512x2048xf32>
    %select_n3A_366 = arith.select %gt3A_3, %dot_general3A_360, %broadcast_in_dim3A_365 : vector<512x2048xi1>, vector<512x2048xf32>
    %reduce_max3A_367 = arith.constant dense<0xFF800000> : vector<512xf32>
    %reduce_max3A_368 = vector.multi_reduction <maximumf>, %select_n3A_366, %reduce_max3A_367 [1] : vector<512x2048xf32> to vector<512xf32>
    %mul3A_369 = arith.constant 4.8828125E-4 : f32
    %mul3A_370 = vector.broadcast %mul3A_369 : f32 to vector<512xf32>
    %mul3A_371 = arith.mulf %reduce_sum3A_363, %mul3A_370 : vector<512xf32>
    %sub3A_372 = arith.subf %reduce_max3A_368, %mul3A_371 : vector<512xf32>
    %swap3A_373 = arith.constant 14 : index
    %swap3A_374 = arith.constant 0 : index
    %swap3A_375 = vector.load %arg4[%swap3A_373, %swap3A_374] : memref<16x512xf32, #tpu.memory_space<vmem>>, vector<1x512xf32>
    %swap3A_376 = vector.shape_cast %swap3A_375 : vector<1x512xf32> to vector<512xf32>
    %swap3A_377 = vector.shape_cast %sub3A_372 : vector<512xf32> to vector<1x512xf32>
    tpu.vector_store %arg4[%swap3A_373, %swap3A_374], %swap3A_377 {strides = array<i32>} : memref<16x512xf32, #tpu.memory_space<vmem>>, vector<1x512xf32>,
    %get3A_378 = arith.constant 0 : index
    %get3A_379 = arith.constant 960 : index
    %get3A_380 = vector.load %arg2[%get3A_378, %get3A_379] : memref<512x1024xf32, #tpu.memory_space<vmem>>, vector<512x64xf32>
    %get3A_381 = arith.constant 0 : index
    %get3A_382 = arith.constant 960 : index
    %get3A_383 = vector.load %arg3[%get3A_381, %get3A_382] : memref<2048x1024xf32, #tpu.memory_space<vmem>>, vector<2048x64xf32>
    %dot_general3A_384 = arith.constant dense<0.000000e+00> : vector<512x2048xf32>
    %dot_general3A_385 = tpu.matmul %get3A_380, %get3A_383, %dot_general3A_384 {dimension_numbers = #tpu.dot_dimension_numbers<[1], [1], [0], [0], [0, 0, 1, 0], [], []>, transpose_lhs_hint = false} : vector<512x64xf32>, vector<2048x64xf32>, vector<512x2048xf32> -> vector<512x2048xf32>
    %slice3A_386 = vector.extract_strided_slice %mul3A {offsets = [0, 960], sizes = [512, 64], strides = [1, 1]} : vector<512x1024xf32> to vector<512x64xf32>
    %reduce_sum3A_387 = arith.constant dense<0.000000e+00> : vector<512xf32>
    %reduce_sum3A_388 = vector.multi_reduction <add>, %slice3A_386, %reduce_sum3A_387 [1] : vector<512x64xf32> to vector<512xf32>
    %jit3A_389 = arith.constant -3.000000e+38 : f32
    %broadcast_in_dim3A_390 = vector.broadcast %jit3A_389 : f32 to vector<512x2048xf32>
    %select_n3A_391 = arith.select %gt3A_3, %dot_general3A_385, %broadcast_in_dim3A_390 : vector<512x2048xi1>, vector<512x2048xf32>
    %reduce_max3A_392 = arith.constant dense<0xFF800000> : vector<512xf32>
    %reduce_max3A_393 = vector.multi_reduction <maximumf>, %select_n3A_391, %reduce_max3A_392 [1] : vector<512x2048xf32> to vector<512xf32>
    %mul3A_394 = arith.constant 4.8828125E-4 : f32
    %mul3A_395 = vector.broadcast %mul3A_394 : f32 to vector<512xf32>
    %mul3A_396 = arith.mulf %reduce_sum3A_388, %mul3A_395 : vector<512xf32>
    %sub3A_397 = arith.subf %reduce_max3A_393, %mul3A_396 : vector<512xf32>
    %swap3A_398 = arith.constant 15 : index
    %swap3A_399 = arith.constant 0 : index
    %swap3A_400 = vector.load %arg4[%swap3A_398, %swap3A_399] : memref<16x512xf32, #tpu.memory_space<vmem>>, vector<1x512xf32>
    %swap3A_401 = vector.shape_cast %swap3A_400 : vector<1x512xf32> to vector<512xf32>
    %swap3A_402 = vector.shape_cast %sub3A_397 : vector<512xf32> to vector<1x512xf32>
    tpu.vector_store %arg4[%swap3A_398, %swap3A_399], %swap3A_402 {strides = array<i32>} : memref<16x512xf32, #tpu.memory_space<vmem>>, vector<1x512xf32>,
    return
  }
  func.func @transform_0(%arg0: i32) -> (i32, i32) {
    %c0_i32 = arith.constant 0 : i32
    %c0_i32_0 = arith.constant 0 : i32
    return %arg0, %c0_i32 : i32, i32
  }
  func.func @transform_1(%arg0: i32) -> (i32, i32) {
    %c0_i32 = arith.constant 0 : i32
    %c0_i32_0 = arith.constant 0 : i32
    return %arg0, %c0_i32 : i32, i32
  }
  func.func @transform_2(%arg0: i32) -> (i32, i32) {
    %c0_i32 = arith.constant 0 : i32
    %c0_i32_0 = arith.constant 0 : i32
    %c0_i32_1 = arith.constant 0 : i32
    return %c0_i32, %c0_i32_0 : i32, i32
  }
  func.func @transform_3(%arg0: i32) -> (i32, i32) {
    %c0_i32 = arith.constant 0 : i32
    %c0_i32_0 = arith.constant 0 : i32
    return %c0_i32, %arg0 : i32, i32
  }
}

module attributes {stable_mosaic.version = 14 : i64} {
  func.func @_attn_kernel(%arg0: i32, %arg1: memref<16x2048xf32, #tpu.memory_space<vmem>>, %arg2: memref<2048x128xf32, #tpu.memory_space<vmem>>, %arg3: memref<2048x128xf32, #tpu.memory_space<vmem>>, %arg4: memref<2048x128xf32, #tpu.memory_space<vmem>>, %arg5: memref<16x40xi32, #tpu.memory_space<vmem>>) attributes {dimension_semantics = [#tpu.dimension_semantics<arbitrary>], iteration_bounds = array<i64: 8>, scalar_prefetch = 0 : i64, scratch_operands = 1 : i64, tpu.core_type = #tpu.core_type<tc>, window_params = [{pipeline_mode = #tpu.pipeline_mode<synchronous>, transform_indices = @transform_0, window_bounds = array<i64: 16, 2048>}, {transform_indices = @transform_1, window_bounds = array<i64: 2048, 128>}, {transform_indices = @transform_2, window_bounds = array<i64: 2048, 128>}, {transform_indices = @transform_3, window_bounds = array<i64: 2048, 128>}]} {
    %eq3A = arith.constant 0 : i32
    %eq3A_0 = arith.cmpi eq, %arg0, %eq3A : i32
    %convert_element_type3A = arith.extui %eq3A_0 : i1 to i32
    %cond3A = arith.constant 0 : i32
    %cond3A_1 = arith.cmpi ne, %convert_element_type3A, %cond3A : i32
    scf.if %cond3A_1 {
      %get3A_107 = arith.constant 0 : index
      %get3A_108 = arith.constant 0 : index
      %get3A_109 = vector.load %arg1[%get3A_107, %get3A_108] : memref<16x2048xf32, #tpu.memory_space<vmem>>, vector<16x2048xf32>
      %iota3A_110 = tpu.iota {dimensions = array<i32: 1>} : vector<16x2048xi32>
      %reduce_max3A_111 = arith.constant dense<0xFF800000> : vector<16xf32>
      %reduce_max3A_112 = vector.multi_reduction <maximumf>, %get3A_109, %reduce_max3A_111 [1] : vector<16x2048xf32> to vector<16xf32>
      %broadcast_in_dim3A_113 = vector.shape_cast %reduce_max3A_112 : vector<16xf32> to vector<16x1xf32>
      %eq3A_114 = vector.broadcast %broadcast_in_dim3A_113 : vector<16x1xf32> to vector<16x2048xf32>
      %eq3A_115 = arith.cmpf oeq, %get3A_109, %eq3A_114 : vector<16x2048xf32>
      %jit3A = arith.constant 2048 : i32
      %broadcast_in_dim3A_116 = vector.broadcast %jit3A : i32 to vector<16x2048xi32>
      %select_n3A = arith.select %eq3A_115, %iota3A_110, %broadcast_in_dim3A_116 : vector<16x2048xi1>, vector<16x2048xi32>
      %reduce_min3A = arith.constant dense<2147483647> : vector<16xi32>
      %reduce_min3A_117 = vector.multi_reduction <minsi>, %select_n3A, %reduce_min3A [1] : vector<16x2048xi32> to vector<16xi32>
      %broadcast_in_dim3A_118 = vector.shape_cast %reduce_min3A_117 : vector<16xi32> to vector<16x1xi32>
      %eq3A_119 = vector.broadcast %broadcast_in_dim3A_118 : vector<16x1xi32> to vector<16x2048xi32>
      %eq3A_120 = arith.cmpi eq, %iota3A_110, %eq3A_119 : vector<16x2048xi32>
      %jit3A_121 = arith.constant -3.000000e+38 : f32
      %broadcast_in_dim3A_122 = vector.broadcast %jit3A_121 : f32 to vector<16x2048xf32>
      %select_n3A_123 = arith.select %eq3A_120, %broadcast_in_dim3A_122, %get3A_109 : vector<16x2048xi1>, vector<16x2048xf32>
      %reduce_max3A_124 = arith.constant dense<0xFF800000> : vector<16xf32>
      %reduce_max3A_125 = vector.multi_reduction <maximumf>, %select_n3A_123, %reduce_max3A_124 [1] : vector<16x2048xf32> to vector<16xf32>
      %broadcast_in_dim3A_126 = vector.shape_cast %reduce_max3A_125 : vector<16xf32> to vector<16x1xf32>
      %eq3A_127 = vector.broadcast %broadcast_in_dim3A_126 : vector<16x1xf32> to vector<16x2048xf32>
      %eq3A_128 = arith.cmpf oeq, %select_n3A_123, %eq3A_127 : vector<16x2048xf32>
      %jit3A_129 = arith.constant 2048 : i32
      %broadcast_in_dim3A_130 = vector.broadcast %jit3A_129 : i32 to vector<16x2048xi32>
      %select_n3A_131 = arith.select %eq3A_128, %iota3A_110, %broadcast_in_dim3A_130 : vector<16x2048xi1>, vector<16x2048xi32>
      %reduce_min3A_132 = arith.constant dense<2147483647> : vector<16xi32>
      %reduce_min3A_133 = vector.multi_reduction <minsi>, %select_n3A_131, %reduce_min3A_132 [1] : vector<16x2048xi32> to vector<16xi32>
      %broadcast_in_dim3A_134 = vector.shape_cast %reduce_min3A_133 : vector<16xi32> to vector<16x1xi32>
      %eq3A_135 = vector.broadcast %broadcast_in_dim3A_134 : vector<16x1xi32> to vector<16x2048xi32>
      %eq3A_136 = arith.cmpi eq, %iota3A_110, %eq3A_135 : vector<16x2048xi32>
      %jit3A_137 = arith.constant -3.000000e+38 : f32
      %broadcast_in_dim3A_138 = vector.broadcast %jit3A_137 : f32 to vector<16x2048xf32>
      %select_n3A_139 = arith.select %eq3A_136, %broadcast_in_dim3A_138, %select_n3A_123 : vector<16x2048xi1>, vector<16x2048xf32>
      %reduce_max3A_140 = arith.constant dense<0xFF800000> : vector<16xf32>
      %reduce_max3A_141 = vector.multi_reduction <maximumf>, %select_n3A_139, %reduce_max3A_140 [1] : vector<16x2048xf32> to vector<16xf32>
      %broadcast_in_dim3A_142 = vector.shape_cast %reduce_max3A_141 : vector<16xf32> to vector<16x1xf32>
      %eq3A_143 = vector.broadcast %broadcast_in_dim3A_142 : vector<16x1xf32> to vector<16x2048xf32>
      %eq3A_144 = arith.cmpf oeq, %select_n3A_139, %eq3A_143 : vector<16x2048xf32>
      %jit3A_145 = arith.constant 2048 : i32
      %broadcast_in_dim3A_146 = vector.broadcast %jit3A_145 : i32 to vector<16x2048xi32>
      %select_n3A_147 = arith.select %eq3A_144, %iota3A_110, %broadcast_in_dim3A_146 : vector<16x2048xi1>, vector<16x2048xi32>
      %reduce_min3A_148 = arith.constant dense<2147483647> : vector<16xi32>
      %reduce_min3A_149 = vector.multi_reduction <minsi>, %select_n3A_147, %reduce_min3A_148 [1] : vector<16x2048xi32> to vector<16xi32>
      %broadcast_in_dim3A_150 = vector.shape_cast %reduce_min3A_149 : vector<16xi32> to vector<16x1xi32>
      %eq3A_151 = vector.broadcast %broadcast_in_dim3A_150 : vector<16x1xi32> to vector<16x2048xi32>
      %eq3A_152 = arith.cmpi eq, %iota3A_110, %eq3A_151 : vector<16x2048xi32>
      %jit3A_153 = arith.constant -3.000000e+38 : f32
      %broadcast_in_dim3A_154 = vector.broadcast %jit3A_153 : f32 to vector<16x2048xf32>
      %select_n3A_155 = arith.select %eq3A_152, %broadcast_in_dim3A_154, %select_n3A_139 : vector<16x2048xi1>, vector<16x2048xf32>
      %reduce_max3A_156 = arith.constant dense<0xFF800000> : vector<16xf32>
      %reduce_max3A_157 = vector.multi_reduction <maximumf>, %select_n3A_155, %reduce_max3A_156 [1] : vector<16x2048xf32> to vector<16xf32>
      %broadcast_in_dim3A_158 = vector.shape_cast %reduce_max3A_157 : vector<16xf32> to vector<16x1xf32>
      %eq3A_159 = vector.broadcast %broadcast_in_dim3A_158 : vector<16x1xf32> to vector<16x2048xf32>
      %eq3A_160 = arith.cmpf oeq, %select_n3A_155, %eq3A_159 : vector<16x2048xf32>
      %jit3A_161 = arith.constant 2048 : i32
      %broadcast_in_dim3A_162 = vector.broadcast %jit3A_161 : i32 to vector<16x2048xi32>
      %select_n3A_163 = arith.select %eq3A_160, %iota3A_110, %broadcast_in_dim3A_162 : vector<16x2048xi1>, vector<16x2048xi32>
      %reduce_min3A_164 = arith.constant dense<2147483647> : vector<16xi32>
      %reduce_min3A_165 = vector.multi_reduction <minsi>, %select_n3A_163, %reduce_min3A_164 [1] : vector<16x2048xi32> to vector<16xi32>
      %broadcast_in_dim3A_166 = vector.shape_cast %reduce_min3A_165 : vector<16xi32> to vector<16x1xi32>
      %eq3A_167 = vector.broadcast %broadcast_in_dim3A_166 : vector<16x1xi32> to vector<16x2048xi32>
      %eq3A_168 = arith.cmpi eq, %iota3A_110, %eq3A_167 : vector<16x2048xi32>
      %jit3A_169 = arith.constant -3.000000e+38 : f32
      %broadcast_in_dim3A_170 = vector.broadcast %jit3A_169 : f32 to vector<16x2048xf32>
      %select_n3A_171 = arith.select %eq3A_168, %broadcast_in_dim3A_170, %select_n3A_155 : vector<16x2048xi1>, vector<16x2048xf32>
      %reduce_max3A_172 = arith.constant dense<0xFF800000> : vector<16xf32>
      %reduce_max3A_173 = vector.multi_reduction <maximumf>, %select_n3A_171, %reduce_max3A_172 [1] : vector<16x2048xf32> to vector<16xf32>
      %broadcast_in_dim3A_174 = vector.shape_cast %reduce_max3A_173 : vector<16xf32> to vector<16x1xf32>
      %eq3A_175 = vector.broadcast %broadcast_in_dim3A_174 : vector<16x1xf32> to vector<16x2048xf32>
      %eq3A_176 = arith.cmpf oeq, %select_n3A_171, %eq3A_175 : vector<16x2048xf32>
      %jit3A_177 = arith.constant 2048 : i32
      %broadcast_in_dim3A_178 = vector.broadcast %jit3A_177 : i32 to vector<16x2048xi32>
      %select_n3A_179 = arith.select %eq3A_176, %iota3A_110, %broadcast_in_dim3A_178 : vector<16x2048xi1>, vector<16x2048xi32>
      %reduce_min3A_180 = arith.constant dense<2147483647> : vector<16xi32>
      %reduce_min3A_181 = vector.multi_reduction <minsi>, %select_n3A_179, %reduce_min3A_180 [1] : vector<16x2048xi32> to vector<16xi32>
      %broadcast_in_dim3A_182 = vector.shape_cast %reduce_min3A_181 : vector<16xi32> to vector<16x1xi32>
      %eq3A_183 = vector.broadcast %broadcast_in_dim3A_182 : vector<16x1xi32> to vector<16x2048xi32>
      %eq3A_184 = arith.cmpi eq, %iota3A_110, %eq3A_183 : vector<16x2048xi32>
      %jit3A_185 = arith.constant -3.000000e+38 : f32
      %broadcast_in_dim3A_186 = vector.broadcast %jit3A_185 : f32 to vector<16x2048xf32>
      %select_n3A_187 = arith.select %eq3A_184, %broadcast_in_dim3A_186, %select_n3A_171 : vector<16x2048xi1>, vector<16x2048xf32>
      %reduce_max3A_188 = arith.constant dense<0xFF800000> : vector<16xf32>
      %reduce_max3A_189 = vector.multi_reduction <maximumf>, %select_n3A_187, %reduce_max3A_188 [1] : vector<16x2048xf32> to vector<16xf32>
      %broadcast_in_dim3A_190 = vector.shape_cast %reduce_max3A_189 : vector<16xf32> to vector<16x1xf32>
      %eq3A_191 = vector.broadcast %broadcast_in_dim3A_190 : vector<16x1xf32> to vector<16x2048xf32>
      %eq3A_192 = arith.cmpf oeq, %select_n3A_187, %eq3A_191 : vector<16x2048xf32>
      %jit3A_193 = arith.constant 2048 : i32
      %broadcast_in_dim3A_194 = vector.broadcast %jit3A_193 : i32 to vector<16x2048xi32>
      %select_n3A_195 = arith.select %eq3A_192, %iota3A_110, %broadcast_in_dim3A_194 : vector<16x2048xi1>, vector<16x2048xi32>
      %reduce_min3A_196 = arith.constant dense<2147483647> : vector<16xi32>
      %reduce_min3A_197 = vector.multi_reduction <minsi>, %select_n3A_195, %reduce_min3A_196 [1] : vector<16x2048xi32> to vector<16xi32>
      %broadcast_in_dim3A_198 = vector.shape_cast %reduce_min3A_197 : vector<16xi32> to vector<16x1xi32>
      %eq3A_199 = vector.broadcast %broadcast_in_dim3A_198 : vector<16x1xi32> to vector<16x2048xi32>
      %eq3A_200 = arith.cmpi eq, %iota3A_110, %eq3A_199 : vector<16x2048xi32>
      %jit3A_201 = arith.constant -3.000000e+38 : f32
      %broadcast_in_dim3A_202 = vector.broadcast %jit3A_201 : f32 to vector<16x2048xf32>
      %select_n3A_203 = arith.select %eq3A_200, %broadcast_in_dim3A_202, %select_n3A_187 : vector<16x2048xi1>, vector<16x2048xf32>
      %reduce_max3A_204 = arith.constant dense<0xFF800000> : vector<16xf32>
      %reduce_max3A_205 = vector.multi_reduction <maximumf>, %select_n3A_203, %reduce_max3A_204 [1] : vector<16x2048xf32> to vector<16xf32>
      %broadcast_in_dim3A_206 = vector.shape_cast %reduce_max3A_205 : vector<16xf32> to vector<16x1xf32>
      %eq3A_207 = vector.broadcast %broadcast_in_dim3A_206 : vector<16x1xf32> to vector<16x2048xf32>
      %eq3A_208 = arith.cmpf oeq, %select_n3A_203, %eq3A_207 : vector<16x2048xf32>
      %jit3A_209 = arith.constant 2048 : i32
      %broadcast_in_dim3A_210 = vector.broadcast %jit3A_209 : i32 to vector<16x2048xi32>
      %select_n3A_211 = arith.select %eq3A_208, %iota3A_110, %broadcast_in_dim3A_210 : vector<16x2048xi1>, vector<16x2048xi32>
      %reduce_min3A_212 = arith.constant dense<2147483647> : vector<16xi32>
      %reduce_min3A_213 = vector.multi_reduction <minsi>, %select_n3A_211, %reduce_min3A_212 [1] : vector<16x2048xi32> to vector<16xi32>
      %broadcast_in_dim3A_214 = vector.shape_cast %reduce_min3A_213 : vector<16xi32> to vector<16x1xi32>
      %eq3A_215 = vector.broadcast %broadcast_in_dim3A_214 : vector<16x1xi32> to vector<16x2048xi32>
      %eq3A_216 = arith.cmpi eq, %iota3A_110, %eq3A_215 : vector<16x2048xi32>
      %jit3A_217 = arith.constant -3.000000e+38 : f32
      %broadcast_in_dim3A_218 = vector.broadcast %jit3A_217 : f32 to vector<16x2048xf32>
      %select_n3A_219 = arith.select %eq3A_216, %broadcast_in_dim3A_218, %select_n3A_203 : vector<16x2048xi1>, vector<16x2048xf32>
      %reduce_max3A_220 = arith.constant dense<0xFF800000> : vector<16xf32>
      %reduce_max3A_221 = vector.multi_reduction <maximumf>, %select_n3A_219, %reduce_max3A_220 [1] : vector<16x2048xf32> to vector<16xf32>
      %broadcast_in_dim3A_222 = vector.shape_cast %reduce_max3A_221 : vector<16xf32> to vector<16x1xf32>
      %eq3A_223 = vector.broadcast %broadcast_in_dim3A_222 : vector<16x1xf32> to vector<16x2048xf32>
      %eq3A_224 = arith.cmpf oeq, %select_n3A_219, %eq3A_223 : vector<16x2048xf32>
      %jit3A_225 = arith.constant 2048 : i32
      %broadcast_in_dim3A_226 = vector.broadcast %jit3A_225 : i32 to vector<16x2048xi32>
      %select_n3A_227 = arith.select %eq3A_224, %iota3A_110, %broadcast_in_dim3A_226 : vector<16x2048xi1>, vector<16x2048xi32>
      %reduce_min3A_228 = arith.constant dense<2147483647> : vector<16xi32>
      %reduce_min3A_229 = vector.multi_reduction <minsi>, %select_n3A_227, %reduce_min3A_228 [1] : vector<16x2048xi32> to vector<16xi32>
      %broadcast_in_dim3A_230 = vector.shape_cast %reduce_min3A_229 : vector<16xi32> to vector<16x1xi32>
      %eq3A_231 = vector.broadcast %broadcast_in_dim3A_230 : vector<16x1xi32> to vector<16x2048xi32>
      %eq3A_232 = arith.cmpi eq, %iota3A_110, %eq3A_231 : vector<16x2048xi32>
      %jit3A_233 = arith.constant -3.000000e+38 : f32
      %broadcast_in_dim3A_234 = vector.broadcast %jit3A_233 : f32 to vector<16x2048xf32>
      %select_n3A_235 = arith.select %eq3A_232, %broadcast_in_dim3A_234, %select_n3A_219 : vector<16x2048xi1>, vector<16x2048xf32>
      %reduce_max3A_236 = arith.constant dense<0xFF800000> : vector<16xf32>
      %reduce_max3A_237 = vector.multi_reduction <maximumf>, %select_n3A_235, %reduce_max3A_236 [1] : vector<16x2048xf32> to vector<16xf32>
      %broadcast_in_dim3A_238 = vector.shape_cast %reduce_max3A_237 : vector<16xf32> to vector<16x1xf32>
      %eq3A_239 = vector.broadcast %broadcast_in_dim3A_238 : vector<16x1xf32> to vector<16x2048xf32>
      %eq3A_240 = arith.cmpf oeq, %select_n3A_235, %eq3A_239 : vector<16x2048xf32>
      %jit3A_241 = arith.constant 2048 : i32
      %broadcast_in_dim3A_242 = vector.broadcast %jit3A_241 : i32 to vector<16x2048xi32>
      %select_n3A_243 = arith.select %eq3A_240, %iota3A_110, %broadcast_in_dim3A_242 : vector<16x2048xi1>, vector<16x2048xi32>
      %reduce_min3A_244 = arith.constant dense<2147483647> : vector<16xi32>
      %reduce_min3A_245 = vector.multi_reduction <minsi>, %select_n3A_243, %reduce_min3A_244 [1] : vector<16x2048xi32> to vector<16xi32>
      %broadcast_in_dim3A_246 = vector.shape_cast %reduce_min3A_245 : vector<16xi32> to vector<16x1xi32>
      %eq3A_247 = vector.broadcast %broadcast_in_dim3A_246 : vector<16x1xi32> to vector<16x2048xi32>
      %eq3A_248 = arith.cmpi eq, %iota3A_110, %eq3A_247 : vector<16x2048xi32>
      %jit3A_249 = arith.constant -3.000000e+38 : f32
      %broadcast_in_dim3A_250 = vector.broadcast %jit3A_249 : f32 to vector<16x2048xf32>
      %select_n3A_251 = arith.select %eq3A_248, %broadcast_in_dim3A_250, %select_n3A_235 : vector<16x2048xi1>, vector<16x2048xf32>
      %reduce_max3A_252 = arith.constant dense<0xFF800000> : vector<16xf32>
      %reduce_max3A_253 = vector.multi_reduction <maximumf>, %select_n3A_251, %reduce_max3A_252 [1] : vector<16x2048xf32> to vector<16xf32>
      %broadcast_in_dim3A_254 = vector.shape_cast %reduce_max3A_253 : vector<16xf32> to vector<16x1xf32>
      %eq3A_255 = vector.broadcast %broadcast_in_dim3A_254 : vector<16x1xf32> to vector<16x2048xf32>
      %eq3A_256 = arith.cmpf oeq, %select_n3A_251, %eq3A_255 : vector<16x2048xf32>
      %jit3A_257 = arith.constant 2048 : i32
      %broadcast_in_dim3A_258 = vector.broadcast %jit3A_257 : i32 to vector<16x2048xi32>
      %select_n3A_259 = arith.select %eq3A_256, %iota3A_110, %broadcast_in_dim3A_258 : vector<16x2048xi1>, vector<16x2048xi32>
      %reduce_min3A_260 = arith.constant dense<2147483647> : vector<16xi32>
      %reduce_min3A_261 = vector.multi_reduction <minsi>, %select_n3A_259, %reduce_min3A_260 [1] : vector<16x2048xi32> to vector<16xi32>
      %broadcast_in_dim3A_262 = vector.shape_cast %reduce_min3A_261 : vector<16xi32> to vector<16x1xi32>
      %eq3A_263 = vector.broadcast %broadcast_in_dim3A_262 : vector<16x1xi32> to vector<16x2048xi32>
      %eq3A_264 = arith.cmpi eq, %iota3A_110, %eq3A_263 : vector<16x2048xi32>
      %jit3A_265 = arith.constant -3.000000e+38 : f32
      %broadcast_in_dim3A_266 = vector.broadcast %jit3A_265 : f32 to vector<16x2048xf32>
      %select_n3A_267 = arith.select %eq3A_264, %broadcast_in_dim3A_266, %select_n3A_251 : vector<16x2048xi1>, vector<16x2048xf32>
      %reduce_max3A_268 = arith.constant dense<0xFF800000> : vector<16xf32>
      %reduce_max3A_269 = vector.multi_reduction <maximumf>, %select_n3A_267, %reduce_max3A_268 [1] : vector<16x2048xf32> to vector<16xf32>
      %broadcast_in_dim3A_270 = vector.shape_cast %reduce_max3A_269 : vector<16xf32> to vector<16x1xf32>
      %eq3A_271 = vector.broadcast %broadcast_in_dim3A_270 : vector<16x1xf32> to vector<16x2048xf32>
      %eq3A_272 = arith.cmpf oeq, %select_n3A_267, %eq3A_271 : vector<16x2048xf32>
      %jit3A_273 = arith.constant 2048 : i32
      %broadcast_in_dim3A_274 = vector.broadcast %jit3A_273 : i32 to vector<16x2048xi32>
      %select_n3A_275 = arith.select %eq3A_272, %iota3A_110, %broadcast_in_dim3A_274 : vector<16x2048xi1>, vector<16x2048xi32>
      %reduce_min3A_276 = arith.constant dense<2147483647> : vector<16xi32>
      %reduce_min3A_277 = vector.multi_reduction <minsi>, %select_n3A_275, %reduce_min3A_276 [1] : vector<16x2048xi32> to vector<16xi32>
      %broadcast_in_dim3A_278 = vector.shape_cast %reduce_min3A_277 : vector<16xi32> to vector<16x1xi32>
      %eq3A_279 = vector.broadcast %broadcast_in_dim3A_278 : vector<16x1xi32> to vector<16x2048xi32>
      %eq3A_280 = arith.cmpi eq, %iota3A_110, %eq3A_279 : vector<16x2048xi32>
      %jit3A_281 = arith.constant -3.000000e+38 : f32
      %broadcast_in_dim3A_282 = vector.broadcast %jit3A_281 : f32 to vector<16x2048xf32>
      %select_n3A_283 = arith.select %eq3A_280, %broadcast_in_dim3A_282, %select_n3A_267 : vector<16x2048xi1>, vector<16x2048xf32>
      %reduce_max3A_284 = arith.constant dense<0xFF800000> : vector<16xf32>
      %reduce_max3A_285 = vector.multi_reduction <maximumf>, %select_n3A_283, %reduce_max3A_284 [1] : vector<16x2048xf32> to vector<16xf32>
      %broadcast_in_dim3A_286 = vector.shape_cast %reduce_max3A_285 : vector<16xf32> to vector<16x1xf32>
      %eq3A_287 = vector.broadcast %broadcast_in_dim3A_286 : vector<16x1xf32> to vector<16x2048xf32>
      %eq3A_288 = arith.cmpf oeq, %select_n3A_283, %eq3A_287 : vector<16x2048xf32>
      %jit3A_289 = arith.constant 2048 : i32
      %broadcast_in_dim3A_290 = vector.broadcast %jit3A_289 : i32 to vector<16x2048xi32>
      %select_n3A_291 = arith.select %eq3A_288, %iota3A_110, %broadcast_in_dim3A_290 : vector<16x2048xi1>, vector<16x2048xi32>
      %reduce_min3A_292 = arith.constant dense<2147483647> : vector<16xi32>
      %reduce_min3A_293 = vector.multi_reduction <minsi>, %select_n3A_291, %reduce_min3A_292 [1] : vector<16x2048xi32> to vector<16xi32>
      %broadcast_in_dim3A_294 = vector.shape_cast %reduce_min3A_293 : vector<16xi32> to vector<16x1xi32>
      %eq3A_295 = vector.broadcast %broadcast_in_dim3A_294 : vector<16x1xi32> to vector<16x2048xi32>
      %eq3A_296 = arith.cmpi eq, %iota3A_110, %eq3A_295 : vector<16x2048xi32>
      %jit3A_297 = arith.constant -3.000000e+38 : f32
      %broadcast_in_dim3A_298 = vector.broadcast %jit3A_297 : f32 to vector<16x2048xf32>
      %select_n3A_299 = arith.select %eq3A_296, %broadcast_in_dim3A_298, %select_n3A_283 : vector<16x2048xi1>, vector<16x2048xf32>
      %reduce_max3A_300 = arith.constant dense<0xFF800000> : vector<16xf32>
      %reduce_max3A_301 = vector.multi_reduction <maximumf>, %select_n3A_299, %reduce_max3A_300 [1] : vector<16x2048xf32> to vector<16xf32>
      %broadcast_in_dim3A_302 = vector.shape_cast %reduce_max3A_301 : vector<16xf32> to vector<16x1xf32>
      %eq3A_303 = vector.broadcast %broadcast_in_dim3A_302 : vector<16x1xf32> to vector<16x2048xf32>
      %eq3A_304 = arith.cmpf oeq, %select_n3A_299, %eq3A_303 : vector<16x2048xf32>
      %jit3A_305 = arith.constant 2048 : i32
      %broadcast_in_dim3A_306 = vector.broadcast %jit3A_305 : i32 to vector<16x2048xi32>
      %select_n3A_307 = arith.select %eq3A_304, %iota3A_110, %broadcast_in_dim3A_306 : vector<16x2048xi1>, vector<16x2048xi32>
      %reduce_min3A_308 = arith.constant dense<2147483647> : vector<16xi32>
      %reduce_min3A_309 = vector.multi_reduction <minsi>, %select_n3A_307, %reduce_min3A_308 [1] : vector<16x2048xi32> to vector<16xi32>
      %broadcast_in_dim3A_310 = vector.shape_cast %reduce_min3A_309 : vector<16xi32> to vector<16x1xi32>
      %eq3A_311 = vector.broadcast %broadcast_in_dim3A_310 : vector<16x1xi32> to vector<16x2048xi32>
      %eq3A_312 = arith.cmpi eq, %iota3A_110, %eq3A_311 : vector<16x2048xi32>
      %jit3A_313 = arith.constant -3.000000e+38 : f32
      %broadcast_in_dim3A_314 = vector.broadcast %jit3A_313 : f32 to vector<16x2048xf32>
      %select_n3A_315 = arith.select %eq3A_312, %broadcast_in_dim3A_314, %select_n3A_299 : vector<16x2048xi1>, vector<16x2048xf32>
      %reduce_max3A_316 = arith.constant dense<0xFF800000> : vector<16xf32>
      %reduce_max3A_317 = vector.multi_reduction <maximumf>, %select_n3A_315, %reduce_max3A_316 [1] : vector<16x2048xf32> to vector<16xf32>
      %broadcast_in_dim3A_318 = vector.shape_cast %reduce_max3A_317 : vector<16xf32> to vector<16x1xf32>
      %eq3A_319 = vector.broadcast %broadcast_in_dim3A_318 : vector<16x1xf32> to vector<16x2048xf32>
      %eq3A_320 = arith.cmpf oeq, %select_n3A_315, %eq3A_319 : vector<16x2048xf32>
      %jit3A_321 = arith.constant 2048 : i32
      %broadcast_in_dim3A_322 = vector.broadcast %jit3A_321 : i32 to vector<16x2048xi32>
      %select_n3A_323 = arith.select %eq3A_320, %iota3A_110, %broadcast_in_dim3A_322 : vector<16x2048xi1>, vector<16x2048xi32>
      %reduce_min3A_324 = arith.constant dense<2147483647> : vector<16xi32>
      %reduce_min3A_325 = vector.multi_reduction <minsi>, %select_n3A_323, %reduce_min3A_324 [1] : vector<16x2048xi32> to vector<16xi32>
      %broadcast_in_dim3A_326 = vector.shape_cast %reduce_min3A_325 : vector<16xi32> to vector<16x1xi32>
      %eq3A_327 = vector.broadcast %broadcast_in_dim3A_326 : vector<16x1xi32> to vector<16x2048xi32>
      %eq3A_328 = arith.cmpi eq, %iota3A_110, %eq3A_327 : vector<16x2048xi32>
      %jit3A_329 = arith.constant -3.000000e+38 : f32
      %broadcast_in_dim3A_330 = vector.broadcast %jit3A_329 : f32 to vector<16x2048xf32>
      %select_n3A_331 = arith.select %eq3A_328, %broadcast_in_dim3A_330, %select_n3A_315 : vector<16x2048xi1>, vector<16x2048xf32>
      %reduce_max3A_332 = arith.constant dense<0xFF800000> : vector<16xf32>
      %reduce_max3A_333 = vector.multi_reduction <maximumf>, %select_n3A_331, %reduce_max3A_332 [1] : vector<16x2048xf32> to vector<16xf32>
      %broadcast_in_dim3A_334 = vector.shape_cast %reduce_max3A_333 : vector<16xf32> to vector<16x1xf32>
      %eq3A_335 = vector.broadcast %broadcast_in_dim3A_334 : vector<16x1xf32> to vector<16x2048xf32>
      %eq3A_336 = arith.cmpf oeq, %select_n3A_331, %eq3A_335 : vector<16x2048xf32>
      %jit3A_337 = arith.constant 2048 : i32
      %broadcast_in_dim3A_338 = vector.broadcast %jit3A_337 : i32 to vector<16x2048xi32>
      %select_n3A_339 = arith.select %eq3A_336, %iota3A_110, %broadcast_in_dim3A_338 : vector<16x2048xi1>, vector<16x2048xi32>
      %reduce_min3A_340 = arith.constant dense<2147483647> : vector<16xi32>
      %reduce_min3A_341 = vector.multi_reduction <minsi>, %select_n3A_339, %reduce_min3A_340 [1] : vector<16x2048xi32> to vector<16xi32>
      %broadcast_in_dim3A_342 = vector.shape_cast %reduce_min3A_341 : vector<16xi32> to vector<16x1xi32>
      %eq3A_343 = vector.broadcast %broadcast_in_dim3A_342 : vector<16x1xi32> to vector<16x2048xi32>
      %eq3A_344 = arith.cmpi eq, %iota3A_110, %eq3A_343 : vector<16x2048xi32>
      %jit3A_345 = arith.constant -3.000000e+38 : f32
      %broadcast_in_dim3A_346 = vector.broadcast %jit3A_345 : f32 to vector<16x2048xf32>
      %select_n3A_347 = arith.select %eq3A_344, %broadcast_in_dim3A_346, %select_n3A_331 : vector<16x2048xi1>, vector<16x2048xf32>
      %reduce_max3A_348 = arith.constant dense<0xFF800000> : vector<16xf32>
      %reduce_max3A_349 = vector.multi_reduction <maximumf>, %select_n3A_347, %reduce_max3A_348 [1] : vector<16x2048xf32> to vector<16xf32>
      %broadcast_in_dim3A_350 = vector.shape_cast %reduce_max3A_349 : vector<16xf32> to vector<16x1xf32>
      %eq3A_351 = vector.broadcast %broadcast_in_dim3A_350 : vector<16x1xf32> to vector<16x2048xf32>
      %eq3A_352 = arith.cmpf oeq, %select_n3A_347, %eq3A_351 : vector<16x2048xf32>
      %jit3A_353 = arith.constant 2048 : i32
      %broadcast_in_dim3A_354 = vector.broadcast %jit3A_353 : i32 to vector<16x2048xi32>
      %select_n3A_355 = arith.select %eq3A_352, %iota3A_110, %broadcast_in_dim3A_354 : vector<16x2048xi1>, vector<16x2048xi32>
      %reduce_min3A_356 = arith.constant dense<2147483647> : vector<16xi32>
      %reduce_min3A_357 = vector.multi_reduction <minsi>, %select_n3A_355, %reduce_min3A_356 [1] : vector<16x2048xi32> to vector<16xi32>
      %broadcast_in_dim3A_358 = vector.shape_cast %reduce_min3A_357 : vector<16xi32> to vector<16x1xi32>
      %eq3A_359 = vector.broadcast %broadcast_in_dim3A_358 : vector<16x1xi32> to vector<16x2048xi32>
      %eq3A_360 = arith.cmpi eq, %iota3A_110, %eq3A_359 : vector<16x2048xi32>
      %jit3A_361 = arith.constant -3.000000e+38 : f32
      %broadcast_in_dim3A_362 = vector.broadcast %jit3A_361 : f32 to vector<16x2048xf32>
      %select_n3A_363 = arith.select %eq3A_360, %broadcast_in_dim3A_362, %select_n3A_347 : vector<16x2048xi1>, vector<16x2048xf32>
      %reduce_max3A_364 = arith.constant dense<0xFF800000> : vector<16xf32>
      %reduce_max3A_365 = vector.multi_reduction <maximumf>, %select_n3A_363, %reduce_max3A_364 [1] : vector<16x2048xf32> to vector<16xf32>
      %broadcast_in_dim3A_366 = vector.shape_cast %reduce_max3A_365 : vector<16xf32> to vector<16x1xf32>
      %eq3A_367 = vector.broadcast %broadcast_in_dim3A_366 : vector<16x1xf32> to vector<16x2048xf32>
      %eq3A_368 = arith.cmpf oeq, %select_n3A_363, %eq3A_367 : vector<16x2048xf32>
      %jit3A_369 = arith.constant 2048 : i32
      %broadcast_in_dim3A_370 = vector.broadcast %jit3A_369 : i32 to vector<16x2048xi32>
      %select_n3A_371 = arith.select %eq3A_368, %iota3A_110, %broadcast_in_dim3A_370 : vector<16x2048xi1>, vector<16x2048xi32>
      %reduce_min3A_372 = arith.constant dense<2147483647> : vector<16xi32>
      %reduce_min3A_373 = vector.multi_reduction <minsi>, %select_n3A_371, %reduce_min3A_372 [1] : vector<16x2048xi32> to vector<16xi32>
      %broadcast_in_dim3A_374 = vector.shape_cast %reduce_min3A_373 : vector<16xi32> to vector<16x1xi32>
      %eq3A_375 = vector.broadcast %broadcast_in_dim3A_374 : vector<16x1xi32> to vector<16x2048xi32>
      %eq3A_376 = arith.cmpi eq, %iota3A_110, %eq3A_375 : vector<16x2048xi32>
      %jit3A_377 = arith.constant -3.000000e+38 : f32
      %broadcast_in_dim3A_378 = vector.broadcast %jit3A_377 : f32 to vector<16x2048xf32>
      %select_n3A_379 = arith.select %eq3A_376, %broadcast_in_dim3A_378, %select_n3A_363 : vector<16x2048xi1>, vector<16x2048xf32>
      %reduce_max3A_380 = arith.constant dense<0xFF800000> : vector<16xf32>
      %reduce_max3A_381 = vector.multi_reduction <maximumf>, %select_n3A_379, %reduce_max3A_380 [1] : vector<16x2048xf32> to vector<16xf32>
      %broadcast_in_dim3A_382 = vector.shape_cast %reduce_max3A_381 : vector<16xf32> to vector<16x1xf32>
      %eq3A_383 = vector.broadcast %broadcast_in_dim3A_382 : vector<16x1xf32> to vector<16x2048xf32>
      %eq3A_384 = arith.cmpf oeq, %select_n3A_379, %eq3A_383 : vector<16x2048xf32>
      %jit3A_385 = arith.constant 2048 : i32
      %broadcast_in_dim3A_386 = vector.broadcast %jit3A_385 : i32 to vector<16x2048xi32>
      %select_n3A_387 = arith.select %eq3A_384, %iota3A_110, %broadcast_in_dim3A_386 : vector<16x2048xi1>, vector<16x2048xi32>
      %reduce_min3A_388 = arith.constant dense<2147483647> : vector<16xi32>
      %reduce_min3A_389 = vector.multi_reduction <minsi>, %select_n3A_387, %reduce_min3A_388 [1] : vector<16x2048xi32> to vector<16xi32>
      %broadcast_in_dim3A_390 = vector.shape_cast %reduce_min3A_389 : vector<16xi32> to vector<16x1xi32>
      %eq3A_391 = vector.broadcast %broadcast_in_dim3A_390 : vector<16x1xi32> to vector<16x2048xi32>
      %eq3A_392 = arith.cmpi eq, %iota3A_110, %eq3A_391 : vector<16x2048xi32>
      %jit3A_393 = arith.constant -3.000000e+38 : f32
      %broadcast_in_dim3A_394 = vector.broadcast %jit3A_393 : f32 to vector<16x2048xf32>
      %select_n3A_395 = arith.select %eq3A_392, %broadcast_in_dim3A_394, %select_n3A_379 : vector<16x2048xi1>, vector<16x2048xf32>
      %reduce_max3A_396 = arith.constant dense<0xFF800000> : vector<16xf32>
      %reduce_max3A_397 = vector.multi_reduction <maximumf>, %select_n3A_395, %reduce_max3A_396 [1] : vector<16x2048xf32> to vector<16xf32>
      %broadcast_in_dim3A_398 = vector.shape_cast %reduce_max3A_397 : vector<16xf32> to vector<16x1xf32>
      %eq3A_399 = vector.broadcast %broadcast_in_dim3A_398 : vector<16x1xf32> to vector<16x2048xf32>
      %eq3A_400 = arith.cmpf oeq, %select_n3A_395, %eq3A_399 : vector<16x2048xf32>
      %jit3A_401 = arith.constant 2048 : i32
      %broadcast_in_dim3A_402 = vector.broadcast %jit3A_401 : i32 to vector<16x2048xi32>
      %select_n3A_403 = arith.select %eq3A_400, %iota3A_110, %broadcast_in_dim3A_402 : vector<16x2048xi1>, vector<16x2048xi32>
      %reduce_min3A_404 = arith.constant dense<2147483647> : vector<16xi32>
      %reduce_min3A_405 = vector.multi_reduction <minsi>, %select_n3A_403, %reduce_min3A_404 [1] : vector<16x2048xi32> to vector<16xi32>
      %broadcast_in_dim3A_406 = vector.shape_cast %reduce_min3A_405 : vector<16xi32> to vector<16x1xi32>
      %eq3A_407 = vector.broadcast %broadcast_in_dim3A_406 : vector<16x1xi32> to vector<16x2048xi32>
      %eq3A_408 = arith.cmpi eq, %iota3A_110, %eq3A_407 : vector<16x2048xi32>
      %jit3A_409 = arith.constant -3.000000e+38 : f32
      %broadcast_in_dim3A_410 = vector.broadcast %jit3A_409 : f32 to vector<16x2048xf32>
      %select_n3A_411 = arith.select %eq3A_408, %broadcast_in_dim3A_410, %select_n3A_395 : vector<16x2048xi1>, vector<16x2048xf32>
      %reduce_max3A_412 = arith.constant dense<0xFF800000> : vector<16xf32>
      %reduce_max3A_413 = vector.multi_reduction <maximumf>, %select_n3A_411, %reduce_max3A_412 [1] : vector<16x2048xf32> to vector<16xf32>
      %broadcast_in_dim3A_414 = vector.shape_cast %reduce_max3A_413 : vector<16xf32> to vector<16x1xf32>
      %eq3A_415 = vector.broadcast %broadcast_in_dim3A_414 : vector<16x1xf32> to vector<16x2048xf32>
      %eq3A_416 = arith.cmpf oeq, %select_n3A_411, %eq3A_415 : vector<16x2048xf32>
      %jit3A_417 = arith.constant 2048 : i32
      %broadcast_in_dim3A_418 = vector.broadcast %jit3A_417 : i32 to vector<16x2048xi32>
      %select_n3A_419 = arith.select %eq3A_416, %iota3A_110, %broadcast_in_dim3A_418 : vector<16x2048xi1>, vector<16x2048xi32>
      %reduce_min3A_420 = arith.constant dense<2147483647> : vector<16xi32>
      %reduce_min3A_421 = vector.multi_reduction <minsi>, %select_n3A_419, %reduce_min3A_420 [1] : vector<16x2048xi32> to vector<16xi32>
      %broadcast_in_dim3A_422 = vector.shape_cast %reduce_min3A_421 : vector<16xi32> to vector<16x1xi32>
      %eq3A_423 = vector.broadcast %broadcast_in_dim3A_422 : vector<16x1xi32> to vector<16x2048xi32>
      %eq3A_424 = arith.cmpi eq, %iota3A_110, %eq3A_423 : vector<16x2048xi32>
      %jit3A_425 = arith.constant -3.000000e+38 : f32
      %broadcast_in_dim3A_426 = vector.broadcast %jit3A_425 : f32 to vector<16x2048xf32>
      %select_n3A_427 = arith.select %eq3A_424, %broadcast_in_dim3A_426, %select_n3A_411 : vector<16x2048xi1>, vector<16x2048xf32>
      %reduce_max3A_428 = arith.constant dense<0xFF800000> : vector<16xf32>
      %reduce_max3A_429 = vector.multi_reduction <maximumf>, %select_n3A_427, %reduce_max3A_428 [1] : vector<16x2048xf32> to vector<16xf32>
      %broadcast_in_dim3A_430 = vector.shape_cast %reduce_max3A_429 : vector<16xf32> to vector<16x1xf32>
      %eq3A_431 = vector.broadcast %broadcast_in_dim3A_430 : vector<16x1xf32> to vector<16x2048xf32>
      %eq3A_432 = arith.cmpf oeq, %select_n3A_427, %eq3A_431 : vector<16x2048xf32>
      %jit3A_433 = arith.constant 2048 : i32
      %broadcast_in_dim3A_434 = vector.broadcast %jit3A_433 : i32 to vector<16x2048xi32>
      %select_n3A_435 = arith.select %eq3A_432, %iota3A_110, %broadcast_in_dim3A_434 : vector<16x2048xi1>, vector<16x2048xi32>
      %reduce_min3A_436 = arith.constant dense<2147483647> : vector<16xi32>
      %reduce_min3A_437 = vector.multi_reduction <minsi>, %select_n3A_435, %reduce_min3A_436 [1] : vector<16x2048xi32> to vector<16xi32>
      %broadcast_in_dim3A_438 = vector.shape_cast %reduce_min3A_437 : vector<16xi32> to vector<16x1xi32>
      %eq3A_439 = vector.broadcast %broadcast_in_dim3A_438 : vector<16x1xi32> to vector<16x2048xi32>
      %eq3A_440 = arith.cmpi eq, %iota3A_110, %eq3A_439 : vector<16x2048xi32>
      %jit3A_441 = arith.constant -3.000000e+38 : f32
      %broadcast_in_dim3A_442 = vector.broadcast %jit3A_441 : f32 to vector<16x2048xf32>
      %select_n3A_443 = arith.select %eq3A_440, %broadcast_in_dim3A_442, %select_n3A_427 : vector<16x2048xi1>, vector<16x2048xf32>
      %reduce_max3A_444 = arith.constant dense<0xFF800000> : vector<16xf32>
      %reduce_max3A_445 = vector.multi_reduction <maximumf>, %select_n3A_443, %reduce_max3A_444 [1] : vector<16x2048xf32> to vector<16xf32>
      %broadcast_in_dim3A_446 = vector.shape_cast %reduce_max3A_445 : vector<16xf32> to vector<16x1xf32>
      %eq3A_447 = vector.broadcast %broadcast_in_dim3A_446 : vector<16x1xf32> to vector<16x2048xf32>
      %eq3A_448 = arith.cmpf oeq, %select_n3A_443, %eq3A_447 : vector<16x2048xf32>
      %jit3A_449 = arith.constant 2048 : i32
      %broadcast_in_dim3A_450 = vector.broadcast %jit3A_449 : i32 to vector<16x2048xi32>
      %select_n3A_451 = arith.select %eq3A_448, %iota3A_110, %broadcast_in_dim3A_450 : vector<16x2048xi1>, vector<16x2048xi32>
      %reduce_min3A_452 = arith.constant dense<2147483647> : vector<16xi32>
      %reduce_min3A_453 = vector.multi_reduction <minsi>, %select_n3A_451, %reduce_min3A_452 [1] : vector<16x2048xi32> to vector<16xi32>
      %broadcast_in_dim3A_454 = vector.shape_cast %reduce_min3A_453 : vector<16xi32> to vector<16x1xi32>
      %eq3A_455 = vector.broadcast %broadcast_in_dim3A_454 : vector<16x1xi32> to vector<16x2048xi32>
      %eq3A_456 = arith.cmpi eq, %iota3A_110, %eq3A_455 : vector<16x2048xi32>
      %jit3A_457 = arith.constant -3.000000e+38 : f32
      %broadcast_in_dim3A_458 = vector.broadcast %jit3A_457 : f32 to vector<16x2048xf32>
      %select_n3A_459 = arith.select %eq3A_456, %broadcast_in_dim3A_458, %select_n3A_443 : vector<16x2048xi1>, vector<16x2048xf32>
      %reduce_max3A_460 = arith.constant dense<0xFF800000> : vector<16xf32>
      %reduce_max3A_461 = vector.multi_reduction <maximumf>, %select_n3A_459, %reduce_max3A_460 [1] : vector<16x2048xf32> to vector<16xf32>
      %broadcast_in_dim3A_462 = vector.shape_cast %reduce_max3A_461 : vector<16xf32> to vector<16x1xf32>
      %eq3A_463 = vector.broadcast %broadcast_in_dim3A_462 : vector<16x1xf32> to vector<16x2048xf32>
      %eq3A_464 = arith.cmpf oeq, %select_n3A_459, %eq3A_463 : vector<16x2048xf32>
      %jit3A_465 = arith.constant 2048 : i32
      %broadcast_in_dim3A_466 = vector.broadcast %jit3A_465 : i32 to vector<16x2048xi32>
      %select_n3A_467 = arith.select %eq3A_464, %iota3A_110, %broadcast_in_dim3A_466 : vector<16x2048xi1>, vector<16x2048xi32>
      %reduce_min3A_468 = arith.constant dense<2147483647> : vector<16xi32>
      %reduce_min3A_469 = vector.multi_reduction <minsi>, %select_n3A_467, %reduce_min3A_468 [1] : vector<16x2048xi32> to vector<16xi32>
      %broadcast_in_dim3A_470 = vector.shape_cast %reduce_min3A_469 : vector<16xi32> to vector<16x1xi32>
      %eq3A_471 = vector.broadcast %broadcast_in_dim3A_470 : vector<16x1xi32> to vector<16x2048xi32>
      %eq3A_472 = arith.cmpi eq, %iota3A_110, %eq3A_471 : vector<16x2048xi32>
      %jit3A_473 = arith.constant -3.000000e+38 : f32
      %broadcast_in_dim3A_474 = vector.broadcast %jit3A_473 : f32 to vector<16x2048xf32>
      %select_n3A_475 = arith.select %eq3A_472, %broadcast_in_dim3A_474, %select_n3A_459 : vector<16x2048xi1>, vector<16x2048xf32>
      %reduce_max3A_476 = arith.constant dense<0xFF800000> : vector<16xf32>
      %reduce_max3A_477 = vector.multi_reduction <maximumf>, %select_n3A_475, %reduce_max3A_476 [1] : vector<16x2048xf32> to vector<16xf32>
      %broadcast_in_dim3A_478 = vector.shape_cast %reduce_max3A_477 : vector<16xf32> to vector<16x1xf32>
      %eq3A_479 = vector.broadcast %broadcast_in_dim3A_478 : vector<16x1xf32> to vector<16x2048xf32>
      %eq3A_480 = arith.cmpf oeq, %select_n3A_475, %eq3A_479 : vector<16x2048xf32>
      %jit3A_481 = arith.constant 2048 : i32
      %broadcast_in_dim3A_482 = vector.broadcast %jit3A_481 : i32 to vector<16x2048xi32>
      %select_n3A_483 = arith.select %eq3A_480, %iota3A_110, %broadcast_in_dim3A_482 : vector<16x2048xi1>, vector<16x2048xi32>
      %reduce_min3A_484 = arith.constant dense<2147483647> : vector<16xi32>
      %reduce_min3A_485 = vector.multi_reduction <minsi>, %select_n3A_483, %reduce_min3A_484 [1] : vector<16x2048xi32> to vector<16xi32>
      %broadcast_in_dim3A_486 = vector.shape_cast %reduce_min3A_485 : vector<16xi32> to vector<16x1xi32>
      %eq3A_487 = vector.broadcast %broadcast_in_dim3A_486 : vector<16x1xi32> to vector<16x2048xi32>
      %eq3A_488 = arith.cmpi eq, %iota3A_110, %eq3A_487 : vector<16x2048xi32>
      %jit3A_489 = arith.constant -3.000000e+38 : f32
      %broadcast_in_dim3A_490 = vector.broadcast %jit3A_489 : f32 to vector<16x2048xf32>
      %select_n3A_491 = arith.select %eq3A_488, %broadcast_in_dim3A_490, %select_n3A_475 : vector<16x2048xi1>, vector<16x2048xf32>
      %reduce_max3A_492 = arith.constant dense<0xFF800000> : vector<16xf32>
      %reduce_max3A_493 = vector.multi_reduction <maximumf>, %select_n3A_491, %reduce_max3A_492 [1] : vector<16x2048xf32> to vector<16xf32>
      %broadcast_in_dim3A_494 = vector.shape_cast %reduce_max3A_493 : vector<16xf32> to vector<16x1xf32>
      %eq3A_495 = vector.broadcast %broadcast_in_dim3A_494 : vector<16x1xf32> to vector<16x2048xf32>
      %eq3A_496 = arith.cmpf oeq, %select_n3A_491, %eq3A_495 : vector<16x2048xf32>
      %jit3A_497 = arith.constant 2048 : i32
      %broadcast_in_dim3A_498 = vector.broadcast %jit3A_497 : i32 to vector<16x2048xi32>
      %select_n3A_499 = arith.select %eq3A_496, %iota3A_110, %broadcast_in_dim3A_498 : vector<16x2048xi1>, vector<16x2048xi32>
      %reduce_min3A_500 = arith.constant dense<2147483647> : vector<16xi32>
      %reduce_min3A_501 = vector.multi_reduction <minsi>, %select_n3A_499, %reduce_min3A_500 [1] : vector<16x2048xi32> to vector<16xi32>
      %broadcast_in_dim3A_502 = vector.shape_cast %reduce_min3A_501 : vector<16xi32> to vector<16x1xi32>
      %eq3A_503 = vector.broadcast %broadcast_in_dim3A_502 : vector<16x1xi32> to vector<16x2048xi32>
      %eq3A_504 = arith.cmpi eq, %iota3A_110, %eq3A_503 : vector<16x2048xi32>
      %jit3A_505 = arith.constant -3.000000e+38 : f32
      %broadcast_in_dim3A_506 = vector.broadcast %jit3A_505 : f32 to vector<16x2048xf32>
      %select_n3A_507 = arith.select %eq3A_504, %broadcast_in_dim3A_506, %select_n3A_491 : vector<16x2048xi1>, vector<16x2048xf32>
      %reduce_max3A_508 = arith.constant dense<0xFF800000> : vector<16xf32>
      %reduce_max3A_509 = vector.multi_reduction <maximumf>, %select_n3A_507, %reduce_max3A_508 [1] : vector<16x2048xf32> to vector<16xf32>
      %broadcast_in_dim3A_510 = vector.shape_cast %reduce_max3A_509 : vector<16xf32> to vector<16x1xf32>
      %eq3A_511 = vector.broadcast %broadcast_in_dim3A_510 : vector<16x1xf32> to vector<16x2048xf32>
      %eq3A_512 = arith.cmpf oeq, %select_n3A_507, %eq3A_511 : vector<16x2048xf32>
      %jit3A_513 = arith.constant 2048 : i32
      %broadcast_in_dim3A_514 = vector.broadcast %jit3A_513 : i32 to vector<16x2048xi32>
      %select_n3A_515 = arith.select %eq3A_512, %iota3A_110, %broadcast_in_dim3A_514 : vector<16x2048xi1>, vector<16x2048xi32>
      %reduce_min3A_516 = arith.constant dense<2147483647> : vector<16xi32>
      %reduce_min3A_517 = vector.multi_reduction <minsi>, %select_n3A_515, %reduce_min3A_516 [1] : vector<16x2048xi32> to vector<16xi32>
      %broadcast_in_dim3A_518 = vector.shape_cast %reduce_min3A_517 : vector<16xi32> to vector<16x1xi32>
      %eq3A_519 = vector.broadcast %broadcast_in_dim3A_518 : vector<16x1xi32> to vector<16x2048xi32>
      %eq3A_520 = arith.cmpi eq, %iota3A_110, %eq3A_519 : vector<16x2048xi32>
      %jit3A_521 = arith.constant -3.000000e+38 : f32
      %broadcast_in_dim3A_522 = vector.broadcast %jit3A_521 : f32 to vector<16x2048xf32>
      %select_n3A_523 = arith.select %eq3A_520, %broadcast_in_dim3A_522, %select_n3A_507 : vector<16x2048xi1>, vector<16x2048xf32>
      %reduce_max3A_524 = arith.constant dense<0xFF800000> : vector<16xf32>
      %reduce_max3A_525 = vector.multi_reduction <maximumf>, %select_n3A_523, %reduce_max3A_524 [1] : vector<16x2048xf32> to vector<16xf32>
      %broadcast_in_dim3A_526 = vector.shape_cast %reduce_max3A_525 : vector<16xf32> to vector<16x1xf32>
      %eq3A_527 = vector.broadcast %broadcast_in_dim3A_526 : vector<16x1xf32> to vector<16x2048xf32>
      %eq3A_528 = arith.cmpf oeq, %select_n3A_523, %eq3A_527 : vector<16x2048xf32>
      %jit3A_529 = arith.constant 2048 : i32
      %broadcast_in_dim3A_530 = vector.broadcast %jit3A_529 : i32 to vector<16x2048xi32>
      %select_n3A_531 = arith.select %eq3A_528, %iota3A_110, %broadcast_in_dim3A_530 : vector<16x2048xi1>, vector<16x2048xi32>
      %reduce_min3A_532 = arith.constant dense<2147483647> : vector<16xi32>
      %reduce_min3A_533 = vector.multi_reduction <minsi>, %select_n3A_531, %reduce_min3A_532 [1] : vector<16x2048xi32> to vector<16xi32>
      %broadcast_in_dim3A_534 = vector.shape_cast %reduce_min3A_533 : vector<16xi32> to vector<16x1xi32>
      %eq3A_535 = vector.broadcast %broadcast_in_dim3A_534 : vector<16x1xi32> to vector<16x2048xi32>
      %eq3A_536 = arith.cmpi eq, %iota3A_110, %eq3A_535 : vector<16x2048xi32>
      %jit3A_537 = arith.constant -3.000000e+38 : f32
      %broadcast_in_dim3A_538 = vector.broadcast %jit3A_537 : f32 to vector<16x2048xf32>
      %select_n3A_539 = arith.select %eq3A_536, %broadcast_in_dim3A_538, %select_n3A_523 : vector<16x2048xi1>, vector<16x2048xf32>
      %reduce_max3A_540 = arith.constant dense<0xFF800000> : vector<16xf32>
      %reduce_max3A_541 = vector.multi_reduction <maximumf>, %select_n3A_539, %reduce_max3A_540 [1] : vector<16x2048xf32> to vector<16xf32>
      %broadcast_in_dim3A_542 = vector.shape_cast %reduce_max3A_541 : vector<16xf32> to vector<16x1xf32>
      %eq3A_543 = vector.broadcast %broadcast_in_dim3A_542 : vector<16x1xf32> to vector<16x2048xf32>
      %eq3A_544 = arith.cmpf oeq, %select_n3A_539, %eq3A_543 : vector<16x2048xf32>
      %jit3A_545 = arith.constant 2048 : i32
      %broadcast_in_dim3A_546 = vector.broadcast %jit3A_545 : i32 to vector<16x2048xi32>
      %select_n3A_547 = arith.select %eq3A_544, %iota3A_110, %broadcast_in_dim3A_546 : vector<16x2048xi1>, vector<16x2048xi32>
      %reduce_min3A_548 = arith.constant dense<2147483647> : vector<16xi32>
      %reduce_min3A_549 = vector.multi_reduction <minsi>, %select_n3A_547, %reduce_min3A_548 [1] : vector<16x2048xi32> to vector<16xi32>
      %broadcast_in_dim3A_550 = vector.shape_cast %reduce_min3A_549 : vector<16xi32> to vector<16x1xi32>
      %eq3A_551 = vector.broadcast %broadcast_in_dim3A_550 : vector<16x1xi32> to vector<16x2048xi32>
      %eq3A_552 = arith.cmpi eq, %iota3A_110, %eq3A_551 : vector<16x2048xi32>
      %jit3A_553 = arith.constant -3.000000e+38 : f32
      %broadcast_in_dim3A_554 = vector.broadcast %jit3A_553 : f32 to vector<16x2048xf32>
      %select_n3A_555 = arith.select %eq3A_552, %broadcast_in_dim3A_554, %select_n3A_539 : vector<16x2048xi1>, vector<16x2048xf32>
      %reduce_max3A_556 = arith.constant dense<0xFF800000> : vector<16xf32>
      %reduce_max3A_557 = vector.multi_reduction <maximumf>, %select_n3A_555, %reduce_max3A_556 [1] : vector<16x2048xf32> to vector<16xf32>
      %broadcast_in_dim3A_558 = vector.shape_cast %reduce_max3A_557 : vector<16xf32> to vector<16x1xf32>
      %eq3A_559 = vector.broadcast %broadcast_in_dim3A_558 : vector<16x1xf32> to vector<16x2048xf32>
      %eq3A_560 = arith.cmpf oeq, %select_n3A_555, %eq3A_559 : vector<16x2048xf32>
      %jit3A_561 = arith.constant 2048 : i32
      %broadcast_in_dim3A_562 = vector.broadcast %jit3A_561 : i32 to vector<16x2048xi32>
      %select_n3A_563 = arith.select %eq3A_560, %iota3A_110, %broadcast_in_dim3A_562 : vector<16x2048xi1>, vector<16x2048xi32>
      %reduce_min3A_564 = arith.constant dense<2147483647> : vector<16xi32>
      %reduce_min3A_565 = vector.multi_reduction <minsi>, %select_n3A_563, %reduce_min3A_564 [1] : vector<16x2048xi32> to vector<16xi32>
      %broadcast_in_dim3A_566 = vector.shape_cast %reduce_min3A_565 : vector<16xi32> to vector<16x1xi32>
      %eq3A_567 = vector.broadcast %broadcast_in_dim3A_566 : vector<16x1xi32> to vector<16x2048xi32>
      %eq3A_568 = arith.cmpi eq, %iota3A_110, %eq3A_567 : vector<16x2048xi32>
      %jit3A_569 = arith.constant -3.000000e+38 : f32
      %broadcast_in_dim3A_570 = vector.broadcast %jit3A_569 : f32 to vector<16x2048xf32>
      %select_n3A_571 = arith.select %eq3A_568, %broadcast_in_dim3A_570, %select_n3A_555 : vector<16x2048xi1>, vector<16x2048xf32>
      %reduce_max3A_572 = arith.constant dense<0xFF800000> : vector<16xf32>
      %reduce_max3A_573 = vector.multi_reduction <maximumf>, %select_n3A_571, %reduce_max3A_572 [1] : vector<16x2048xf32> to vector<16xf32>
      %broadcast_in_dim3A_574 = vector.shape_cast %reduce_max3A_573 : vector<16xf32> to vector<16x1xf32>
      %eq3A_575 = vector.broadcast %broadcast_in_dim3A_574 : vector<16x1xf32> to vector<16x2048xf32>
      %eq3A_576 = arith.cmpf oeq, %select_n3A_571, %eq3A_575 : vector<16x2048xf32>
      %jit3A_577 = arith.constant 2048 : i32
      %broadcast_in_dim3A_578 = vector.broadcast %jit3A_577 : i32 to vector<16x2048xi32>
      %select_n3A_579 = arith.select %eq3A_576, %iota3A_110, %broadcast_in_dim3A_578 : vector<16x2048xi1>, vector<16x2048xi32>
      %reduce_min3A_580 = arith.constant dense<2147483647> : vector<16xi32>
      %reduce_min3A_581 = vector.multi_reduction <minsi>, %select_n3A_579, %reduce_min3A_580 [1] : vector<16x2048xi32> to vector<16xi32>
      %broadcast_in_dim3A_582 = vector.shape_cast %reduce_min3A_581 : vector<16xi32> to vector<16x1xi32>
      %eq3A_583 = vector.broadcast %broadcast_in_dim3A_582 : vector<16x1xi32> to vector<16x2048xi32>
      %eq3A_584 = arith.cmpi eq, %iota3A_110, %eq3A_583 : vector<16x2048xi32>
      %jit3A_585 = arith.constant -3.000000e+38 : f32
      %broadcast_in_dim3A_586 = vector.broadcast %jit3A_585 : f32 to vector<16x2048xf32>
      %select_n3A_587 = arith.select %eq3A_584, %broadcast_in_dim3A_586, %select_n3A_571 : vector<16x2048xi1>, vector<16x2048xf32>
      %reduce_max3A_588 = arith.constant dense<0xFF800000> : vector<16xf32>
      %reduce_max3A_589 = vector.multi_reduction <maximumf>, %select_n3A_587, %reduce_max3A_588 [1] : vector<16x2048xf32> to vector<16xf32>
      %broadcast_in_dim3A_590 = vector.shape_cast %reduce_max3A_589 : vector<16xf32> to vector<16x1xf32>
      %eq3A_591 = vector.broadcast %broadcast_in_dim3A_590 : vector<16x1xf32> to vector<16x2048xf32>
      %eq3A_592 = arith.cmpf oeq, %select_n3A_587, %eq3A_591 : vector<16x2048xf32>
      %jit3A_593 = arith.constant 2048 : i32
      %broadcast_in_dim3A_594 = vector.broadcast %jit3A_593 : i32 to vector<16x2048xi32>
      %select_n3A_595 = arith.select %eq3A_592, %iota3A_110, %broadcast_in_dim3A_594 : vector<16x2048xi1>, vector<16x2048xi32>
      %reduce_min3A_596 = arith.constant dense<2147483647> : vector<16xi32>
      %reduce_min3A_597 = vector.multi_reduction <minsi>, %select_n3A_595, %reduce_min3A_596 [1] : vector<16x2048xi32> to vector<16xi32>
      %broadcast_in_dim3A_598 = vector.shape_cast %reduce_min3A_597 : vector<16xi32> to vector<16x1xi32>
      %eq3A_599 = vector.broadcast %broadcast_in_dim3A_598 : vector<16x1xi32> to vector<16x2048xi32>
      %eq3A_600 = arith.cmpi eq, %iota3A_110, %eq3A_599 : vector<16x2048xi32>
      %jit3A_601 = arith.constant -3.000000e+38 : f32
      %broadcast_in_dim3A_602 = vector.broadcast %jit3A_601 : f32 to vector<16x2048xf32>
      %select_n3A_603 = arith.select %eq3A_600, %broadcast_in_dim3A_602, %select_n3A_587 : vector<16x2048xi1>, vector<16x2048xf32>
      %reduce_max3A_604 = arith.constant dense<0xFF800000> : vector<16xf32>
      %reduce_max3A_605 = vector.multi_reduction <maximumf>, %select_n3A_603, %reduce_max3A_604 [1] : vector<16x2048xf32> to vector<16xf32>
      %broadcast_in_dim3A_606 = vector.shape_cast %reduce_max3A_605 : vector<16xf32> to vector<16x1xf32>
      %eq3A_607 = vector.broadcast %broadcast_in_dim3A_606 : vector<16x1xf32> to vector<16x2048xf32>
      %eq3A_608 = arith.cmpf oeq, %select_n3A_603, %eq3A_607 : vector<16x2048xf32>
      %jit3A_609 = arith.constant 2048 : i32
      %broadcast_in_dim3A_610 = vector.broadcast %jit3A_609 : i32 to vector<16x2048xi32>
      %select_n3A_611 = arith.select %eq3A_608, %iota3A_110, %broadcast_in_dim3A_610 : vector<16x2048xi1>, vector<16x2048xi32>
      %reduce_min3A_612 = arith.constant dense<2147483647> : vector<16xi32>
      %reduce_min3A_613 = vector.multi_reduction <minsi>, %select_n3A_611, %reduce_min3A_612 [1] : vector<16x2048xi32> to vector<16xi32>
      %broadcast_in_dim3A_614 = vector.shape_cast %reduce_min3A_613 : vector<16xi32> to vector<16x1xi32>
      %eq3A_615 = vector.broadcast %broadcast_in_dim3A_614 : vector<16x1xi32> to vector<16x2048xi32>
      %eq3A_616 = arith.cmpi eq, %iota3A_110, %eq3A_615 : vector<16x2048xi32>
      %jit3A_617 = arith.constant -3.000000e+38 : f32
      %broadcast_in_dim3A_618 = vector.broadcast %jit3A_617 : f32 to vector<16x2048xf32>
      %select_n3A_619 = arith.select %eq3A_616, %broadcast_in_dim3A_618, %select_n3A_603 : vector<16x2048xi1>, vector<16x2048xf32>
      %reduce_max3A_620 = arith.constant dense<0xFF800000> : vector<16xf32>
      %reduce_max3A_621 = vector.multi_reduction <maximumf>, %select_n3A_619, %reduce_max3A_620 [1] : vector<16x2048xf32> to vector<16xf32>
      %broadcast_in_dim3A_622 = vector.shape_cast %reduce_max3A_621 : vector<16xf32> to vector<16x1xf32>
      %eq3A_623 = vector.broadcast %broadcast_in_dim3A_622 : vector<16x1xf32> to vector<16x2048xf32>
      %eq3A_624 = arith.cmpf oeq, %select_n3A_619, %eq3A_623 : vector<16x2048xf32>
      %jit3A_625 = arith.constant 2048 : i32
      %broadcast_in_dim3A_626 = vector.broadcast %jit3A_625 : i32 to vector<16x2048xi32>
      %select_n3A_627 = arith.select %eq3A_624, %iota3A_110, %broadcast_in_dim3A_626 : vector<16x2048xi1>, vector<16x2048xi32>
      %reduce_min3A_628 = arith.constant dense<2147483647> : vector<16xi32>
      %reduce_min3A_629 = vector.multi_reduction <minsi>, %select_n3A_627, %reduce_min3A_628 [1] : vector<16x2048xi32> to vector<16xi32>
      %broadcast_in_dim3A_630 = vector.shape_cast %reduce_min3A_629 : vector<16xi32> to vector<16x1xi32>
      %eq3A_631 = vector.broadcast %broadcast_in_dim3A_630 : vector<16x1xi32> to vector<16x2048xi32>
      %eq3A_632 = arith.cmpi eq, %iota3A_110, %eq3A_631 : vector<16x2048xi32>
      %jit3A_633 = arith.constant -3.000000e+38 : f32
      %broadcast_in_dim3A_634 = vector.broadcast %jit3A_633 : f32 to vector<16x2048xf32>
      %select_n3A_635 = arith.select %eq3A_632, %broadcast_in_dim3A_634, %select_n3A_619 : vector<16x2048xi1>, vector<16x2048xf32>
      %reduce_max3A_636 = arith.constant dense<0xFF800000> : vector<16xf32>
      %reduce_max3A_637 = vector.multi_reduction <maximumf>, %select_n3A_635, %reduce_max3A_636 [1] : vector<16x2048xf32> to vector<16xf32>
      %broadcast_in_dim3A_638 = vector.shape_cast %reduce_max3A_637 : vector<16xf32> to vector<16x1xf32>
      %eq3A_639 = vector.broadcast %broadcast_in_dim3A_638 : vector<16x1xf32> to vector<16x2048xf32>
      %eq3A_640 = arith.cmpf oeq, %select_n3A_635, %eq3A_639 : vector<16x2048xf32>
      %jit3A_641 = arith.constant 2048 : i32
      %broadcast_in_dim3A_642 = vector.broadcast %jit3A_641 : i32 to vector<16x2048xi32>
      %select_n3A_643 = arith.select %eq3A_640, %iota3A_110, %broadcast_in_dim3A_642 : vector<16x2048xi1>, vector<16x2048xi32>
      %reduce_min3A_644 = arith.constant dense<2147483647> : vector<16xi32>
      %reduce_min3A_645 = vector.multi_reduction <minsi>, %select_n3A_643, %reduce_min3A_644 [1] : vector<16x2048xi32> to vector<16xi32>
      %broadcast_in_dim3A_646 = vector.shape_cast %reduce_min3A_645 : vector<16xi32> to vector<16x1xi32>
      %eq3A_647 = vector.broadcast %broadcast_in_dim3A_646 : vector<16x1xi32> to vector<16x2048xi32>
      %eq3A_648 = arith.cmpi eq, %iota3A_110, %eq3A_647 : vector<16x2048xi32>
      %jit3A_649 = arith.constant -3.000000e+38 : f32
      %broadcast_in_dim3A_650 = vector.broadcast %jit3A_649 : f32 to vector<16x2048xf32>
      %select_n3A_651 = arith.select %eq3A_648, %broadcast_in_dim3A_650, %select_n3A_635 : vector<16x2048xi1>, vector<16x2048xf32>
      %reduce_max3A_652 = arith.constant dense<0xFF800000> : vector<16xf32>
      %reduce_max3A_653 = vector.multi_reduction <maximumf>, %select_n3A_651, %reduce_max3A_652 [1] : vector<16x2048xf32> to vector<16xf32>
      %broadcast_in_dim3A_654 = vector.shape_cast %reduce_max3A_653 : vector<16xf32> to vector<16x1xf32>
      %eq3A_655 = vector.broadcast %broadcast_in_dim3A_654 : vector<16x1xf32> to vector<16x2048xf32>
      %eq3A_656 = arith.cmpf oeq, %select_n3A_651, %eq3A_655 : vector<16x2048xf32>
      %jit3A_657 = arith.constant 2048 : i32
      %broadcast_in_dim3A_658 = vector.broadcast %jit3A_657 : i32 to vector<16x2048xi32>
      %select_n3A_659 = arith.select %eq3A_656, %iota3A_110, %broadcast_in_dim3A_658 : vector<16x2048xi1>, vector<16x2048xi32>
      %reduce_min3A_660 = arith.constant dense<2147483647> : vector<16xi32>
      %reduce_min3A_661 = vector.multi_reduction <minsi>, %select_n3A_659, %reduce_min3A_660 [1] : vector<16x2048xi32> to vector<16xi32>
      %broadcast_in_dim3A_662 = vector.shape_cast %reduce_min3A_661 : vector<16xi32> to vector<16x1xi32>
      %eq3A_663 = vector.broadcast %broadcast_in_dim3A_662 : vector<16x1xi32> to vector<16x2048xi32>
      %eq3A_664 = arith.cmpi eq, %iota3A_110, %eq3A_663 : vector<16x2048xi32>
      %jit3A_665 = arith.constant -3.000000e+38 : f32
      %broadcast_in_dim3A_666 = vector.broadcast %jit3A_665 : f32 to vector<16x2048xf32>
      %select_n3A_667 = arith.select %eq3A_664, %broadcast_in_dim3A_666, %select_n3A_651 : vector<16x2048xi1>, vector<16x2048xf32>
      %reduce_max3A_668 = arith.constant dense<0xFF800000> : vector<16xf32>
      %reduce_max3A_669 = vector.multi_reduction <maximumf>, %select_n3A_667, %reduce_max3A_668 [1] : vector<16x2048xf32> to vector<16xf32>
      %broadcast_in_dim3A_670 = vector.shape_cast %reduce_max3A_669 : vector<16xf32> to vector<16x1xf32>
      %eq3A_671 = vector.broadcast %broadcast_in_dim3A_670 : vector<16x1xf32> to vector<16x2048xf32>
      %eq3A_672 = arith.cmpf oeq, %select_n3A_667, %eq3A_671 : vector<16x2048xf32>
      %jit3A_673 = arith.constant 2048 : i32
      %broadcast_in_dim3A_674 = vector.broadcast %jit3A_673 : i32 to vector<16x2048xi32>
      %select_n3A_675 = arith.select %eq3A_672, %iota3A_110, %broadcast_in_dim3A_674 : vector<16x2048xi1>, vector<16x2048xi32>
      %reduce_min3A_676 = arith.constant dense<2147483647> : vector<16xi32>
      %reduce_min3A_677 = vector.multi_reduction <minsi>, %select_n3A_675, %reduce_min3A_676 [1] : vector<16x2048xi32> to vector<16xi32>
      %broadcast_in_dim3A_678 = vector.shape_cast %reduce_min3A_677 : vector<16xi32> to vector<16x1xi32>
      %eq3A_679 = vector.broadcast %broadcast_in_dim3A_678 : vector<16x1xi32> to vector<16x2048xi32>
      %eq3A_680 = arith.cmpi eq, %iota3A_110, %eq3A_679 : vector<16x2048xi32>
      %jit3A_681 = arith.constant -3.000000e+38 : f32
      %broadcast_in_dim3A_682 = vector.broadcast %jit3A_681 : f32 to vector<16x2048xf32>
      %select_n3A_683 = arith.select %eq3A_680, %broadcast_in_dim3A_682, %select_n3A_667 : vector<16x2048xi1>, vector<16x2048xf32>
      %reduce_max3A_684 = arith.constant dense<0xFF800000> : vector<16xf32>
      %reduce_max3A_685 = vector.multi_reduction <maximumf>, %select_n3A_683, %reduce_max3A_684 [1] : vector<16x2048xf32> to vector<16xf32>
      %broadcast_in_dim3A_686 = vector.shape_cast %reduce_max3A_685 : vector<16xf32> to vector<16x1xf32>
      %eq3A_687 = vector.broadcast %broadcast_in_dim3A_686 : vector<16x1xf32> to vector<16x2048xf32>
      %eq3A_688 = arith.cmpf oeq, %select_n3A_683, %eq3A_687 : vector<16x2048xf32>
      %jit3A_689 = arith.constant 2048 : i32
      %broadcast_in_dim3A_690 = vector.broadcast %jit3A_689 : i32 to vector<16x2048xi32>
      %select_n3A_691 = arith.select %eq3A_688, %iota3A_110, %broadcast_in_dim3A_690 : vector<16x2048xi1>, vector<16x2048xi32>
      %reduce_min3A_692 = arith.constant dense<2147483647> : vector<16xi32>
      %reduce_min3A_693 = vector.multi_reduction <minsi>, %select_n3A_691, %reduce_min3A_692 [1] : vector<16x2048xi32> to vector<16xi32>
      %broadcast_in_dim3A_694 = vector.shape_cast %reduce_min3A_693 : vector<16xi32> to vector<16x1xi32>
      %eq3A_695 = vector.broadcast %broadcast_in_dim3A_694 : vector<16x1xi32> to vector<16x2048xi32>
      %eq3A_696 = arith.cmpi eq, %iota3A_110, %eq3A_695 : vector<16x2048xi32>
      %jit3A_697 = arith.constant -3.000000e+38 : f32
      %broadcast_in_dim3A_698 = vector.broadcast %jit3A_697 : f32 to vector<16x2048xf32>
      %select_n3A_699 = arith.select %eq3A_696, %broadcast_in_dim3A_698, %select_n3A_683 : vector<16x2048xi1>, vector<16x2048xf32>
      %reduce_max3A_700 = arith.constant dense<0xFF800000> : vector<16xf32>
      %reduce_max3A_701 = vector.multi_reduction <maximumf>, %select_n3A_699, %reduce_max3A_700 [1] : vector<16x2048xf32> to vector<16xf32>
      %broadcast_in_dim3A_702 = vector.shape_cast %reduce_max3A_701 : vector<16xf32> to vector<16x1xf32>
      %eq3A_703 = vector.broadcast %broadcast_in_dim3A_702 : vector<16x1xf32> to vector<16x2048xf32>
      %eq3A_704 = arith.cmpf oeq, %select_n3A_699, %eq3A_703 : vector<16x2048xf32>
      %jit3A_705 = arith.constant 2048 : i32
      %broadcast_in_dim3A_706 = vector.broadcast %jit3A_705 : i32 to vector<16x2048xi32>
      %select_n3A_707 = arith.select %eq3A_704, %iota3A_110, %broadcast_in_dim3A_706 : vector<16x2048xi1>, vector<16x2048xi32>
      %reduce_min3A_708 = arith.constant dense<2147483647> : vector<16xi32>
      %reduce_min3A_709 = vector.multi_reduction <minsi>, %select_n3A_707, %reduce_min3A_708 [1] : vector<16x2048xi32> to vector<16xi32>
      %broadcast_in_dim3A_710 = vector.shape_cast %reduce_min3A_709 : vector<16xi32> to vector<16x1xi32>
      %eq3A_711 = vector.broadcast %broadcast_in_dim3A_710 : vector<16x1xi32> to vector<16x2048xi32>
      %eq3A_712 = arith.cmpi eq, %iota3A_110, %eq3A_711 : vector<16x2048xi32>
      %jit3A_713 = arith.constant -3.000000e+38 : f32
      %broadcast_in_dim3A_714 = vector.broadcast %jit3A_713 : f32 to vector<16x2048xf32>
      %select_n3A_715 = arith.select %eq3A_712, %broadcast_in_dim3A_714, %select_n3A_699 : vector<16x2048xi1>, vector<16x2048xf32>
      %reduce_max3A_716 = arith.constant dense<0xFF800000> : vector<16xf32>
      %reduce_max3A_717 = vector.multi_reduction <maximumf>, %select_n3A_715, %reduce_max3A_716 [1] : vector<16x2048xf32> to vector<16xf32>
      %broadcast_in_dim3A_718 = vector.shape_cast %reduce_max3A_717 : vector<16xf32> to vector<16x1xf32>
      %eq3A_719 = vector.broadcast %broadcast_in_dim3A_718 : vector<16x1xf32> to vector<16x2048xf32>
      %eq3A_720 = arith.cmpf oeq, %select_n3A_715, %eq3A_719 : vector<16x2048xf32>
      %jit3A_721 = arith.constant 2048 : i32
      %broadcast_in_dim3A_722 = vector.broadcast %jit3A_721 : i32 to vector<16x2048xi32>
      %select_n3A_723 = arith.select %eq3A_720, %iota3A_110, %broadcast_in_dim3A_722 : vector<16x2048xi1>, vector<16x2048xi32>
      %reduce_min3A_724 = arith.constant dense<2147483647> : vector<16xi32>
      %reduce_min3A_725 = vector.multi_reduction <minsi>, %select_n3A_723, %reduce_min3A_724 [1] : vector<16x2048xi32> to vector<16xi32>
      %broadcast_in_dim3A_726 = vector.shape_cast %reduce_min3A_725 : vector<16xi32> to vector<16x1xi32>
      %eq3A_727 = vector.broadcast %broadcast_in_dim3A_726 : vector<16x1xi32> to vector<16x2048xi32>
      %eq3A_728 = arith.cmpi eq, %iota3A_110, %eq3A_727 : vector<16x2048xi32>
      %jit3A_729 = arith.constant -3.000000e+38 : f32
      %broadcast_in_dim3A_730 = vector.broadcast %jit3A_729 : f32 to vector<16x2048xf32>
      %select_n3A_731 = arith.select %eq3A_728, %broadcast_in_dim3A_730, %select_n3A_715 : vector<16x2048xi1>, vector<16x2048xf32>
      %reduce_max3A_732 = arith.constant dense<0xFF800000> : vector<16xf32>
      %reduce_max3A_733 = vector.multi_reduction <maximumf>, %select_n3A_731, %reduce_max3A_732 [1] : vector<16x2048xf32> to vector<16xf32>
      %broadcast_in_dim3A_734 = vector.shape_cast %reduce_max3A_733 : vector<16xf32> to vector<16x1xf32>
      %eq3A_735 = vector.broadcast %broadcast_in_dim3A_734 : vector<16x1xf32> to vector<16x2048xf32>
      %eq3A_736 = arith.cmpf oeq, %select_n3A_731, %eq3A_735 : vector<16x2048xf32>
      %jit3A_737 = arith.constant 2048 : i32
      %broadcast_in_dim3A_738 = vector.broadcast %jit3A_737 : i32 to vector<16x2048xi32>
      %select_n3A_739 = arith.select %eq3A_736, %iota3A_110, %broadcast_in_dim3A_738 : vector<16x2048xi1>, vector<16x2048xi32>
      %reduce_min3A_740 = arith.constant dense<2147483647> : vector<16xi32>
      %reduce_min3A_741 = vector.multi_reduction <minsi>, %select_n3A_739, %reduce_min3A_740 [1] : vector<16x2048xi32> to vector<16xi32>
      %stack3A = vector.shape_cast %reduce_min3A_117 : vector<16xi32> to vector<16x1xi32>
      %stack3A_742 = vector.shape_cast %reduce_min3A_133 : vector<16xi32> to vector<16x1xi32>
      %stack3A_743 = vector.shape_cast %reduce_min3A_149 : vector<16xi32> to vector<16x1xi32>
      %stack3A_744 = vector.shape_cast %reduce_min3A_165 : vector<16xi32> to vector<16x1xi32>
      %stack3A_745 = vector.shape_cast %reduce_min3A_181 : vector<16xi32> to vector<16x1xi32>
      %stack3A_746 = vector.shape_cast %reduce_min3A_197 : vector<16xi32> to vector<16x1xi32>
      %stack3A_747 = vector.shape_cast %reduce_min3A_213 : vector<16xi32> to vector<16x1xi32>
      %stack3A_748 = vector.shape_cast %reduce_min3A_229 : vector<16xi32> to vector<16x1xi32>
      %stack3A_749 = vector.shape_cast %reduce_min3A_245 : vector<16xi32> to vector<16x1xi32>
      %stack3A_750 = vector.shape_cast %reduce_min3A_261 : vector<16xi32> to vector<16x1xi32>
      %stack3A_751 = vector.shape_cast %reduce_min3A_277 : vector<16xi32> to vector<16x1xi32>
      %stack3A_752 = vector.shape_cast %reduce_min3A_293 : vector<16xi32> to vector<16x1xi32>
      %stack3A_753 = vector.shape_cast %reduce_min3A_309 : vector<16xi32> to vector<16x1xi32>
      %stack3A_754 = vector.shape_cast %reduce_min3A_325 : vector<16xi32> to vector<16x1xi32>
      %stack3A_755 = vector.shape_cast %reduce_min3A_341 : vector<16xi32> to vector<16x1xi32>
      %stack3A_756 = vector.shape_cast %reduce_min3A_357 : vector<16xi32> to vector<16x1xi32>
      %stack3A_757 = vector.shape_cast %reduce_min3A_373 : vector<16xi32> to vector<16x1xi32>
      %stack3A_758 = vector.shape_cast %reduce_min3A_389 : vector<16xi32> to vector<16x1xi32>
      %stack3A_759 = vector.shape_cast %reduce_min3A_405 : vector<16xi32> to vector<16x1xi32>
      %stack3A_760 = vector.shape_cast %reduce_min3A_421 : vector<16xi32> to vector<16x1xi32>
      %stack3A_761 = vector.shape_cast %reduce_min3A_437 : vector<16xi32> to vector<16x1xi32>
      %stack3A_762 = vector.shape_cast %reduce_min3A_453 : vector<16xi32> to vector<16x1xi32>
      %stack3A_763 = vector.shape_cast %reduce_min3A_469 : vector<16xi32> to vector<16x1xi32>
      %stack3A_764 = vector.shape_cast %reduce_min3A_485 : vector<16xi32> to vector<16x1xi32>
      %stack3A_765 = vector.shape_cast %reduce_min3A_501 : vector<16xi32> to vector<16x1xi32>
      %stack3A_766 = vector.shape_cast %reduce_min3A_517 : vector<16xi32> to vector<16x1xi32>
      %stack3A_767 = vector.shape_cast %reduce_min3A_533 : vector<16xi32> to vector<16x1xi32>
      %stack3A_768 = vector.shape_cast %reduce_min3A_549 : vector<16xi32> to vector<16x1xi32>
      %stack3A_769 = vector.shape_cast %reduce_min3A_565 : vector<16xi32> to vector<16x1xi32>
      %stack3A_770 = vector.shape_cast %reduce_min3A_581 : vector<16xi32> to vector<16x1xi32>
      %stack3A_771 = vector.shape_cast %reduce_min3A_597 : vector<16xi32> to vector<16x1xi32>
      %stack3A_772 = vector.shape_cast %reduce_min3A_613 : vector<16xi32> to vector<16x1xi32>
      %stack3A_773 = vector.shape_cast %reduce_min3A_629 : vector<16xi32> to vector<16x1xi32>
      %stack3A_774 = vector.shape_cast %reduce_min3A_645 : vector<16xi32> to vector<16x1xi32>
      %stack3A_775 = vector.shape_cast %reduce_min3A_661 : vector<16xi32> to vector<16x1xi32>
      %stack3A_776 = vector.shape_cast %reduce_min3A_677 : vector<16xi32> to vector<16x1xi32>
      %stack3A_777 = vector.shape_cast %reduce_min3A_693 : vector<16xi32> to vector<16x1xi32>
      %stack3A_778 = vector.shape_cast %reduce_min3A_709 : vector<16xi32> to vector<16x1xi32>
      %stack3A_779 = vector.shape_cast %reduce_min3A_725 : vector<16xi32> to vector<16x1xi32>
      %stack3A_780 = vector.shape_cast %reduce_min3A_741 : vector<16xi32> to vector<16x1xi32>
      %stack3A_781 = tpu.concatenate %stack3A, %stack3A_742, %stack3A_743, %stack3A_744, %stack3A_745, %stack3A_746, %stack3A_747, %stack3A_748, %stack3A_749, %stack3A_750, %stack3A_751, %stack3A_752, %stack3A_753, %stack3A_754, %stack3A_755, %stack3A_756, %stack3A_757, %stack3A_758, %stack3A_759, %stack3A_760, %stack3A_761, %stack3A_762, %stack3A_763, %stack3A_764, %stack3A_765, %stack3A_766, %stack3A_767, %stack3A_768, %stack3A_769, %stack3A_770, %stack3A_771, %stack3A_772, %stack3A_773, %stack3A_774, %stack3A_775, %stack3A_776, %stack3A_777, %stack3A_778, %stack3A_779, %stack3A_780 in 1 : vector<16x1xi32>, vector<16x1xi32>, vector<16x1xi32>, vector<16x1xi32>, vector<16x1xi32>, vector<16x1xi32>, vector<16x1xi32>, vector<16x1xi32>, vector<16x1xi32>, vector<16x1xi32>, vector<16x1xi32>, vector<16x1xi32>, vector<16x1xi32>, vector<16x1xi32>, vector<16x1xi32>, vector<16x1xi32>, vector<16x1xi32>, vector<16x1xi32>, vector<16x1xi32>, vector<16x1xi32>, vector<16x1xi32>, vector<16x1xi32>, vector<16x1xi32>, vector<16x1xi32>, vector<16x1xi32>, vector<16x1xi32>, vector<16x1xi32>, vector<16x1xi32>, vector<16x1xi32>, vector<16x1xi32>, vector<16x1xi32>, vector<16x1xi32>, vector<16x1xi32>, vector<16x1xi32>, vector<16x1xi32>, vector<16x1xi32>, vector<16x1xi32>, vector<16x1xi32>, vector<16x1xi32>, vector<16x1xi32> -> vector<16x40xi32>
      %swap3A_782 = arith.constant 0 : index
      %swap3A_783 = arith.constant 0 : index
      %swap3A_784 = vector.load %arg5[%swap3A_782, %swap3A_783] : memref<16x40xi32, #tpu.memory_space<vmem>>, vector<16x40xi32>
      tpu.vector_store %arg5[%swap3A_782, %swap3A_783], %stack3A_781 {strides = array<i32>} : memref<16x40xi32, #tpu.memory_space<vmem>>, vector<16x40xi32>,
    } else {
    }
    %iota3A = tpu.iota {dimensions = array<i32: 0>} : vector<2048x40xi32>
    %mul3A = arith.constant 2 : i32
    %mul3A_2 = arith.muli %arg0, %mul3A : i32
    %add3A = arith.constant 0 : i32
    %add3A_3 = arith.addi %mul3A_2, %add3A : i32
    %get3A = arith.index_cast %add3A_3 : i32 to index
    %get3A_4 = arith.constant 0 : index
    %get3A_5 = vector.load %arg5[%get3A, %get3A_4] : memref<16x40xi32, #tpu.memory_space<vmem>>, vector<1x40xi32>
    %eq3A_6 = vector.broadcast %get3A_5 : vector<1x40xi32> to vector<2048x40xi32>
    %eq3A_7 = arith.cmpi eq, %iota3A, %eq3A_6 : vector<2048x40xi32>
    %convert_element_type3A_8 = arith.extui %eq3A_7 : vector<2048x40xi1> to vector<2048x40xi32>
    %convert_element_type3A_9 = arith.sitofp %convert_element_type3A_8 : vector<2048x40xi32> to vector<2048x40xf32>
    %get3A_10 = arith.constant 0 : index
    %get3A_11 = arith.constant 0 : index
    %get3A_12 = vector.load %arg2[%get3A_10, %get3A_11] : memref<2048x128xf32, #tpu.memory_space<vmem>>, vector<2048x64xf32>
    %get3A_13 = arith.constant 0 : index
    %get3A_14 = arith.constant 0 : index
    %get3A_15 = vector.load %arg3[%get3A_13, %get3A_14] : memref<2048x128xf32, #tpu.memory_space<vmem>>, vector<2048x64xf32>
    %dot_general3A = arith.constant dense<0.000000e+00> : vector<40x64xf32>
    %dot_general3A_16 = tpu.matmul %convert_element_type3A_9, %get3A_12, %dot_general3A {dimension_numbers = #tpu.dot_dimension_numbers<[0], [0], [1], [1], [0, 1, 1, 1], [], []>, transpose_lhs_hint = false} : vector<2048x40xf32>, vector<2048x64xf32>, vector<40x64xf32> -> vector<40x64xf32>
    %dot_general3A_17 = arith.constant dense<0.000000e+00> : vector<40x2048xf32>
    %dot_general3A_18 = tpu.matmul %dot_general3A_16, %get3A_15, %dot_general3A_17 {dimension_numbers = #tpu.dot_dimension_numbers<[1], [1], [0], [0], [0, 0, 1, 0], [], []>, transpose_lhs_hint = false} : vector<40x64xf32>, vector<2048x64xf32>, vector<40x2048xf32> -> vector<40x2048xf32>
    %mul3A_19 = arith.constant 1.250000e-01 : f32
    %mul3A_20 = vector.broadcast %mul3A_19 : f32 to vector<40x2048xf32>
    %mul3A_21 = arith.mulf %dot_general3A_18, %mul3A_20 : vector<40x2048xf32>
    %reduce_max3A = arith.constant dense<0xFF800000> : vector<40xf32>
    %reduce_max3A_22 = vector.multi_reduction <maximumf>, %mul3A_21, %reduce_max3A [1] : vector<40x2048xf32> to vector<40xf32>
    %broadcast_in_dim3A = vector.shape_cast %reduce_max3A_22 : vector<40xf32> to vector<40x1xf32>
    %sub3A = vector.broadcast %broadcast_in_dim3A : vector<40x1xf32> to vector<40x2048xf32>
    %sub3A_23 = arith.subf %mul3A_21, %sub3A : vector<40x2048xf32>
    %exp3A = math.exp %sub3A_23 : vector<40x2048xf32>
    %reduce_sum3A = arith.constant dense<0.000000e+00> : vector<40xf32>
    %reduce_sum3A_24 = vector.multi_reduction <add>, %exp3A, %reduce_sum3A [1] : vector<40x2048xf32> to vector<40xf32>
    %broadcast_in_dim3A_25 = vector.shape_cast %reduce_sum3A_24 : vector<40xf32> to vector<40x1xf32>
    %div3A = vector.broadcast %broadcast_in_dim3A_25 : vector<40x1xf32> to vector<40x2048xf32>
    %div3A_26 = arith.divf %exp3A, %div3A : vector<40x2048xf32>
    %dot_general3A_27 = arith.constant dense<0.000000e+00> : vector<40x64xf32>
    %dot_general3A_28 = tpu.matmul %div3A_26, %get3A_15, %dot_general3A_27 {dimension_numbers = #tpu.dot_dimension_numbers<[1], [0], [0], [1], [0, 0, 1, 1], [], []>, transpose_lhs_hint = false} : vector<40x2048xf32>, vector<2048x64xf32>, vector<40x64xf32> -> vector<40x64xf32>
    %reduce_sum3A_29 = arith.constant dense<0.000000e+00> : vector<64xf32>
    %reduce_sum3A_30 = vector.multi_reduction <add>, %get3A_15, %reduce_sum3A_29 [0] : vector<2048x64xf32> to vector<64xf32>
    %broadcast_in_dim3A_31 = vector.shape_cast %reduce_sum3A_30 : vector<64xf32> to vector<1x64xf32>
    %mul3A_32 = arith.constant 4.8828125E-4 : f32
    %mul3A_33 = vector.broadcast %mul3A_32 : f32 to vector<1x64xf32>
    %mul3A_34 = arith.mulf %broadcast_in_dim3A_31, %mul3A_33 : vector<1x64xf32>
    %reduce_sum3A_35 = arith.constant dense<0.000000e+00> : vector<2048xf32>
    %reduce_sum3A_36 = vector.multi_reduction <add>, %convert_element_type3A_9, %reduce_sum3A_35 [1] : vector<2048x40xf32> to vector<2048xf32>
    %broadcast_in_dim3A_37 = vector.shape_cast %reduce_sum3A_36 : vector<2048xf32> to vector<2048x1xf32>
    %sub3A_38 = arith.constant 1.000000e+00 : f32
    %sub3A_39 = vector.broadcast %sub3A_38 : f32 to vector<2048x1xf32>
    %sub3A_40 = arith.subf %sub3A_39, %broadcast_in_dim3A_37 : vector<2048x1xf32>
    %mul3A_41 = vector.broadcast %sub3A_40 : vector<2048x1xf32> to vector<2048x64xf32>
    %mul3A_42 = vector.broadcast %mul3A_34 : vector<1x64xf32> to vector<2048x64xf32>
    %mul3A_43 = arith.mulf %mul3A_41, %mul3A_42 : vector<2048x64xf32>
    %dot_general3A_44 = arith.constant dense<0.000000e+00> : vector<2048x64xf32>
    %dot_general3A_45 = tpu.matmul %convert_element_type3A_9, %dot_general3A_28, %dot_general3A_44 {dimension_numbers = #tpu.dot_dimension_numbers<[1], [0], [0], [1], [0, 0, 1, 1], [], []>, transpose_lhs_hint = false} : vector<2048x40xf32>, vector<40x64xf32>, vector<2048x64xf32> -> vector<2048x64xf32>
    %add3A_46 = arith.addf %mul3A_43, %dot_general3A_45 : vector<2048x64xf32>
    %swap3A = arith.constant 0 : index
    %swap3A_47 = arith.constant 0 : index
    %swap3A_48 = vector.load %arg4[%swap3A, %swap3A_47] : memref<2048x128xf32, #tpu.memory_space<vmem>>, vector<2048x64xf32>
    tpu.vector_store %arg4[%swap3A, %swap3A_47], %add3A_46 {strides = array<i32>} : memref<2048x128xf32, #tpu.memory_space<vmem>>, vector<2048x64xf32>,
    %mul3A_49 = arith.constant 2 : i32
    %mul3A_50 = arith.muli %arg0, %mul3A_49 : i32
    %add3A_51 = arith.constant 1 : i32
    %add3A_52 = arith.addi %mul3A_50, %add3A_51 : i32
    %get3A_53 = arith.index_cast %add3A_52 : i32 to index
    %get3A_54 = arith.constant 0 : index
    %get3A_55 = vector.load %arg5[%get3A_53, %get3A_54] : memref<16x40xi32, #tpu.memory_space<vmem>>, vector<1x40xi32>
    %eq3A_56 = vector.broadcast %get3A_55 : vector<1x40xi32> to vector<2048x40xi32>
    %eq3A_57 = arith.cmpi eq, %iota3A, %eq3A_56 : vector<2048x40xi32>
    %convert_element_type3A_58 = arith.extui %eq3A_57 : vector<2048x40xi1> to vector<2048x40xi32>
    %convert_element_type3A_59 = arith.sitofp %convert_element_type3A_58 : vector<2048x40xi32> to vector<2048x40xf32>
    %get3A_60 = arith.constant 0 : index
    %get3A_61 = arith.constant 64 : index
    %get3A_62 = vector.load %arg2[%get3A_60, %get3A_61] : memref<2048x128xf32, #tpu.memory_space<vmem>>, vector<2048x64xf32>
    %get3A_63 = arith.constant 0 : index
    %get3A_64 = arith.constant 64 : index
    %get3A_65 = vector.load %arg3[%get3A_63, %get3A_64] : memref<2048x128xf32, #tpu.memory_space<vmem>>, vector<2048x64xf32>
    %dot_general3A_66 = arith.constant dense<0.000000e+00> : vector<40x64xf32>
    %dot_general3A_67 = tpu.matmul %convert_element_type3A_59, %get3A_62, %dot_general3A_66 {dimension_numbers = #tpu.dot_dimension_numbers<[0], [0], [1], [1], [0, 1, 1, 1], [], []>, transpose_lhs_hint = false} : vector<2048x40xf32>, vector<2048x64xf32>, vector<40x64xf32> -> vector<40x64xf32>
    %dot_general3A_68 = arith.constant dense<0.000000e+00> : vector<40x2048xf32>
    %dot_general3A_69 = tpu.matmul %dot_general3A_67, %get3A_65, %dot_general3A_68 {dimension_numbers = #tpu.dot_dimension_numbers<[1], [1], [0], [0], [0, 0, 1, 0], [], []>, transpose_lhs_hint = false} : vector<40x64xf32>, vector<2048x64xf32>, vector<40x2048xf32> -> vector<40x2048xf32>
    %mul3A_70 = arith.constant 1.250000e-01 : f32
    %mul3A_71 = vector.broadcast %mul3A_70 : f32 to vector<40x2048xf32>
    %mul3A_72 = arith.mulf %dot_general3A_69, %mul3A_71 : vector<40x2048xf32>
    %reduce_max3A_73 = arith.constant dense<0xFF800000> : vector<40xf32>
    %reduce_max3A_74 = vector.multi_reduction <maximumf>, %mul3A_72, %reduce_max3A_73 [1] : vector<40x2048xf32> to vector<40xf32>
    %broadcast_in_dim3A_75 = vector.shape_cast %reduce_max3A_74 : vector<40xf32> to vector<40x1xf32>
    %sub3A_76 = vector.broadcast %broadcast_in_dim3A_75 : vector<40x1xf32> to vector<40x2048xf32>
    %sub3A_77 = arith.subf %mul3A_72, %sub3A_76 : vector<40x2048xf32>
    %exp3A_78 = math.exp %sub3A_77 : vector<40x2048xf32>
    %reduce_sum3A_79 = arith.constant dense<0.000000e+00> : vector<40xf32>
    %reduce_sum3A_80 = vector.multi_reduction <add>, %exp3A_78, %reduce_sum3A_79 [1] : vector<40x2048xf32> to vector<40xf32>
    %broadcast_in_dim3A_81 = vector.shape_cast %reduce_sum3A_80 : vector<40xf32> to vector<40x1xf32>
    %div3A_82 = vector.broadcast %broadcast_in_dim3A_81 : vector<40x1xf32> to vector<40x2048xf32>
    %div3A_83 = arith.divf %exp3A_78, %div3A_82 : vector<40x2048xf32>
    %dot_general3A_84 = arith.constant dense<0.000000e+00> : vector<40x64xf32>
    %dot_general3A_85 = tpu.matmul %div3A_83, %get3A_65, %dot_general3A_84 {dimension_numbers = #tpu.dot_dimension_numbers<[1], [0], [0], [1], [0, 0, 1, 1], [], []>, transpose_lhs_hint = false} : vector<40x2048xf32>, vector<2048x64xf32>, vector<40x64xf32> -> vector<40x64xf32>
    %reduce_sum3A_86 = arith.constant dense<0.000000e+00> : vector<64xf32>
    %reduce_sum3A_87 = vector.multi_reduction <add>, %get3A_65, %reduce_sum3A_86 [0] : vector<2048x64xf32> to vector<64xf32>
    %broadcast_in_dim3A_88 = vector.shape_cast %reduce_sum3A_87 : vector<64xf32> to vector<1x64xf32>
    %mul3A_89 = arith.constant 4.8828125E-4 : f32
    %mul3A_90 = vector.broadcast %mul3A_89 : f32 to vector<1x64xf32>
    %mul3A_91 = arith.mulf %broadcast_in_dim3A_88, %mul3A_90 : vector<1x64xf32>
    %reduce_sum3A_92 = arith.constant dense<0.000000e+00> : vector<2048xf32>
    %reduce_sum3A_93 = vector.multi_reduction <add>, %convert_element_type3A_59, %reduce_sum3A_92 [1] : vector<2048x40xf32> to vector<2048xf32>
    %broadcast_in_dim3A_94 = vector.shape_cast %reduce_sum3A_93 : vector<2048xf32> to vector<2048x1xf32>
    %sub3A_95 = arith.constant 1.000000e+00 : f32
    %sub3A_96 = vector.broadcast %sub3A_95 : f32 to vector<2048x1xf32>
    %sub3A_97 = arith.subf %sub3A_96, %broadcast_in_dim3A_94 : vector<2048x1xf32>
    %mul3A_98 = vector.broadcast %sub3A_97 : vector<2048x1xf32> to vector<2048x64xf32>
    %mul3A_99 = vector.broadcast %mul3A_91 : vector<1x64xf32> to vector<2048x64xf32>
    %mul3A_100 = arith.mulf %mul3A_98, %mul3A_99 : vector<2048x64xf32>
    %dot_general3A_101 = arith.constant dense<0.000000e+00> : vector<2048x64xf32>
    %dot_general3A_102 = tpu.matmul %convert_element_type3A_59, %dot_general3A_85, %dot_general3A_101 {dimension_numbers = #tpu.dot_dimension_numbers<[1], [0], [0], [1], [0, 0, 1, 1], [], []>, transpose_lhs_hint = false} : vector<2048x40xf32>, vector<40x64xf32>, vector<2048x64xf32> -> vector<2048x64xf32>
    %add3A_103 = arith.addf %mul3A_100, %dot_general3A_102 : vector<2048x64xf32>
    %swap3A_104 = arith.constant 0 : index
    %swap3A_105 = arith.constant 64 : index
    %swap3A_106 = vector.load %arg4[%swap3A_104, %swap3A_105] : memref<2048x128xf32, #tpu.memory_space<vmem>>, vector<2048x64xf32>
    tpu.vector_store %arg4[%swap3A_104, %swap3A_105], %add3A_103 {strides = array<i32>} : memref<2048x128xf32, #tpu.memory_space<vmem>>, vector<2048x64xf32>,
    return
  }
  func.func @transform_0(%arg0: i32) -> (i32, i32) {
    %c0_i32 = arith.constant 0 : i32
    %c0_i32_0 = arith.constant 0 : i32
    %c0_i32_1 = arith.constant 0 : i32
    return %c0_i32, %c0_i32_0 : i32, i32
  }
  func.func @transform_1(%arg0: i32) -> (i32, i32) {
    %c0_i32 = arith.constant 0 : i32
    %c0_i32_0 = arith.constant 0 : i32
    return %c0_i32, %arg0 : i32, i32
  }
  func.func @transform_2(%arg0: i32) -> (i32, i32) {
    %c0_i32 = arith.constant 0 : i32
    %c0_i32_0 = arith.constant 0 : i32
    return %c0_i32, %arg0 : i32, i32
  }
  func.func @transform_3(%arg0: i32) -> (i32, i32) {
    %c0_i32 = arith.constant 0 : i32
    %c0_i32_0 = arith.constant 0 : i32
    return %c0_i32, %arg0 : i32, i32
  }
}

module attributes {stable_mosaic.version = 14 : i64} {
  func.func @_ffn_kernel(%arg0: i32, %arg1: memref<512x1024xf32, #tpu.memory_space<vmem>>, %arg2: memref<512x1024xf32, #tpu.memory_space<vmem>>, %arg3: memref<2048x1024xf32, #tpu.memory_space<vmem>>, %arg4: memref<1x2048xf32, #tpu.memory_space<vmem>>, %arg5: memref<1024x2048xf32, #tpu.memory_space<vmem>>, %arg6: memref<1x1024xf32, #tpu.memory_space<vmem>>, %arg7: memref<1x1024xf32, #tpu.memory_space<vmem>>, %arg8: memref<1x1024xf32, #tpu.memory_space<vmem>>, %arg9: memref<1x1024xf32, #tpu.memory_space<vmem>>, %arg10: memref<1x1024xf32, #tpu.memory_space<vmem>>, %arg11: memref<512x1024xf32, #tpu.memory_space<vmem>>) attributes {dimension_semantics = [#tpu.dimension_semantics<arbitrary>], iteration_bounds = array<i64: 4>, scalar_prefetch = 0 : i64, scratch_operands = 0 : i64, tpu.core_type = #tpu.core_type<tc>, window_params = [{transform_indices = @transform_0, window_bounds = array<i64: 512, 1024>}, {transform_indices = @transform_1, window_bounds = array<i64: 512, 1024>}, {pipeline_mode = #tpu.pipeline_mode<synchronous>, transform_indices = @transform_2, window_bounds = array<i64: 2048, 1024>}, {pipeline_mode = #tpu.pipeline_mode<synchronous>, transform_indices = @transform_3, window_bounds = array<i64: 1, 2048>}, {pipeline_mode = #tpu.pipeline_mode<synchronous>, transform_indices = @transform_4, window_bounds = array<i64: 1024, 2048>}, {pipeline_mode = #tpu.pipeline_mode<synchronous>, transform_indices = @transform_5, window_bounds = array<i64: 1, 1024>}, {pipeline_mode = #tpu.pipeline_mode<synchronous>, transform_indices = @transform_6, window_bounds = array<i64: 1, 1024>}, {pipeline_mode = #tpu.pipeline_mode<synchronous>, transform_indices = @transform_7, window_bounds = array<i64: 1, 1024>}, {pipeline_mode = #tpu.pipeline_mode<synchronous>, transform_indices = @transform_8, window_bounds = array<i64: 1, 1024>}, {pipeline_mode = #tpu.pipeline_mode<synchronous>, transform_indices = @transform_9, window_bounds = array<i64: 1, 1024>}, {transform_indices = @transform_10, window_bounds = array<i64: 512, 1024>}]} {
    %get3A = arith.constant 0 : index
    %get3A_0 = arith.constant 0 : index
    %get3A_1 = vector.load %arg1[%get3A, %get3A_0] : memref<512x1024xf32, #tpu.memory_space<vmem>>, vector<512x1024xf32>
    %get3A_2 = arith.constant 0 : index
    %get3A_3 = arith.constant 0 : index
    %get3A_4 = vector.load %arg2[%get3A_2, %get3A_3] : memref<512x1024xf32, #tpu.memory_space<vmem>>, vector<512x1024xf32>
    %add3A = arith.addf %get3A_1, %get3A_4 : vector<512x1024xf32>
    %get3A_5 = arith.constant 0 : index
    %get3A_6 = arith.constant 0 : index
    %get3A_7 = vector.load %arg7[%get3A_5, %get3A_6] : memref<1x1024xf32, #tpu.memory_space<vmem>>, vector<1x1024xf32>
    %get3A_8 = arith.constant 0 : index
    %get3A_9 = arith.constant 0 : index
    %get3A_10 = vector.load %arg8[%get3A_8, %get3A_9] : memref<1x1024xf32, #tpu.memory_space<vmem>>, vector<1x1024xf32>
    %reduce_sum3A = arith.constant dense<0.000000e+00> : vector<512xf32>
    %reduce_sum3A_11 = vector.multi_reduction <add>, %add3A, %reduce_sum3A [1] : vector<512x1024xf32> to vector<512xf32>
    %broadcast_in_dim3A = vector.shape_cast %reduce_sum3A_11 : vector<512xf32> to vector<512x1xf32>
    %div3A = arith.constant 1.024000e+03 : f32
    %div3A_12 = vector.broadcast %div3A : f32 to vector<512x1xf32>
    %div3A_13 = arith.divf %broadcast_in_dim3A, %div3A_12 : vector<512x1xf32>
    %sub3A = vector.broadcast %div3A_13 : vector<512x1xf32> to vector<512x1024xf32>
    %sub3A_14 = arith.subf %add3A, %sub3A : vector<512x1024xf32>
    %integer_pow3A = arith.mulf %sub3A_14, %sub3A_14 : vector<512x1024xf32>
    %reduce_sum3A_15 = arith.constant dense<0.000000e+00> : vector<512xf32>
    %reduce_sum3A_16 = vector.multi_reduction <add>, %integer_pow3A, %reduce_sum3A_15 [1] : vector<512x1024xf32> to vector<512xf32>
    %broadcast_in_dim3A_17 = vector.shape_cast %reduce_sum3A_16 : vector<512xf32> to vector<512x1xf32>
    %div3A_18 = arith.constant 1.024000e+03 : f32
    %div3A_19 = vector.broadcast %div3A_18 : f32 to vector<512x1xf32>
    %div3A_20 = arith.divf %broadcast_in_dim3A_17, %div3A_19 : vector<512x1xf32>
    %sub3A_21 = vector.broadcast %div3A_13 : vector<512x1xf32> to vector<512x1024xf32>
    %sub3A_22 = arith.subf %add3A, %sub3A_21 : vector<512x1024xf32>
    %add3A_23 = arith.constant 9.99999974E-6 : f32
    %add3A_24 = vector.broadcast %add3A_23 : f32 to vector<512x1xf32>
    %add3A_25 = arith.addf %div3A_20, %add3A_24 : vector<512x1xf32>
    %rsqrt3A = math.rsqrt %add3A_25 : vector<512x1xf32>
    %mul3A = vector.broadcast %rsqrt3A : vector<512x1xf32> to vector<512x1024xf32>
    %mul3A_26 = arith.mulf %sub3A_22, %mul3A : vector<512x1024xf32>
    %mul3A_27 = vector.broadcast %get3A_7 : vector<1x1024xf32> to vector<512x1024xf32>
    %mul3A_28 = arith.mulf %mul3A_26, %mul3A_27 : vector<512x1024xf32>
    %add3A_29 = vector.broadcast %get3A_10 : vector<1x1024xf32> to vector<512x1024xf32>
    %add3A_30 = arith.addf %mul3A_28, %add3A_29 : vector<512x1024xf32>
    %get3A_31 = arith.constant 0 : index
    %get3A_32 = arith.constant 0 : index
    %get3A_33 = vector.load %arg3[%get3A_31, %get3A_32] : memref<2048x1024xf32, #tpu.memory_space<vmem>>, vector<2048x1024xf32>
    %dot_general3A = arith.constant dense<0.000000e+00> : vector<512x2048xf32>
    %dot_general3A_34 = tpu.matmul %add3A_30, %get3A_33, %dot_general3A {dimension_numbers = #tpu.dot_dimension_numbers<[1], [1], [0], [0], [0, 0, 1, 0], [], []>, transpose_lhs_hint = false} : vector<512x1024xf32>, vector<2048x1024xf32>, vector<512x2048xf32> -> vector<512x2048xf32>
    %get3A_35 = arith.constant 0 : index
    %get3A_36 = arith.constant 0 : index
    %get3A_37 = vector.load %arg4[%get3A_35, %get3A_36] : memref<1x2048xf32, #tpu.memory_space<vmem>>, vector<1x2048xf32>
    %add3A_38 = vector.broadcast %get3A_37 : vector<1x2048xf32> to vector<512x2048xf32>
    %add3A_39 = arith.addf %dot_general3A_34, %add3A_38 : vector<512x2048xf32>
    %max3A = arith.constant 0.000000e+00 : f32
    %max3A_40 = vector.broadcast %max3A : f32 to vector<512x2048xf32>
    %max3A_41 = arith.maximumf %add3A_39, %max3A_40 : vector<512x2048xf32>
    %get3A_42 = arith.constant 0 : index
    %get3A_43 = arith.constant 0 : index
    %get3A_44 = vector.load %arg5[%get3A_42, %get3A_43] : memref<1024x2048xf32, #tpu.memory_space<vmem>>, vector<1024x2048xf32>
    %dot_general3A_45 = arith.constant dense<0.000000e+00> : vector<512x1024xf32>
    %dot_general3A_46 = tpu.matmul %max3A_41, %get3A_44, %dot_general3A_45 {dimension_numbers = #tpu.dot_dimension_numbers<[1], [1], [0], [0], [0, 0, 1, 0], [], []>, transpose_lhs_hint = false} : vector<512x2048xf32>, vector<1024x2048xf32>, vector<512x1024xf32> -> vector<512x1024xf32>
    %get3A_47 = arith.constant 0 : index
    %get3A_48 = arith.constant 0 : index
    %get3A_49 = vector.load %arg6[%get3A_47, %get3A_48] : memref<1x1024xf32, #tpu.memory_space<vmem>>, vector<1x1024xf32>
    %add3A_50 = vector.broadcast %get3A_49 : vector<1x1024xf32> to vector<512x1024xf32>
    %add3A_51 = arith.addf %dot_general3A_46, %add3A_50 : vector<512x1024xf32>
    %add3A_52 = arith.addf %add3A_30, %add3A_51 : vector<512x1024xf32>
    %get3A_53 = arith.constant 0 : index
    %get3A_54 = arith.constant 0 : index
    %get3A_55 = vector.load %arg9[%get3A_53, %get3A_54] : memref<1x1024xf32, #tpu.memory_space<vmem>>, vector<1x1024xf32>
    %get3A_56 = arith.constant 0 : index
    %get3A_57 = arith.constant 0 : index
    %get3A_58 = vector.load %arg10[%get3A_56, %get3A_57] : memref<1x1024xf32, #tpu.memory_space<vmem>>, vector<1x1024xf32>
    %reduce_sum3A_59 = arith.constant dense<0.000000e+00> : vector<512xf32>
    %reduce_sum3A_60 = vector.multi_reduction <add>, %add3A_52, %reduce_sum3A_59 [1] : vector<512x1024xf32> to vector<512xf32>
    %broadcast_in_dim3A_61 = vector.shape_cast %reduce_sum3A_60 : vector<512xf32> to vector<512x1xf32>
    %div3A_62 = arith.constant 1.024000e+03 : f32
    %div3A_63 = vector.broadcast %div3A_62 : f32 to vector<512x1xf32>
    %div3A_64 = arith.divf %broadcast_in_dim3A_61, %div3A_63 : vector<512x1xf32>
    %sub3A_65 = vector.broadcast %div3A_64 : vector<512x1xf32> to vector<512x1024xf32>
    %sub3A_66 = arith.subf %add3A_52, %sub3A_65 : vector<512x1024xf32>
    %integer_pow3A_67 = arith.mulf %sub3A_66, %sub3A_66 : vector<512x1024xf32>
    %reduce_sum3A_68 = arith.constant dense<0.000000e+00> : vector<512xf32>
    %reduce_sum3A_69 = vector.multi_reduction <add>, %integer_pow3A_67, %reduce_sum3A_68 [1] : vector<512x1024xf32> to vector<512xf32>
    %broadcast_in_dim3A_70 = vector.shape_cast %reduce_sum3A_69 : vector<512xf32> to vector<512x1xf32>
    %div3A_71 = arith.constant 1.024000e+03 : f32
    %div3A_72 = vector.broadcast %div3A_71 : f32 to vector<512x1xf32>
    %div3A_73 = arith.divf %broadcast_in_dim3A_70, %div3A_72 : vector<512x1xf32>
    %sub3A_74 = vector.broadcast %div3A_64 : vector<512x1xf32> to vector<512x1024xf32>
    %sub3A_75 = arith.subf %add3A_52, %sub3A_74 : vector<512x1024xf32>
    %add3A_76 = arith.constant 9.99999974E-6 : f32
    %add3A_77 = vector.broadcast %add3A_76 : f32 to vector<512x1xf32>
    %add3A_78 = arith.addf %div3A_73, %add3A_77 : vector<512x1xf32>
    %rsqrt3A_79 = math.rsqrt %add3A_78 : vector<512x1xf32>
    %mul3A_80 = vector.broadcast %rsqrt3A_79 : vector<512x1xf32> to vector<512x1024xf32>
    %mul3A_81 = arith.mulf %sub3A_75, %mul3A_80 : vector<512x1024xf32>
    %mul3A_82 = vector.broadcast %get3A_55 : vector<1x1024xf32> to vector<512x1024xf32>
    %mul3A_83 = arith.mulf %mul3A_81, %mul3A_82 : vector<512x1024xf32>
    %add3A_84 = vector.broadcast %get3A_58 : vector<1x1024xf32> to vector<512x1024xf32>
    %add3A_85 = arith.addf %mul3A_83, %add3A_84 : vector<512x1024xf32>
    %swap3A = arith.constant 0 : index
    %swap3A_86 = arith.constant 0 : index
    %swap3A_87 = vector.load %arg11[%swap3A, %swap3A_86] : memref<512x1024xf32, #tpu.memory_space<vmem>>, vector<512x1024xf32>
    tpu.vector_store %arg11[%swap3A, %swap3A_86], %add3A_85 {strides = array<i32>} : memref<512x1024xf32, #tpu.memory_space<vmem>>, vector<512x1024xf32>,
    return
  }
  func.func @transform_0(%arg0: i32) -> (i32, i32) {
    %c0_i32 = arith.constant 0 : i32
    %c0_i32_0 = arith.constant 0 : i32
    return %arg0, %c0_i32 : i32, i32
  }
  func.func @transform_1(%arg0: i32) -> (i32, i32) {
    %c0_i32 = arith.constant 0 : i32
    %c0_i32_0 = arith.constant 0 : i32
    return %arg0, %c0_i32 : i32, i32
  }
  func.func @transform_2(%arg0: i32) -> (i32, i32) {
    %c0_i32 = arith.constant 0 : i32
    %c0_i32_0 = arith.constant 0 : i32
    %c0_i32_1 = arith.constant 0 : i32
    return %c0_i32, %c0_i32_0 : i32, i32
  }
  func.func @transform_3(%arg0: i32) -> (i32, i32) {
    %c0_i32 = arith.constant 0 : i32
    %c0_i32_0 = arith.constant 0 : i32
    %c0_i32_1 = arith.constant 0 : i32
    return %c0_i32, %c0_i32_0 : i32, i32
  }
  func.func @transform_4(%arg0: i32) -> (i32, i32) {
    %c0_i32 = arith.constant 0 : i32
    %c0_i32_0 = arith.constant 0 : i32
    %c0_i32_1 = arith.constant 0 : i32
    return %c0_i32, %c0_i32_0 : i32, i32
  }
  func.func @transform_5(%arg0: i32) -> (i32, i32) {
    %c0_i32 = arith.constant 0 : i32
    %c0_i32_0 = arith.constant 0 : i32
    %c0_i32_1 = arith.constant 0 : i32
    return %c0_i32, %c0_i32_0 : i32, i32
  }
  func.func @transform_6(%arg0: i32) -> (i32, i32) {
    %c0_i32 = arith.constant 0 : i32
    %c0_i32_0 = arith.constant 0 : i32
    %c0_i32_1 = arith.constant 0 : i32
    return %c0_i32, %c0_i32_0 : i32, i32
  }
  func.func @transform_7(%arg0: i32) -> (i32, i32) {
    %c0_i32 = arith.constant 0 : i32
    %c0_i32_0 = arith.constant 0 : i32
    %c0_i32_1 = arith.constant 0 : i32
    return %c0_i32, %c0_i32_0 : i32, i32
  }
  func.func @transform_8(%arg0: i32) -> (i32, i32) {
    %c0_i32 = arith.constant 0 : i32
    %c0_i32_0 = arith.constant 0 : i32
    %c0_i32_1 = arith.constant 0 : i32
    return %c0_i32, %c0_i32_0 : i32, i32
  }
  func.func @transform_9(%arg0: i32) -> (i32, i32) {
    %c0_i32 = arith.constant 0 : i32
    %c0_i32_0 = arith.constant 0 : i32
    %c0_i32_1 = arith.constant 0 : i32
    return %c0_i32, %c0_i32_0 : i32, i32
  }
  func.func @transform_10(%arg0: i32) -> (i32, i32) {
    %c0_i32 = arith.constant 0 : i32
    %c0_i32_0 = arith.constant 0 : i32
    return %arg0, %c0_i32 : i32, i32
  }
}

</mosaic_0001>

<sc_bundles>
// kernel: kernel.6.cloned.1.call-start
scs
__scs_entry_jumppad:
0x0: {  	(pc) =	sbr.rel $0x88, $3  }
0x1: {  	(tag) =	ssettag $0x0;
	lr =	simm.s32 $0x1  }
0x2: {  	[smem:$0x3F96] =	sst lr;
	_ =	strace $0xD0000000  }
0x3: {  	_ = 	snop  }
0x4: {  	_ = 	snop  }
0x5: {  	_ = 	snop  }
0x6: {  	_ = 	snop  }
0x7: {  	_ = 	snop  }
__scs_overlays_trampoline_lowered:
0x8: {  	[smem:$0x3FA5] =	sst s0  }
0x9: {  	[smem:$0x3FA6] =	sst s1  }
0xa: {  	[smem:$0x3FA7] =	sst s2  }
0xb: {  	[smem:$0x3FA8] =	sst s3  }
0xc: {  	[smem:$0x3FA9] =	sst s4  }
0xd: {  	[smem:$0x3FAA] =	sst s5  }
0xe: {  	[smem:$0x3FAB] =	sst s6  }
0xf: {  	[smem:$0x3FAC] =	sst s7  }
0x10: {  	[smem:$0x3FAD] =	sst s8  }
0x11: {  	[smem:$0x3FAE] =	sst s9;
	s0 =	simm.s32 @!p0 $0x0  }
0x12: {  	s1 =	sld [smem:$0x3F94];
	s0 =	simm.s32 @p0 $0x1  }
0x13: {  	[smem:$0x3FAF] =	sst s0;
	s0 =	simm.s32 @!p1 $0x0  }
0x14: {  	s2 =	sld [smem:$0x3F93];
	s0 =	simm.s32 @p1 $0x1  }
0x15: {  	[smem:$0x3FB0] =	sst s0;
	s0 =	simm.s32 @!p2 $0x0  }
0x16: {  	s3 =	sld [smem:$0x3FDB];
	s0 =	simm.s32 @p2 $0x1  }
0x17: {  	s4 =	simm.s32 $0x1BF5;
	[smem:$0x3FB2] =	sst s0  }
0x18: {  	s0 =	sld [smem:$0x3F95];
	_ =	swait.ge [sflag:s4], $0x0  }
0x19: {  	s7 =	sld [smem:$0x3F96]  }
0x1a: {  	s8 =	sadd.s32 $0xFFFFE003, lr  }
0x1b: {  	s9 =	sadd.s32 $0xFFFFFEF7, lr;
	s5 =	simm.s32 $0xFFFFFFFF;
	p2 =	slt.u32 s8, $0xFFFFF086  }
0x1c: {  	p1 =	slt.u32 s9, $0xF7A;
	s5 =	simm.s32 @!p2 $0x0  }
0x1d: {  	s5 =	simm.s32 @p1 $0x1;
	p0 =	seq.s32 s7, s2  }
0x1e: {  	s7 =	smul.u32 @!p0 $0xF7A, s2;
	p2 =	seq.s32 @!p0 s5, $0x0  }
0x1f: {  	s9 =	smul.u32 $0xF7A, s1;
	s8 =	simm.s32 @!p0 $0x1BF5;
	p2 =	por !p2, p0  }
0x20: {  	[sflag:s8] =	ssyncset.s32 @!p0 $0xFFFFF086;
	s6 =	sadd.s32 @!p0 s3, s7;
	s7 =	simm.s32 @!p0 $0x108  }
0x21: {  	s3 =	sadd.s32 s3, s9;
	s6 =	sadd.s32 @!p0 $0x88, s6;
	s7 =	simm.s32 @p2 $0x1082  }
0x22: {  	[simem:s7], [sflag:s8] =	dma.local @!p0 [hbm:s6], $0xF7A  }
0x23: {  	s9 =	sor.u32 $0xD0000000, s2;
	s6 =	simm.s32 $0x108;
	_ =	swait.ge @!p0 [sflag:s8], $0x0  }
0x24: {  	s3 =	sadd.s32 $0x88, s3;
	s6 =	simm.s32 @!p1 $0x1082;
	[sflag:s4] =	ssyncset.s32 $0xFFFFF086  }
0x25: {  	[simem:s6], [sflag:s4] =	dma.local [hbm:s3], $0xF7A  }
0x26: {  	[smem:$0x3F96] =	sst s1;
	(tag) =	ssettag s2;
	_ =	strace s9  }
0x27: {  	s1 =	sld [smem:$0x3FA6]  }
0x28: {  	s2 =	sld [smem:$0x3FA7]  }
0x29: {  	s4 =	sld [smem:$0x3FA9]  }
0x2a: {  	p0 =	seq.s32 s5, $0x0;
	s5 =	sld [smem:$0x3FAA]  }
0x2b: {  	s6 =	sld [smem:$0x3FAB]  }
0x2c: {  	s7 =	sld [smem:$0x3FAC]  }
0x2d: {  	s3 =	simm.s32 $0x108;
	s8 =	sld [smem:$0x3FAD]  }
0x2e: {  	s3 =	simm.s32 @!p0 $0x1082;
	s9 =	sld [smem:$0x3FAE]  }
0x2f: {  	lr =	sadd.s32 s0, s3;
	s0 =	sld [smem:$0x3FA5]  }
0x30: {  	s3 =	sld [smem:$0x3FA8]  }
0x31: {  	[smem:$0x3FB1] =	sst s10  }
0x32: {  	s10 =	sld [smem:$0x3FAF];
	_ =	sdelay $0x3  }
0x33: {  	p0 =	seq.s32 s10, $0x1;
	s10 =	sld [smem:$0x3FB1];
	_ =	sdelay $0x3  }
0x34: {  	[smem:$0x3FB1] =	sst s10  }
0x35: {  	s10 =	sld [smem:$0x3FB0];
	_ =	sdelay $0x3  }
0x36: {  	p1 =	seq.s32 s10, $0x1;
	s10 =	sld [smem:$0x3FB1];
	_ =	sdelay $0x3  }
0x37: {  	[smem:$0x3FB1] =	sst s10  }
0x38: {  	s10 =	sld [smem:$0x3FB2]  }
0x39: {  	_ = 	snop;
	(pc) =	sbr.ind lr, $3  }
0x3a: {  	_ = 	snop  }
0x3b: {  	_ = 	snop  }
0x3c: {  	p2 =	seq.s32 s10, $0x1;
	s10 =	sld [smem:$0x3FB1]  }
0x3d: {  	_ =	shalt  }
0x3e: {  	_ =	shalt  }
0x3f: {  	_ =	shalt  }
0x40: {  	_ =	shalt  }
0x41: {  	_ =	shalt  }
0x42: {  	_ =	shalt  }
0x43: {  	_ =	shalt  }
0x44: {  	_ =	shalt  }
0x45: {  	_ =	shalt  }
0x46: {  	_ =	shalt  }
0x47: {  	_ =	shalt  }
0x48: {  	_ =	shalt  }
0x49: {  	_ =	shalt  }
0x4a: {  	_ =	shalt  }
0x4b: {  	_ =	shalt  }
0x4c: {  	_ =	shalt  }
0x4d: {  	_ =	shalt  }
0x4e: {  	_ =	shalt  }
0x4f: {  	_ =	shalt  }
0x50: {  	_ =	shalt  }
0x51: {  	_ =	shalt  }
0x52: {  	_ =	shalt  }
0x53: {  	_ =	shalt  }
0x54: {  	_ =	shalt  }
0x55: {  	_ =	shalt  }
0x56: {  	_ =	shalt  }
0x57: {  	_ =	shalt  }
0x58: {  	_ =	shalt  }
0x59: {  	_ =	shalt  }
0x5a: {  	_ =	shalt  }
0x5b: {  	_ =	shalt  }
0x5c: {  	_ =	shalt  }
0x5d: {  	_ =	shalt  }
0x5e: {  	_ =	shalt  }
0x5f: {  	_ =	shalt  }
0x60: {  	_ =	shalt  }
0x61: {  	_ =	shalt  }
0x62: {  	_ =	shalt  }
0x63: {  	_ =	shalt  }
0x64: {  	_ =	shalt  }
0x65: {  	_ =	shalt  }
0x66: {  	_ =	shalt  }
0x67: {  	_ =	shalt  }
0x68: {  	_ =	shalt  }
0x69: {  	_ =	shalt  }
0x6a: {  	_ =	shalt  }
0x6b: {  	_ =	shalt  }
0x6c: {  	_ =	shalt  }
0x6d: {  	_ =	shalt  }
0x6e: {  	_ =	shalt  }
0x6f: {  	_ =	shalt  }
0x70: {  	_ =	shalt  }
0x71: {  	_ =	shalt  }
0x72: {  	_ =	shalt  }
0x73: {  	_ =	shalt  }
0x74: {  	_ =	shalt  }
0x75: {  	_ =	shalt  }
0x76: {  	_ =	shalt  }
0x77: {  	_ =	shalt  }
0x78: {  	_ =	shalt  }
0x79: {  	_ =	shalt  }
0x7a: {  	_ =	shalt  }
0x7b: {  	_ =	shalt  }
0x7c: {  	_ =	shalt  }
0x7d: {  	_ =	shalt  }
0x7e: {  	_ =	shalt  }
0x7f: {  	_ =	shalt  }
0x80: {  	_ =	shalt  }
0x81: {  	_ =	shalt  }
0x82: {  	_ =	shalt  }
0x83: {  	_ =	shalt  }
0x84: {  	_ =	shalt  }
0x85: {  	_ =	shalt  }
0x86: {  	_ =	shalt  }
0x87: {  	_ =	shalt  }
.Lfunc_end0:
.L_simem_size_0:
called_computation_lowered:
.L_overlay_start_0:
0x88: {  	s2 =	sld [smem:$0x3FD9]  }
0x89: {  	s3 =	sld [smem:$0x3FFE];
	_ =	sdelay $0x1  }
0x8a: {  	s1 =	srdreg.scid  }
0x8b: {  	s0 =	sand.u32 $0x1, s1  }
0x8c: {  	s16 =	sshll.u32 s0, $0xA;
	s2 =	sadd.s32 s3, s2  }
0x8d: {  	s2 =	sadd.s32 s2, s16  }
0x8e: {  	[smem:$0x3FBD] =	sst s2  }
0x8f: {  	_ = 	snop  }
0x90: {  	(tm) =	ssettm $0x1  }
0x91: {  	s17 =	sld [smem:$0x3FFB];
	_ =	sdelay $0x3  }
0x92: {  	_ =	strace s17  }
0x93: {  	s2 =	sld [smem:$0x3FFC];
	_ =	sdelay $0x3  }
0x94: {  	_ =	strace s2  }
0x95: {  	s2 =	sld [smem:$0x3FFD];
	_ =	sdelay $0x3  }
0x96: {  	_ =	strace s2  }
0x97: {  	_ =	strace $0x8FFFFFFF  }
0x98: {  	s18 =	sld [smem:$0x3FDB];
	_ =	sdelay $0x1  }
0x99: {  	s19 =	simm.s32 $_scs_section_size  }
0x9a: {  	s4 =	simm.s32 $_size__tile_overlayer_lowered;
	s5 =	simm.s32 $_tile_overlayer_lowered  }
0x9b: {  	s22 =	simm.s32 $0x1BFF;
	s21 =	sshll.u32 s5, $0x1;
	s2 =	sadd.s32 s19, s18  }
0x9c: {  	s6 =	simm.s32 $0x0;
	s20 =	sshll.u32 s4, $0x1;
	s4 =	sadd.s32 s21, s2  }
0x9d: {  	[timem:s6], [sflag:s22] =	dma.local [hbm:s4], s20  }
0x9e: {  	_ =	swait.ge [sflag:s22], s20  }
0x9f: {  	s3 =	ssub.s32 $0x0, s20;
	[sflag:s22] =	ssyncset.done $0x0  }
0xa0: {  	[sflag:s22] =	ssyncadd.s32 s3;
	_ =	sdelay $0x1  }
0xa1: {  	s23 =	simm.s32 $0x1B8B  }
0xa2: {  	_ =	swait.ge [sflag:s23], $0x1  }
0xa3: {  	[sflag:s23] =	ssyncset.done $0x0  }
0xa4: {  	s25 =	simm.s32 $0x1B8E;
	s24 =	sld [smem:$0x3FFE];
	[sflag:s23] =	ssyncadd.s32 $0xFFFFFFFF  }
0xa5: {  	s26 =	simm.s32 $execute0_lowered;
	[smem:$0x3FD2] =	sst s25  }
0xa6: {  	s4 =	sshll.u32 s26, $0x1;
	_ =	strace $0x80000046;
	[dreg:$0x1] =	wrdreg $0xFFFFFFFF  }
0xa7: {  	s28 =	simm.s32 $_size_execute0_lowered;
	s2 =	sadd.s32 s2, s4;
	[dreg:$0x0] =	wrdreg $0x0  }
0xa8: {  	s4 =	sshll.u32 s28, $0x1;
	[dreg:$0x2] =	wrdreg s2  }
0xa9: {  	[dreg:$0x3] =	wrdreg s4  }
0xaa: {  	[dreg:$0x4] =	wrdreg $0xC0  }
0xab: {  	_ =	task [dreg:s6], $0x5FFFF  }
0xac: {  	[dreg:$0x1] =	wrdreg $0xFFFFFFFF  }
0xad: {  	[dreg:$0x0] =	wrdreg $0x60  }
0xae: {  	[dreg:$0x2] =	wrdreg s24  }
0xaf: {  	[dreg:$0x3] =	wrdreg $0x9  }
0xb0: {  	_ =	task.clear_ibuf [dreg:s6], $0x4FFFF;
	_ =	strace $0x90000046  }
0xb1: {  	s29 =	simm.s32 $0x9;
	_ =	strace $0x80000048  }
0xb2: {  	_ =	swait.ge [sflag:s29], $0x1  }
0xb3: {  	[sflag:s29] =	ssyncadd.s32 $0xFFFFFFFF  }
0xb4: {  	_ =	strace $0x90000048  }
0xb5: {  	_ =	sfence  }
0xb6: {  	s30 =	sld [smem:$0x0];
	_ =	sdelay $0x2  }
0xb7: {  	s31 =	sshll.u32 s1, $0xD;
	s1 =	sshrl.u32 s1, $0x2  }
0xb8: {  	s3 =	sand.u32 $0x4000, s31;
	s1 =	sadd.s32 s1, s30  }
0xb9: {  	s0 =	sor.u32 s3, s0;
	s1 =	sshll.u32 s1, $0x11  }
0xba: {  	s0 =	sor.u32 s1, s0  }
0xbb: {  	s0 =	sadd.s32 $0x8F2B, s0  }
0xbc: {  	[sflag:s0] =	ssyncadd.remote.s32 $0x1  }
0xbd: {  	_ =	sfence.sel $0xFFFF  }
0xbe: {  	[dreg:$0x0] =	wrdreg $0xFFFFFFFF;
	(pc) =	sbr.abs _section_cstart, $3  }
0xbf: {  	[dreg:$0x1] =	wrdreg $0xFFFFFFFF  }
0xc0: {  	_ =	task.clear_ibuf [dreg:s6], $0x2FFFF;
	_ =	strace $0x9FFFFFFF  }
0xc1: {  	(tm) =	ssettm $0x7FFFFFFF  }
tec
execute0_lowered:
.L_overlay_start_1:
0x0: {  	(tag) =	ssettag $0x1  }
0x1: {  	v1 =	vlaneseq.u32  }
0x2: {  	v0 =	vmul.u32 $0x28, v1;
	_ =	sdelay $0x1  }
0x3: {  	v2 =	vadd.s32 $0x280, v0  }
0x4: {  	[tilespmem:$0x1FC40] =	vst v2;
	v2 =	vor.u32 $0x1, v0  }
0x5: {  	[tilespmem:$0x1FC50] =	vst v2;
	v2 =	vadd.s32 $0x281, v0  }
0x6: {  	[tilespmem:$0x1FC60] =	vst v2;
	v2 =	vor.u32 $0x2, v0  }
0x7: {  	[tilespmem:$0x1FC70] =	vst v2;
	v2 =	vadd.s32 $0x282, v0  }
0x8: {  	[tilespmem:$0x1FC80] =	vst v2;
	v2 =	vor.u32 $0x3, v0  }
0x9: {  	[tilespmem:$0x1FC90] =	vst v2;
	v2 =	vadd.s32 $0x283, v0  }
0xa: {  	[tilespmem:$0x1FCA0] =	vst v2;
	v2 =	vor.u32 $0x4, v0  }
0xb: {  	[tilespmem:$0x1FCB0] =	vst v2;
	v2 =	vadd.s32 $0x284, v0  }
0xc: {  	[tilespmem:$0x1FCC0] =	vst v2;
	v2 =	vor.u32 $0x5, v0  }
0xd: {  	[tilespmem:$0x1FCD0] =	vst v2;
	v2 =	vadd.s32 $0x285, v0  }
0xe: {  	[tilespmem:$0x1FCE0] =	vst v2;
	v2 =	vor.u32 $0x6, v0  }
0xf: {  	[tilespmem:$0x1FCF0] =	vst v2;
	v2 =	vadd.s32 $0x286, v0  }
0x10: {  	[tilespmem:$0x1FD00] =	vst v2;
	v2 =	vor.u32 $0x7, v0  }
0x11: {  	[tilespmem:$0x1FD10] =	vst v2;
	v2 =	vadd.s32 $0x287, v0  }
0x12: {  	[tilespmem:$0x1FD20] =	vst v2;
	v2 =	vadd.s32 $0x8, v0  }
0x13: {  	[tilespmem:$0x1FD30] =	vst v2;
	v2 =	vadd.s32 $0x288, v0  }
0x14: {  	[tilespmem:$0x1FD40] =	vst v2;
	v2 =	vadd.s32 $0x9, v0  }
0x15: {  	[tilespmem:$0x1FD50] =	vst v2;
	v2 =	vadd.s32 $0x289, v0  }
0x16: {  	[tilespmem:$0x1FD60] =	vst v2;
	v2 =	vadd.s32 $0xA, v0  }
0x17: {  	[tilespmem:$0x1FD70] =	vst v2;
	v2 =	vadd.s32 $0x28A, v0  }
0x18: {  	[tilespmem:$0x1FD80] =	vst v2;
	v2 =	vadd.s32 $0xB, v0  }
0x19: {  	[tilespmem:$0x1FD90] =	vst v2;
	v2 =	vadd.s32 $0x28B, v0  }
0x1a: {  	[tilespmem:$0x1FDA0] =	vst v2;
	v2 =	vadd.s32 $0xC, v0  }
0x1b: {  	[tilespmem:$0x1FDB0] =	vst v2;
	v2 =	vadd.s32 $0x28C, v0  }
0x1c: {  	[tilespmem:$0x1FDC0] =	vst v2;
	v2 =	vadd.s32 $0xD, v0  }
0x1d: {  	[tilespmem:$0x1FDD0] =	vst v2;
	v2 =	vadd.s32 $0x28D, v0  }
0x1e: {  	[tilespmem:$0x1FDE0] =	vst v2;
	v2 =	vadd.s32 $0xE, v0  }
0x1f: {  	[tilespmem:$0x1FDF0] =	vst v2;
	v2 =	vadd.s32 $0x28E, v0  }
0x20: {  	[tilespmem:$0x1FE00] =	vst v2;
	v2 =	vadd.s32 $0xF, v0  }
0x21: {  	[tilespmem:$0x1FE10] =	vst v2;
	v2 =	vadd.s32 $0x28F, v0  }
0x22: {  	[tilespmem:$0x1FE20] =	vst v2;
	v2 =	vadd.s32 $0x10, v0  }
0x23: {  	[tilespmem:$0x1FE30] =	vst v2;
	v2 =	vadd.s32 $0x290, v0  }
0x24: {  	[tilespmem:$0x1FE40] =	vst v2;
	v2 =	vadd.s32 $0x11, v0  }
0x25: {  	[tilespmem:$0x1FE50] =	vst v2;
	v2 =	vadd.s32 $0x291, v0  }
0x26: {  	[tilespmem:$0x1FE60] =	vst v2;
	v2 =	vadd.s32 $0x12, v0  }
0x27: {  	[tilespmem:$0x1FE70] =	vst v2;
	v2 =	vadd.s32 $0x292, v0  }
0x28: {  	[tilespmem:$0x1FE80] =	vst v2;
	v2 =	vadd.s32 $0x13, v0  }
0x29: {  	[tilespmem:$0x1FE90] =	vst v2;
	v2 =	vadd.s32 $0x293, v0  }
0x2a: {  	[tilespmem:$0x1FEA0] =	vst v2;
	v2 =	vadd.s32 $0x14, v0  }
0x2b: {  	[tilespmem:$0x1FEB0] =	vst v2;
	v2 =	vadd.s32 $0x294, v0  }
0x2c: {  	[tilespmem:$0x1FEC0] =	vst v2;
	v2 =	vadd.s32 $0x15, v0  }
0x2d: {  	[tilespmem:$0x1FED0] =	vst v2;
	v2 =	vadd.s32 $0x295, v0  }
0x2e: {  	[tilespmem:$0x1FEE0] =	vst v2;
	v2 =	vadd.s32 $0x16, v0  }
0x2f: {  	[tilespmem:$0x1FEF0] =	vst v2;
	v2 =	vadd.s32 $0x296, v0  }
0x30: {  	s4 =	rddreg [dreg:$0x0];
	s2 =	simm.s32 $0x0;
	[tilespmem:$0x1FF00] =	vst v2;
	v2 =	vadd.s32 $0x17, v0  }
0x31: {  	s1 =	srdreg.scid;
	[smem:$0x7FF] =	sst s2;
	[tilespmem:$0x1FF10] =	vst v2;
	v2 =	vadd.s32 $0x297, v0  }
0x32: {  	s3 =	sand.u32 $0x1, s1;
	s1 =	rddreg [dreg:$0x1];
	_ =	strace $0x80000047;
	[tilespmem:$0x1FF20] =	vst v2;
	v2 =	vadd.s32 $0x18, v0  }
0x33: {  	[tilespmem:$0x1FF30] =	vst v2;
	v2 =	vadd.s32 $0x298, v0  }
0x34: {  	[tilespmem:$0x1FF40] =	vst v2;
	v2 =	vadd.s32 $0x19, v0  }
0x35: {  	[tilespmem:$0x1FF50] =	vst v2;
	v2 =	vadd.s32 $0x299, v0  }
0x36: {  	[tilespmem:$0x1FF60] =	vst v2;
	v2 =	vadd.s32 $0x1A, v0  }
0x37: {  	[tilespmem:$0x1FF70] =	vst v2;
	v2 =	vadd.s32 $0x29A, v0  }
0x38: {  	[tilespmem:$0x1FF80] =	vst v2;
	v2 =	vadd.s32 $0x1B, v0  }
0x39: {  	s0 =	stileid.u32;
	[tilespmem:$0x1FF90] =	vst v2;
	v2 =	vadd.s32 $0x29B, v0  }
0x3a: {  	s5 =	sshll.u32 s0, $0x1;
	[tilespmem:$0x1FFA0] =	vst v2;
	v2 =	vadd.s32 $0x1C, v0  }
0x3b: {  	s5 =	sor.u32 s3, s5;
	s7 =	ssub.s32 $0x2, s3;
	s3 =	sadd.s32 $0x4600, s4;
	[tilespmem:$0x1FFB0] =	vst v2;
	v2 =	vadd.s32 $0x29C, v0  }
0x3c: {  	s6 =	smul.u32 $0x140, s5;
	s5 =	sshll.u32 s5, $0xE;
	s8 =	sshrl.u32 s7, $0x1;
	[tilespmem:$0x1FFC0] =	vst v2;
	v2 =	vadd.s32 $0x1D, v0  }
0x3d: {  	v1 =	vmul.u32 $0x800, v1;
	s9 =	sadd.s32 s5, s4;
	s7 =	ssub.s32 s7, s8;
	s8 =	simm.s32 $0x1;
	[tilespmem:$0x1FFD0] =	vst v2;
	v2 =	vadd.s32 $0x29D, v0  }
0x3e: {  	s6 =	sadd.s32 s6, s4;
	s5 =	sadd.s32 $0x6600, s9;
	s7 =	smax.u32 s7, $0x1;
	[tilespmem:$0x1FFE0] =	vst v2;
	v2 =	vadd.s32 $0x1E, v0  }
0x3f: {  	v63 =	vimm.f32 $0.0e+00;
	v3 =	vor.u32 $0x8000, v1;
	s4 =	sadd.s32 $0x1E00, s6;
	s6 =	sadd.s32 $0x8600, s9;
	s9 =	simm.s32 $0xA00;
	[tilespmem:$0x1FFF0] =	vst v2  }
.LBB2_1:
0x40: {  	[tilespmem:s2], [sflag:$0x1] =	stream.linear.gather [hbm4b:s4+s2], $0xA00, $0x38;
	[tilespmem:$0x10A00] =	vst v63  }
0x41: {  	_ =	swait.ge [sflag:s8], $0xA00  }
0x42: {  	[sflag:s8] =	ssyncset.done $0x0  }
0x43: {  	[sflag:s8] =	ssyncadd.s32 $0xFFFFF600  }
0x44: {  	[tilespmem:s9], [sflag:$0x1] =	stream.linear.gather [hbm4b:s3+s2], $0x10000, $0x38;
	[tilespmem:$0x10A00] =	vst v63  }
0x45: {  	_ =	swait.ge [sflag:s8], $0x10000  }
0x46: {  	[sflag:s8] =	ssyncset.done $0x0  }
0x47: {  	[sflag:s8] =	ssyncadd.s32 $0xFFFF0000  }
0x48: {  	v2 =	vld.idx.msk [tilespmem:v0+s2+$0x0], $0xffff;
	_ =	sdelay $0x4  }
0x49: {  	v2 =	vadd.s32 v1, v2;
	_ =	sdelay $0x4  }
0x4a: {  	v4 =	vld.idx.msk [tilespmem:v2+s9+$0x0], $0xffff;
	_ =	sdelay $0x4  }
0x4b: {  	v4 =	vadd.f32 $1.000000000e+00, v4;
	_ =	sdelay $0x1  }
0x4c: {  	[tilespmem:v2+s9+$0x0] =	vst.idx.msk $0xffff, v4;
	v2 =	vld [tilespmem:$0x1FC40];
	_ =	sdelay $0x7  }
0x4d: {  	v2 =	vld.idx.msk [tilespmem:v2+s2+$0x0], $0xffff;
	_ =	sdelay $0x4  }
0x4e: {  	v2 =	vadd.s32 v3, v2;
	_ =	sdelay $0x4  }
0x4f: {  	v4 =	vld.idx.msk [tilespmem:v2+s9+$0x0], $0xffff;
	_ =	sdelay $0x4  }
0x50: {  	v4 =	vadd.f32 $1.000000000e+00, v4;
	_ =	sdelay $0x1  }
0x51: {  	[tilespmem:v2+s9+$0x0] =	vst.idx.msk $0xffff, v4;
	v2 =	vld [tilespmem:$0x1FC50];
	_ =	sdelay $0x7  }
0x52: {  	v2 =	vld.idx.msk [tilespmem:v2+s2+$0x0], $0xffff;
	_ =	sdelay $0x4  }
0x53: {  	v2 =	vadd.s32 v1, v2;
	_ =	sdelay $0x4  }
0x54: {  	v4 =	vld.idx.msk [tilespmem:v2+s9+$0x0], $0xffff;
	_ =	sdelay $0x4  }
0x55: {  	v4 =	vadd.f32 $1.000000000e+00, v4;
	_ =	sdelay $0x1  }
0x56: {  	[tilespmem:v2+s9+$0x0] =	vst.idx.msk $0xffff, v4;
	v2 =	vld [tilespmem:$0x1FC60];
	_ =	sdelay $0x7  }
0x57: {  	v2 =	vld.idx.msk [tilespmem:v2+s2+$0x0], $0xffff;
	_ =	sdelay $0x4  }
0x58: {  	v2 =	vadd.s32 v3, v2;
	_ =	sdelay $0x4  }
0x59: {  	v4 =	vld.idx.msk [tilespmem:v2+s9+$0x0], $0xffff;
	_ =	sdelay $0x4  }
0x5a: {  	v4 =	vadd.f32 $1.000000000e+00, v4;
	_ =	sdelay $0x1  }
0x5b: {  	[tilespmem:v2+s9+$0x0] =	vst.idx.msk $0xffff, v4;
	v2 =	vld [tilespmem:$0x1FC70];
	_ =	sdelay $0x7  }
0x5c: {  	v2 =	vld.idx.msk [tilespmem:v2+s2+$0x0], $0xffff;
	_ =	sdelay $0x4  }
0x5d: {  	v2 =	vadd.s32 v1, v2;
	_ =	sdelay $0x4  }
0x5e: {  	v4 =	vld.idx.msk [tilespmem:v2+s9+$0x0], $0xffff;
	_ =	sdelay $0x4  }
0x5f: {  	v4 =	vadd.f32 $1.000000000e+00, v4;
	_ =	sdelay $0x1  }
0x60: {  	[tilespmem:v2+s9+$0x0] =	vst.idx.msk $0xffff, v4;
	v2 =	vld [tilespmem:$0x1FC80];
	_ =	sdelay $0x7  }
0x61: {  	v2 =	vld.idx.msk [tilespmem:v2+s2+$0x0], $0xffff;
	_ =	sdelay $0x4  }
0x62: {  	v2 =	vadd.s32 v3, v2;
	_ =	sdelay $0x4  }
0x63: {  	v4 =	vld.idx.msk [tilespmem:v2+s9+$0x0], $0xffff;
	_ =	sdelay $0x4  }
0x64: {  	v4 =	vadd.f32 $1.000000000e+00, v4;
	_ =	sdelay $0x1  }
0x65: {  	[tilespmem:v2+s9+$0x0] =	vst.idx.msk $0xffff, v4;
	v2 =	vld [tilespmem:$0x1FC90];
	_ =	sdelay $0x7  }
0x66: {  	v2 =	vld.idx.msk [tilespmem:v2+s2+$0x0], $0xffff;
	_ =	sdelay $0x4  }
0x67: {  	v2 =	vadd.s32 v1, v2;
	_ =	sdelay $0x4  }
0x68: {  	v4 =	vld.idx.msk [tilespmem:v2+s9+$0x0], $0xffff;
	_ =	sdelay $0x4  }
0x69: {  	v4 =	vadd.f32 $1.000000000e+00, v4;
	_ =	sdelay $0x1  }
0x6a: {  	[tilespmem:v2+s9+$0x0] =	vst.idx.msk $0xffff, v4;
	v2 =	vld [tilespmem:$0x1FCA0];
	_ =	sdelay $0x7  }
0x6b: {  	v2 =	vld.idx.msk [tilespmem:v2+s2+$0x0], $0xffff;
	_ =	sdelay $0x4  }
0x6c: {  	v2 =	vadd.s32 v3, v2;
	_ =	sdelay $0x4  }
0x6d: {  	v4 =	vld.idx.msk [tilespmem:v2+s9+$0x0], $0xffff;
	_ =	sdelay $0x4  }
0x6e: {  	v4 =	vadd.f32 $1.000000000e+00, v4;
	_ =	sdelay $0x1  }
0x6f: {  	[tilespmem:v2+s9+$0x0] =	vst.idx.msk $0xffff, v4;
	v2 =	vld [tilespmem:$0x1FCB0];
	_ =	sdelay $0x7  }
0x70: {  	v2 =	vld.idx.msk [tilespmem:v2+s2+$0x0], $0xffff;
	_ =	sdelay $0x4  }
0x71: {  	v2 =	vadd.s32 v1, v2;
	_ =	sdelay $0x4  }
0x72: {  	v4 =	vld.idx.msk [tilespmem:v2+s9+$0x0], $0xffff;
	_ =	sdelay $0x4  }
0x73: {  	v4 =	vadd.f32 $1.000000000e+00, v4;
	_ =	sdelay $0x1  }
0x74: {  	[tilespmem:v2+s9+$0x0] =	vst.idx.msk $0xffff, v4;
	v2 =	vld [tilespmem:$0x1FCC0];
	_ =	sdelay $0x7  }
0x75: {  	v2 =	vld.idx.msk [tilespmem:v2+s2+$0x0], $0xffff;
	_ =	sdelay $0x4  }
0x76: {  	v2 =	vadd.s32 v3, v2;
	_ =	sdelay $0x4  }
0x77: {  	v4 =	vld.idx.msk [tilespmem:v2+s9+$0x0], $0xffff;
	_ =	sdelay $0x4  }
0x78: {  	v4 =	vadd.f32 $1.000000000e+00, v4;
	_ =	sdelay $0x1  }
0x79: {  	[tilespmem:v2+s9+$0x0] =	vst.idx.msk $0xffff, v4;
	v2 =	vld [tilespmem:$0x1FCD0];
	_ =	sdelay $0x7  }
0x7a: {  	v2 =	vld.idx.msk [tilespmem:v2+s2+$0x0], $0xffff;
	_ =	sdelay $0x4  }
0x7b: {  	v2 =	vadd.s32 v1, v2;
	_ =	sdelay $0x4  }
0x7c: {  	v4 =	vld.idx.msk [tilespmem:v2+s9+$0x0], $0xffff;
	_ =	sdelay $0x4  }
0x7d: {  	v4 =	vadd.f32 $1.000000000e+00, v4;
	_ =	sdelay $0x1  }
0x7e: {  	[tilespmem:v2+s9+$0x0] =	vst.idx.msk $0xffff, v4;
	v2 =	vld [tilespmem:$0x1FCE0];
	_ =	sdelay $0x7  }
0x7f: {  	v2 =	vld.idx.msk [tilespmem:v2+s2+$0x0], $0xffff;
	_ =	sdelay $0x4  }
0x80: {  	v2 =	vadd.s32 v3, v2;
	_ =	sdelay $0x4  }
0x81: {  	v4 =	vld.idx.msk [tilespmem:v2+s9+$0x0], $0xffff;
	_ =	sdelay $0x4  }
0x82: {  	v4 =	vadd.f32 $1.000000000e+00, v4;
	_ =	sdelay $0x1  }
0x83: {  	[tilespmem:v2+s9+$0x0] =	vst.idx.msk $0xffff, v4;
	v2 =	vld [tilespmem:$0x1FCF0];
	_ =	sdelay $0x7  }
0x84: {  	v2 =	vld.idx.msk [tilespmem:v2+s2+$0x0], $0xffff;
	_ =	sdelay $0x4  }
0x85: {  	v2 =	vadd.s32 v1, v2;
	_ =	sdelay $0x4  }
0x86: {  	v4 =	vld.idx.msk [tilespmem:v2+s9+$0x0], $0xffff;
	_ =	sdelay $0x4  }
0x87: {  	v4 =	vadd.f32 $1.000000000e+00, v4;
	_ =	sdelay $0x1  }
0x88: {  	[tilespmem:v2+s9+$0x0] =	vst.idx.msk $0xffff, v4;
	v2 =	vld [tilespmem:$0x1FD00];
	_ =	sdelay $0x7  }
0x89: {  	v2 =	vld.idx.msk [tilespmem:v2+s2+$0x0], $0xffff;
	_ =	sdelay $0x4  }
0x8a: {  	v2 =	vadd.s32 v3, v2;
	_ =	sdelay $0x4  }
0x8b: {  	v4 =	vld.idx.msk [tilespmem:v2+s9+$0x0], $0xffff;
	_ =	sdelay $0x4  }
0x8c: {  	v4 =	vadd.f32 $1.000000000e+00, v4;
	_ =	sdelay $0x1  }
0x8d: {  	[tilespmem:v2+s9+$0x0] =	vst.idx.msk $0xffff, v4;
	v2 =	vld [tilespmem:$0x1FD10];
	_ =	sdelay $0x7  }
0x8e: {  	v2 =	vld.idx.msk [tilespmem:v2+s2+$0x0], $0xffff;
	_ =	sdelay $0x4  }
0x8f: {  	v2 =	vadd.s32 v1, v2;
	_ =	sdelay $0x4  }
0x90: {  	v4 =	vld.idx.msk [tilespmem:v2+s9+$0x0], $0xffff;
	_ =	sdelay $0x4  }
0x91: {  	v4 =	vadd.f32 $1.000000000e+00, v4;
	_ =	sdelay $0x1  }
0x92: {  	[tilespmem:v2+s9+$0x0] =	vst.idx.msk $0xffff, v4;
	v2 =	vld [tilespmem:$0x1FD20];
	_ =	sdelay $0x7  }
0x93: {  	v2 =	vld.idx.msk [tilespmem:v2+s2+$0x0], $0xffff;
	_ =	sdelay $0x4  }
0x94: {  	v2 =	vadd.s32 v3, v2;
	_ =	sdelay $0x4  }
0x95: {  	v4 =	vld.idx.msk [tilespmem:v2+s9+$0x0], $0xffff;
	_ =	sdelay $0x4  }
0x96: {  	v4 =	vadd.f32 $1.000000000e+00, v4;
	_ =	sdelay $0x1  }
0x97: {  	[tilespmem:v2+s9+$0x0] =	vst.idx.msk $0xffff, v4;
	v2 =	vld [tilespmem:$0x1FD30];
	_ =	sdelay $0x7  }
0x98: {  	v2 =	vld.idx.msk [tilespmem:v2+s2+$0x0], $0xffff;
	_ =	sdelay $0x4  }
0x99: {  	v2 =	vadd.s32 v1, v2;
	_ =	sdelay $0x4  }
0x9a: {  	v4 =	vld.idx.msk [tilespmem:v2+s9+$0x0], $0xffff;
	_ =	sdelay $0x4  }
0x9b: {  	v4 =	vadd.f32 $1.000000000e+00, v4;
	_ =	sdelay $0x1  }
0x9c: {  	[tilespmem:v2+s9+$0x0] =	vst.idx.msk $0xffff, v4;
	v2 =	vld [tilespmem:$0x1FD40];
	_ =	sdelay $0x7  }
0x9d: {  	v2 =	vld.idx.msk [tilespmem:v2+s2+$0x0], $0xffff;
	_ =	sdelay $0x4  }
0x9e: {  	v2 =	vadd.s32 v3, v2;
	_ =	sdelay $0x4  }
0x9f: {  	v4 =	vld.idx.msk [tilespmem:v2+s9+$0x0], $0xffff;
	_ =	sdelay $0x4  }
0xa0: {  	v4 =	vadd.f32 $1.000000000e+00, v4;
	_ =	sdelay $0x1  }
0xa1: {  	[tilespmem:v2+s9+$0x0] =	vst.idx.msk $0xffff, v4;
	v2 =	vld [tilespmem:$0x1FD50];
	_ =	sdelay $0x7  }
0xa2: {  	v2 =	vld.idx.msk [tilespmem:v2+s2+$0x0], $0xffff;
	_ =	sdelay $0x4  }
0xa3: {  	v2 =	vadd.s32 v1, v2;
	_ =	sdelay $0x4  }
0xa4: {  	v4 =	vld.idx.msk [tilespmem:v2+s9+$0x0], $0xffff;
	_ =	sdelay $0x4  }
0xa5: {  	v4 =	vadd.f32 $1.000000000e+00, v4;
	_ =	sdelay $0x1  }
0xa6: {  	[tilespmem:v2+s9+$0x0] =	vst.idx.msk $0xffff, v4;
	v2 =	vld [tilespmem:$0x1FD60];
	_ =	sdelay $0x7  }
0xa7: {  	v2 =	vld.idx.msk [tilespmem:v2+s2+$0x0], $0xffff;
	_ =	sdelay $0x4  }
0xa8: {  	v2 =	vadd.s32 v3, v2;
	_ =	sdelay $0x4  }
0xa9: {  	v4 =	vld.idx.msk [tilespmem:v2+s9+$0x0], $0xffff;
	_ =	sdelay $0x4  }
0xaa: {  	v4 =	vadd.f32 $1.000000000e+00, v4;
	_ =	sdelay $0x1  }
0xab: {  	[tilespmem:v2+s9+$0x0] =	vst.idx.msk $0xffff, v4;
	v2 =	vld [tilespmem:$0x1FD70];
	_ =	sdelay $0x7  }
0xac: {  	v2 =	vld.idx.msk [tilespmem:v2+s2+$0x0], $0xffff;
	_ =	sdelay $0x4  }
0xad: {  	v2 =	vadd.s32 v1, v2;
	_ =	sdelay $0x4  }
0xae: {  	v4 =	vld.idx.msk [tilespmem:v2+s9+$0x0], $0xffff;
	_ =	sdelay $0x4  }
0xaf: {  	v4 =	vadd.f32 $1.000000000e+00, v4;
	_ =	sdelay $0x1  }
0xb0: {  	[tilespmem:v2+s9+$0x0] =	vst.idx.msk $0xffff, v4;
	v2 =	vld [tilespmem:$0x1FD80];
	_ =	sdelay $0x7  }
0xb1: {  	v2 =	vld.idx.msk [tilespmem:v2+s2+$0x0], $0xffff;
	_ =	sdelay $0x4  }
0xb2: {  	v2 =	vadd.s32 v3, v2;
	_ =	sdelay $0x3  }
0xb3: {  	v45 =	vld [tilespmem:$0x1FD90]  }
0xb4: {  	v4 =	vld.idx.msk [tilespmem:v2+s9+$0x0], $0xffff;
	_ =	sdelay $0x4  }
0xb5: {  	v4 =	vadd.f32 $1.000000000e+00, v4;
	_ =	sdelay $0x1  }
0xb6: {  	[tilespmem:v2+s9+$0x0] =	vst.idx.msk $0xffff, v4  }
0xb7: {  	v2 =	vld.idx.msk [tilespmem:v45+s2+$0x0], $0xffff;
	_ =	sdelay $0x4  }
0xb8: {  	v2 =	vadd.s32 v1, v2;
	_ =	sdelay $0x3  }
0xb9: {  	v46 =	vld [tilespmem:$0x1FDA0]  }
0xba: {  	v4 =	vld.idx.msk [tilespmem:v2+s9+$0x0], $0xffff;
	_ =	sdelay $0x4  }
0xbb: {  	v4 =	vadd.f32 $1.000000000e+00, v4;
	_ =	sdelay $0x1  }
0xbc: {  	[tilespmem:v2+s9+$0x0] =	vst.idx.msk $0xffff, v4  }
0xbd: {  	v2 =	vld.idx.msk [tilespmem:v46+s2+$0x0], $0xffff;
	_ =	sdelay $0x4  }
0xbe: {  	v2 =	vadd.s32 v3, v2;
	_ =	sdelay $0x3  }
0xbf: {  	v47 =	vld [tilespmem:$0x1FDB0]  }
0xc0: {  	v4 =	vld.idx.msk [tilespmem:v2+s9+$0x0], $0xffff;
	_ =	sdelay $0x4  }
0xc1: {  	v4 =	vadd.f32 $1.000000000e+00, v4;
	_ =	sdelay $0x1  }
0xc2: {  	[tilespmem:v2+s9+$0x0] =	vst.idx.msk $0xffff, v4  }
0xc3: {  	v2 =	vld.idx.msk [tilespmem:v47+s2+$0x0], $0xffff;
	_ =	sdelay $0x4  }
0xc4: {  	v2 =	vadd.s32 v1, v2;
	_ =	sdelay $0x3  }
0xc5: {  	v48 =	vld [tilespmem:$0x1FDC0]  }
0xc6: {  	v4 =	vld.idx.msk [tilespmem:v2+s9+$0x0], $0xffff;
	_ =	sdelay $0x4  }
0xc7: {  	v4 =	vadd.f32 $1.000000000e+00, v4;
	_ =	sdelay $0x1  }
0xc8: {  	[tilespmem:v2+s9+$0x0] =	vst.idx.msk $0xffff, v4  }
0xc9: {  	v2 =	vld.idx.msk [tilespmem:v48+s2+$0x0], $0xffff;
	_ =	sdelay $0x4  }
0xca: {  	v2 =	vadd.s32 v3, v2;
	_ =	sdelay $0x3  }
0xcb: {  	v49 =	vld [tilespmem:$0x1FDD0]  }
0xcc: {  	v4 =	vld.idx.msk [tilespmem:v2+s9+$0x0], $0xffff;
	_ =	sdelay $0x4  }
0xcd: {  	v4 =	vadd.f32 $1.000000000e+00, v4;
	_ =	sdelay $0x1  }
0xce: {  	[tilespmem:v2+s9+$0x0] =	vst.idx.msk $0xffff, v4  }
0xcf: {  	v2 =	vld.idx.msk [tilespmem:v49+s2+$0x0], $0xffff;
	_ =	sdelay $0x4  }
0xd0: {  	v2 =	vadd.s32 v1, v2;
	_ =	sdelay $0x3  }
0xd1: {  	v50 =	vld [tilespmem:$0x1FDE0]  }
0xd2: {  	v4 =	vld.idx.msk [tilespmem:v2+s9+$0x0], $0xffff;
	_ =	sdelay $0x4  }
0xd3: {  	v4 =	vadd.f32 $1.000000000e+00, v4;
	_ =	sdelay $0x1  }
0xd4: {  	[tilespmem:v2+s9+$0x0] =	vst.idx.msk $0xffff, v4  }
0xd5: {  	v2 =	vld.idx.msk [tilespmem:v50+s2+$0x0], $0xffff;
	_ =	sdelay $0x4  }
0xd6: {  	v2 =	vadd.s32 v3, v2;
	_ =	sdelay $0x3  }
0xd7: {  	v51 =	vld [tilespmem:$0x1FDF0]  }
0xd8: {  	v4 =	vld.idx.msk [tilespmem:v2+s9+$0x0], $0xffff;
	_ =	sdelay $0x4  }
0xd9: {  	v4 =	vadd.f32 $1.000000000e+00, v4;
	_ =	sdelay $0x1  }
0xda: {  	[tilespmem:v2+s9+$0x0] =	vst.idx.msk $0xffff, v4  }
0xdb: {  	v2 =	vld.idx.msk [tilespmem:v51+s2+$0x0], $0xffff;
	_ =	sdelay $0x4  }
0xdc: {  	v2 =	vadd.s32 v1, v2;
	_ =	sdelay $0x3  }
0xdd: {  	v52 =	vld [tilespmem:$0x1FE00]  }
0xde: {  	v4 =	vld.idx.msk [tilespmem:v2+s9+$0x0], $0xffff;
	_ =	sdelay $0x4  }
0xdf: {  	v4 =	vadd.f32 $1.000000000e+00, v4;
	_ =	sdelay $0x1  }
0xe0: {  	[tilespmem:v2+s9+$0x0] =	vst.idx.msk $0xffff, v4  }
0xe1: {  	v2 =	vld.idx.msk [tilespmem:v52+s2+$0x0], $0xffff;
	_ =	sdelay $0x4  }
0xe2: {  	v2 =	vadd.s32 v3, v2;
	_ =	sdelay $0x3  }
0xe3: {  	v53 =	vld [tilespmem:$0x1FE10]  }
0xe4: {  	v4 =	vld.idx.msk [tilespmem:v2+s9+$0x0], $0xffff;
	_ =	sdelay $0x4  }
0xe5: {  	v4 =	vadd.f32 $1.000000000e+00, v4;
	_ =	sdelay $0x1  }
0xe6: {  	[tilespmem:v2+s9+$0x0] =	vst.idx.msk $0xffff, v4  }
0xe7: {  	v2 =	vld.idx.msk [tilespmem:v53+s2+$0x0], $0xffff;
	_ =	sdelay $0x4  }
0xe8: {  	v2 =	vadd.s32 v1, v2;
	_ =	sdelay $0x3  }
0xe9: {  	v54 =	vld [tilespmem:$0x1FE20]  }
0xea: {  	v4 =	vld.idx.msk [tilespmem:v2+s9+$0x0], $0xffff;
	_ =	sdelay $0x4  }
0xeb: {  	v4 =	vadd.f32 $1.000000000e+00, v4;
	_ =	sdelay $0x1  }
0xec: {  	[tilespmem:v2+s9+$0x0] =	vst.idx.msk $0xffff, v4  }
0xed: {  	v2 =	vld.idx.msk [tilespmem:v54+s2+$0x0], $0xffff;
	_ =	sdelay $0x4  }
0xee: {  	v2 =	vadd.s32 v3, v2;
	_ =	sdelay $0x3  }
0xef: {  	v55 =	vld [tilespmem:$0x1FE30]  }
0xf0: {  	v4 =	vld.idx.msk [tilespmem:v2+s9+$0x0], $0xffff;
	_ =	sdelay $0x4  }
0xf1: {  	v4 =	vadd.f32 $1.000000000e+00, v4;
	_ =	sdelay $0x1  }
0xf2: {  	[tilespmem:v2+s9+$0x0] =	vst.idx.msk $0xffff, v4  }
0xf3: {  	v2 =	vld.idx.msk [tilespmem:v55+s2+$0x0], $0xffff;
	_ =	sdelay $0x4  }
0xf4: {  	v2 =	vadd.s32 v1, v2;
	_ =	sdelay $0x3  }
0xf5: {  	v56 =	vld [tilespmem:$0x1FE40]  }
0xf6: {  	v4 =	vld.idx.msk [tilespmem:v2+s9+$0x0], $0xffff;
	_ =	sdelay $0x4  }
0xf7: {  	v4 =	vadd.f32 $1.000000000e+00, v4;
	_ =	sdelay $0x1  }
0xf8: {  	[tilespmem:v2+s9+$0x0] =	vst.idx.msk $0xffff, v4  }
0xf9: {  	v2 =	vld.idx.msk [tilespmem:v56+s2+$0x0], $0xffff;
	_ =	sdelay $0x4  }
0xfa: {  	v2 =	vadd.s32 v3, v2;
	_ =	sdelay $0x3  }
0xfb: {  	v57 =	vld [tilespmem:$0x1FE50]  }
0xfc: {  	v4 =	vld.idx.msk [tilespmem:v2+s9+$0x0], $0xffff;
	_ =	sdelay $0x4  }
0xfd: {  	v4 =	vadd.f32 $1.000000000e+00, v4;
	_ =	sdelay $0x1  }
0xfe: {  	[tilespmem:v2+s9+$0x0] =	vst.idx.msk $0xffff, v4  }
0xff: {  	v2 =	vld.idx.msk [tilespmem:v57+s2+$0x0], $0xffff;
	_ =	sdelay $0x4  }
0x100: {  	v2 =	vadd.s32 v1, v2;
	_ =	sdelay $0x3  }
0x101: {  	v58 =	vld [tilespmem:$0x1FE60]  }
0x102: {  	v4 =	vld.idx.msk [tilespmem:v2+s9+$0x0], $0xffff;
	_ =	sdelay $0x4  }
0x103: {  	v4 =	vadd.f32 $1.000000000e+00, v4;
	_ =	sdelay $0x1  }
0x104: {  	[tilespmem:v2+s9+$0x0] =	vst.idx.msk $0xffff, v4  }
0x105: {  	v2 =	vld.idx.msk [tilespmem:v58+s2+$0x0], $0xffff;
	_ =	sdelay $0x4  }
0x106: {  	v2 =	vadd.s32 v3, v2;
	_ =	sdelay $0x3  }
0x107: {  	v59 =	vld [tilespmem:$0x1FE70]  }
0x108: {  	v4 =	vld.idx.msk [tilespmem:v2+s9+$0x0], $0xffff;
	_ =	sdelay $0x4  }
0x109: {  	v4 =	vadd.f32 $1.000000000e+00, v4;
	_ =	sdelay $0x1  }
0x10a: {  	[tilespmem:v2+s9+$0x0] =	vst.idx.msk $0xffff, v4  }
0x10b: {  	v2 =	vld.idx.msk [tilespmem:v59+s2+$0x0], $0xffff;
	_ =	sdelay $0x4  }
0x10c: {  	v2 =	vadd.s32 v1, v2;
	_ =	sdelay $0x3  }
0x10d: {  	v60 =	vld [tilespmem:$0x1FE80]  }
0x10e: {  	v4 =	vld.idx.msk [tilespmem:v2+s9+$0x0], $0xffff;
	_ =	sdelay $0x4  }
0x10f: {  	v4 =	vadd.f32 $1.000000000e+00, v4;
	_ =	sdelay $0x1  }
0x110: {  	[tilespmem:v2+s9+$0x0] =	vst.idx.msk $0xffff, v4  }
0x111: {  	v2 =	vld.idx.msk [tilespmem:v60+s2+$0x0], $0xffff;
	_ =	sdelay $0x4  }
0x112: {  	v2 =	vadd.s32 v3, v2;
	_ =	sdelay $0x3  }
0x113: {  	v61 =	vld [tilespmem:$0x1FE90]  }
0x114: {  	v4 =	vld.idx.msk [tilespmem:v2+s9+$0x0], $0xffff;
	_ =	sdelay $0x4  }
0x115: {  	v4 =	vadd.f32 $1.000000000e+00, v4;
	_ =	sdelay $0x1  }
0x116: {  	[tilespmem:v2+s9+$0x0] =	vst.idx.msk $0xffff, v4  }
0x117: {  	v2 =	vld.idx.msk [tilespmem:v61+s2+$0x0], $0xffff;
	_ =	sdelay $0x4  }
0x118: {  	v2 =	vadd.s32 v1, v2;
	_ =	sdelay $0x3  }
0x119: {  	v62 =	vld [tilespmem:$0x1FEA0]  }
0x11a: {  	v4 =	vld.idx.msk [tilespmem:v2+s9+$0x0], $0xffff;
	_ =	sdelay $0x4  }
0x11b: {  	v4 =	vadd.f32 $1.000000000e+00, v4;
	_ =	sdelay $0x1  }
0x11c: {  	[tilespmem:v2+s9+$0x0] =	vst.idx.msk $0xffff, v4  }
0x11d: {  	v2 =	vld.idx.msk [tilespmem:v62+s2+$0x0], $0xffff;
	_ =	sdelay $0x4  }
0x11e: {  	v2 =	vadd.s32 v3, v2;
	_ =	sdelay $0x3  }
0x11f: {  	v44 =	vld [tilespmem:$0x1FEB0]  }
0x120: {  	v4 =	vld.idx.msk [tilespmem:v2+s9+$0x0], $0xffff;
	_ =	sdelay $0x4  }
0x121: {  	v4 =	vadd.f32 $1.000000000e+00, v4;
	_ =	sdelay $0x1  }
0x122: {  	[tilespmem:v2+s9+$0x0] =	vst.idx.msk $0xffff, v4  }
0x123: {  	v2 =	vld.idx.msk [tilespmem:v44+s2+$0x0], $0xffff;
	_ =	sdelay $0x4  }
0x124: {  	v2 =	vadd.s32 v1, v2;
	_ =	sdelay $0x3  }
0x125: {  	v43 =	vld [tilespmem:$0x1FEC0]  }
0x126: {  	v4 =	vld.idx.msk [tilespmem:v2+s9+$0x0], $0xffff;
	_ =	sdelay $0x4  }
0x127: {  	v4 =	vadd.f32 $1.000000000e+00, v4;
	_ =	sdelay $0x1  }
0x128: {  	[tilespmem:v2+s9+$0x0] =	vst.idx.msk $0xffff, v4  }
0x129: {  	v2 =	vld.idx.msk [tilespmem:v43+s2+$0x0], $0xffff;
	_ =	sdelay $0x4  }
0x12a: {  	v2 =	vadd.s32 v3, v2;
	_ =	sdelay $0x3  }
0x12b: {  	v42 =	vld [tilespmem:$0x1FED0]  }
0x12c: {  	v4 =	vld.idx.msk [tilespmem:v2+s9+$0x0], $0xffff;
	_ =	sdelay $0x4  }
0x12d: {  	v4 =	vadd.f32 $1.000000000e+00, v4;
	_ =	sdelay $0x1  }
0x12e: {  	[tilespmem:v2+s9+$0x0] =	vst.idx.msk $0xffff, v4  }
0x12f: {  	v2 =	vld.idx.msk [tilespmem:v42+s2+$0x0], $0xffff;
	_ =	sdelay $0x4  }
0x130: {  	v2 =	vadd.s32 v1, v2;
	_ =	sdelay $0x3  }
0x131: {  	v41 =	vld [tilespmem:$0x1FEE0]  }
0x132: {  	v4 =	vld.idx.msk [tilespmem:v2+s9+$0x0], $0xffff;
	_ =	sdelay $0x4  }
0x133: {  	v4 =	vadd.f32 $1.000000000e+00, v4;
	_ =	sdelay $0x1  }
0x134: {  	[tilespmem:v2+s9+$0x0] =	vst.idx.msk $0xffff, v4  }
0x135: {  	v2 =	vld.idx.msk [tilespmem:v41+s2+$0x0], $0xffff;
	_ =	sdelay $0x4  }
0x136: {  	v2 =	vadd.s32 v3, v2;
	_ =	sdelay $0x3  }
0x137: {  	v40 =	vld [tilespmem:$0x1FEF0]  }
0x138: {  	v4 =	vld.idx.msk [tilespmem:v2+s9+$0x0], $0xffff;
	_ =	sdelay $0x4  }
0x139: {  	v4 =	vadd.f32 $1.000000000e+00, v4;
	_ =	sdelay $0x1  }
0x13a: {  	[tilespmem:v2+s9+$0x0] =	vst.idx.msk $0xffff, v4  }
0x13b: {  	v2 =	vld.idx.msk [tilespmem:v40+s2+$0x0], $0xffff;
	_ =	sdelay $0x4  }
0x13c: {  	v2 =	vadd.s32 v1, v2;
	_ =	sdelay $0x3  }
0x13d: {  	v39 =	vld [tilespmem:$0x1FF00]  }
0x13e: {  	v4 =	vld.idx.msk [tilespmem:v2+s9+$0x0], $0xffff;
	_ =	sdelay $0x4  }
0x13f: {  	v4 =	vadd.f32 $1.000000000e+00, v4;
	_ =	sdelay $0x1  }
0x140: {  	[tilespmem:v2+s9+$0x0] =	vst.idx.msk $0xffff, v4  }
0x141: {  	v2 =	vld.idx.msk [tilespmem:v39+s2+$0x0], $0xffff;
	_ =	sdelay $0x4  }
0x142: {  	v2 =	vadd.s32 v3, v2;
	_ =	sdelay $0x3  }
0x143: {  	v38 =	vld [tilespmem:$0x1FF10]  }
0x144: {  	v4 =	vld.idx.msk [tilespmem:v2+s9+$0x0], $0xffff;
	_ =	sdelay $0x4  }
0x145: {  	v4 =	vadd.f32 $1.000000000e+00, v4;
	_ =	sdelay $0x1  }
0x146: {  	[tilespmem:v2+s9+$0x0] =	vst.idx.msk $0xffff, v4  }
0x147: {  	v2 =	vld.idx.msk [tilespmem:v38+s2+$0x0], $0xffff;
	_ =	sdelay $0x4  }
0x148: {  	v2 =	vadd.s32 v1, v2;
	_ =	sdelay $0x3  }
0x149: {  	v37 =	vld [tilespmem:$0x1FF20]  }
0x14a: {  	v4 =	vld.idx.msk [tilespmem:v2+s9+$0x0], $0xffff;
	_ =	sdelay $0x4  }
0x14b: {  	v4 =	vadd.f32 $1.000000000e+00, v4;
	_ =	sdelay $0x1  }
0x14c: {  	[tilespmem:v2+s9+$0x0] =	vst.idx.msk $0xffff, v4  }
0x14d: {  	v2 =	vld.idx.msk [tilespmem:v37+s2+$0x0], $0xffff;
	_ =	sdelay $0x4  }
0x14e: {  	v2 =	vadd.s32 v3, v2;
	_ =	sdelay $0x3  }
0x14f: {  	v36 =	vld [tilespmem:$0x1FF30]  }
0x150: {  	v4 =	vld.idx.msk [tilespmem:v2+s9+$0x0], $0xffff;
	_ =	sdelay $0x4  }
0x151: {  	v4 =	vadd.f32 $1.000000000e+00, v4;
	_ =	sdelay $0x1  }
0x152: {  	[tilespmem:v2+s9+$0x0] =	vst.idx.msk $0xffff, v4  }
0x153: {  	v2 =	vld.idx.msk [tilespmem:v36+s2+$0x0], $0xffff;
	_ =	sdelay $0x4  }
0x154: {  	v2 =	vadd.s32 v1, v2;
	_ =	sdelay $0x3  }
0x155: {  	v35 =	vld [tilespmem:$0x1FF40]  }
0x156: {  	v4 =	vld.idx.msk [tilespmem:v2+s9+$0x0], $0xffff;
	_ =	sdelay $0x4  }
0x157: {  	v4 =	vadd.f32 $1.000000000e+00, v4;
	_ =	sdelay $0x1  }
0x158: {  	[tilespmem:v2+s9+$0x0] =	vst.idx.msk $0xffff, v4  }
0x159: {  	v2 =	vld.idx.msk [tilespmem:v35+s2+$0x0], $0xffff;
	_ =	sdelay $0x4  }
0x15a: {  	v2 =	vadd.s32 v3, v2;
	_ =	sdelay $0x3  }
0x15b: {  	v34 =	vld [tilespmem:$0x1FF50]  }
0x15c: {  	v4 =	vld.idx.msk [tilespmem:v2+s9+$0x0], $0xffff;
	_ =	sdelay $0x4  }
0x15d: {  	v4 =	vadd.f32 $1.000000000e+00, v4;
	_ =	sdelay $0x1  }
0x15e: {  	[tilespmem:v2+s9+$0x0] =	vst.idx.msk $0xffff, v4  }
0x15f: {  	v2 =	vld.idx.msk [tilespmem:v34+s2+$0x0], $0xffff;
	_ =	sdelay $0x4  }
0x160: {  	v2 =	vadd.s32 v1, v2;
	_ =	sdelay $0x3  }
0x161: {  	v33 =	vld [tilespmem:$0x1FF60]  }
0x162: {  	v4 =	vld.idx.msk [tilespmem:v2+s9+$0x0], $0xffff;
	_ =	sdelay $0x4  }
0x163: {  	v4 =	vadd.f32 $1.000000000e+00, v4;
	_ =	sdelay $0x1  }
0x164: {  	[tilespmem:v2+s9+$0x0] =	vst.idx.msk $0xffff, v4  }
0x165: {  	v2 =	vld.idx.msk [tilespmem:v33+s2+$0x0], $0xffff;
	_ =	sdelay $0x4  }
0x166: {  	v2 =	vadd.s32 v3, v2;
	_ =	sdelay $0x3  }
0x167: {  	v32 =	vld [tilespmem:$0x1FF70]  }
0x168: {  	v4 =	vld.idx.msk [tilespmem:v2+s9+$0x0], $0xffff;
	_ =	sdelay $0x4  }
0x169: {  	v4 =	vadd.f32 $1.000000000e+00, v4;
	_ =	sdelay $0x1  }
0x16a: {  	[tilespmem:v2+s9+$0x0] =	vst.idx.msk $0xffff, v4  }
0x16b: {  	v2 =	vld.idx.msk [tilespmem:v32+s2+$0x0], $0xffff;
	_ =	sdelay $0x4  }
0x16c: {  	v2 =	vadd.s32 v1, v2;
	_ =	sdelay $0x3  }
0x16d: {  	v31 =	vld [tilespmem:$0x1FF80]  }
0x16e: {  	v4 =	vld.idx.msk [tilespmem:v2+s9+$0x0], $0xffff;
	_ =	sdelay $0x4  }
0x16f: {  	v4 =	vadd.f32 $1.000000000e+00, v4;
	_ =	sdelay $0x1  }
0x170: {  	[tilespmem:v2+s9+$0x0] =	vst.idx.msk $0xffff, v4  }
0x171: {  	v2 =	vld.idx.msk [tilespmem:v31+s2+$0x0], $0xffff;
	_ =	sdelay $0x4  }
0x172: {  	v2 =	vadd.s32 v3, v2;
	_ =	sdelay $0x3  }
0x173: {  	v30 =	vld [tilespmem:$0x1FF90]  }
0x174: {  	v4 =	vld.idx.msk [tilespmem:v2+s9+$0x0], $0xffff;
	_ =	sdelay $0x4  }
0x175: {  	v4 =	vadd.f32 $1.000000000e+00, v4;
	_ =	sdelay $0x1  }
0x176: {  	[tilespmem:v2+s9+$0x0] =	vst.idx.msk $0xffff, v4  }
0x177: {  	v2 =	vld.idx.msk [tilespmem:v30+s2+$0x0], $0xffff;
	_ =	sdelay $0x4  }
0x178: {  	v2 =	vadd.s32 v1, v2;
	_ =	sdelay $0x3  }
0x179: {  	v29 =	vld [tilespmem:$0x1FFA0]  }
0x17a: {  	v4 =	vld.idx.msk [tilespmem:v2+s9+$0x0], $0xffff;
	_ =	sdelay $0x4  }
0x17b: {  	v4 =	vadd.f32 $1.000000000e+00, v4;
	_ =	sdelay $0x1  }
0x17c: {  	[tilespmem:v2+s9+$0x0] =	vst.idx.msk $0xffff, v4  }
0x17d: {  	v2 =	vld.idx.msk [tilespmem:v29+s2+$0x0], $0xffff;
	_ =	sdelay $0x4  }
0x17e: {  	v2 =	vadd.s32 v3, v2;
	_ =	sdelay $0x3  }
0x17f: {  	v28 =	vld [tilespmem:$0x1FFB0]  }
0x180: {  	v4 =	vld.idx.msk [tilespmem:v2+s9+$0x0], $0xffff;
	_ =	sdelay $0x4  }
0x181: {  	v4 =	vadd.f32 $1.000000000e+00, v4;
	_ =	sdelay $0x1  }
0x182: {  	[tilespmem:v2+s9+$0x0] =	vst.idx.msk $0xffff, v4  }
0x183: {  	v2 =	vld.idx.msk [tilespmem:v28+s2+$0x0], $0xffff;
	_ =	sdelay $0x4  }
0x184: {  	v2 =	vadd.s32 v1, v2;
	_ =	sdelay $0x4  }
0x185: {  	v4 =	vld.idx.msk [tilespmem:v2+s9+$0x0], $0xffff;
	_ =	sdelay $0x4  }
0x186: {  	v4 =	vadd.f32 $1.000000000e+00, v4;
	_ =	sdelay $0x1  }
0x187: {  	[tilespmem:v2+s9+$0x0] =	vst.idx.msk $0xffff, v4  }
0x188: {  	v27 =	vld [tilespmem:$0x1FFC0];
	_ =	sdelay $0x7  }
0x189: {  	v2 =	vld.idx.msk [tilespmem:v27+s2+$0x0], $0xffff;
	_ =	sdelay $0x4  }
0x18a: {  	v2 =	vadd.s32 v3, v2;
	_ =	sdelay $0x3  }
0x18b: {  	v26 =	vld [tilespmem:$0x1FFD0]  }
0x18c: {  	v4 =	vld.idx.msk [tilespmem:v2+s9+$0x0], $0xffff;
	_ =	sdelay $0x4  }
0x18d: {  	v4 =	vadd.f32 $1.000000000e+00, v4;
	_ =	sdelay $0x1  }
0x18e: {  	[tilespmem:v2+s9+$0x0] =	vst.idx.msk $0xffff, v4  }
0x18f: {  	v2 =	vld.idx.msk [tilespmem:v26+s2+$0x0], $0xffff;
	_ =	sdelay $0x4  }
0x190: {  	v2 =	vadd.s32 v1, v2;
	_ =	sdelay $0x3  }
0x191: {  	v25 =	vld [tilespmem:$0x1FFE0]  }
0x192: {  	v4 =	vld.idx.msk [tilespmem:v2+s9+$0x0], $0xffff;
	_ =	sdelay $0x4  }
0x193: {  	v4 =	vadd.f32 $1.000000000e+00, v4;
	_ =	sdelay $0x1  }
0x194: {  	[tilespmem:v2+s9+$0x0] =	vst.idx.msk $0xffff, v4  }
0x195: {  	v2 =	vld.idx.msk [tilespmem:v25+s2+$0x0], $0xffff;
	_ =	sdelay $0x4  }
0x196: {  	v2 =	vadd.s32 v3, v2;
	_ =	sdelay $0x3  }
0x197: {  	v24 =	vld [tilespmem:$0x1FFF0]  }
0x198: {  	v4 =	vld.idx.msk [tilespmem:v2+s9+$0x0], $0xffff;
	_ =	sdelay $0x4  }
0x199: {  	v4 =	vadd.f32 $1.000000000e+00, v4;
	_ =	sdelay $0x1  }
0x19a: {  	[tilespmem:v2+s9+$0x0] =	vst.idx.msk $0xffff, v4  }
0x19b: {  	v2 =	vld.idx.msk [tilespmem:v24+s2+$0x0], $0xffff;
	_ =	sdelay $0x4  }
0x19c: {  	v4 =	vadd.s32 v1, v2;
	_ =	sdelay $0x4  }
0x19d: {  	v5 =	vld.idx.msk [tilespmem:v4+s9+$0x0], $0xffff;
	_ =	sdelay $0x2  }
0x19e: {  	v2 =	vadd.s32 $0x29E, v0;
	_ =	sdelay $0x1  }
0x19f: {  	v5 =	vadd.f32 $1.000000000e+00, v5;
	_ =	sdelay $0x1  }
0x1a0: {  	[tilespmem:v4+s9+$0x0] =	vst.idx.msk $0xffff, v5  }
0x1a1: {  	v4 =	vld.idx.msk [tilespmem:v2+s2+$0x0], $0xffff;
	_ =	sdelay $0x4  }
0x1a2: {  	v5 =	vadd.s32 v3, v4;
	_ =	sdelay $0x4  }
0x1a3: {  	v6 =	vld.idx.msk [tilespmem:v5+s9+$0x0], $0xffff;
	_ =	sdelay $0x2  }
0x1a4: {  	v4 =	vadd.s32 $0x1F, v0;
	_ =	sdelay $0x1  }
0x1a5: {  	v6 =	vadd.f32 $1.000000000e+00, v6;
	_ =	sdelay $0x1  }
0x1a6: {  	[tilespmem:v5+s9+$0x0] =	vst.idx.msk $0xffff, v6  }
0x1a7: {  	v5 =	vld.idx.msk [tilespmem:v4+s2+$0x0], $0xffff;
	_ =	sdelay $0x4  }
0x1a8: {  	v11 =	vadd.s32 v1, v5;
	_ =	sdelay $0x4  }
0x1a9: {  	v7 =	vld.idx.msk [tilespmem:v11+s9+$0x0], $0xffff;
	_ =	sdelay $0x2  }
0x1aa: {  	v5 =	vadd.s32 $0x29F, v0;
	_ =	sdelay $0x1  }
0x1ab: {  	v7 =	vadd.f32 $1.000000000e+00, v7;
	_ =	sdelay $0x1  }
0x1ac: {  	[tilespmem:v11+s9+$0x0] =	vst.idx.msk $0xffff, v7  }
0x1ad: {  	v6 =	vld.idx.msk [tilespmem:v5+s2+$0x0], $0xffff;
	_ =	sdelay $0x4  }
0x1ae: {  	v12 =	vadd.s32 v3, v6;
	_ =	sdelay $0x4  }
0x1af: {  	v8 =	vld.idx.msk [tilespmem:v12+s9+$0x0], $0xffff;
	_ =	sdelay $0x2  }
0x1b0: {  	v6 =	vadd.s32 $0x20, v0;
	_ =	sdelay $0x1  }
0x1b1: {  	v8 =	vadd.f32 $1.000000000e+00, v8;
	_ =	sdelay $0x1  }
0x1b2: {  	[tilespmem:v12+s9+$0x0] =	vst.idx.msk $0xffff, v8  }
0x1b3: {  	v7 =	vld.idx.msk [tilespmem:v6+s2+$0x0], $0xffff;
	_ =	sdelay $0x4  }
0x1b4: {  	v13 =	vadd.s32 v1, v7;
	_ =	sdelay $0x4  }
0x1b5: {  	v9 =	vld.idx.msk [tilespmem:v13+s9+$0x0], $0xffff;
	_ =	sdelay $0x2  }
0x1b6: {  	v7 =	vadd.s32 $0x2A0, v0;
	_ =	sdelay $0x1  }
0x1b7: {  	v9 =	vadd.f32 $1.000000000e+00, v9;
	_ =	sdelay $0x1  }
0x1b8: {  	[tilespmem:v13+s9+$0x0] =	vst.idx.msk $0xffff, v9  }
0x1b9: {  	v8 =	vld.idx.msk [tilespmem:v7+s2+$0x0], $0xffff;
	_ =	sdelay $0x4  }
0x1ba: {  	v14 =	vadd.s32 v3, v8;
	_ =	sdelay $0x4  }
0x1bb: {  	v10 =	vld.idx.msk [tilespmem:v14+s9+$0x0], $0xffff;
	_ =	sdelay $0x2  }
0x1bc: {  	v8 =	vadd.s32 $0x21, v0;
	_ =	sdelay $0x1  }
0x1bd: {  	v10 =	vadd.f32 $1.000000000e+00, v10;
	_ =	sdelay $0x1  }
0x1be: {  	[tilespmem:v14+s9+$0x0] =	vst.idx.msk $0xffff, v10  }
0x1bf: {  	v9 =	vld.idx.msk [tilespmem:v8+s2+$0x0], $0xffff;
	_ =	sdelay $0x4  }
0x1c0: {  	v15 =	vadd.s32 v1, v9;
	_ =	sdelay $0x4  }
0x1c1: {  	v11 =	vld.idx.msk [tilespmem:v15+s9+$0x0], $0xffff;
	_ =	sdelay $0x2  }
0x1c2: {  	v9 =	vadd.s32 $0x2A1, v0;
	_ =	sdelay $0x1  }
0x1c3: {  	v11 =	vadd.f32 $1.000000000e+00, v11;
	_ =	sdelay $0x1  }
0x1c4: {  	[tilespmem:v15+s9+$0x0] =	vst.idx.msk $0xffff, v11  }
0x1c5: {  	v10 =	vld.idx.msk [tilespmem:v9+s2+$0x0], $0xffff;
	_ =	sdelay $0x4  }
0x1c6: {  	v16 =	vadd.s32 v3, v10;
	_ =	sdelay $0x4  }
0x1c7: {  	v12 =	vld.idx.msk [tilespmem:v16+s9+$0x0], $0xffff;
	_ =	sdelay $0x2  }
0x1c8: {  	v10 =	vadd.s32 $0x22, v0;
	_ =	sdelay $0x1  }
0x1c9: {  	v12 =	vadd.f32 $1.000000000e+00, v12;
	_ =	sdelay $0x1  }
0x1ca: {  	[tilespmem:v16+s9+$0x0] =	vst.idx.msk $0xffff, v12  }
0x1cb: {  	v11 =	vld.idx.msk [tilespmem:v10+s2+$0x0], $0xffff;
	_ =	sdelay $0x4  }
0x1cc: {  	v17 =	vadd.s32 v1, v11;
	_ =	sdelay $0x4  }
0x1cd: {  	v13 =	vld.idx.msk [tilespmem:v17+s9+$0x0], $0xffff;
	_ =	sdelay $0x2  }
0x1ce: {  	v11 =	vadd.s32 $0x2A2, v0;
	_ =	sdelay $0x1  }
0x1cf: {  	v13 =	vadd.f32 $1.000000000e+00, v13;
	_ =	sdelay $0x1  }
0x1d0: {  	[tilespmem:v17+s9+$0x0] =	vst.idx.msk $0xffff, v13  }
0x1d1: {  	v12 =	vld.idx.msk [tilespmem:v11+s2+$0x0], $0xffff;
	_ =	sdelay $0x4  }
0x1d2: {  	v18 =	vadd.s32 v3, v12;
	_ =	sdelay $0x4  }
0x1d3: {  	v14 =	vld.idx.msk [tilespmem:v18+s9+$0x0], $0xffff;
	_ =	sdelay $0x2  }
0x1d4: {  	v12 =	vadd.s32 $0x23, v0;
	_ =	sdelay $0x1  }
0x1d5: {  	v14 =	vadd.f32 $1.000000000e+00, v14;
	_ =	sdelay $0x1  }
0x1d6: {  	[tilespmem:v18+s9+$0x0] =	vst.idx.msk $0xffff, v14  }
0x1d7: {  	v13 =	vld.idx.msk [tilespmem:v12+s2+$0x0], $0xffff;
	_ =	sdelay $0x4  }
0x1d8: {  	v19 =	vadd.s32 v1, v13;
	_ =	sdelay $0x4  }
0x1d9: {  	v15 =	vld.idx.msk [tilespmem:v19+s9+$0x0], $0xffff;
	_ =	sdelay $0x2  }
0x1da: {  	v13 =	vadd.s32 $0x2A3, v0;
	_ =	sdelay $0x1  }
0x1db: {  	v15 =	vadd.f32 $1.000000000e+00, v15;
	_ =	sdelay $0x1  }
0x1dc: {  	[tilespmem:v19+s9+$0x0] =	vst.idx.msk $0xffff, v15  }
0x1dd: {  	v14 =	vld.idx.msk [tilespmem:v13+s2+$0x0], $0xffff;
	_ =	sdelay $0x4  }
0x1de: {  	v20 =	vadd.s32 v3, v14;
	_ =	sdelay $0x4  }
0x1df: {  	v16 =	vld.idx.msk [tilespmem:v20+s9+$0x0], $0xffff;
	_ =	sdelay $0x2  }
0x1e0: {  	v14 =	vadd.s32 $0x24, v0;
	_ =	sdelay $0x1  }
0x1e1: {  	v16 =	vadd.f32 $1.000000000e+00, v16;
	_ =	sdelay $0x1  }
0x1e2: {  	[tilespmem:v20+s9+$0x0] =	vst.idx.msk $0xffff, v16  }
0x1e3: {  	v15 =	vld.idx.msk [tilespmem:v14+s2+$0x0], $0xffff;
	_ =	sdelay $0x4  }
0x1e4: {  	v21 =	vadd.s32 v1, v15;
	_ =	sdelay $0x4  }
0x1e5: {  	v17 =	vld.idx.msk [tilespmem:v21+s9+$0x0], $0xffff;
	_ =	sdelay $0x2  }
0x1e6: {  	v15 =	vadd.s32 $0x2A4, v0;
	_ =	sdelay $0x1  }
0x1e7: {  	v17 =	vadd.f32 $1.000000000e+00, v17;
	_ =	sdelay $0x1  }
0x1e8: {  	[tilespmem:v21+s9+$0x0] =	vst.idx.msk $0xffff, v17  }
0x1e9: {  	v16 =	vld.idx.msk [tilespmem:v15+s2+$0x0], $0xffff;
	_ =	sdelay $0x4  }
0x1ea: {  	v22 =	vadd.s32 v3, v16;
	_ =	sdelay $0x4  }
0x1eb: {  	v18 =	vld.idx.msk [tilespmem:v22+s9+$0x0], $0xffff;
	_ =	sdelay $0x2  }
0x1ec: {  	v16 =	vadd.s32 $0x25, v0;
	_ =	sdelay $0x1  }
0x1ed: {  	v18 =	vadd.f32 $1.000000000e+00, v18;
	_ =	sdelay $0x1  }
0x1ee: {  	[tilespmem:v22+s9+$0x0] =	vst.idx.msk $0xffff, v18  }
0x1ef: {  	v17 =	vld.idx.msk [tilespmem:v16+s2+$0x0], $0xffff;
	_ =	sdelay $0x4  }
0x1f0: {  	v23 =	vadd.s32 v1, v17;
	_ =	sdelay $0x4  }
0x1f1: {  	v19 =	vld.idx.msk [tilespmem:v23+s9+$0x0], $0xffff;
	_ =	sdelay $0x2  }
0x1f2: {  	v17 =	vadd.s32 $0x2A5, v0;
	_ =	sdelay $0x1  }
0x1f3: {  	v19 =	vadd.f32 $1.000000000e+00, v19;
	_ =	sdelay $0x1  }
0x1f4: {  	[tilespmem:v23+s9+$0x0] =	vst.idx.msk $0xffff, v19  }
0x1f5: {  	v18 =	vld.idx.msk [tilespmem:v17+s2+$0x0], $0xffff;
	_ =	sdelay $0x4  }
0x1f6: {  	v19 =	vadd.s32 v3, v18;
	_ =	sdelay $0x4  }
0x1f7: {  	v20 =	vld.idx.msk [tilespmem:v19+s9+$0x0], $0xffff;
	_ =	sdelay $0x2  }
0x1f8: {  	v18 =	vadd.s32 $0x26, v0;
	_ =	sdelay $0x1  }
0x1f9: {  	v20 =	vadd.f32 $1.000000000e+00, v20;
	_ =	sdelay $0x1  }
0x1fa: {  	[tilespmem:v19+s9+$0x0] =	vst.idx.msk $0xffff, v20  }
0x1fb: {  	v19 =	vld.idx.msk [tilespmem:v18+s2+$0x0], $0xffff;
	_ =	sdelay $0x4  }
0x1fc: {  	v20 =	vadd.s32 v1, v19;
	_ =	sdelay $0x4  }
0x1fd: {  	v21 =	vld.idx.msk [tilespmem:v20+s9+$0x0], $0xffff;
	_ =	sdelay $0x2  }
0x1fe: {  	v19 =	vadd.s32 $0x2A6, v0;
	_ =	sdelay $0x1  }
0x1ff: {  	v21 =	vadd.f32 $1.000000000e+00, v21;
	_ =	sdelay $0x1  }
0x200: {  	[tilespmem:v20+s9+$0x0] =	vst.idx.msk $0xffff, v21  }
0x201: {  	v20 =	vld.idx.msk [tilespmem:v19+s2+$0x0], $0xffff;
	_ =	sdelay $0x4  }
0x202: {  	v21 =	vadd.s32 v3, v20;
	_ =	sdelay $0x4  }
0x203: {  	v22 =	vld.idx.msk [tilespmem:v21+s9+$0x0], $0xffff;
	_ =	sdelay $0x2  }
0x204: {  	v20 =	vadd.s32 $0x27, v0;
	_ =	sdelay $0x1  }
0x205: {  	v22 =	vadd.f32 $1.000000000e+00, v22;
	_ =	sdelay $0x1  }
0x206: {  	[tilespmem:v21+s9+$0x0] =	vst.idx.msk $0xffff, v22  }
0x207: {  	v21 =	vld.idx.msk [tilespmem:v20+s2+$0x0], $0xffff;
	_ =	sdelay $0x4  }
0x208: {  	v22 =	vadd.s32 v1, v21;
	_ =	sdelay $0x4  }
0x209: {  	v23 =	vld.idx.msk [tilespmem:v22+s9+$0x0], $0xffff;
	_ =	sdelay $0x2  }
0x20a: {  	v21 =	vadd.s32 $0x2A7, v0;
	_ =	sdelay $0x1  }
0x20b: {  	v23 =	vadd.f32 $1.000000000e+00, v23;
	_ =	sdelay $0x1  }
0x20c: {  	[tilespmem:v22+s9+$0x0] =	vst.idx.msk $0xffff, v23  }
0x20d: {  	v22 =	vld.idx.msk [tilespmem:v21+s2+$0x0], $0xffff;
	_ =	sdelay $0x4  }
0x20e: {  	v22 =	vadd.s32 v3, v22;
	_ =	sdelay $0x4  }
0x20f: {  	v23 =	vld.idx.msk [tilespmem:v22+s9+$0x0], $0xffff;
	_ =	sdelay $0x4  }
0x210: {  	v23 =	vadd.f32 $1.000000000e+00, v23;
	_ =	sdelay $0x1  }
0x211: {  	[tilespmem:v22+s9+$0x0] =	vst.idx.msk $0xffff, v23  }
0x212: {  	[hbm4b:s5+s2] =	stream.linear.scatter [tilespmem:s9], [sflag:$0x1], $0x10000, $0x38;
	[tilespmem:$0x10A00] =	vst v63  }
0x213: {  	_ =	swait.ge [sflag:s8], $0x10000  }
0x214: {  	[sflag:s8] =	ssyncset.done $0x0  }
0x215: {  	[sflag:s8] =	ssyncadd.s32 $0xFFFF0000  }
0x216: {  	v22 =	vld.idx.msk [tilespmem:v0+s2+$0x0], $0xffff;
	_ =	sdelay $0x4  }
0x217: {  	v22 =	vadd.s32 v1, v22;
	_ =	sdelay $0x4  }
0x218: {  	[tilespmem:v22+s9+$0x0] =	vst.idx.msk $0xffff, v63;
	v22 =	vld [tilespmem:$0x1FC40];
	_ =	sdelay $0x7  }
0x219: {  	v22 =	vld.idx.msk [tilespmem:v22+s2+$0x0], $0xffff;
	_ =	sdelay $0x4  }
0x21a: {  	v22 =	vadd.s32 v3, v22;
	_ =	sdelay $0x4  }
0x21b: {  	[tilespmem:v22+s9+$0x0] =	vst.idx.msk $0xffff, v63;
	v22 =	vld [tilespmem:$0x1FC50];
	_ =	sdelay $0x7  }
0x21c: {  	v22 =	vld.idx.msk [tilespmem:v22+s2+$0x0], $0xffff;
	_ =	sdelay $0x4  }
0x21d: {  	v22 =	vadd.s32 v1, v22;
	_ =	sdelay $0x4  }
0x21e: {  	[tilespmem:v22+s9+$0x0] =	vst.idx.msk $0xffff, v63;
	v22 =	vld [tilespmem:$0x1FC60];
	_ =	sdelay $0x7  }
0x21f: {  	v22 =	vld.idx.msk [tilespmem:v22+s2+$0x0], $0xffff;
	_ =	sdelay $0x4  }
0x220: {  	v22 =	vadd.s32 v3, v22;
	_ =	sdelay $0x4  }
0x221: {  	[tilespmem:v22+s9+$0x0] =	vst.idx.msk $0xffff, v63;
	v22 =	vld [tilespmem:$0x1FC70];
	_ =	sdelay $0x7  }
0x222: {  	v22 =	vld.idx.msk [tilespmem:v22+s2+$0x0], $0xffff;
	_ =	sdelay $0x4  }
0x223: {  	v22 =	vadd.s32 v1, v22;
	_ =	sdelay $0x4  }
0x224: {  	[tilespmem:v22+s9+$0x0] =	vst.idx.msk $0xffff, v63;
	v22 =	vld [tilespmem:$0x1FC80];
	_ =	sdelay $0x7  }
0x225: {  	v22 =	vld.idx.msk [tilespmem:v22+s2+$0x0], $0xffff;
	_ =	sdelay $0x4  }
0x226: {  	v22 =	vadd.s32 v3, v22;
	_ =	sdelay $0x4  }
0x227: {  	[tilespmem:v22+s9+$0x0] =	vst.idx.msk $0xffff, v63;
	v22 =	vld [tilespmem:$0x1FC90];
	_ =	sdelay $0x7  }
0x228: {  	v22 =	vld.idx.msk [tilespmem:v22+s2+$0x0], $0xffff;
	_ =	sdelay $0x4  }
0x229: {  	v22 =	vadd.s32 v1, v22;
	_ =	sdelay $0x4  }
0x22a: {  	[tilespmem:v22+s9+$0x0] =	vst.idx.msk $0xffff, v63;
	v22 =	vld [tilespmem:$0x1FCA0];
	_ =	sdelay $0x7  }
0x22b: {  	v22 =	vld.idx.msk [tilespmem:v22+s2+$0x0], $0xffff;
	_ =	sdelay $0x4  }
0x22c: {  	v22 =	vadd.s32 v3, v22;
	_ =	sdelay $0x4  }
0x22d: {  	[tilespmem:v22+s9+$0x0] =	vst.idx.msk $0xffff, v63;
	v22 =	vld [tilespmem:$0x1FCB0];
	_ =	sdelay $0x7  }
0x22e: {  	v22 =	vld.idx.msk [tilespmem:v22+s2+$0x0], $0xffff;
	_ =	sdelay $0x4  }
0x22f: {  	v22 =	vadd.s32 v1, v22;
	_ =	sdelay $0x4  }
0x230: {  	[tilespmem:v22+s9+$0x0] =	vst.idx.msk $0xffff, v63;
	v22 =	vld [tilespmem:$0x1FCC0];
	_ =	sdelay $0x7  }
0x231: {  	v22 =	vld.idx.msk [tilespmem:v22+s2+$0x0], $0xffff;
	_ =	sdelay $0x4  }
0x232: {  	v22 =	vadd.s32 v3, v22;
	_ =	sdelay $0x4  }
0x233: {  	[tilespmem:v22+s9+$0x0] =	vst.idx.msk $0xffff, v63;
	v22 =	vld [tilespmem:$0x1FCD0];
	_ =	sdelay $0x7  }
0x234: {  	v22 =	vld.idx.msk [tilespmem:v22+s2+$0x0], $0xffff;
	_ =	sdelay $0x4  }
0x235: {  	v22 =	vadd.s32 v1, v22;
	_ =	sdelay $0x4  }
0x236: {  	[tilespmem:v22+s9+$0x0] =	vst.idx.msk $0xffff, v63;
	v22 =	vld [tilespmem:$0x1FCE0];
	_ =	sdelay $0x7  }
0x237: {  	v22 =	vld.idx.msk [tilespmem:v22+s2+$0x0], $0xffff;
	_ =	sdelay $0x4  }
0x238: {  	v22 =	vadd.s32 v3, v22;
	_ =	sdelay $0x4  }
0x239: {  	[tilespmem:v22+s9+$0x0] =	vst.idx.msk $0xffff, v63;
	v22 =	vld [tilespmem:$0x1FCF0];
	_ =	sdelay $0x7  }
0x23a: {  	v22 =	vld.idx.msk [tilespmem:v22+s2+$0x0], $0xffff;
	_ =	sdelay $0x4  }
0x23b: {  	v22 =	vadd.s32 v1, v22;
	_ =	sdelay $0x4  }
0x23c: {  	[tilespmem:v22+s9+$0x0] =	vst.idx.msk $0xffff, v63;
	v22 =	vld [tilespmem:$0x1FD00];
	_ =	sdelay $0x7  }
0x23d: {  	v22 =	vld.idx.msk [tilespmem:v22+s2+$0x0], $0xffff;
	_ =	sdelay $0x4  }
0x23e: {  	v22 =	vadd.s32 v3, v22;
	_ =	sdelay $0x4  }
0x23f: {  	[tilespmem:v22+s9+$0x0] =	vst.idx.msk $0xffff, v63;
	v22 =	vld [tilespmem:$0x1FD10];
	_ =	sdelay $0x7  }
0x240: {  	v22 =	vld.idx.msk [tilespmem:v22+s2+$0x0], $0xffff;
	_ =	sdelay $0x4  }
0x241: {  	v22 =	vadd.s32 v1, v22;
	_ =	sdelay $0x4  }
0x242: {  	[tilespmem:v22+s9+$0x0] =	vst.idx.msk $0xffff, v63;
	v22 =	vld [tilespmem:$0x1FD20];
	_ =	sdelay $0x7  }
0x243: {  	v22 =	vld.idx.msk [tilespmem:v22+s2+$0x0], $0xffff;
	_ =	sdelay $0x4  }
0x244: {  	v22 =	vadd.s32 v3, v22;
	_ =	sdelay $0x4  }
0x245: {  	[tilespmem:v22+s9+$0x0] =	vst.idx.msk $0xffff, v63;
	v22 =	vld [tilespmem:$0x1FD30];
	_ =	sdelay $0x7  }
0x246: {  	v22 =	vld.idx.msk [tilespmem:v22+s2+$0x0], $0xffff;
	_ =	sdelay $0x4  }
0x247: {  	v22 =	vadd.s32 v1, v22;
	_ =	sdelay $0x4  }
0x248: {  	[tilespmem:v22+s9+$0x0] =	vst.idx.msk $0xffff, v63;
	v22 =	vld [tilespmem:$0x1FD40];
	_ =	sdelay $0x7  }
0x249: {  	v22 =	vld.idx.msk [tilespmem:v22+s2+$0x0], $0xffff;
	_ =	sdelay $0x4  }
0x24a: {  	v22 =	vadd.s32 v3, v22;
	_ =	sdelay $0x4  }
0x24b: {  	[tilespmem:v22+s9+$0x0] =	vst.idx.msk $0xffff, v63;
	v22 =	vld [tilespmem:$0x1FD50];
	_ =	sdelay $0x7  }
0x24c: {  	v22 =	vld.idx.msk [tilespmem:v22+s2+$0x0], $0xffff;
	_ =	sdelay $0x4  }
0x24d: {  	v22 =	vadd.s32 v1, v22;
	_ =	sdelay $0x4  }
0x24e: {  	[tilespmem:v22+s9+$0x0] =	vst.idx.msk $0xffff, v63;
	v22 =	vld [tilespmem:$0x1FD60];
	_ =	sdelay $0x7  }
0x24f: {  	v22 =	vld.idx.msk [tilespmem:v22+s2+$0x0], $0xffff;
	_ =	sdelay $0x4  }
0x250: {  	v22 =	vadd.s32 v3, v22;
	_ =	sdelay $0x4  }
0x251: {  	[tilespmem:v22+s9+$0x0] =	vst.idx.msk $0xffff, v63;
	v22 =	vld [tilespmem:$0x1FD70];
	_ =	sdelay $0x7  }
0x252: {  	v22 =	vld.idx.msk [tilespmem:v22+s2+$0x0], $0xffff;
	_ =	sdelay $0x4  }
0x253: {  	v22 =	vadd.s32 v1, v22;
	_ =	sdelay $0x4  }
0x254: {  	[tilespmem:v22+s9+$0x0] =	vst.idx.msk $0xffff, v63;
	v22 =	vld [tilespmem:$0x1FD80];
	_ =	sdelay $0x7  }
0x255: {  	v22 =	vld.idx.msk [tilespmem:v22+s2+$0x0], $0xffff;
	_ =	sdelay $0x4  }
0x256: {  	v22 =	vadd.s32 v3, v22;
	_ =	sdelay $0x4  }
0x257: {  	[tilespmem:v22+s9+$0x0] =	vst.idx.msk $0xffff, v63  }
0x258: {  	v22 =	vld.idx.msk [tilespmem:v45+s2+$0x0], $0xffff;
	_ =	sdelay $0x4  }
0x259: {  	v22 =	vadd.s32 v1, v22;
	_ =	sdelay $0x4  }
0x25a: {  	[tilespmem:v22+s9+$0x0] =	vst.idx.msk $0xffff, v63  }
0x25b: {  	v22 =	vld.idx.msk [tilespmem:v46+s2+$0x0], $0xffff;
	_ =	sdelay $0x4  }
0x25c: {  	v22 =	vadd.s32 v3, v22;
	_ =	sdelay $0x4  }
0x25d: {  	[tilespmem:v22+s9+$0x0] =	vst.idx.msk $0xffff, v63  }
0x25e: {  	v22 =	vld.idx.msk [tilespmem:v47+s2+$0x0], $0xffff;
	_ =	sdelay $0x4  }
0x25f: {  	v22 =	vadd.s32 v1, v22;
	_ =	sdelay $0x4  }
0x260: {  	[tilespmem:v22+s9+$0x0] =	vst.idx.msk $0xffff, v63  }
0x261: {  	v22 =	vld.idx.msk [tilespmem:v48+s2+$0x0], $0xffff;
	_ =	sdelay $0x4  }
0x262: {  	v22 =	vadd.s32 v3, v22;
	_ =	sdelay $0x4  }
0x263: {  	[tilespmem:v22+s9+$0x0] =	vst.idx.msk $0xffff, v63  }
0x264: {  	v22 =	vld.idx.msk [tilespmem:v49+s2+$0x0], $0xffff;
	_ =	sdelay $0x4  }
0x265: {  	v22 =	vadd.s32 v1, v22;
	_ =	sdelay $0x4  }
0x266: {  	[tilespmem:v22+s9+$0x0] =	vst.idx.msk $0xffff, v63  }
0x267: {  	v22 =	vld.idx.msk [tilespmem:v50+s2+$0x0], $0xffff;
	_ =	sdelay $0x4  }
0x268: {  	v22 =	vadd.s32 v3, v22;
	_ =	sdelay $0x4  }
0x269: {  	[tilespmem:v22+s9+$0x0] =	vst.idx.msk $0xffff, v63  }
0x26a: {  	v22 =	vld.idx.msk [tilespmem:v51+s2+$0x0], $0xffff;
	_ =	sdelay $0x4  }
0x26b: {  	v22 =	vadd.s32 v1, v22;
	_ =	sdelay $0x4  }
0x26c: {  	[tilespmem:v22+s9+$0x0] =	vst.idx.msk $0xffff, v63  }
0x26d: {  	v22 =	vld.idx.msk [tilespmem:v52+s2+$0x0], $0xffff;
	_ =	sdelay $0x4  }
0x26e: {  	v22 =	vadd.s32 v3, v22;
	_ =	sdelay $0x4  }
0x26f: {  	[tilespmem:v22+s9+$0x0] =	vst.idx.msk $0xffff, v63  }
0x270: {  	v22 =	vld.idx.msk [tilespmem:v53+s2+$0x0], $0xffff;
	_ =	sdelay $0x4  }
0x271: {  	v22 =	vadd.s32 v1, v22;
	_ =	sdelay $0x4  }
0x272: {  	[tilespmem:v22+s9+$0x0] =	vst.idx.msk $0xffff, v63  }
0x273: {  	v22 =	vld.idx.msk [tilespmem:v54+s2+$0x0], $0xffff;
	_ =	sdelay $0x4  }
0x274: {  	v22 =	vadd.s32 v3, v22;
	_ =	sdelay $0x4  }
0x275: {  	[tilespmem:v22+s9+$0x0] =	vst.idx.msk $0xffff, v63  }
0x276: {  	v22 =	vld.idx.msk [tilespmem:v55+s2+$0x0], $0xffff;
	_ =	sdelay $0x4  }
0x277: {  	v22 =	vadd.s32 v1, v22;
	_ =	sdelay $0x4  }
0x278: {  	[tilespmem:v22+s9+$0x0] =	vst.idx.msk $0xffff, v63  }
0x279: {  	v22 =	vld.idx.msk [tilespmem:v56+s2+$0x0], $0xffff;
	_ =	sdelay $0x4  }
0x27a: {  	v22 =	vadd.s32 v3, v22;
	_ =	sdelay $0x4  }
0x27b: {  	[tilespmem:v22+s9+$0x0] =	vst.idx.msk $0xffff, v63  }
0x27c: {  	v22 =	vld.idx.msk [tilespmem:v57+s2+$0x0], $0xffff;
	_ =	sdelay $0x4  }
0x27d: {  	v22 =	vadd.s32 v1, v22;
	_ =	sdelay $0x4  }
0x27e: {  	[tilespmem:v22+s9+$0x0] =	vst.idx.msk $0xffff, v63  }
0x27f: {  	v22 =	vld.idx.msk [tilespmem:v58+s2+$0x0], $0xffff;
	_ =	sdelay $0x4  }
0x280: {  	v22 =	vadd.s32 v3, v22;
	_ =	sdelay $0x4  }
0x281: {  	[tilespmem:v22+s9+$0x0] =	vst.idx.msk $0xffff, v63  }
0x282: {  	v22 =	vld.idx.msk [tilespmem:v59+s2+$0x0], $0xffff;
	_ =	sdelay $0x4  }
0x283: {  	v22 =	vadd.s32 v1, v22;
	_ =	sdelay $0x4  }
0x284: {  	[tilespmem:v22+s9+$0x0] =	vst.idx.msk $0xffff, v63  }
0x285: {  	v22 =	vld.idx.msk [tilespmem:v60+s2+$0x0], $0xffff;
	_ =	sdelay $0x4  }
0x286: {  	v22 =	vadd.s32 v3, v22;
	_ =	sdelay $0x4  }
0x287: {  	[tilespmem:v22+s9+$0x0] =	vst.idx.msk $0xffff, v63  }
0x288: {  	v22 =	vld.idx.msk [tilespmem:v61+s2+$0x0], $0xffff;
	_ =	sdelay $0x4  }
0x289: {  	v22 =	vadd.s32 v1, v22;
	_ =	sdelay $0x4  }
0x28a: {  	[tilespmem:v22+s9+$0x0] =	vst.idx.msk $0xffff, v63  }
0x28b: {  	v22 =	vld.idx.msk [tilespmem:v62+s2+$0x0], $0xffff;
	_ =	sdelay $0x4  }
0x28c: {  	v22 =	vadd.s32 v3, v22;
	_ =	sdelay $0x4  }
0x28d: {  	[tilespmem:v22+s9+$0x0] =	vst.idx.msk $0xffff, v63  }
0x28e: {  	v22 =	vld.idx.msk [tilespmem:v44+s2+$0x0], $0xffff;
	_ =	sdelay $0x4  }
0x28f: {  	v22 =	vadd.s32 v1, v22;
	_ =	sdelay $0x4  }
0x290: {  	[tilespmem:v22+s9+$0x0] =	vst.idx.msk $0xffff, v63  }
0x291: {  	v22 =	vld.idx.msk [tilespmem:v43+s2+$0x0], $0xffff;
	_ =	sdelay $0x4  }
0x292: {  	v22 =	vadd.s32 v3, v22;
	_ =	sdelay $0x4  }
0x293: {  	[tilespmem:v22+s9+$0x0] =	vst.idx.msk $0xffff, v63  }
0x294: {  	v22 =	vld.idx.msk [tilespmem:v42+s2+$0x0], $0xffff;
	_ =	sdelay $0x4  }
0x295: {  	v22 =	vadd.s32 v1, v22;
	_ =	sdelay $0x4  }
0x296: {  	[tilespmem:v22+s9+$0x0] =	vst.idx.msk $0xffff, v63  }
0x297: {  	v22 =	vld.idx.msk [tilespmem:v41+s2+$0x0], $0xffff;
	_ =	sdelay $0x4  }
0x298: {  	v22 =	vadd.s32 v3, v22;
	_ =	sdelay $0x4  }
0x299: {  	[tilespmem:v22+s9+$0x0] =	vst.idx.msk $0xffff, v63  }
0x29a: {  	v22 =	vld.idx.msk [tilespmem:v40+s2+$0x0], $0xffff;
	_ =	sdelay $0x4  }
0x29b: {  	v22 =	vadd.s32 v1, v22;
	_ =	sdelay $0x4  }
0x29c: {  	[tilespmem:v22+s9+$0x0] =	vst.idx.msk $0xffff, v63  }
0x29d: {  	v22 =	vld.idx.msk [tilespmem:v39+s2+$0x0], $0xffff;
	_ =	sdelay $0x4  }
0x29e: {  	v22 =	vadd.s32 v3, v22;
	_ =	sdelay $0x4  }
0x29f: {  	[tilespmem:v22+s9+$0x0] =	vst.idx.msk $0xffff, v63  }
0x2a0: {  	v22 =	vld.idx.msk [tilespmem:v38+s2+$0x0], $0xffff;
	_ =	sdelay $0x4  }
0x2a1: {  	v22 =	vadd.s32 v1, v22;
	_ =	sdelay $0x4  }
0x2a2: {  	[tilespmem:v22+s9+$0x0] =	vst.idx.msk $0xffff, v63  }
0x2a3: {  	v22 =	vld.idx.msk [tilespmem:v37+s2+$0x0], $0xffff;
	_ =	sdelay $0x4  }
0x2a4: {  	v22 =	vadd.s32 v3, v22;
	_ =	sdelay $0x4  }
0x2a5: {  	[tilespmem:v22+s9+$0x0] =	vst.idx.msk $0xffff, v63  }
0x2a6: {  	v22 =	vld.idx.msk [tilespmem:v36+s2+$0x0], $0xffff;
	_ =	sdelay $0x4  }
0x2a7: {  	v22 =	vadd.s32 v1, v22;
	_ =	sdelay $0x4  }
0x2a8: {  	[tilespmem:v22+s9+$0x0] =	vst.idx.msk $0xffff, v63  }
0x2a9: {  	v22 =	vld.idx.msk [tilespmem:v35+s2+$0x0], $0xffff;
	_ =	sdelay $0x4  }
0x2aa: {  	v22 =	vadd.s32 v3, v22;
	_ =	sdelay $0x4  }
0x2ab: {  	[tilespmem:v22+s9+$0x0] =	vst.idx.msk $0xffff, v63  }
0x2ac: {  	v22 =	vld.idx.msk [tilespmem:v34+s2+$0x0], $0xffff;
	_ =	sdelay $0x4  }
0x2ad: {  	v22 =	vadd.s32 v1, v22;
	_ =	sdelay $0x4  }
0x2ae: {  	[tilespmem:v22+s9+$0x0] =	vst.idx.msk $0xffff, v63  }
0x2af: {  	v22 =	vld.idx.msk [tilespmem:v33+s2+$0x0], $0xffff;
	_ =	sdelay $0x4  }
0x2b0: {  	v22 =	vadd.s32 v3, v22;
	_ =	sdelay $0x4  }
0x2b1: {  	[tilespmem:v22+s9+$0x0] =	vst.idx.msk $0xffff, v63  }
0x2b2: {  	v22 =	vld.idx.msk [tilespmem:v32+s2+$0x0], $0xffff;
	_ =	sdelay $0x4  }
0x2b3: {  	v22 =	vadd.s32 v1, v22;
	_ =	sdelay $0x4  }
0x2b4: {  	[tilespmem:v22+s9+$0x0] =	vst.idx.msk $0xffff, v63  }
0x2b5: {  	v22 =	vld.idx.msk [tilespmem:v31+s2+$0x0], $0xffff;
	_ =	sdelay $0x4  }
0x2b6: {  	v22 =	vadd.s32 v3, v22;
	_ =	sdelay $0x4  }
0x2b7: {  	[tilespmem:v22+s9+$0x0] =	vst.idx.msk $0xffff, v63  }
0x2b8: {  	v22 =	vld.idx.msk [tilespmem:v30+s2+$0x0], $0xffff;
	_ =	sdelay $0x4  }
0x2b9: {  	v22 =	vadd.s32 v1, v22;
	_ =	sdelay $0x4  }
0x2ba: {  	[tilespmem:v22+s9+$0x0] =	vst.idx.msk $0xffff, v63  }
0x2bb: {  	v22 =	vld.idx.msk [tilespmem:v29+s2+$0x0], $0xffff;
	_ =	sdelay $0x4  }
0x2bc: {  	v22 =	vadd.s32 v3, v22;
	_ =	sdelay $0x4  }
0x2bd: {  	[tilespmem:v22+s9+$0x0] =	vst.idx.msk $0xffff, v63  }
0x2be: {  	v22 =	vld.idx.msk [tilespmem:v28+s2+$0x0], $0xffff;
	_ =	sdelay $0x4  }
0x2bf: {  	v22 =	vadd.s32 v1, v22;
	_ =	sdelay $0x4  }
0x2c0: {  	[tilespmem:v22+s9+$0x0] =	vst.idx.msk $0xffff, v63  }
0x2c1: {  	v22 =	vld.idx.msk [tilespmem:v27+s2+$0x0], $0xffff;
	_ =	sdelay $0x4  }
0x2c2: {  	v22 =	vadd.s32 v3, v22;
	_ =	sdelay $0x4  }
0x2c3: {  	[tilespmem:v22+s9+$0x0] =	vst.idx.msk $0xffff, v63  }
0x2c4: {  	v22 =	vld.idx.msk [tilespmem:v26+s2+$0x0], $0xffff;
	_ =	sdelay $0x4  }
0x2c5: {  	v22 =	vadd.s32 v1, v22;
	_ =	sdelay $0x4  }
0x2c6: {  	[tilespmem:v22+s9+$0x0] =	vst.idx.msk $0xffff, v63  }
0x2c7: {  	v22 =	vld.idx.msk [tilespmem:v25+s2+$0x0], $0xffff;
	_ =	sdelay $0x4  }
0x2c8: {  	v22 =	vadd.s32 v3, v22;
	_ =	sdelay $0x4  }
0x2c9: {  	[tilespmem:v22+s9+$0x0] =	vst.idx.msk $0xffff, v63  }
0x2ca: {  	v22 =	vld.idx.msk [tilespmem:v24+s2+$0x0], $0xffff;
	_ =	sdelay $0x4  }
0x2cb: {  	v22 =	vadd.s32 v1, v22;
	_ =	sdelay $0x4  }
0x2cc: {  	[tilespmem:v22+s9+$0x0] =	vst.idx.msk $0xffff, v63  }
0x2cd: {  	v2 =	vld.idx.msk [tilespmem:v2+s2+$0x0], $0xffff;
	_ =	sdelay $0x4  }
0x2ce: {  	v2 =	vadd.s32 v3, v2;
	_ =	sdelay $0x4  }
0x2cf: {  	[tilespmem:v2+s9+$0x0] =	vst.idx.msk $0xffff, v63  }
0x2d0: {  	v2 =	vld.idx.msk [tilespmem:v4+s2+$0x0], $0xffff;
	_ =	sdelay $0x4  }
0x2d1: {  	v2 =	vadd.s32 v1, v2;
	_ =	sdelay $0x4  }
0x2d2: {  	[tilespmem:v2+s9+$0x0] =	vst.idx.msk $0xffff, v63  }
0x2d3: {  	v2 =	vld.idx.msk [tilespmem:v5+s2+$0x0], $0xffff;
	_ =	sdelay $0x4  }
0x2d4: {  	v2 =	vadd.s32 v3, v2;
	_ =	sdelay $0x4  }
0x2d5: {  	[tilespmem:v2+s9+$0x0] =	vst.idx.msk $0xffff, v63  }
0x2d6: {  	v2 =	vld.idx.msk [tilespmem:v6+s2+$0x0], $0xffff;
	_ =	sdelay $0x4  }
0x2d7: {  	v2 =	vadd.s32 v1, v2;
	_ =	sdelay $0x4  }
0x2d8: {  	[tilespmem:v2+s9+$0x0] =	vst.idx.msk $0xffff, v63  }
0x2d9: {  	v2 =	vld.idx.msk [tilespmem:v7+s2+$0x0], $0xffff;
	_ =	sdelay $0x4  }
0x2da: {  	v2 =	vadd.s32 v3, v2;
	_ =	sdelay $0x4  }
0x2db: {  	[tilespmem:v2+s9+$0x0] =	vst.idx.msk $0xffff, v63  }
0x2dc: {  	v2 =	vld.idx.msk [tilespmem:v8+s2+$0x0], $0xffff;
	_ =	sdelay $0x4  }
0x2dd: {  	v2 =	vadd.s32 v1, v2;
	_ =	sdelay $0x4  }
0x2de: {  	[tilespmem:v2+s9+$0x0] =	vst.idx.msk $0xffff, v63  }
0x2df: {  	v2 =	vld.idx.msk [tilespmem:v9+s2+$0x0], $0xffff;
	_ =	sdelay $0x4  }
0x2e0: {  	v2 =	vadd.s32 v3, v2;
	_ =	sdelay $0x4  }
0x2e1: {  	[tilespmem:v2+s9+$0x0] =	vst.idx.msk $0xffff, v63  }
0x2e2: {  	v2 =	vld.idx.msk [tilespmem:v10+s2+$0x0], $0xffff;
	_ =	sdelay $0x4  }
0x2e3: {  	v2 =	vadd.s32 v1, v2;
	_ =	sdelay $0x4  }
0x2e4: {  	[tilespmem:v2+s9+$0x0] =	vst.idx.msk $0xffff, v63  }
0x2e5: {  	v2 =	vld.idx.msk [tilespmem:v11+s2+$0x0], $0xffff;
	_ =	sdelay $0x4  }
0x2e6: {  	v2 =	vadd.s32 v3, v2;
	_ =	sdelay $0x4  }
0x2e7: {  	[tilespmem:v2+s9+$0x0] =	vst.idx.msk $0xffff, v63  }
0x2e8: {  	v2 =	vld.idx.msk [tilespmem:v12+s2+$0x0], $0xffff;
	_ =	sdelay $0x4  }
0x2e9: {  	v2 =	vadd.s32 v1, v2;
	_ =	sdelay $0x4  }
0x2ea: {  	[tilespmem:v2+s9+$0x0] =	vst.idx.msk $0xffff, v63  }
0x2eb: {  	v2 =	vld.idx.msk [tilespmem:v13+s2+$0x0], $0xffff;
	_ =	sdelay $0x4  }
0x2ec: {  	v2 =	vadd.s32 v3, v2;
	_ =	sdelay $0x4  }
0x2ed: {  	[tilespmem:v2+s9+$0x0] =	vst.idx.msk $0xffff, v63  }
0x2ee: {  	v2 =	vld.idx.msk [tilespmem:v14+s2+$0x0], $0xffff;
	_ =	sdelay $0x4  }
0x2ef: {  	v2 =	vadd.s32 v1, v2;
	_ =	sdelay $0x4  }
0x2f0: {  	[tilespmem:v2+s9+$0x0] =	vst.idx.msk $0xffff, v63  }
0x2f1: {  	v2 =	vld.idx.msk [tilespmem:v15+s2+$0x0], $0xffff;
	_ =	sdelay $0x4  }
0x2f2: {  	v2 =	vadd.s32 v3, v2;
	_ =	sdelay $0x4  }
0x2f3: {  	[tilespmem:v2+s9+$0x0] =	vst.idx.msk $0xffff, v63  }
0x2f4: {  	v2 =	vld.idx.msk [tilespmem:v16+s2+$0x0], $0xffff;
	_ =	sdelay $0x4  }
0x2f5: {  	v2 =	vadd.s32 v1, v2;
	_ =	sdelay $0x4  }
0x2f6: {  	[tilespmem:v2+s9+$0x0] =	vst.idx.msk $0xffff, v63  }
0x2f7: {  	v2 =	vld.idx.msk [tilespmem:v17+s2+$0x0], $0xffff;
	_ =	sdelay $0x4  }
0x2f8: {  	v2 =	vadd.s32 v3, v2;
	_ =	sdelay $0x4  }
0x2f9: {  	[tilespmem:v2+s9+$0x0] =	vst.idx.msk $0xffff, v63  }
0x2fa: {  	v2 =	vld.idx.msk [tilespmem:v18+s2+$0x0], $0xffff;
	_ =	sdelay $0x4  }
0x2fb: {  	v2 =	vadd.s32 v1, v2;
	_ =	sdelay $0x4  }
0x2fc: {  	[tilespmem:v2+s9+$0x0] =	vst.idx.msk $0xffff, v63  }
0x2fd: {  	v2 =	vld.idx.msk [tilespmem:v19+s2+$0x0], $0xffff;
	_ =	sdelay $0x4  }
0x2fe: {  	v2 =	vadd.s32 v3, v2;
	_ =	sdelay $0x4  }
0x2ff: {  	[tilespmem:v2+s9+$0x0] =	vst.idx.msk $0xffff, v63  }
0x300: {  	v2 =	vld.idx.msk [tilespmem:v20+s2+$0x0], $0xffff;
	_ =	sdelay $0x4  }
0x301: {  	v2 =	vadd.s32 v1, v2;
	_ =	sdelay $0x4  }
0x302: {  	[tilespmem:v2+s9+$0x0] =	vst.idx.msk $0xffff, v63  }
0x303: {  	v2 =	vld.idx.msk [tilespmem:v21+s2+$0x0], $0xffff;
	_ =	sdelay $0x4  }
0x304: {  	v2 =	vadd.s32 v3, v2  }
0x305: {  	v4 =	vadd.s32 $0x500, v0;
	_ =	sdelay $0x3  }
0x306: {  	[tilespmem:v2+s9+$0x0] =	vst.idx.msk $0xffff, v63  }
0x307: {  	v2 =	vld.idx.msk [tilespmem:v4+s2+$0x0], $0xffff;
	_ =	sdelay $0x4  }
0x308: {  	v2 =	vadd.s32 v1, v2;
	_ =	sdelay $0x4  }
0x309: {  	v4 =	vld.idx.msk [tilespmem:v2+s9+$0x0], $0xffff;
	_ =	sdelay $0x2  }
0x30a: {  	v5 =	vadd.s32 $0x780, v0;
	_ =	sdelay $0x1  }
0x30b: {  	v4 =	vadd.f32 $1.000000000e+00, v4;
	_ =	sdelay $0x1  }
0x30c: {  	[tilespmem:v2+s9+$0x0] =	vst.idx.msk $0xffff, v4  }
0x30d: {  	v2 =	vld.idx.msk [tilespmem:v5+s2+$0x0], $0xffff;
	_ =	sdelay $0x4  }
0x30e: {  	v2 =	vadd.s32 v3, v2;
	_ =	sdelay $0x4  }
0x30f: {  	v4 =	vld.idx.msk [tilespmem:v2+s9+$0x0], $0xffff;
	_ =	sdelay $0x2  }
0x310: {  	v5 =	vadd.s32 $0x501, v0;
	_ =	sdelay $0x1  }
0x311: {  	v4 =	vadd.f32 $1.000000000e+00, v4;
	_ =	sdelay $0x1  }
0x312: {  	[tilespmem:v2+s9+$0x0] =	vst.idx.msk $0xffff, v4  }
0x313: {  	v2 =	vld.idx.msk [tilespmem:v5+s2+$0x0], $0xffff;
	_ =	sdelay $0x4  }
0x314: {  	v2 =	vadd.s32 v1, v2;
	_ =	sdelay $0x4  }
0x315: {  	v4 =	vld.idx.msk [tilespmem:v2+s9+$0x0], $0xffff;
	_ =	sdelay $0x2  }
0x316: {  	v5 =	vadd.s32 $0x781, v0;
	_ =	sdelay $0x1  }
0x317: {  	v4 =	vadd.f32 $1.000000000e+00, v4;
	_ =	sdelay $0x1  }
0x318: {  	[tilespmem:v2+s9+$0x0] =	vst.idx.msk $0xffff, v4  }
0x319: {  	v2 =	vld.idx.msk [tilespmem:v5+s2+$0x0], $0xffff;
	_ =	sdelay $0x4  }
0x31a: {  	v2 =	vadd.s32 v3, v2;
	_ =	sdelay $0x4  }
0x31b: {  	v4 =	vld.idx.msk [tilespmem:v2+s9+$0x0], $0xffff;
	_ =	sdelay $0x2  }
0x31c: {  	v5 =	vadd.s32 $0x502, v0;
	_ =	sdelay $0x1  }
0x31d: {  	v4 =	vadd.f32 $1.000000000e+00, v4;
	_ =	sdelay $0x1  }
0x31e: {  	[tilespmem:v2+s9+$0x0] =	vst.idx.msk $0xffff, v4  }
0x31f: {  	v2 =	vld.idx.msk [tilespmem:v5+s2+$0x0], $0xffff;
	_ =	sdelay $0x4  }
0x320: {  	v2 =	vadd.s32 v1, v2;
	_ =	sdelay $0x4  }
0x321: {  	v4 =	vld.idx.msk [tilespmem:v2+s9+$0x0], $0xffff;
	_ =	sdelay $0x2  }
0x322: {  	v5 =	vadd.s32 $0x782, v0;
	_ =	sdelay $0x1  }
0x323: {  	v4 =	vadd.f32 $1.000000000e+00, v4;
	_ =	sdelay $0x1  }
0x324: {  	[tilespmem:v2+s9+$0x0] =	vst.idx.msk $0xffff, v4  }
0x325: {  	v2 =	vld.idx.msk [tilespmem:v5+s2+$0x0], $0xffff;
	_ =	sdelay $0x4  }
0x326: {  	v2 =	vadd.s32 v3, v2;
	_ =	sdelay $0x4  }
0x327: {  	v4 =	vld.idx.msk [tilespmem:v2+s9+$0x0], $0xffff;
	_ =	sdelay $0x2  }
0x328: {  	v5 =	vadd.s32 $0x503, v0;
	_ =	sdelay $0x1  }
0x329: {  	v4 =	vadd.f32 $1.000000000e+00, v4;
	_ =	sdelay $0x1  }
0x32a: {  	[tilespmem:v2+s9+$0x0] =	vst.idx.msk $0xffff, v4  }
0x32b: {  	v2 =	vld.idx.msk [tilespmem:v5+s2+$0x0], $0xffff;
	_ =	sdelay $0x4  }
0x32c: {  	v2 =	vadd.s32 v1, v2;
	_ =	sdelay $0x4  }
0x32d: {  	v4 =	vld.idx.msk [tilespmem:v2+s9+$0x0], $0xffff;
	_ =	sdelay $0x2  }
0x32e: {  	v5 =	vadd.s32 $0x783, v0;
	_ =	sdelay $0x1  }
0x32f: {  	v4 =	vadd.f32 $1.000000000e+00, v4;
	_ =	sdelay $0x1  }
0x330: {  	[tilespmem:v2+s9+$0x0] =	vst.idx.msk $0xffff, v4  }
0x331: {  	v2 =	vld.idx.msk [tilespmem:v5+s2+$0x0], $0xffff;
	_ =	sdelay $0x4  }
0x332: {  	v2 =	vadd.s32 v3, v2;
	_ =	sdelay $0x4  }
0x333: {  	v4 =	vld.idx.msk [tilespmem:v2+s9+$0x0], $0xffff;
	_ =	sdelay $0x2  }
0x334: {  	v5 =	vadd.s32 $0x504, v0;
	_ =	sdelay $0x1  }
0x335: {  	v4 =	vadd.f32 $1.000000000e+00, v4;
	_ =	sdelay $0x1  }
0x336: {  	[tilespmem:v2+s9+$0x0] =	vst.idx.msk $0xffff, v4  }
0x337: {  	v2 =	vld.idx.msk [tilespmem:v5+s2+$0x0], $0xffff;
	_ =	sdelay $0x4  }
0x338: {  	v2 =	vadd.s32 v1, v2;
	_ =	sdelay $0x4  }
0x339: {  	v4 =	vld.idx.msk [tilespmem:v2+s9+$0x0], $0xffff;
	_ =	sdelay $0x2  }
0x33a: {  	v5 =	vadd.s32 $0x784, v0;
	_ =	sdelay $0x1  }
0x33b: {  	v4 =	vadd.f32 $1.000000000e+00, v4;
	_ =	sdelay $0x1  }
0x33c: {  	[tilespmem:v2+s9+$0x0] =	vst.idx.msk $0xffff, v4  }
0x33d: {  	v2 =	vld.idx.msk [tilespmem:v5+s2+$0x0], $0xffff;
	_ =	sdelay $0x4  }
0x33e: {  	v2 =	vadd.s32 v3, v2;
	_ =	sdelay $0x4  }
0x33f: {  	v4 =	vld.idx.msk [tilespmem:v2+s9+$0x0], $0xffff;
	_ =	sdelay $0x2  }
0x340: {  	v5 =	vadd.s32 $0x505, v0;
	_ =	sdelay $0x1  }
0x341: {  	v4 =	vadd.f32 $1.000000000e+00, v4;
	_ =	sdelay $0x1  }
0x342: {  	[tilespmem:v2+s9+$0x0] =	vst.idx.msk $0xffff, v4  }
0x343: {  	v2 =	vld.idx.msk [tilespmem:v5+s2+$0x0], $0xffff;
	_ =	sdelay $0x4  }
0x344: {  	v2 =	vadd.s32 v1, v2;
	_ =	sdelay $0x4  }
0x345: {  	v4 =	vld.idx.msk [tilespmem:v2+s9+$0x0], $0xffff;
	_ =	sdelay $0x2  }
0x346: {  	v5 =	vadd.s32 $0x785, v0;
	_ =	sdelay $0x1  }
0x347: {  	v4 =	vadd.f32 $1.000000000e+00, v4;
	_ =	sdelay $0x1  }
0x348: {  	[tilespmem:v2+s9+$0x0] =	vst.idx.msk $0xffff, v4  }
0x349: {  	v2 =	vld.idx.msk [tilespmem:v5+s2+$0x0], $0xffff;
	_ =	sdelay $0x4  }
0x34a: {  	v2 =	vadd.s32 v3, v2;
	_ =	sdelay $0x4  }
0x34b: {  	v4 =	vld.idx.msk [tilespmem:v2+s9+$0x0], $0xffff;
	_ =	sdelay $0x2  }
0x34c: {  	v5 =	vadd.s32 $0x506, v0;
	_ =	sdelay $0x1  }
0x34d: {  	v4 =	vadd.f32 $1.000000000e+00, v4;
	_ =	sdelay $0x1  }
0x34e: {  	[tilespmem:v2+s9+$0x0] =	vst.idx.msk $0xffff, v4  }
0x34f: {  	v2 =	vld.idx.msk [tilespmem:v5+s2+$0x0], $0xffff;
	_ =	sdelay $0x4  }
0x350: {  	v2 =	vadd.s32 v1, v2;
	_ =	sdelay $0x4  }
0x351: {  	v4 =	vld.idx.msk [tilespmem:v2+s9+$0x0], $0xffff;
	_ =	sdelay $0x2  }
0x352: {  	v5 =	vadd.s32 $0x786, v0;
	_ =	sdelay $0x1  }
0x353: {  	v4 =	vadd.f32 $1.000000000e+00, v4;
	_ =	sdelay $0x1  }
0x354: {  	[tilespmem:v2+s9+$0x0] =	vst.idx.msk $0xffff, v4  }
0x355: {  	v2 =	vld.idx.msk [tilespmem:v5+s2+$0x0], $0xffff;
	_ =	sdelay $0x4  }
0x356: {  	v2 =	vadd.s32 v3, v2;
	_ =	sdelay $0x4  }
0x357: {  	v4 =	vld.idx.msk [tilespmem:v2+s9+$0x0], $0xffff;
	_ =	sdelay $0x2  }
0x358: {  	v5 =	vadd.s32 $0x507, v0;
	_ =	sdelay $0x1  }
0x359: {  	v4 =	vadd.f32 $1.000000000e+00, v4;
	_ =	sdelay $0x1  }
0x35a: {  	[tilespmem:v2+s9+$0x0] =	vst.idx.msk $0xffff, v4  }
0x35b: {  	v2 =	vld.idx.msk [tilespmem:v5+s2+$0x0], $0xffff;
	_ =	sdelay $0x4  }
0x35c: {  	v2 =	vadd.s32 v1, v2;
	_ =	sdelay $0x4  }
0x35d: {  	v4 =	vld.idx.msk [tilespmem:v2+s9+$0x0], $0xffff;
	_ =	sdelay $0x2  }
0x35e: {  	v5 =	vadd.s32 $0x787, v0;
	_ =	sdelay $0x1  }
0x35f: {  	v4 =	vadd.f32 $1.000000000e+00, v4;
	_ =	sdelay $0x1  }
0x360: {  	[tilespmem:v2+s9+$0x0] =	vst.idx.msk $0xffff, v4  }
0x361: {  	v2 =	vld.idx.msk [tilespmem:v5+s2+$0x0], $0xffff;
	_ =	sdelay $0x4  }
0x362: {  	v2 =	vadd.s32 v3, v2;
	_ =	sdelay $0x4  }
0x363: {  	v4 =	vld.idx.msk [tilespmem:v2+s9+$0x0], $0xffff;
	_ =	sdelay $0x2  }
0x364: {  	v5 =	vadd.s32 $0x508, v0;
	_ =	sdelay $0x1  }
0x365: {  	v4 =	vadd.f32 $1.000000000e+00, v4;
	_ =	sdelay $0x1  }
0x366: {  	[tilespmem:v2+s9+$0x0] =	vst.idx.msk $0xffff, v4  }
0x367: {  	v2 =	vld.idx.msk [tilespmem:v5+s2+$0x0], $0xffff;
	_ =	sdelay $0x4  }
0x368: {  	v2 =	vadd.s32 v1, v2;
	_ =	sdelay $0x4  }
0x369: {  	v4 =	vld.idx.msk [tilespmem:v2+s9+$0x0], $0xffff;
	_ =	sdelay $0x2  }
0x36a: {  	v5 =	vadd.s32 $0x788, v0;
	_ =	sdelay $0x1  }
0x36b: {  	v4 =	vadd.f32 $1.000000000e+00, v4;
	_ =	sdelay $0x1  }
0x36c: {  	[tilespmem:v2+s9+$0x0] =	vst.idx.msk $0xffff, v4  }
0x36d: {  	v2 =	vld.idx.msk [tilespmem:v5+s2+$0x0], $0xffff;
	_ =	sdelay $0x4  }
0x36e: {  	v2 =	vadd.s32 v3, v2;
	_ =	sdelay $0x4  }
0x36f: {  	v4 =	vld.idx.msk [tilespmem:v2+s9+$0x0], $0xffff;
	_ =	sdelay $0x2  }
0x370: {  	v5 =	vadd.s32 $0x509, v0;
	_ =	sdelay $0x1  }
0x371: {  	v4 =	vadd.f32 $1.000000000e+00, v4;
	_ =	sdelay $0x1  }
0x372: {  	[tilespmem:v2+s9+$0x0] =	vst.idx.msk $0xffff, v4  }
0x373: {  	v2 =	vld.idx.msk [tilespmem:v5+s2+$0x0], $0xffff;
	_ =	sdelay $0x4  }
0x374: {  	v2 =	vadd.s32 v1, v2;
	_ =	sdelay $0x4  }
0x375: {  	v4 =	vld.idx.msk [tilespmem:v2+s9+$0x0], $0xffff;
	_ =	sdelay $0x2  }
0x376: {  	v5 =	vadd.s32 $0x789, v0;
	_ =	sdelay $0x1  }
0x377: {  	v4 =	vadd.f32 $1.000000000e+00, v4;
	_ =	sdelay $0x1  }
0x378: {  	[tilespmem:v2+s9+$0x0] =	vst.idx.msk $0xffff, v4  }
0x379: {  	v2 =	vld.idx.msk [tilespmem:v5+s2+$0x0], $0xffff;
	_ =	sdelay $0x4  }
0x37a: {  	v2 =	vadd.s32 v3, v2;
	_ =	sdelay $0x4  }
0x37b: {  	v4 =	vld.idx.msk [tilespmem:v2+s9+$0x0], $0xffff;
	_ =	sdelay $0x2  }
0x37c: {  	v5 =	vadd.s32 $0x50A, v0;
	_ =	sdelay $0x1  }
0x37d: {  	v4 =	vadd.f32 $1.000000000e+00, v4;
	_ =	sdelay $0x1  }
0x37e: {  	[tilespmem:v2+s9+$0x0] =	vst.idx.msk $0xffff, v4  }
0x37f: {  	v2 =	vld.idx.msk [tilespmem:v5+s2+$0x0], $0xffff;
	_ =	sdelay $0x4  }
0x380: {  	v2 =	vadd.s32 v1, v2;
	_ =	sdelay $0x4  }
0x381: {  	v4 =	vld.idx.msk [tilespmem:v2+s9+$0x0], $0xffff;
	_ =	sdelay $0x2  }
0x382: {  	v5 =	vadd.s32 $0x78A, v0;
	_ =	sdelay $0x1  }
0x383: {  	v4 =	vadd.f32 $1.000000000e+00, v4;
	_ =	sdelay $0x1  }
0x384: {  	[tilespmem:v2+s9+$0x0] =	vst.idx.msk $0xffff, v4  }
0x385: {  	v2 =	vld.idx.msk [tilespmem:v5+s2+$0x0], $0xffff;
	_ =	sdelay $0x4  }
0x386: {  	v2 =	vadd.s32 v3, v2;
	_ =	sdelay $0x4  }
0x387: {  	v4 =	vld.idx.msk [tilespmem:v2+s9+$0x0], $0xffff;
	_ =	sdelay $0x2  }
0x388: {  	v5 =	vadd.s32 $0x50B, v0;
	_ =	sdelay $0x1  }
0x389: {  	v4 =	vadd.f32 $1.000000000e+00, v4;
	_ =	sdelay $0x1  }
0x38a: {  	[tilespmem:v2+s9+$0x0] =	vst.idx.msk $0xffff, v4  }
0x38b: {  	v2 =	vld.idx.msk [tilespmem:v5+s2+$0x0], $0xffff;
	_ =	sdelay $0x4  }
0x38c: {  	v2 =	vadd.s32 v1, v2;
	_ =	sdelay $0x4  }
0x38d: {  	v4 =	vld.idx.msk [tilespmem:v2+s9+$0x0], $0xffff;
	_ =	sdelay $0x2  }
0x38e: {  	v5 =	vadd.s32 $0x78B, v0;
	_ =	sdelay $0x1  }
0x38f: {  	v4 =	vadd.f32 $1.000000000e+00, v4;
	_ =	sdelay $0x1  }
0x390: {  	[tilespmem:v2+s9+$0x0] =	vst.idx.msk $0xffff, v4  }
0x391: {  	v2 =	vld.idx.msk [tilespmem:v5+s2+$0x0], $0xffff;
	_ =	sdelay $0x4  }
0x392: {  	v2 =	vadd.s32 v3, v2;
	_ =	sdelay $0x4  }
0x393: {  	v4 =	vld.idx.msk [tilespmem:v2+s9+$0x0], $0xffff;
	_ =	sdelay $0x2  }
0x394: {  	v5 =	vadd.s32 $0x50C, v0;
	_ =	sdelay $0x1  }
0x395: {  	v4 =	vadd.f32 $1.000000000e+00, v4;
	_ =	sdelay $0x1  }
0x396: {  	[tilespmem:v2+s9+$0x0] =	vst.idx.msk $0xffff, v4  }
0x397: {  	v2 =	vld.idx.msk [tilespmem:v5+s2+$0x0], $0xffff;
	_ =	sdelay $0x4  }
0x398: {  	v2 =	vadd.s32 v1, v2;
	_ =	sdelay $0x4  }
0x399: {  	v4 =	vld.idx.msk [tilespmem:v2+s9+$0x0], $0xffff;
	_ =	sdelay $0x2  }
0x39a: {  	v5 =	vadd.s32 $0x78C, v0;
	_ =	sdelay $0x1  }
0x39b: {  	v4 =	vadd.f32 $1.000000000e+00, v4;
	_ =	sdelay $0x1  }
0x39c: {  	[tilespmem:v2+s9+$0x0] =	vst.idx.msk $0xffff, v4  }
0x39d: {  	v2 =	vld.idx.msk [tilespmem:v5+s2+$0x0], $0xffff;
	_ =	sdelay $0x4  }
0x39e: {  	v2 =	vadd.s32 v3, v2;
	_ =	sdelay $0x4  }
0x39f: {  	v4 =	vld.idx.msk [tilespmem:v2+s9+$0x0], $0xffff;
	_ =	sdelay $0x2  }
0x3a0: {  	v5 =	vadd.s32 $0x50D, v0;
	_ =	sdelay $0x1  }
0x3a1: {  	v4 =	vadd.f32 $1.000000000e+00, v4;
	_ =	sdelay $0x1  }
0x3a2: {  	[tilespmem:v2+s9+$0x0] =	vst.idx.msk $0xffff, v4  }
0x3a3: {  	v2 =	vld.idx.msk [tilespmem:v5+s2+$0x0], $0xffff;
	_ =	sdelay $0x4  }
0x3a4: {  	v2 =	vadd.s32 v1, v2;
	_ =	sdelay $0x4  }
0x3a5: {  	v4 =	vld.idx.msk [tilespmem:v2+s9+$0x0], $0xffff;
	_ =	sdelay $0x2  }
0x3a6: {  	v5 =	vadd.s32 $0x78D, v0;
	_ =	sdelay $0x1  }
0x3a7: {  	v4 =	vadd.f32 $1.000000000e+00, v4;
	_ =	sdelay $0x1  }
0x3a8: {  	[tilespmem:v2+s9+$0x0] =	vst.idx.msk $0xffff, v4  }
0x3a9: {  	v2 =	vld.idx.msk [tilespmem:v5+s2+$0x0], $0xffff;
	_ =	sdelay $0x4  }
0x3aa: {  	v2 =	vadd.s32 v3, v2;
	_ =	sdelay $0x4  }
0x3ab: {  	v4 =	vld.idx.msk [tilespmem:v2+s9+$0x0], $0xffff;
	_ =	sdelay $0x2  }
0x3ac: {  	v5 =	vadd.s32 $0x50E, v0;
	_ =	sdelay $0x1  }
0x3ad: {  	v4 =	vadd.f32 $1.000000000e+00, v4;
	_ =	sdelay $0x1  }
0x3ae: {  	[tilespmem:v2+s9+$0x0] =	vst.idx.msk $0xffff, v4  }
0x3af: {  	v2 =	vld.idx.msk [tilespmem:v5+s2+$0x0], $0xffff;
	_ =	sdelay $0x4  }
0x3b0: {  	v2 =	vadd.s32 v1, v2;
	_ =	sdelay $0x4  }
0x3b1: {  	v4 =	vld.idx.msk [tilespmem:v2+s9+$0x0], $0xffff;
	_ =	sdelay $0x2  }
0x3b2: {  	v5 =	vadd.s32 $0x78E, v0;
	_ =	sdelay $0x1  }
0x3b3: {  	v4 =	vadd.f32 $1.000000000e+00, v4;
	_ =	sdelay $0x1  }
0x3b4: {  	[tilespmem:v2+s9+$0x0] =	vst.idx.msk $0xffff, v4  }
0x3b5: {  	v2 =	vld.idx.msk [tilespmem:v5+s2+$0x0], $0xffff;
	_ =	sdelay $0x4  }
0x3b6: {  	v2 =	vadd.s32 v3, v2;
	_ =	sdelay $0x4  }
0x3b7: {  	v4 =	vld.idx.msk [tilespmem:v2+s9+$0x0], $0xffff;
	_ =	sdelay $0x2  }
0x3b8: {  	v5 =	vadd.s32 $0x50F, v0;
	_ =	sdelay $0x1  }
0x3b9: {  	v4 =	vadd.f32 $1.000000000e+00, v4;
	_ =	sdelay $0x1  }
0x3ba: {  	[tilespmem:v2+s9+$0x0] =	vst.idx.msk $0xffff, v4  }
0x3bb: {  	v2 =	vld.idx.msk [tilespmem:v5+s2+$0x0], $0xffff;
	_ =	sdelay $0x4  }
0x3bc: {  	v2 =	vadd.s32 v1, v2;
	_ =	sdelay $0x4  }
0x3bd: {  	v4 =	vld.idx.msk [tilespmem:v2+s9+$0x0], $0xffff;
	_ =	sdelay $0x2  }
0x3be: {  	v5 =	vadd.s32 $0x78F, v0;
	_ =	sdelay $0x1  }
0x3bf: {  	v4 =	vadd.f32 $1.000000000e+00, v4;
	_ =	sdelay $0x1  }
0x3c0: {  	[tilespmem:v2+s9+$0x0] =	vst.idx.msk $0xffff, v4  }
0x3c1: {  	v2 =	vld.idx.msk [tilespmem:v5+s2+$0x0], $0xffff;
	_ =	sdelay $0x4  }
0x3c2: {  	v2 =	vadd.s32 v3, v2;
	_ =	sdelay $0x4  }
0x3c3: {  	v4 =	vld.idx.msk [tilespmem:v2+s9+$0x0], $0xffff;
	_ =	sdelay $0x2  }
0x3c4: {  	v5 =	vadd.s32 $0x510, v0;
	_ =	sdelay $0x1  }
0x3c5: {  	v4 =	vadd.f32 $1.000000000e+00, v4;
	_ =	sdelay $0x1  }
0x3c6: {  	[tilespmem:v2+s9+$0x0] =	vst.idx.msk $0xffff, v4  }
0x3c7: {  	v2 =	vld.idx.msk [tilespmem:v5+s2+$0x0], $0xffff;
	_ =	sdelay $0x4  }
0x3c8: {  	v2 =	vadd.s32 v1, v2;
	_ =	sdelay $0x4  }
0x3c9: {  	v4 =	vld.idx.msk [tilespmem:v2+s9+$0x0], $0xffff;
	_ =	sdelay $0x2  }
0x3ca: {  	v5 =	vadd.s32 $0x790, v0;
	_ =	sdelay $0x1  }
0x3cb: {  	v4 =	vadd.f32 $1.000000000e+00, v4;
	_ =	sdelay $0x1  }
0x3cc: {  	[tilespmem:v2+s9+$0x0] =	vst.idx.msk $0xffff, v4  }
0x3cd: {  	v2 =	vld.idx.msk [tilespmem:v5+s2+$0x0], $0xffff;
	_ =	sdelay $0x4  }
0x3ce: {  	v2 =	vadd.s32 v3, v2;
	_ =	sdelay $0x4  }
0x3cf: {  	v4 =	vld.idx.msk [tilespmem:v2+s9+$0x0], $0xffff;
	_ =	sdelay $0x2  }
0x3d0: {  	v5 =	vadd.s32 $0x511, v0;
	_ =	sdelay $0x1  }
0x3d1: {  	v4 =	vadd.f32 $1.000000000e+00, v4;
	_ =	sdelay $0x1  }
0x3d2: {  	[tilespmem:v2+s9+$0x0] =	vst.idx.msk $0xffff, v4  }
0x3d3: {  	v2 =	vld.idx.msk [tilespmem:v5+s2+$0x0], $0xffff;
	_ =	sdelay $0x4  }
0x3d4: {  	v2 =	vadd.s32 v1, v2;
	_ =	sdelay $0x4  }
0x3d5: {  	v4 =	vld.idx.msk [tilespmem:v2+s9+$0x0], $0xffff;
	_ =	sdelay $0x2  }
0x3d6: {  	v5 =	vadd.s32 $0x791, v0;
	_ =	sdelay $0x1  }
0x3d7: {  	v4 =	vadd.f32 $1.000000000e+00, v4;
	_ =	sdelay $0x1  }
0x3d8: {  	[tilespmem:v2+s9+$0x0] =	vst.idx.msk $0xffff, v4  }
0x3d9: {  	v2 =	vld.idx.msk [tilespmem:v5+s2+$0x0], $0xffff;
	_ =	sdelay $0x4  }
0x3da: {  	v2 =	vadd.s32 v3, v2;
	_ =	sdelay $0x4  }
0x3db: {  	v4 =	vld.idx.msk [tilespmem:v2+s9+$0x0], $0xffff;
	_ =	sdelay $0x2  }
0x3dc: {  	v5 =	vadd.s32 $0x512, v0;
	_ =	sdelay $0x1  }
0x3dd: {  	v4 =	vadd.f32 $1.000000000e+00, v4;
	_ =	sdelay $0x1  }
0x3de: {  	[tilespmem:v2+s9+$0x0] =	vst.idx.msk $0xffff, v4  }
0x3df: {  	v2 =	vld.idx.msk [tilespmem:v5+s2+$0x0], $0xffff;
	_ =	sdelay $0x4  }
0x3e0: {  	v2 =	vadd.s32 v1, v2;
	_ =	sdelay $0x4  }
0x3e1: {  	v4 =	vld.idx.msk [tilespmem:v2+s9+$0x0], $0xffff;
	_ =	sdelay $0x2  }
0x3e2: {  	v5 =	vadd.s32 $0x792, v0;
	_ =	sdelay $0x1  }
0x3e3: {  	v4 =	vadd.f32 $1.000000000e+00, v4;
	_ =	sdelay $0x1  }
0x3e4: {  	[tilespmem:v2+s9+$0x0] =	vst.idx.msk $0xffff, v4  }
0x3e5: {  	v2 =	vld.idx.msk [tilespmem:v5+s2+$0x0], $0xffff;
	_ =	sdelay $0x4  }
0x3e6: {  	v2 =	vadd.s32 v3, v2;
	_ =	sdelay $0x4  }
0x3e7: {  	v4 =	vld.idx.msk [tilespmem:v2+s9+$0x0], $0xffff;
	_ =	sdelay $0x2  }
0x3e8: {  	v5 =	vadd.s32 $0x513, v0;
	_ =	sdelay $0x1  }
0x3e9: {  	v4 =	vadd.f32 $1.000000000e+00, v4;
	_ =	sdelay $0x1  }
0x3ea: {  	[tilespmem:v2+s9+$0x0] =	vst.idx.msk $0xffff, v4  }
0x3eb: {  	v2 =	vld.idx.msk [tilespmem:v5+s2+$0x0], $0xffff;
	_ =	sdelay $0x4  }
0x3ec: {  	v2 =	vadd.s32 v1, v2;
	_ =	sdelay $0x4  }
0x3ed: {  	v4 =	vld.idx.msk [tilespmem:v2+s9+$0x0], $0xffff;
	_ =	sdelay $0x2  }
0x3ee: {  	v5 =	vadd.s32 $0x793, v0;
	_ =	sdelay $0x1  }
0x3ef: {  	v4 =	vadd.f32 $1.000000000e+00, v4;
	_ =	sdelay $0x1  }
0x3f0: {  	[tilespmem:v2+s9+$0x0] =	vst.idx.msk $0xffff, v4  }
0x3f1: {  	v2 =	vld.idx.msk [tilespmem:v5+s2+$0x0], $0xffff;
	_ =	sdelay $0x4  }
0x3f2: {  	v2 =	vadd.s32 v3, v2;
	_ =	sdelay $0x4  }
0x3f3: {  	v4 =	vld.idx.msk [tilespmem:v2+s9+$0x0], $0xffff;
	_ =	sdelay $0x2  }
0x3f4: {  	v5 =	vadd.s32 $0x514, v0;
	_ =	sdelay $0x1  }
0x3f5: {  	v4 =	vadd.f32 $1.000000000e+00, v4;
	_ =	sdelay $0x1  }
0x3f6: {  	[tilespmem:v2+s9+$0x0] =	vst.idx.msk $0xffff, v4  }
0x3f7: {  	v2 =	vld.idx.msk [tilespmem:v5+s2+$0x0], $0xffff;
	_ =	sdelay $0x4  }
0x3f8: {  	v2 =	vadd.s32 v1, v2;
	_ =	sdelay $0x4  }
0x3f9: {  	v4 =	vld.idx.msk [tilespmem:v2+s9+$0x0], $0xffff;
	_ =	sdelay $0x2  }
0x3fa: {  	v5 =	vadd.s32 $0x794, v0;
	_ =	sdelay $0x1  }
0x3fb: {  	v4 =	vadd.f32 $1.000000000e+00, v4;
	_ =	sdelay $0x1  }
0x3fc: {  	[tilespmem:v2+s9+$0x0] =	vst.idx.msk $0xffff, v4  }
0x3fd: {  	v2 =	vld.idx.msk [tilespmem:v5+s2+$0x0], $0xffff;
	_ =	sdelay $0x4  }
0x3fe: {  	v2 =	vadd.s32 v3, v2;
	_ =	sdelay $0x4  }
0x3ff: {  	v4 =	vld.idx.msk [tilespmem:v2+s9+$0x0], $0xffff;
	_ =	sdelay $0x2  }
0x400: {  	v5 =	vadd.s32 $0x515, v0;
	_ =	sdelay $0x1  }
0x401: {  	v4 =	vadd.f32 $1.000000000e+00, v4;
	_ =	sdelay $0x1  }
0x402: {  	[tilespmem:v2+s9+$0x0] =	vst.idx.msk $0xffff, v4  }
0x403: {  	v2 =	vld.idx.msk [tilespmem:v5+s2+$0x0], $0xffff;
	_ =	sdelay $0x4  }
0x404: {  	v2 =	vadd.s32 v1, v2;
	_ =	sdelay $0x4  }
0x405: {  	v4 =	vld.idx.msk [tilespmem:v2+s9+$0x0], $0xffff;
	_ =	sdelay $0x2  }
0x406: {  	v5 =	vadd.s32 $0x795, v0;
	_ =	sdelay $0x1  }
0x407: {  	v4 =	vadd.f32 $1.000000000e+00, v4;
	_ =	sdelay $0x1  }
0x408: {  	[tilespmem:v2+s9+$0x0] =	vst.idx.msk $0xffff, v4  }
0x409: {  	v2 =	vld.idx.msk [tilespmem:v5+s2+$0x0], $0xffff;
	_ =	sdelay $0x4  }
0x40a: {  	v2 =	vadd.s32 v3, v2;
	_ =	sdelay $0x4  }
0x40b: {  	v4 =	vld.idx.msk [tilespmem:v2+s9+$0x0], $0xffff;
	_ =	sdelay $0x2  }
0x40c: {  	v5 =	vadd.s32 $0x516, v0;
	_ =	sdelay $0x1  }
0x40d: {  	v4 =	vadd.f32 $1.000000000e+00, v4;
	_ =	sdelay $0x1  }
0x40e: {  	[tilespmem:v2+s9+$0x0] =	vst.idx.msk $0xffff, v4  }
0x40f: {  	v2 =	vld.idx.msk [tilespmem:v5+s2+$0x0], $0xffff;
	_ =	sdelay $0x4  }
0x410: {  	v2 =	vadd.s32 v1, v2;
	_ =	sdelay $0x4  }
0x411: {  	v4 =	vld.idx.msk [tilespmem:v2+s9+$0x0], $0xffff;
	_ =	sdelay $0x2  }
0x412: {  	v5 =	vadd.s32 $0x796, v0;
	_ =	sdelay $0x1  }
0x413: {  	v4 =	vadd.f32 $1.000000000e+00, v4;
	_ =	sdelay $0x1  }
0x414: {  	[tilespmem:v2+s9+$0x0] =	vst.idx.msk $0xffff, v4  }
0x415: {  	v2 =	vld.idx.msk [tilespmem:v5+s2+$0x0], $0xffff;
	_ =	sdelay $0x4  }
0x416: {  	v2 =	vadd.s32 v3, v2;
	_ =	sdelay $0x4  }
0x417: {  	v4 =	vld.idx.msk [tilespmem:v2+s9+$0x0], $0xffff;
	_ =	sdelay $0x2  }
0x418: {  	v5 =	vadd.s32 $0x517, v0;
	_ =	sdelay $0x1  }
0x419: {  	v4 =	vadd.f32 $1.000000000e+00, v4;
	_ =	sdelay $0x1  }
0x41a: {  	[tilespmem:v2+s9+$0x0] =	vst.idx.msk $0xffff, v4  }
0x41b: {  	v2 =	vld.idx.msk [tilespmem:v5+s2+$0x0], $0xffff;
	_ =	sdelay $0x4  }
0x41c: {  	v2 =	vadd.s32 v1, v2;
	_ =	sdelay $0x4  }
0x41d: {  	v4 =	vld.idx.msk [tilespmem:v2+s9+$0x0], $0xffff;
	_ =	sdelay $0x2  }
0x41e: {  	v5 =	vadd.s32 $0x797, v0;
	_ =	sdelay $0x1  }
0x41f: {  	v4 =	vadd.f32 $1.000000000e+00, v4;
	_ =	sdelay $0x1  }
0x420: {  	[tilespmem:v2+s9+$0x0] =	vst.idx.msk $0xffff, v4  }
0x421: {  	v2 =	vld.idx.msk [tilespmem:v5+s2+$0x0], $0xffff;
	_ =	sdelay $0x4  }
0x422: {  	v2 =	vadd.s32 v3, v2;
	_ =	sdelay $0x4  }
0x423: {  	v4 =	vld.idx.msk [tilespmem:v2+s9+$0x0], $0xffff;
	_ =	sdelay $0x2  }
0x424: {  	v5 =	vadd.s32 $0x518, v0;
	_ =	sdelay $0x1  }
0x425: {  	v4 =	vadd.f32 $1.000000000e+00, v4;
	_ =	sdelay $0x1  }
0x426: {  	[tilespmem:v2+s9+$0x0] =	vst.idx.msk $0xffff, v4  }
0x427: {  	v2 =	vld.idx.msk [tilespmem:v5+s2+$0x0], $0xffff;
	_ =	sdelay $0x4  }
0x428: {  	v2 =	vadd.s32 v1, v2;
	_ =	sdelay $0x4  }
0x429: {  	v4 =	vld.idx.msk [tilespmem:v2+s9+$0x0], $0xffff;
	_ =	sdelay $0x2  }
0x42a: {  	v5 =	vadd.s32 $0x798, v0;
	_ =	sdelay $0x1  }
0x42b: {  	v4 =	vadd.f32 $1.000000000e+00, v4;
	_ =	sdelay $0x1  }
0x42c: {  	[tilespmem:v2+s9+$0x0] =	vst.idx.msk $0xffff, v4  }
0x42d: {  	v2 =	vld.idx.msk [tilespmem:v5+s2+$0x0], $0xffff;
	_ =	sdelay $0x4  }
0x42e: {  	v2 =	vadd.s32 v3, v2;
	_ =	sdelay $0x4  }
0x42f: {  	v4 =	vld.idx.msk [tilespmem:v2+s9+$0x0], $0xffff;
	_ =	sdelay $0x2  }
0x430: {  	v5 =	vadd.s32 $0x519, v0;
	_ =	sdelay $0x1  }
0x431: {  	v4 =	vadd.f32 $1.000000000e+00, v4;
	_ =	sdelay $0x1  }
0x432: {  	[tilespmem:v2+s9+$0x0] =	vst.idx.msk $0xffff, v4  }
0x433: {  	v2 =	vld.idx.msk [tilespmem:v5+s2+$0x0], $0xffff;
	_ =	sdelay $0x4  }
0x434: {  	v2 =	vadd.s32 v1, v2;
	_ =	sdelay $0x4  }
0x435: {  	v4 =	vld.idx.msk [tilespmem:v2+s9+$0x0], $0xffff;
	_ =	sdelay $0x2  }
0x436: {  	v5 =	vadd.s32 $0x799, v0;
	_ =	sdelay $0x1  }
0x437: {  	v4 =	vadd.f32 $1.000000000e+00, v4;
	_ =	sdelay $0x1  }
0x438: {  	[tilespmem:v2+s9+$0x0] =	vst.idx.msk $0xffff, v4  }
0x439: {  	v2 =	vld.idx.msk [tilespmem:v5+s2+$0x0], $0xffff;
	_ =	sdelay $0x4  }
0x43a: {  	v2 =	vadd.s32 v3, v2;
	_ =	sdelay $0x4  }
0x43b: {  	v4 =	vld.idx.msk [tilespmem:v2+s9+$0x0], $0xffff;
	_ =	sdelay $0x2  }
0x43c: {  	v5 =	vadd.s32 $0x51A, v0;
	_ =	sdelay $0x1  }
0x43d: {  	v4 =	vadd.f32 $1.000000000e+00, v4;
	_ =	sdelay $0x1  }
0x43e: {  	[tilespmem:v2+s9+$0x0] =	vst.idx.msk $0xffff, v4  }
0x43f: {  	v2 =	vld.idx.msk [tilespmem:v5+s2+$0x0], $0xffff;
	_ =	sdelay $0x4  }
0x440: {  	v2 =	vadd.s32 v1, v2;
	_ =	sdelay $0x4  }
0x441: {  	v4 =	vld.idx.msk [tilespmem:v2+s9+$0x0], $0xffff;
	_ =	sdelay $0x2  }
0x442: {  	v5 =	vadd.s32 $0x79A, v0;
	_ =	sdelay $0x1  }
0x443: {  	v4 =	vadd.f32 $1.000000000e+00, v4;
	_ =	sdelay $0x1  }
0x444: {  	[tilespmem:v2+s9+$0x0] =	vst.idx.msk $0xffff, v4  }
0x445: {  	v2 =	vld.idx.msk [tilespmem:v5+s2+$0x0], $0xffff;
	_ =	sdelay $0x4  }
0x446: {  	v2 =	vadd.s32 v3, v2;
	_ =	sdelay $0x4  }
0x447: {  	v4 =	vld.idx.msk [tilespmem:v2+s9+$0x0], $0xffff;
	_ =	sdelay $0x2  }
0x448: {  	v5 =	vadd.s32 $0x51B, v0;
	_ =	sdelay $0x1  }
0x449: {  	v4 =	vadd.f32 $1.000000000e+00, v4;
	_ =	sdelay $0x1  }
0x44a: {  	[tilespmem:v2+s9+$0x0] =	vst.idx.msk $0xffff, v4  }
0x44b: {  	v2 =	vld.idx.msk [tilespmem:v5+s2+$0x0], $0xffff;
	_ =	sdelay $0x4  }
0x44c: {  	v2 =	vadd.s32 v1, v2;
	_ =	sdelay $0x4  }
0x44d: {  	v4 =	vld.idx.msk [tilespmem:v2+s9+$0x0], $0xffff;
	_ =	sdelay $0x2  }
0x44e: {  	v5 =	vadd.s32 $0x79B, v0;
	_ =	sdelay $0x1  }
0x44f: {  	v4 =	vadd.f32 $1.000000000e+00, v4;
	_ =	sdelay $0x1  }
0x450: {  	[tilespmem:v2+s9+$0x0] =	vst.idx.msk $0xffff, v4  }
0x451: {  	v2 =	vld.idx.msk [tilespmem:v5+s2+$0x0], $0xffff;
	_ =	sdelay $0x4  }
0x452: {  	v2 =	vadd.s32 v3, v2;
	_ =	sdelay $0x4  }
0x453: {  	v4 =	vld.idx.msk [tilespmem:v2+s9+$0x0], $0xffff;
	_ =	sdelay $0x2  }
0x454: {  	v5 =	vadd.s32 $0x51C, v0;
	_ =	sdelay $0x1  }
0x455: {  	v4 =	vadd.f32 $1.000000000e+00, v4;
	_ =	sdelay $0x1  }
0x456: {  	[tilespmem:v2+s9+$0x0] =	vst.idx.msk $0xffff, v4  }
0x457: {  	v2 =	vld.idx.msk [tilespmem:v5+s2+$0x0], $0xffff;
	_ =	sdelay $0x4  }
0x458: {  	v2 =	vadd.s32 v1, v2;
	_ =	sdelay $0x4  }
0x459: {  	v4 =	vld.idx.msk [tilespmem:v2+s9+$0x0], $0xffff;
	_ =	sdelay $0x2  }
0x45a: {  	v5 =	vadd.s32 $0x79C, v0;
	_ =	sdelay $0x1  }
0x45b: {  	v4 =	vadd.f32 $1.000000000e+00, v4;
	_ =	sdelay $0x1  }
0x45c: {  	[tilespmem:v2+s9+$0x0] =	vst.idx.msk $0xffff, v4  }
0x45d: {  	v2 =	vld.idx.msk [tilespmem:v5+s2+$0x0], $0xffff;
	_ =	sdelay $0x4  }
0x45e: {  	v2 =	vadd.s32 v3, v2;
	_ =	sdelay $0x4  }
0x45f: {  	v4 =	vld.idx.msk [tilespmem:v2+s9+$0x0], $0xffff;
	_ =	sdelay $0x2  }
0x460: {  	v5 =	vadd.s32 $0x51D, v0;
	_ =	sdelay $0x1  }
0x461: {  	v4 =	vadd.f32 $1.000000000e+00, v4;
	_ =	sdelay $0x1  }
0x462: {  	[tilespmem:v2+s9+$0x0] =	vst.idx.msk $0xffff, v4  }
0x463: {  	v2 =	vld.idx.msk [tilespmem:v5+s2+$0x0], $0xffff;
	_ =	sdelay $0x4  }
0x464: {  	v2 =	vadd.s32 v1, v2;
	_ =	sdelay $0x4  }
0x465: {  	v4 =	vld.idx.msk [tilespmem:v2+s9+$0x0], $0xffff;
	_ =	sdelay $0x2  }
0x466: {  	v5 =	vadd.s32 $0x79D, v0;
	_ =	sdelay $0x1  }
0x467: {  	v4 =	vadd.f32 $1.000000000e+00, v4;
	_ =	sdelay $0x1  }
0x468: {  	[tilespmem:v2+s9+$0x0] =	vst.idx.msk $0xffff, v4  }
0x469: {  	v2 =	vld.idx.msk [tilespmem:v5+s2+$0x0], $0xffff;
	_ =	sdelay $0x4  }
0x46a: {  	v2 =	vadd.s32 v3, v2;
	_ =	sdelay $0x4  }
0x46b: {  	v4 =	vld.idx.msk [tilespmem:v2+s9+$0x0], $0xffff;
	_ =	sdelay $0x2  }
0x46c: {  	v5 =	vadd.s32 $0x51E, v0;
	_ =	sdelay $0x1  }
0x46d: {  	v4 =	vadd.f32 $1.000000000e+00, v4;
	_ =	sdelay $0x1  }
0x46e: {  	[tilespmem:v2+s9+$0x0] =	vst.idx.msk $0xffff, v4  }
0x46f: {  	v2 =	vld.idx.msk [tilespmem:v5+s2+$0x0], $0xffff;
	_ =	sdelay $0x4  }
0x470: {  	v2 =	vadd.s32 v1, v2;
	_ =	sdelay $0x4  }
0x471: {  	v4 =	vld.idx.msk [tilespmem:v2+s9+$0x0], $0xffff;
	_ =	sdelay $0x2  }
0x472: {  	v5 =	vadd.s32 $0x79E, v0;
	_ =	sdelay $0x1  }
0x473: {  	v4 =	vadd.f32 $1.000000000e+00, v4;
	_ =	sdelay $0x1  }
0x474: {  	[tilespmem:v2+s9+$0x0] =	vst.idx.msk $0xffff, v4  }
0x475: {  	v2 =	vld.idx.msk [tilespmem:v5+s2+$0x0], $0xffff;
	_ =	sdelay $0x4  }
0x476: {  	v2 =	vadd.s32 v3, v2;
	_ =	sdelay $0x4  }
0x477: {  	v4 =	vld.idx.msk [tilespmem:v2+s9+$0x0], $0xffff;
	_ =	sdelay $0x2  }
0x478: {  	v5 =	vadd.s32 $0x51F, v0;
	_ =	sdelay $0x1  }
0x479: {  	v4 =	vadd.f32 $1.000000000e+00, v4;
	_ =	sdelay $0x1  }
0x47a: {  	[tilespmem:v2+s9+$0x0] =	vst.idx.msk $0xffff, v4  }
0x47b: {  	v2 =	vld.idx.msk [tilespmem:v5+s2+$0x0], $0xffff;
	_ =	sdelay $0x4  }
0x47c: {  	v2 =	vadd.s32 v1, v2;
	_ =	sdelay $0x4  }
0x47d: {  	v4 =	vld.idx.msk [tilespmem:v2+s9+$0x0], $0xffff;
	_ =	sdelay $0x2  }
0x47e: {  	v5 =	vadd.s32 $0x79F, v0;
	_ =	sdelay $0x1  }
0x47f: {  	v4 =	vadd.f32 $1.000000000e+00, v4;
	_ =	sdelay $0x1  }
0x480: {  	[tilespmem:v2+s9+$0x0] =	vst.idx.msk $0xffff, v4  }
0x481: {  	v2 =	vld.idx.msk [tilespmem:v5+s2+$0x0], $0xffff;
	_ =	sdelay $0x4  }
0x482: {  	v2 =	vadd.s32 v3, v2;
	_ =	sdelay $0x4  }
0x483: {  	v4 =	vld.idx.msk [tilespmem:v2+s9+$0x0], $0xffff;
	_ =	sdelay $0x2  }
0x484: {  	v5 =	vadd.s32 $0x520, v0;
	_ =	sdelay $0x1  }
0x485: {  	v4 =	vadd.f32 $1.000000000e+00, v4;
	_ =	sdelay $0x1  }
0x486: {  	[tilespmem:v2+s9+$0x0] =	vst.idx.msk $0xffff, v4  }
0x487: {  	v2 =	vld.idx.msk [tilespmem:v5+s2+$0x0], $0xffff;
	_ =	sdelay $0x4  }
0x488: {  	v2 =	vadd.s32 v1, v2;
	_ =	sdelay $0x4  }
0x489: {  	v4 =	vld.idx.msk [tilespmem:v2+s9+$0x0], $0xffff;
	_ =	sdelay $0x2  }
0x48a: {  	v5 =	vadd.s32 $0x7A0, v0;
	_ =	sdelay $0x1  }
0x48b: {  	v4 =	vadd.f32 $1.000000000e+00, v4;
	_ =	sdelay $0x1  }
0x48c: {  	[tilespmem:v2+s9+$0x0] =	vst.idx.msk $0xffff, v4  }
0x48d: {  	v2 =	vld.idx.msk [tilespmem:v5+s2+$0x0], $0xffff;
	_ =	sdelay $0x4  }
0x48e: {  	v2 =	vadd.s32 v3, v2;
	_ =	sdelay $0x4  }
0x48f: {  	v4 =	vld.idx.msk [tilespmem:v2+s9+$0x0], $0xffff;
	_ =	sdelay $0x2  }
0x490: {  	v5 =	vadd.s32 $0x521, v0;
	_ =	sdelay $0x1  }
0x491: {  	v4 =	vadd.f32 $1.000000000e+00, v4;
	_ =	sdelay $0x1  }
0x492: {  	[tilespmem:v2+s9+$0x0] =	vst.idx.msk $0xffff, v4  }
0x493: {  	v2 =	vld.idx.msk [tilespmem:v5+s2+$0x0], $0xffff;
	_ =	sdelay $0x4  }
0x494: {  	v2 =	vadd.s32 v1, v2;
	_ =	sdelay $0x4  }
0x495: {  	v4 =	vld.idx.msk [tilespmem:v2+s9+$0x0], $0xffff;
	_ =	sdelay $0x2  }
0x496: {  	v5 =	vadd.s32 $0x7A1, v0;
	_ =	sdelay $0x1  }
0x497: {  	v4 =	vadd.f32 $1.000000000e+00, v4;
	_ =	sdelay $0x1  }
0x498: {  	[tilespmem:v2+s9+$0x0] =	vst.idx.msk $0xffff, v4  }
0x499: {  	v2 =	vld.idx.msk [tilespmem:v5+s2+$0x0], $0xffff;
	_ =	sdelay $0x4  }
0x49a: {  	v2 =	vadd.s32 v3, v2;
	_ =	sdelay $0x4  }
0x49b: {  	v4 =	vld.idx.msk [tilespmem:v2+s9+$0x0], $0xffff;
	_ =	sdelay $0x2  }
0x49c: {  	v5 =	vadd.s32 $0x522, v0;
	_ =	sdelay $0x1  }
0x49d: {  	v4 =	vadd.f32 $1.000000000e+00, v4;
	_ =	sdelay $0x1  }
0x49e: {  	[tilespmem:v2+s9+$0x0] =	vst.idx.msk $0xffff, v4  }
0x49f: {  	v2 =	vld.idx.msk [tilespmem:v5+s2+$0x0], $0xffff;
	_ =	sdelay $0x4  }
0x4a0: {  	v2 =	vadd.s32 v1, v2;
	_ =	sdelay $0x4  }
0x4a1: {  	v4 =	vld.idx.msk [tilespmem:v2+s9+$0x0], $0xffff;
	_ =	sdelay $0x2  }
0x4a2: {  	v5 =	vadd.s32 $0x7A2, v0;
	_ =	sdelay $0x1  }
0x4a3: {  	v4 =	vadd.f32 $1.000000000e+00, v4;
	_ =	sdelay $0x1  }
0x4a4: {  	[tilespmem:v2+s9+$0x0] =	vst.idx.msk $0xffff, v4  }
0x4a5: {  	v2 =	vld.idx.msk [tilespmem:v5+s2+$0x0], $0xffff;
	_ =	sdelay $0x4  }
0x4a6: {  	v2 =	vadd.s32 v3, v2;
	_ =	sdelay $0x4  }
0x4a7: {  	v4 =	vld.idx.msk [tilespmem:v2+s9+$0x0], $0xffff;
	_ =	sdelay $0x2  }
0x4a8: {  	v5 =	vadd.s32 $0x523, v0;
	_ =	sdelay $0x1  }
0x4a9: {  	v4 =	vadd.f32 $1.000000000e+00, v4;
	_ =	sdelay $0x1  }
0x4aa: {  	[tilespmem:v2+s9+$0x0] =	vst.idx.msk $0xffff, v4  }
0x4ab: {  	v2 =	vld.idx.msk [tilespmem:v5+s2+$0x0], $0xffff;
	_ =	sdelay $0x4  }
0x4ac: {  	v2 =	vadd.s32 v1, v2;
	_ =	sdelay $0x4  }
0x4ad: {  	v4 =	vld.idx.msk [tilespmem:v2+s9+$0x0], $0xffff;
	_ =	sdelay $0x2  }
0x4ae: {  	v5 =	vadd.s32 $0x7A3, v0;
	_ =	sdelay $0x1  }
0x4af: {  	v4 =	vadd.f32 $1.000000000e+00, v4;
	_ =	sdelay $0x1  }
0x4b0: {  	[tilespmem:v2+s9+$0x0] =	vst.idx.msk $0xffff, v4  }
0x4b1: {  	v2 =	vld.idx.msk [tilespmem:v5+s2+$0x0], $0xffff;
	_ =	sdelay $0x4  }
0x4b2: {  	v2 =	vadd.s32 v3, v2;
	_ =	sdelay $0x4  }
0x4b3: {  	v4 =	vld.idx.msk [tilespmem:v2+s9+$0x0], $0xffff;
	_ =	sdelay $0x2  }
0x4b4: {  	v5 =	vadd.s32 $0x524, v0;
	_ =	sdelay $0x1  }
0x4b5: {  	v4 =	vadd.f32 $1.000000000e+00, v4;
	_ =	sdelay $0x1  }
0x4b6: {  	[tilespmem:v2+s9+$0x0] =	vst.idx.msk $0xffff, v4  }
0x4b7: {  	v2 =	vld.idx.msk [tilespmem:v5+s2+$0x0], $0xffff;
	_ =	sdelay $0x4  }
0x4b8: {  	v2 =	vadd.s32 v1, v2;
	_ =	sdelay $0x4  }
0x4b9: {  	v4 =	vld.idx.msk [tilespmem:v2+s9+$0x0], $0xffff;
	_ =	sdelay $0x2  }
0x4ba: {  	v5 =	vadd.s32 $0x7A4, v0;
	_ =	sdelay $0x1  }
0x4bb: {  	v4 =	vadd.f32 $1.000000000e+00, v4;
	_ =	sdelay $0x1  }
0x4bc: {  	[tilespmem:v2+s9+$0x0] =	vst.idx.msk $0xffff, v4  }
0x4bd: {  	v2 =	vld.idx.msk [tilespmem:v5+s2+$0x0], $0xffff;
	_ =	sdelay $0x4  }
0x4be: {  	v2 =	vadd.s32 v3, v2;
	_ =	sdelay $0x4  }
0x4bf: {  	v4 =	vld.idx.msk [tilespmem:v2+s9+$0x0], $0xffff;
	_ =	sdelay $0x2  }
0x4c0: {  	v5 =	vadd.s32 $0x525, v0;
	_ =	sdelay $0x1  }
0x4c1: {  	v4 =	vadd.f32 $1.000000000e+00, v4;
	_ =	sdelay $0x1  }
0x4c2: {  	[tilespmem:v2+s9+$0x0] =	vst.idx.msk $0xffff, v4  }
0x4c3: {  	v2 =	vld.idx.msk [tilespmem:v5+s2+$0x0], $0xffff;
	_ =	sdelay $0x4  }
0x4c4: {  	v2 =	vadd.s32 v1, v2;
	_ =	sdelay $0x4  }
0x4c5: {  	v4 =	vld.idx.msk [tilespmem:v2+s9+$0x0], $0xffff;
	_ =	sdelay $0x2  }
0x4c6: {  	v5 =	vadd.s32 $0x7A5, v0;
	_ =	sdelay $0x1  }
0x4c7: {  	v4 =	vadd.f32 $1.000000000e+00, v4;
	_ =	sdelay $0x1  }
0x4c8: {  	[tilespmem:v2+s9+$0x0] =	vst.idx.msk $0xffff, v4  }
0x4c9: {  	v2 =	vld.idx.msk [tilespmem:v5+s2+$0x0], $0xffff;
	_ =	sdelay $0x4  }
0x4ca: {  	v2 =	vadd.s32 v3, v2;
	_ =	sdelay $0x4  }
0x4cb: {  	v4 =	vld.idx.msk [tilespmem:v2+s9+$0x0], $0xffff;
	_ =	sdelay $0x2  }
0x4cc: {  	v5 =	vadd.s32 $0x526, v0;
	_ =	sdelay $0x1  }
0x4cd: {  	v4 =	vadd.f32 $1.000000000e+00, v4;
	_ =	sdelay $0x1  }
0x4ce: {  	[tilespmem:v2+s9+$0x0] =	vst.idx.msk $0xffff, v4  }
0x4cf: {  	v2 =	vld.idx.msk [tilespmem:v5+s2+$0x0], $0xffff;
	_ =	sdelay $0x4  }
0x4d0: {  	v2 =	vadd.s32 v1, v2;
	_ =	sdelay $0x4  }
0x4d1: {  	v4 =	vld.idx.msk [tilespmem:v2+s9+$0x0], $0xffff;
	_ =	sdelay $0x2  }
0x4d2: {  	v5 =	vadd.s32 $0x7A6, v0;
	_ =	sdelay $0x1  }
0x4d3: {  	v4 =	vadd.f32 $1.000000000e+00, v4;
	_ =	sdelay $0x1  }
0x4d4: {  	[tilespmem:v2+s9+$0x0] =	vst.idx.msk $0xffff, v4  }
0x4d5: {  	v2 =	vld.idx.msk [tilespmem:v5+s2+$0x0], $0xffff;
	_ =	sdelay $0x4  }
0x4d6: {  	v2 =	vadd.s32 v3, v2;
	_ =	sdelay $0x4  }
0x4d7: {  	v4 =	vld.idx.msk [tilespmem:v2+s9+$0x0], $0xffff;
	_ =	sdelay $0x2  }
0x4d8: {  	v5 =	vadd.s32 $0x527, v0;
	_ =	sdelay $0x1  }
0x4d9: {  	v4 =	vadd.f32 $1.000000000e+00, v4;
	_ =	sdelay $0x1  }
0x4da: {  	[tilespmem:v2+s9+$0x0] =	vst.idx.msk $0xffff, v4  }
0x4db: {  	v2 =	vld.idx.msk [tilespmem:v5+s2+$0x0], $0xffff;
	_ =	sdelay $0x4  }
0x4dc: {  	v2 =	vadd.s32 v1, v2;
	_ =	sdelay $0x4  }
0x4dd: {  	v4 =	vld.idx.msk [tilespmem:v2+s9+$0x0], $0xffff;
	_ =	sdelay $0x2  }
0x4de: {  	v5 =	vadd.s32 $0x7A7, v0;
	_ =	sdelay $0x1  }
0x4df: {  	v4 =	vadd.f32 $1.000000000e+00, v4;
	_ =	sdelay $0x1  }
0x4e0: {  	[tilespmem:v2+s9+$0x0] =	vst.idx.msk $0xffff, v4  }
0x4e1: {  	v2 =	vld.idx.msk [tilespmem:v5+s2+$0x0], $0xffff;
	_ =	sdelay $0x4  }
0x4e2: {  	v2 =	vadd.s32 v3, v2;
	_ =	sdelay $0x4  }
0x4e3: {  	v4 =	vld.idx.msk [tilespmem:v2+s9+$0x0], $0xffff;
	_ =	sdelay $0x4  }
0x4e4: {  	v4 =	vadd.f32 $1.000000000e+00, v4  }
0x4e5: {  	p0 =	sne.s32 s7, $0x1  }
.Ltmp0:
0x4e6: {  	[tilespmem:v2+s9+$0x0] =	vst.idx.msk $0xffff, v4;
	(pc) =	sbr.rel @p0 .LBB2_1-.Ltmp0, $4  }
0x4e7: {  	[hbm4b:s6+s2] =	stream.linear.scatter [tilespmem:s9], [sflag:$0x1], $0x10000, $0x38;
	[tilespmem:$0x10A00] =	vst v63  }
0x4e8: {  	_ =	swait.ge [sflag:s8], $0x10000  }
0x4e9: {  	[sflag:s8] =	ssyncset.done $0x0  }
0x4ea: {  	s7 =	sadd.s32 $0xFFFFFFFF, s7;
	[sflag:s8] =	ssyncadd.s32 $0xFFFF0000  }
0x4eb: {  	_ =	sfence.sel $0x180000  }
0x4ec: {  	[bflag:$0x0] =	sbarrier.arrive $0xFFFF  }
0x4ed: {  	p0 =	sne.s32 s0, $0x0;
	_ =	strace $0x90000047  }
0x4ee: {  	s0 =	sadd.s32 @!p0 $0x100000, s1;
	[bflag:$0x2] =	sbarrier.arrive $0xFFFF  }
0x4ef: {  	[sflag:s0] =	ssyncadd.tile.s32 @!p0 $0x1;
	_ =	shalt  }
.Lfunc_end2:
_tile_overlayer_lowered:
.L_overlay_start_2:
0x4f0: {  	(tag) =	ssettag $0x2  }
0x4f1: {  	s0 =	rddreg [dreg:$0x0];
	s2 =	stileid.u32  }
0x4f2: {  	s1 =	rddreg [dreg:$0x1];
	p0 =	sne.s32 s2, $0x0  }
0x4f3: {  	s3 =	rddreg [dreg:$0x2];
	[bflag:$0x3] =	sbarrier.arrive $0xFFFF;
	s2 =	simm.s32 @!p0 $0x1C01  }
0x4f4: {  	[timem:s3], [sflag:s2] =	dma.local @!p0 [hbm:s0], s1  }
0x4f5: {  	s0 =	simm.s32 @!p0 $0x1  }
0x4f6: {  	_ =	swait.ge @!p0 [sflag:s0], s1  }
0x4f7: {  	s1 =	ssub.s32 @!p0 $0x0, s1;
	[sflag:s0] =	ssyncset.done @!p0 $0x0  }
0x4f8: {  	[sflag:s0] =	ssyncadd.s32 @!p0 s1  }
0x4f9: {  	[bflag:$0x3] =	sbarrier.arrive $0xFFFF  }
0x4fa: {  	_ =	shalt  }

</sc_bundles>
